<compile_context>
chip_gen: v7x
topology: tpu7x:2x2x1
jax: 0.10.2.dev20260603
libtpu: 0.0.44.dev20260713+nightly
codegen_flags: <defaults>
</compile_context>

<pallas_src>
import functools

import jax
import jax.numpy as jnp
from jax import lax
from jax.experimental import pallas as pl
from jax.experimental.pallas import tpu as pltpu
from jax.experimental.pallas import tpu_sc as plsc

N = 10000
E = 320000
D = 128

NC = 2
NS = 16
NW = NC * NS

CHUNK = 128
CH = 80
NHALF = 2
HCH = CH // NHALF
EW = CH * CHUNK
E_PAD = NW * EW

N_PAD = 10240
RPT = N_PAD // NS
RC = RPT // CHUNK


def _make_sc_spmm(with_deg):
    def body(feats, e2, zrows, zdeg, *refs):
        if with_deg:
            (agg_out, deg_out, idx_b, rows, ones_v, deg_v,
             agg_sh, deg_sh, sg0, sg1, sd) = refs
        else:
            agg_out, idx_b, rows, agg_sh, sg0, sg1, sd = refs
        sem_g = (sg0, sg1)
        c = lax.axis_index("c")
        s = lax.axis_index("s")
        w = c * NS + s

        if with_deg:
            for k in range(CHUNK // 16):
                ones_v[pl.ds(k * 16, 16)] = jnp.ones((16,), jnp.float32)

        pltpu.sync_copy(zrows, rows.at[0])
        for k in range(RC):
            pltpu.async_copy(rows.at[0],
                             agg_sh.at[pl.ds(s * RPT + k * CHUNK, CHUNK)],
                             sem_g[0])
        if with_deg:
            pltpu.sync_copy(zdeg, deg_v)
            pltpu.async_copy(deg_v, deg_sh.at[pl.ds(s * RPT, RPT)], sem_g[1])
        for k in range(RC):
            pltpu.make_async_copy(
                rows.at[0], agg_sh.at[pl.ds(s * RPT + k * CHUNK, CHUNK)],
                sem_g[0]).wait()
        if with_deg:
            pltpu.make_async_copy(
                deg_v, deg_sh.at[pl.ds(s * RPT, RPT)], sem_g[1]).wait()
        plsc.subcore_barrier()

        def arm(j, sl):
            pltpu.async_copy(feats.at[idx_b.at[j, 0]], rows.at[sl],
                             sem_g[sl])

        def fire(j, sl):
            pltpu.make_async_copy(feats.at[idx_b.at[j, 0]], rows.at[sl],
                                  sem_g[sl]).wait()
            pltpu.sync_copy(rows.at[sl], agg_sh.at[idx_b.at[j, 1]], add=True)
            if with_deg:
                pltpu.async_copy(ones_v, deg_sh.at[idx_b.at[j, 1]], sd,
                                 add=True)

        for half in range(NHALF):
            pltpu.sync_copy(e2.at[pl.ds(w * CH + half * HCH, HCH)], idx_b)
            arm(0, 0)
            arm(1, 1)

            @pl.loop(0, HCH // 2 - 1)
            def _(i):
                j0 = i * 2
                fire(j0, 0)
                arm(j0 + 2, 0)
                fire(j0 + 1, 1)
                arm(j0 + 3, 1)

            fire(HCH - 2, 0)
            fire(HCH - 1, 1)
            if with_deg:
                @pl.loop(0, HCH)
                def _(j):
                    pltpu.make_async_copy(ones_v, deg_sh.at[idx_b.at[j, 1]],
                                          sd).wait()

        plsc.subcore_barrier()

        for k in range(RC):
            sl = k % 2
            if k >= 2:
                pltpu.make_async_copy(
                    rows.at[sl],
                    agg_out.at[c, pl.ds(s * RPT + (k - 2) * CHUNK, CHUNK)],
                    sem_g[sl]).wait()
            r0 = s * RPT + k * CHUNK
            pltpu.sync_copy(agg_sh.at[pl.ds(r0, CHUNK)], rows.at[sl])
            pltpu.async_copy(rows.at[sl], agg_out.at[c, pl.ds(r0, CHUNK)],
                             sem_g[sl])
        if with_deg:
            pltpu.sync_copy(deg_sh.at[pl.ds(s * RPT, RPT)], deg_v)
            pltpu.async_copy(deg_v, deg_out.at[c, pl.ds(s * RPT, RPT)], sd)
        for k in range(max(0, RC - 2), RC):
            sl = k % 2
            pltpu.make_async_copy(
                rows.at[sl], agg_out.at[c, pl.ds(s * RPT + k * CHUNK, CHUNK)],
                sem_g[sl]).wait()
        if with_deg:
            pltpu.make_async_copy(
                deg_v, deg_out.at[c, pl.ds(s * RPT, RPT)], sd).wait()

    if with_deg:
        out_type = (
            jax.ShapeDtypeStruct((NC, N_PAD, D), jnp.float32),
            jax.ShapeDtypeStruct((NC, N_PAD), jnp.float32),
        )
    else:
        out_type = jax.ShapeDtypeStruct((NC, N_PAD, D), jnp.float32)
    scratch = [
        pltpu.VMEM((HCH, 2, CHUNK), jnp.int32),
        pltpu.VMEM((2, CHUNK, D), jnp.float32),
    ]
    if with_deg:
        scratch += [
            pltpu.VMEM((CHUNK,), jnp.float32),
            pltpu.VMEM((RPT,), jnp.float32),
        ]
    scratch += [pltpu.VMEM_SHARED((N_PAD, D), jnp.float32)]
    if with_deg:
        scratch += [pltpu.VMEM_SHARED((N_PAD,), jnp.float32)]
    scratch += [pltpu.SemaphoreType.DMA] * 3
    return pl.kernel(
        body,
        out_type=out_type,
        mesh=plsc.VectorSubcoreMesh(
            core_axis_name="c", subcore_axis_name="s",
            num_cores=NC, num_subcores=NS),
        scratch_types=scratch,
    )


_sc_spmm_deg = _make_sc_spmm(True)
_sc_spmm = _make_sc_spmm(False)


BLK = 2000


def _dense_body(elu, a_ref, d_ref, x_ref, wl_ref, b_ref, wr_ref, o_ref):
    deg = d_ref[0, :, :] + d_ref[1, :, :]
    rdeg = 1.0 / jnp.maximum(deg, 1.0)
    agg = (a_ref[0, :, :] + a_ref[1, :, :]) * rdeg
    h = jnp.dot(agg, wl_ref[...], preferred_element_type=jnp.float32)
    h = h + b_ref[...]
    h = h + jnp.dot(x_ref[...], wr_ref[...], preferred_element_type=jnp.float32)
    if elu:
        h = jnp.where(h > 0.0, h, jnp.exp(h) - 1.0)
    o_ref[...] = h


def _dense(agg_p, deg_p, x, W_l, b_l, W_r, elu):
    return pl.pallas_call(
        functools.partial(_dense_body, elu),
        grid=(N // BLK,),
        in_specs=[
            pl.BlockSpec((NC, BLK, D), lambda i: (0, i, 0)),
            pl.BlockSpec((NC, BLK, 1), lambda i: (0, i, 0)),
            pl.BlockSpec((BLK, D), lambda i: (i, 0)),
            pl.BlockSpec((D, D), lambda i: (0, 0)),
            pl.BlockSpec((1, D), lambda i: (0, 0)),
            pl.BlockSpec((D, D), lambda i: (0, 0)),
        ],
        out_specs=pl.BlockSpec((BLK, D), lambda i: (i, 0)),
        out_shape=jax.ShapeDtypeStruct((N, D), jnp.float32),
    )(agg_p, deg_p, x, W_l, b_l, W_r)


def kernel(x, edge_index, W_l0, b_l0, W_r0, W_l1, b_l1, W_r1):
    src = edge_index[0].astype(jnp.int32)
    dst = edge_index[1].astype(jnp.int32)
    pad = E_PAD - E
    lanes = jnp.arange(pad, dtype=jnp.int32) % NW
    src_p = jnp.concatenate([src, lanes]).reshape(NW * CH, 1, CHUNK)
    dst_p = jnp.concatenate([dst, N + lanes]).reshape(NW * CH, 1, CHUNK)
    e2 = jnp.concatenate([src_p, dst_p], axis=1)
    zrows = jnp.zeros((CHUNK, D), jnp.float32)
    zdeg = jnp.zeros((RPT,), jnp.float32)

    agg_p, deg_p = _sc_spmm_deg(x, e2, zrows, zdeg)
    deg3 = deg_p.reshape(NC, N_PAD, 1)
    h = _dense(agg_p, deg3, x, W_l0, b_l0.reshape(1, D), W_r0, True)
    agg2_p = _sc_spmm(h, e2, zrows, zdeg)
    out = _dense(agg2_p, deg3, h, W_l1, b_l1.reshape(1, D), W_r1, False)
    return out

# --- scband reference (transcript-rebuilt; emitter-appended) ---
"""Pipeline reference for scband-sage-35115652612101 (READ-ONLY COPY).

The authoritative reference and input builder live on the scoring server;
editing this copy changes nothing except your own understanding.
"""

import jax, jax.numpy as jnp
import numpy as np

N = 10000
E = 320000
D_IN = 128
D_HID = 128
D_OUT = 128


def setup_inputs(seed: int = 0) -> dict:
    key = jax.random.key(seed)
    ks = jax.random.split(key, 8)
    x = jax.random.normal(ks[0], (N, D_IN), dtype=jnp.float32)
    edge_index = jax.random.randint(ks[1], (2, E), 0, N, dtype=jnp.int64)
    s_in = 1.0 / np.sqrt(D_IN)
    s_hid = 1.0 / np.sqrt(D_HID)
    W_l0 = jax.random.uniform(ks[2], (D_IN, D_HID), jnp.float32, -s_in, s_in)
    b_l0 = jax.random.uniform(ks[3], (D_HID,), jnp.float32, -s_in, s_in)
    W_r0 = jax.random.uniform(ks[4], (D_IN, D_HID), jnp.float32, -s_in, s_in)
    W_l1 = jax.random.uniform(ks[5], (D_HID, D_OUT), jnp.float32, -s_hid, s_hid)
    b_l1 = jax.random.uniform(ks[6], (D_OUT,), jnp.float32, -s_hid, s_hid)
    W_r1 = jax.random.uniform(ks[7], (D_HID, D_OUT), jnp.float32, -s_hid, s_hid)
    return {"x": x, "edge_index": edge_index, "W_l0": W_l0, "b_l0": b_l0, "W_r0": W_r0, "W_l1": W_l1, "b_l1": b_l1, "W_r1": W_r1}


def _sage_conv(x, src, dst, W_l, b_l, W_r, num_nodes):
    # message: gather source-node features along edges
    msg = jnp.take(x, src, axis=0)
    # mean aggregation onto destination nodes (scatter-add + degree normalize)
    agg = jax.ops.segment_sum(msg, dst, num_segments=num_nodes)
    deg = jax.ops.segment_sum(jnp.ones((src.shape[0],), x.dtype), dst, num_segments=num_nodes)
    agg = agg / jnp.clip(deg, 1.0, None)[:, None]
    # PyG SAGEConv: lin_l(aggr) + lin_r(x); lin_l has bias, lin_r has no bias
    return agg @ W_l + b_l + x @ W_r


def reference(x, edge_index, W_l0, b_l0, W_r0, W_l1, b_l1, W_r1):
    src = edge_index[0]
    dst = edge_index[1]
    h = _sage_conv(x, src, dst, W_l0, b_l0, W_r0, N)
    h = jax.nn.elu(h)
    out = _sage_conv(h, src, dst, W_l1, b_l1, W_r1, N)
    return out

if __name__ == "__main__":
    import jax
    _d = setup_inputs()
    print(jax.jit(kernel)(*tuple(_d.values())))

</pallas_src>

<mosaic_0001>
#map = affine_map<(d0, d1) -> (0, 0)>
#map1 = affine_map<(d0, d1) -> (0, 0, 0)>
#map2 = affine_map<(d0, d1) -> (0)>
module attributes {stable_mosaic.version = 14 : i64} {
  func.func @body(%arg0: i32, %arg1: i32, %arg2: memref<10000x128xf32, #tpu.memory_space<hbm>>, %arg3: memref<2560x2x128xi32, #tpu.memory_space<hbm>>, %arg4: memref<128x128xf32, #tpu.memory_space<hbm>>, %arg5: memref<640xf32, #tpu.memory_space<hbm>>, %arg6: memref<2x10240x128xf32, #tpu.memory_space<hbm>>, %arg7: memref<2x10240xf32, #tpu.memory_space<hbm>>, %arg8: memref<40x2x128xi32, #tpu.memory_space<vmem>>, %arg9: memref<2x128x128xf32, #tpu.memory_space<vmem>>, %arg10: memref<128xf32, #tpu.memory_space<vmem>>, %arg11: memref<640xf32, #tpu.memory_space<vmem>>, %arg12: memref<10240x128xf32, #tpu.memory_space<vmem_shared>>, %arg13: memref<10240xf32, #tpu.memory_space<vmem_shared>>, %arg14: memref<!tpu.dma_semaphore, #tpu.memory_space<semaphore_mem>>, %arg15: memref<!tpu.dma_semaphore, #tpu.memory_space<semaphore_mem>>, %arg16: memref<!tpu.dma_semaphore, #tpu.memory_space<semaphore_mem>>) attributes {dimension_semantics = [#tpu.dimension_semantics<core_parallel>, #tpu.dimension_semantics<subcore_parallel>], iteration_bounds = array<i64: 2, 16>, scalar_prefetch = 0 : i64, scratch_operands = 9 : i64, tpu.core_type = #tpu.core_type<sc_vector_subcore>, window_params = [{transform_indices = #map}, {transform_indices = #map1}, {transform_indices = #map}, {transform_indices = #map2}, {transform_indices = #map1}, {transform_indices = #map}]} {
    %mul3A = arith.constant 16 : i32
    %mul3A_0 = arith.muli %arg0, %mul3A : i32
    %add3A = arith.addi %mul3A_0, %arg1 : i32
    %broadcast_in_dim3A = arith.constant 1.000000e+00 : f32
    %broadcast_in_dim3A_1 = vector.broadcast %broadcast_in_dim3A : f32 to vector<16xf32>
    %swap3A = arith.constant 0 : index
    %swap3A_2 = tpu.vector_load %arg10[%swap3A] {strides = array<i32>} : memref<128xf32, #tpu.memory_space<vmem>>, vector<16xf32>,
    %swap3A_3 = vector.shape_cast %swap3A_2 : vector<16xf32> to vector<16xf32>
    %swap3A_4 = vector.shape_cast %broadcast_in_dim3A_1 : vector<16xf32> to vector<16xf32>
    tpu.vector_store %arg10[%swap3A], %swap3A_4 {strides = array<i32>} : memref<128xf32, #tpu.memory_space<vmem>>, vector<16xf32>,
    %broadcast_in_dim3A_5 = arith.constant 1.000000e+00 : f32
    %broadcast_in_dim3A_6 = vector.broadcast %broadcast_in_dim3A_5 : f32 to vector<16xf32>
    %swap3A_7 = arith.constant 16 : index
    %swap3A_8 = tpu.vector_load %arg10[%swap3A_7] {strides = array<i32>} : memref<128xf32, #tpu.memory_space<vmem>>, vector<16xf32>,
    %swap3A_9 = vector.shape_cast %swap3A_8 : vector<16xf32> to vector<16xf32>
    %swap3A_10 = vector.shape_cast %broadcast_in_dim3A_6 : vector<16xf32> to vector<16xf32>
    tpu.vector_store %arg10[%swap3A_7], %swap3A_10 {strides = array<i32>} : memref<128xf32, #tpu.memory_space<vmem>>, vector<16xf32>,
    %broadcast_in_dim3A_11 = arith.constant 1.000000e+00 : f32
    %broadcast_in_dim3A_12 = vector.broadcast %broadcast_in_dim3A_11 : f32 to vector<16xf32>
    %swap3A_13 = arith.constant 32 : index
    %swap3A_14 = tpu.vector_load %arg10[%swap3A_13] {strides = array<i32>} : memref<128xf32, #tpu.memory_space<vmem>>, vector<16xf32>,
    %swap3A_15 = vector.shape_cast %swap3A_14 : vector<16xf32> to vector<16xf32>
    %swap3A_16 = vector.shape_cast %broadcast_in_dim3A_12 : vector<16xf32> to vector<16xf32>
    tpu.vector_store %arg10[%swap3A_13], %swap3A_16 {strides = array<i32>} : memref<128xf32, #tpu.memory_space<vmem>>, vector<16xf32>,
    %broadcast_in_dim3A_17 = arith.constant 1.000000e+00 : f32
    %broadcast_in_dim3A_18 = vector.broadcast %broadcast_in_dim3A_17 : f32 to vector<16xf32>
    %swap3A_19 = arith.constant 48 : index
    %swap3A_20 = tpu.vector_load %arg10[%swap3A_19] {strides = array<i32>} : memref<128xf32, #tpu.memory_space<vmem>>, vector<16xf32>,
    %swap3A_21 = vector.shape_cast %swap3A_20 : vector<16xf32> to vector<16xf32>
    %swap3A_22 = vector.shape_cast %broadcast_in_dim3A_18 : vector<16xf32> to vector<16xf32>
    tpu.vector_store %arg10[%swap3A_19], %swap3A_22 {strides = array<i32>} : memref<128xf32, #tpu.memory_space<vmem>>, vector<16xf32>,
    %broadcast_in_dim3A_23 = arith.constant 1.000000e+00 : f32
    %broadcast_in_dim3A_24 = vector.broadcast %broadcast_in_dim3A_23 : f32 to vector<16xf32>
    %swap3A_25 = arith.constant 64 : index
    %swap3A_26 = tpu.vector_load %arg10[%swap3A_25] {strides = array<i32>} : memref<128xf32, #tpu.memory_space<vmem>>, vector<16xf32>,
    %swap3A_27 = vector.shape_cast %swap3A_26 : vector<16xf32> to vector<16xf32>
    %swap3A_28 = vector.shape_cast %broadcast_in_dim3A_24 : vector<16xf32> to vector<16xf32>
    tpu.vector_store %arg10[%swap3A_25], %swap3A_28 {strides = array<i32>} : memref<128xf32, #tpu.memory_space<vmem>>, vector<16xf32>,
    %broadcast_in_dim3A_29 = arith.constant 1.000000e+00 : f32
    %broadcast_in_dim3A_30 = vector.broadcast %broadcast_in_dim3A_29 : f32 to vector<16xf32>
    %swap3A_31 = arith.constant 80 : index
    %swap3A_32 = tpu.vector_load %arg10[%swap3A_31] {strides = array<i32>} : memref<128xf32, #tpu.memory_space<vmem>>, vector<16xf32>,
    %swap3A_33 = vector.shape_cast %swap3A_32 : vector<16xf32> to vector<16xf32>
    %swap3A_34 = vector.shape_cast %broadcast_in_dim3A_30 : vector<16xf32> to vector<16xf32>
    tpu.vector_store %arg10[%swap3A_31], %swap3A_34 {strides = array<i32>} : memref<128xf32, #tpu.memory_space<vmem>>, vector<16xf32>,
    %broadcast_in_dim3A_35 = arith.constant 1.000000e+00 : f32
    %broadcast_in_dim3A_36 = vector.broadcast %broadcast_in_dim3A_35 : f32 to vector<16xf32>
    %swap3A_37 = arith.constant 96 : index
    %swap3A_38 = tpu.vector_load %arg10[%swap3A_37] {strides = array<i32>} : memref<128xf32, #tpu.memory_space<vmem>>, vector<16xf32>,
    %swap3A_39 = vector.shape_cast %swap3A_38 : vector<16xf32> to vector<16xf32>
    %swap3A_40 = vector.shape_cast %broadcast_in_dim3A_36 : vector<16xf32> to vector<16xf32>
    tpu.vector_store %arg10[%swap3A_37], %swap3A_40 {strides = array<i32>} : memref<128xf32, #tpu.memory_space<vmem>>, vector<16xf32>,
    %broadcast_in_dim3A_41 = arith.constant 1.000000e+00 : f32
    %broadcast_in_dim3A_42 = vector.broadcast %broadcast_in_dim3A_41 : f32 to vector<16xf32>
    %swap3A_43 = arith.constant 112 : index
    %swap3A_44 = tpu.vector_load %arg10[%swap3A_43] {strides = array<i32>} : memref<128xf32, #tpu.memory_space<vmem>>, vector<16xf32>,
    %swap3A_45 = vector.shape_cast %swap3A_44 : vector<16xf32> to vector<16xf32>
    %swap3A_46 = vector.shape_cast %broadcast_in_dim3A_42 : vector<16xf32> to vector<16xf32>
    tpu.vector_store %arg10[%swap3A_43], %swap3A_46 {strides = array<i32>} : memref<128xf32, #tpu.memory_space<vmem>>, vector<16xf32>,
    %run_scoped3A = arith.constant 0 : i32
    "tpu.region"() ({
      %run_scoped3A_604 = tpu.sem_alloc : memref<!tpu.dma_semaphore, #tpu.memory_space<semaphore_mem>>
      %dma_start3A_605 = arith.constant 0 : i32
      %dma_start3A_606 = arith.constant 0 : i32
      %dma_start3A_607 = tpu.memref_slice %arg9[%run_scoped3A, %dma_start3A_605, %dma_start3A_606] : memref<2x128x128xf32, #tpu.memory_space<vmem>> -> memref<1x128x128xf32, #tpu.memory_space<vmem>>
      %dma_start3A_608 = tpu.memref_squeeze %dma_start3A_607 : memref<1x128x128xf32, #tpu.memory_space<vmem>> -> memref<128x128xf32, #tpu.memory_space<vmem>>
      %dma_start3A_609 = arith.constant 0 : i32
      %dma_start3A_610 = arith.constant 0 : i32
      %dma_start3A_611 = tpu.memref_slice %arg9[%run_scoped3A, %dma_start3A_609, %dma_start3A_610] : memref<2x128x128xf32, #tpu.memory_space<vmem>> -> memref<1x128x128xf32, #tpu.memory_space<vmem>>
      %dma_start3A_612 = tpu.memref_squeeze %dma_start3A_611 : memref<1x128x128xf32, #tpu.memory_space<vmem>> -> memref<128x128xf32, #tpu.memory_space<vmem>>
      tpu.enqueue_dma source(%arg4 : memref<128x128xf32, #tpu.memory_space<hbm>>) target(%dma_start3A_612 : memref<128x128xf32, #tpu.memory_space<vmem>>) target_semaphore(%run_scoped3A_604 : memref<!tpu.dma_semaphore, #tpu.memory_space<semaphore_mem>>)
      %dma_wait3A_613 = arith.constant 0 : i32
      %dma_wait3A_614 = arith.constant 0 : i32
      %dma_wait3A_615 = tpu.memref_slice %arg9[%run_scoped3A, %dma_wait3A_613, %dma_wait3A_614] : memref<2x128x128xf32, #tpu.memory_space<vmem>> -> memref<1x128x128xf32, #tpu.memory_space<vmem>>
      %dma_wait3A_616 = tpu.memref_squeeze %dma_wait3A_615 : memref<1x128x128xf32, #tpu.memory_space<vmem>> -> memref<128x128xf32, #tpu.memory_space<vmem>>
      %dma_wait3A_617 = arith.constant 0 : i32
      %dma_wait3A_618 = arith.constant 0 : i32
      %dma_wait3A_619 = tpu.memref_slice %arg9[%run_scoped3A, %dma_wait3A_617, %dma_wait3A_618] : memref<2x128x128xf32, #tpu.memory_space<vmem>> -> memref<1x128x128xf32, #tpu.memory_space<vmem>>
      %dma_wait3A_620 = tpu.memref_squeeze %dma_wait3A_619 : memref<1x128x128xf32, #tpu.memory_space<vmem>> -> memref<128x128xf32, #tpu.memory_space<vmem>>
      tpu.wait_dma2 semaphore(%run_scoped3A_604 : memref<!tpu.dma_semaphore, #tpu.memory_space<semaphore_mem>>) src(%arg4 : memref<128x128xf32, #tpu.memory_space<hbm>>) dst(%dma_wait3A_620 : memref<128x128xf32, #tpu.memory_space<vmem>>)
      tpu.yield
    }) : () -> ()
    %mul3A_47 = arith.constant 640 : i32
    %mul3A_48 = arith.muli %arg1, %mul3A_47 : i32
    %add3A_49 = arith.constant 0 : i32
    %add3A_50 = arith.addi %mul3A_48, %add3A_49 : i32
    %dma_start3A = arith.constant 0 : i32
    %dma_start3A_51 = arith.constant 0 : i32
    %dma_start3A_52 = arith.constant 0 : i32
    %dma_start3A_53 = tpu.memref_slice %arg9[%dma_start3A, %dma_start3A_51, %dma_start3A_52] : memref<2x128x128xf32, #tpu.memory_space<vmem>> -> memref<1x128x128xf32, #tpu.memory_space<vmem>>
    %dma_start3A_54 = tpu.memref_squeeze %dma_start3A_53 : memref<1x128x128xf32, #tpu.memory_space<vmem>> -> memref<128x128xf32, #tpu.memory_space<vmem>>
    %dma_start3A_55 = arith.constant 0 : i32
    %dma_start3A_56 = tpu.memref_slice %arg12[%add3A_50, %dma_start3A_55] : memref<10240x128xf32, #tpu.memory_space<vmem_shared>> -> memref<128x128xf32, #tpu.memory_space<vmem_shared>>
    %dma_start3A_57 = arith.constant 0 : i32
    %dma_start3A_58 = tpu.memref_slice %arg12[%add3A_50, %dma_start3A_57] : memref<10240x128xf32, #tpu.memory_space<vmem_shared>> -> memref<128x128xf32, #tpu.memory_space<vmem_shared>>
    %dma_start3A_59 = arith.constant 0 : i32
    %dma_start3A_60 = arith.constant 0 : i32
    %dma_start3A_61 = tpu.memref_slice %arg9[%dma_start3A, %dma_start3A_59, %dma_start3A_60] : memref<2x128x128xf32, #tpu.memory_space<vmem>> -> memref<1x128x128xf32, #tpu.memory_space<vmem>>
    %dma_start3A_62 = tpu.memref_squeeze %dma_start3A_61 : memref<1x128x128xf32, #tpu.memory_space<vmem>> -> memref<128x128xf32, #tpu.memory_space<vmem>>
    tpu.enqueue_dma source(%dma_start3A_62 : memref<128x128xf32, #tpu.memory_space<vmem>>) target(%dma_start3A_58 : memref<128x128xf32, #tpu.memory_space<vmem_shared>>) target_semaphore(%arg14 : memref<!tpu.dma_semaphore, #tpu.memory_space<semaphore_mem>>)
    %mul3A_63 = arith.constant 640 : i32
    %mul3A_64 = arith.muli %arg1, %mul3A_63 : i32
    %add3A_65 = arith.constant 128 : i32
    %add3A_66 = arith.addi %mul3A_64, %add3A_65 : i32
    %dma_start3A_67 = arith.constant 0 : i32
    %dma_start3A_68 = arith.constant 0 : i32
    %dma_start3A_69 = arith.constant 0 : i32
    %dma_start3A_70 = tpu.memref_slice %arg9[%dma_start3A_67, %dma_start3A_68, %dma_start3A_69] : memref<2x128x128xf32, #tpu.memory_space<vmem>> -> memref<1x128x128xf32, #tpu.memory_space<vmem>>
    %dma_start3A_71 = tpu.memref_squeeze %dma_start3A_70 : memref<1x128x128xf32, #tpu.memory_space<vmem>> -> memref<128x128xf32, #tpu.memory_space<vmem>>
    %dma_start3A_72 = arith.constant 0 : i32
    %dma_start3A_73 = tpu.memref_slice %arg12[%add3A_66, %dma_start3A_72] : memref<10240x128xf32, #tpu.memory_space<vmem_shared>> -> memref<128x128xf32, #tpu.memory_space<vmem_shared>>
    %dma_start3A_74 = arith.constant 0 : i32
    %dma_start3A_75 = tpu.memref_slice %arg12[%add3A_66, %dma_start3A_74] : memref<10240x128xf32, #tpu.memory_space<vmem_shared>> -> memref<128x128xf32, #tpu.memory_space<vmem_shared>>
    %dma_start3A_76 = arith.constant 0 : i32
    %dma_start3A_77 = arith.constant 0 : i32
    %dma_start3A_78 = tpu.memref_slice %arg9[%dma_start3A_67, %dma_start3A_76, %dma_start3A_77] : memref<2x128x128xf32, #tpu.memory_space<vmem>> -> memref<1x128x128xf32, #tpu.memory_space<vmem>>
    %dma_start3A_79 = tpu.memref_squeeze %dma_start3A_78 : memref<1x128x128xf32, #tpu.memory_space<vmem>> -> memref<128x128xf32, #tpu.memory_space<vmem>>
    tpu.enqueue_dma source(%dma_start3A_79 : memref<128x128xf32, #tpu.memory_space<vmem>>) target(%dma_start3A_75 : memref<128x128xf32, #tpu.memory_space<vmem_shared>>) target_semaphore(%arg14 : memref<!tpu.dma_semaphore, #tpu.memory_space<semaphore_mem>>)
    %mul3A_80 = arith.constant 640 : i32
    %mul3A_81 = arith.muli %arg1, %mul3A_80 : i32
    %add3A_82 = arith.constant 256 : i32
    %add3A_83 = arith.addi %mul3A_81, %add3A_82 : i32
    %dma_start3A_84 = arith.constant 0 : i32
    %dma_start3A_85 = arith.constant 0 : i32
    %dma_start3A_86 = arith.constant 0 : i32
    %dma_start3A_87 = tpu.memref_slice %arg9[%dma_start3A_84, %dma_start3A_85, %dma_start3A_86] : memref<2x128x128xf32, #tpu.memory_space<vmem>> -> memref<1x128x128xf32, #tpu.memory_space<vmem>>
    %dma_start3A_88 = tpu.memref_squeeze %dma_start3A_87 : memref<1x128x128xf32, #tpu.memory_space<vmem>> -> memref<128x128xf32, #tpu.memory_space<vmem>>
    %dma_start3A_89 = arith.constant 0 : i32
    %dma_start3A_90 = tpu.memref_slice %arg12[%add3A_83, %dma_start3A_89] : memref<10240x128xf32, #tpu.memory_space<vmem_shared>> -> memref<128x128xf32, #tpu.memory_space<vmem_shared>>
    %dma_start3A_91 = arith.constant 0 : i32
    %dma_start3A_92 = tpu.memref_slice %arg12[%add3A_83, %dma_start3A_91] : memref<10240x128xf32, #tpu.memory_space<vmem_shared>> -> memref<128x128xf32, #tpu.memory_space<vmem_shared>>
    %dma_start3A_93 = arith.constant 0 : i32
    %dma_start3A_94 = arith.constant 0 : i32
    %dma_start3A_95 = tpu.memref_slice %arg9[%dma_start3A_84, %dma_start3A_93, %dma_start3A_94] : memref<2x128x128xf32, #tpu.memory_space<vmem>> -> memref<1x128x128xf32, #tpu.memory_space<vmem>>
    %dma_start3A_96 = tpu.memref_squeeze %dma_start3A_95 : memref<1x128x128xf32, #tpu.memory_space<vmem>> -> memref<128x128xf32, #tpu.memory_space<vmem>>
    tpu.enqueue_dma source(%dma_start3A_96 : memref<128x128xf32, #tpu.memory_space<vmem>>) target(%dma_start3A_92 : memref<128x128xf32, #tpu.memory_space<vmem_shared>>) target_semaphore(%arg14 : memref<!tpu.dma_semaphore, #tpu.memory_space<semaphore_mem>>)
    %mul3A_97 = arith.constant 640 : i32
    %mul3A_98 = arith.muli %arg1, %mul3A_97 : i32
    %add3A_99 = arith.constant 384 : i32
    %add3A_100 = arith.addi %mul3A_98, %add3A_99 : i32
    %dma_start3A_101 = arith.constant 0 : i32
    %dma_start3A_102 = arith.constant 0 : i32
    %dma_start3A_103 = arith.constant 0 : i32
    %dma_start3A_104 = tpu.memref_slice %arg9[%dma_start3A_101, %dma_start3A_102, %dma_start3A_103] : memref<2x128x128xf32, #tpu.memory_space<vmem>> -> memref<1x128x128xf32, #tpu.memory_space<vmem>>
    %dma_start3A_105 = tpu.memref_squeeze %dma_start3A_104 : memref<1x128x128xf32, #tpu.memory_space<vmem>> -> memref<128x128xf32, #tpu.memory_space<vmem>>
    %dma_start3A_106 = arith.constant 0 : i32
    %dma_start3A_107 = tpu.memref_slice %arg12[%add3A_100, %dma_start3A_106] : memref<10240x128xf32, #tpu.memory_space<vmem_shared>> -> memref<128x128xf32, #tpu.memory_space<vmem_shared>>
    %dma_start3A_108 = arith.constant 0 : i32
    %dma_start3A_109 = tpu.memref_slice %arg12[%add3A_100, %dma_start3A_108] : memref<10240x128xf32, #tpu.memory_space<vmem_shared>> -> memref<128x128xf32, #tpu.memory_space<vmem_shared>>
    %dma_start3A_110 = arith.constant 0 : i32
    %dma_start3A_111 = arith.constant 0 : i32
    %dma_start3A_112 = tpu.memref_slice %arg9[%dma_start3A_101, %dma_start3A_110, %dma_start3A_111] : memref<2x128x128xf32, #tpu.memory_space<vmem>> -> memref<1x128x128xf32, #tpu.memory_space<vmem>>
    %dma_start3A_113 = tpu.memref_squeeze %dma_start3A_112 : memref<1x128x128xf32, #tpu.memory_space<vmem>> -> memref<128x128xf32, #tpu.memory_space<vmem>>
    tpu.enqueue_dma source(%dma_start3A_113 : memref<128x128xf32, #tpu.memory_space<vmem>>) target(%dma_start3A_109 : memref<128x128xf32, #tpu.memory_space<vmem_shared>>) target_semaphore(%arg14 : memref<!tpu.dma_semaphore, #tpu.memory_space<semaphore_mem>>)
    %mul3A_114 = arith.constant 640 : i32
    %mul3A_115 = arith.muli %arg1, %mul3A_114 : i32
    %add3A_116 = arith.constant 512 : i32
    %add3A_117 = arith.addi %mul3A_115, %add3A_116 : i32
    %dma_start3A_118 = arith.constant 0 : i32
    %dma_start3A_119 = arith.constant 0 : i32
    %dma_start3A_120 = arith.constant 0 : i32
    %dma_start3A_121 = tpu.memref_slice %arg9[%dma_start3A_118, %dma_start3A_119, %dma_start3A_120] : memref<2x128x128xf32, #tpu.memory_space<vmem>> -> memref<1x128x128xf32, #tpu.memory_space<vmem>>
    %dma_start3A_122 = tpu.memref_squeeze %dma_start3A_121 : memref<1x128x128xf32, #tpu.memory_space<vmem>> -> memref<128x128xf32, #tpu.memory_space<vmem>>
    %dma_start3A_123 = arith.constant 0 : i32
    %dma_start3A_124 = tpu.memref_slice %arg12[%add3A_117, %dma_start3A_123] : memref<10240x128xf32, #tpu.memory_space<vmem_shared>> -> memref<128x128xf32, #tpu.memory_space<vmem_shared>>
    %dma_start3A_125 = arith.constant 0 : i32
    %dma_start3A_126 = tpu.memref_slice %arg12[%add3A_117, %dma_start3A_125] : memref<10240x128xf32, #tpu.memory_space<vmem_shared>> -> memref<128x128xf32, #tpu.memory_space<vmem_shared>>
    %dma_start3A_127 = arith.constant 0 : i32
    %dma_start3A_128 = arith.constant 0 : i32
    %dma_start3A_129 = tpu.memref_slice %arg9[%dma_start3A_118, %dma_start3A_127, %dma_start3A_128] : memref<2x128x128xf32, #tpu.memory_space<vmem>> -> memref<1x128x128xf32, #tpu.memory_space<vmem>>
    %dma_start3A_130 = tpu.memref_squeeze %dma_start3A_129 : memref<1x128x128xf32, #tpu.memory_space<vmem>> -> memref<128x128xf32, #tpu.memory_space<vmem>>
    tpu.enqueue_dma source(%dma_start3A_130 : memref<128x128xf32, #tpu.memory_space<vmem>>) target(%dma_start3A_126 : memref<128x128xf32, #tpu.memory_space<vmem_shared>>) target_semaphore(%arg14 : memref<!tpu.dma_semaphore, #tpu.memory_space<semaphore_mem>>)
    "tpu.region"() ({
      %run_scoped3A_604 = tpu.sem_alloc : memref<!tpu.dma_semaphore, #tpu.memory_space<semaphore_mem>>
      tpu.enqueue_dma source(%arg5 : memref<640xf32, #tpu.memory_space<hbm>>) target(%arg11 : memref<640xf32, #tpu.memory_space<vmem>>) target_semaphore(%run_scoped3A_604 : memref<!tpu.dma_semaphore, #tpu.memory_space<semaphore_mem>>)
      tpu.wait_dma2 semaphore(%run_scoped3A_604 : memref<!tpu.dma_semaphore, #tpu.memory_space<semaphore_mem>>) src(%arg5 : memref<640xf32, #tpu.memory_space<hbm>>) dst(%arg11 : memref<640xf32, #tpu.memory_space<vmem>>)
      tpu.yield
    }) : () -> ()
    %mul3A_131 = arith.constant 640 : i32
    %mul3A_132 = arith.muli %arg1, %mul3A_131 : i32
    %dma_start3A_133 = tpu.memref_slice %arg13[%mul3A_132] : memref<10240xf32, #tpu.memory_space<vmem_shared>> -> memref<640xf32, #tpu.memory_space<vmem_shared>>
    %dma_start3A_134 = tpu.memref_slice %arg13[%mul3A_132] : memref<10240xf32, #tpu.memory_space<vmem_shared>> -> memref<640xf32, #tpu.memory_space<vmem_shared>>
    tpu.enqueue_dma source(%arg11 : memref<640xf32, #tpu.memory_space<vmem>>) target(%dma_start3A_134 : memref<640xf32, #tpu.memory_space<vmem_shared>>) target_semaphore(%arg15 : memref<!tpu.dma_semaphore, #tpu.memory_space<semaphore_mem>>)
    %mul3A_135 = arith.constant 640 : i32
    %mul3A_136 = arith.muli %arg1, %mul3A_135 : i32
    %add3A_137 = arith.constant 0 : i32
    %add3A_138 = arith.addi %mul3A_136, %add3A_137 : i32
    %dma_wait3A = arith.constant 0 : i32
    %dma_wait3A_139 = arith.constant 0 : i32
    %dma_wait3A_140 = arith.constant 0 : i32
    %dma_wait3A_141 = tpu.memref_slice %arg9[%dma_wait3A, %dma_wait3A_139, %dma_wait3A_140] : memref<2x128x128xf32, #tpu.memory_space<vmem>> -> memref<1x128x128xf32, #tpu.memory_space<vmem>>
    %dma_wait3A_142 = tpu.memref_squeeze %dma_wait3A_141 : memref<1x128x128xf32, #tpu.memory_space<vmem>> -> memref<128x128xf32, #tpu.memory_space<vmem>>
    %dma_wait3A_143 = arith.constant 0 : i32
    %dma_wait3A_144 = tpu.memref_slice %arg12[%add3A_138, %dma_wait3A_143] : memref<10240x128xf32, #tpu.memory_space<vmem_shared>> -> memref<128x128xf32, #tpu.memory_space<vmem_shared>>
    %dma_wait3A_145 = arith.constant 0 : i32
    %dma_wait3A_146 = tpu.memref_slice %arg12[%add3A_138, %dma_wait3A_145] : memref<10240x128xf32, #tpu.memory_space<vmem_shared>> -> memref<128x128xf32, #tpu.memory_space<vmem_shared>>
    %dma_wait3A_147 = arith.constant 0 : i32
    %dma_wait3A_148 = arith.constant 0 : i32
    %dma_wait3A_149 = tpu.memref_slice %arg9[%dma_wait3A, %dma_wait3A_147, %dma_wait3A_148] : memref<2x128x128xf32, #tpu.memory_space<vmem>> -> memref<1x128x128xf32, #tpu.memory_space<vmem>>
    %dma_wait3A_150 = tpu.memref_squeeze %dma_wait3A_149 : memref<1x128x128xf32, #tpu.memory_space<vmem>> -> memref<128x128xf32, #tpu.memory_space<vmem>>
    tpu.wait_dma2 semaphore(%arg14 : memref<!tpu.dma_semaphore, #tpu.memory_space<semaphore_mem>>) src(%dma_wait3A_150 : memref<128x128xf32, #tpu.memory_space<vmem>>) dst(%dma_wait3A_146 : memref<128x128xf32, #tpu.memory_space<vmem_shared>>)
    %mul3A_151 = arith.constant 640 : i32
    %mul3A_152 = arith.muli %arg1, %mul3A_151 : i32
    %add3A_153 = arith.constant 128 : i32
    %add3A_154 = arith.addi %mul3A_152, %add3A_153 : i32
    %dma_wait3A_155 = arith.constant 0 : i32
    %dma_wait3A_156 = arith.constant 0 : i32
    %dma_wait3A_157 = arith.constant 0 : i32
    %dma_wait3A_158 = tpu.memref_slice %arg9[%dma_wait3A_155, %dma_wait3A_156, %dma_wait3A_157] : memref<2x128x128xf32, #tpu.memory_space<vmem>> -> memref<1x128x128xf32, #tpu.memory_space<vmem>>
    %dma_wait3A_159 = tpu.memref_squeeze %dma_wait3A_158 : memref<1x128x128xf32, #tpu.memory_space<vmem>> -> memref<128x128xf32, #tpu.memory_space<vmem>>
    %dma_wait3A_160 = arith.constant 0 : i32
    %dma_wait3A_161 = tpu.memref_slice %arg12[%add3A_154, %dma_wait3A_160] : memref<10240x128xf32, #tpu.memory_space<vmem_shared>> -> memref<128x128xf32, #tpu.memory_space<vmem_shared>>
    %dma_wait3A_162 = arith.constant 0 : i32
    %dma_wait3A_163 = tpu.memref_slice %arg12[%add3A_154, %dma_wait3A_162] : memref<10240x128xf32, #tpu.memory_space<vmem_shared>> -> memref<128x128xf32, #tpu.memory_space<vmem_shared>>
    %dma_wait3A_164 = arith.constant 0 : i32
    %dma_wait3A_165 = arith.constant 0 : i32
    %dma_wait3A_166 = tpu.memref_slice %arg9[%dma_wait3A_155, %dma_wait3A_164, %dma_wait3A_165] : memref<2x128x128xf32, #tpu.memory_space<vmem>> -> memref<1x128x128xf32, #tpu.memory_space<vmem>>
    %dma_wait3A_167 = tpu.memref_squeeze %dma_wait3A_166 : memref<1x128x128xf32, #tpu.memory_space<vmem>> -> memref<128x128xf32, #tpu.memory_space<vmem>>
    tpu.wait_dma2 semaphore(%arg14 : memref<!tpu.dma_semaphore, #tpu.memory_space<semaphore_mem>>) src(%dma_wait3A_167 : memref<128x128xf32, #tpu.memory_space<vmem>>) dst(%dma_wait3A_163 : memref<128x128xf32, #tpu.memory_space<vmem_shared>>)
    %mul3A_168 = arith.constant 640 : i32
    %mul3A_169 = arith.muli %arg1, %mul3A_168 : i32
    %add3A_170 = arith.constant 256 : i32
    %add3A_171 = arith.addi %mul3A_169, %add3A_170 : i32
    %dma_wait3A_172 = arith.constant 0 : i32
    %dma_wait3A_173 = arith.constant 0 : i32
    %dma_wait3A_174 = arith.constant 0 : i32
    %dma_wait3A_175 = tpu.memref_slice %arg9[%dma_wait3A_172, %dma_wait3A_173, %dma_wait3A_174] : memref<2x128x128xf32, #tpu.memory_space<vmem>> -> memref<1x128x128xf32, #tpu.memory_space<vmem>>
    %dma_wait3A_176 = tpu.memref_squeeze %dma_wait3A_175 : memref<1x128x128xf32, #tpu.memory_space<vmem>> -> memref<128x128xf32, #tpu.memory_space<vmem>>
    %dma_wait3A_177 = arith.constant 0 : i32
    %dma_wait3A_178 = tpu.memref_slice %arg12[%add3A_171, %dma_wait3A_177] : memref<10240x128xf32, #tpu.memory_space<vmem_shared>> -> memref<128x128xf32, #tpu.memory_space<vmem_shared>>
    %dma_wait3A_179 = arith.constant 0 : i32
    %dma_wait3A_180 = tpu.memref_slice %arg12[%add3A_171, %dma_wait3A_179] : memref<10240x128xf32, #tpu.memory_space<vmem_shared>> -> memref<128x128xf32, #tpu.memory_space<vmem_shared>>
    %dma_wait3A_181 = arith.constant 0 : i32
    %dma_wait3A_182 = arith.constant 0 : i32
    %dma_wait3A_183 = tpu.memref_slice %arg9[%dma_wait3A_172, %dma_wait3A_181, %dma_wait3A_182] : memref<2x128x128xf32, #tpu.memory_space<vmem>> -> memref<1x128x128xf32, #tpu.memory_space<vmem>>
    %dma_wait3A_184 = tpu.memref_squeeze %dma_wait3A_183 : memref<1x128x128xf32, #tpu.memory_space<vmem>> -> memref<128x128xf32, #tpu.memory_space<vmem>>
    tpu.wait_dma2 semaphore(%arg14 : memref<!tpu.dma_semaphore, #tpu.memory_space<semaphore_mem>>) src(%dma_wait3A_184 : memref<128x128xf32, #tpu.memory_space<vmem>>) dst(%dma_wait3A_180 : memref<128x128xf32, #tpu.memory_space<vmem_shared>>)
    %mul3A_185 = arith.constant 640 : i32
    %mul3A_186 = arith.muli %arg1, %mul3A_185 : i32
    %add3A_187 = arith.constant 384 : i32
    %add3A_188 = arith.addi %mul3A_186, %add3A_187 : i32
    %dma_wait3A_189 = arith.constant 0 : i32
    %dma_wait3A_190 = arith.constant 0 : i32
    %dma_wait3A_191 = arith.constant 0 : i32
    %dma_wait3A_192 = tpu.memref_slice %arg9[%dma_wait3A_189, %dma_wait3A_190, %dma_wait3A_191] : memref<2x128x128xf32, #tpu.memory_space<vmem>> -> memref<1x128x128xf32, #tpu.memory_space<vmem>>
    %dma_wait3A_193 = tpu.memref_squeeze %dma_wait3A_192 : memref<1x128x128xf32, #tpu.memory_space<vmem>> -> memref<128x128xf32, #tpu.memory_space<vmem>>
    %dma_wait3A_194 = arith.constant 0 : i32
    %dma_wait3A_195 = tpu.memref_slice %arg12[%add3A_188, %dma_wait3A_194] : memref<10240x128xf32, #tpu.memory_space<vmem_shared>> -> memref<128x128xf32, #tpu.memory_space<vmem_shared>>
    %dma_wait3A_196 = arith.constant 0 : i32
    %dma_wait3A_197 = tpu.memref_slice %arg12[%add3A_188, %dma_wait3A_196] : memref<10240x128xf32, #tpu.memory_space<vmem_shared>> -> memref<128x128xf32, #tpu.memory_space<vmem_shared>>
    %dma_wait3A_198 = arith.constant 0 : i32
    %dma_wait3A_199 = arith.constant 0 : i32
    %dma_wait3A_200 = tpu.memref_slice %arg9[%dma_wait3A_189, %dma_wait3A_198, %dma_wait3A_199] : memref<2x128x128xf32, #tpu.memory_space<vmem>> -> memref<1x128x128xf32, #tpu.memory_space<vmem>>
    %dma_wait3A_201 = tpu.memref_squeeze %dma_wait3A_200 : memref<1x128x128xf32, #tpu.memory_space<vmem>> -> memref<128x128xf32, #tpu.memory_space<vmem>>
    tpu.wait_dma2 semaphore(%arg14 : memref<!tpu.dma_semaphore, #tpu.memory_space<semaphore_mem>>) src(%dma_wait3A_201 : memref<128x128xf32, #tpu.memory_space<vmem>>) dst(%dma_wait3A_197 : memref<128x128xf32, #tpu.memory_space<vmem_shared>>)
    %mul3A_202 = arith.constant 640 : i32
    %mul3A_203 = arith.muli %arg1, %mul3A_202 : i32
    %add3A_204 = arith.constant 512 : i32
    %add3A_205 = arith.addi %mul3A_203, %add3A_204 : i32
    %dma_wait3A_206 = arith.constant 0 : i32
    %dma_wait3A_207 = arith.constant 0 : i32
    %dma_wait3A_208 = arith.constant 0 : i32
    %dma_wait3A_209 = tpu.memref_slice %arg9[%dma_wait3A_206, %dma_wait3A_207, %dma_wait3A_208] : memref<2x128x128xf32, #tpu.memory_space<vmem>> -> memref<1x128x128xf32, #tpu.memory_space<vmem>>
    %dma_wait3A_210 = tpu.memref_squeeze %dma_wait3A_209 : memref<1x128x128xf32, #tpu.memory_space<vmem>> -> memref<128x128xf32, #tpu.memory_space<vmem>>
    %dma_wait3A_211 = arith.constant 0 : i32
    %dma_wait3A_212 = tpu.memref_slice %arg12[%add3A_205, %dma_wait3A_211] : memref<10240x128xf32, #tpu.memory_space<vmem_shared>> -> memref<128x128xf32, #tpu.memory_space<vmem_shared>>
    %dma_wait3A_213 = arith.constant 0 : i32
    %dma_wait3A_214 = tpu.memref_slice %arg12[%add3A_205, %dma_wait3A_213] : memref<10240x128xf32, #tpu.memory_space<vmem_shared>> -> memref<128x128xf32, #tpu.memory_space<vmem_shared>>
    %dma_wait3A_215 = arith.constant 0 : i32
    %dma_wait3A_216 = arith.constant 0 : i32
    %dma_wait3A_217 = tpu.memref_slice %arg9[%dma_wait3A_206, %dma_wait3A_215, %dma_wait3A_216] : memref<2x128x128xf32, #tpu.memory_space<vmem>> -> memref<1x128x128xf32, #tpu.memory_space<vmem>>
    %dma_wait3A_218 = tpu.memref_squeeze %dma_wait3A_217 : memref<1x128x128xf32, #tpu.memory_space<vmem>> -> memref<128x128xf32, #tpu.memory_space<vmem>>
    tpu.wait_dma2 semaphore(%arg14 : memref<!tpu.dma_semaphore, #tpu.memory_space<semaphore_mem>>) src(%dma_wait3A_218 : memref<128x128xf32, #tpu.memory_space<vmem>>) dst(%dma_wait3A_214 : memref<128x128xf32, #tpu.memory_space<vmem_shared>>)
    %mul3A_219 = arith.constant 640 : i32
    %mul3A_220 = arith.muli %arg1, %mul3A_219 : i32
    %dma_wait3A_221 = tpu.memref_slice %arg13[%mul3A_220] : memref<10240xf32, #tpu.memory_space<vmem_shared>> -> memref<640xf32, #tpu.memory_space<vmem_shared>>
    %dma_wait3A_222 = tpu.memref_slice %arg13[%mul3A_220] : memref<10240xf32, #tpu.memory_space<vmem_shared>> -> memref<640xf32, #tpu.memory_space<vmem_shared>>
    tpu.wait_dma2 semaphore(%arg15 : memref<!tpu.dma_semaphore, #tpu.memory_space<semaphore_mem>>) src(%arg11 : memref<640xf32, #tpu.memory_space<vmem>>) dst(%dma_wait3A_222 : memref<640xf32, #tpu.memory_space<vmem_shared>>)
    %barrier3A = arith.constant 0 : index
    tpu.barrier barrier_id(%barrier3A)
    %mul3A_223 = arith.constant 80 : i32
    %mul3A_224 = arith.muli %add3A, %mul3A_223 : i32
    %add3A_225 = arith.constant 0 : i32
    %add3A_226 = arith.addi %mul3A_224, %add3A_225 : i32
    "tpu.region"() ({
      %run_scoped3A_604 = tpu.sem_alloc : memref<!tpu.dma_semaphore, #tpu.memory_space<semaphore_mem>>
      %dma_start3A_605 = arith.constant 0 : i32
      %dma_start3A_606 = arith.constant 0 : i32
      %dma_start3A_607 = tpu.memref_slice %arg3[%add3A_226, %dma_start3A_605, %dma_start3A_606] : memref<2560x2x128xi32, #tpu.memory_space<hbm>> -> memref<40x2x128xi32, #tpu.memory_space<hbm>>
      %dma_start3A_608 = arith.constant 0 : i32
      %dma_start3A_609 = arith.constant 0 : i32
      %dma_start3A_610 = tpu.memref_slice %arg3[%add3A_226, %dma_start3A_608, %dma_start3A_609] : memref<2560x2x128xi32, #tpu.memory_space<hbm>> -> memref<40x2x128xi32, #tpu.memory_space<hbm>>
      tpu.enqueue_dma source(%dma_start3A_610 : memref<40x2x128xi32, #tpu.memory_space<hbm>>) target(%arg8 : memref<40x2x128xi32, #tpu.memory_space<vmem>>) target_semaphore(%run_scoped3A_604 : memref<!tpu.dma_semaphore, #tpu.memory_space<semaphore_mem>>)
      %dma_wait3A_611 = arith.constant 0 : i32
      %dma_wait3A_612 = arith.constant 0 : i32
      %dma_wait3A_613 = tpu.memref_slice %arg3[%add3A_226, %dma_wait3A_611, %dma_wait3A_612] : memref<2560x2x128xi32, #tpu.memory_space<hbm>> -> memref<40x2x128xi32, #tpu.memory_space<hbm>>
      %dma_wait3A_614 = arith.constant 0 : i32
      %dma_wait3A_615 = arith.constant 0 : i32
      %dma_wait3A_616 = tpu.memref_slice %arg3[%add3A_226, %dma_wait3A_614, %dma_wait3A_615] : memref<2560x2x128xi32, #tpu.memory_space<hbm>> -> memref<40x2x128xi32, #tpu.memory_space<hbm>>
      tpu.wait_dma2 semaphore(%run_scoped3A_604 : memref<!tpu.dma_semaphore, #tpu.memory_space<semaphore_mem>>) src(%dma_wait3A_616 : memref<40x2x128xi32, #tpu.memory_space<hbm>>) dst(%arg8 : memref<40x2x128xi32, #tpu.memory_space<vmem>>)
      tpu.yield
    }) : () -> ()
    %dma_start3A_227 = arith.constant 0 : i32
    %dma_start3A_228 = arith.constant 0 : i32
    %dma_start3A_229 = arith.constant 0 : i32
    %dma_start3A_230 = arith.constant 0 : i32
    %dma_start3A_231 = arith.constant 0 : i32
    %dma_start3A_232 = tpu.memref_slice %arg9[%dma_start3A_229, %dma_start3A_230, %dma_start3A_231] : memref<2x128x128xf32, #tpu.memory_space<vmem>> -> memref<1x128x128xf32, #tpu.memory_space<vmem>>
    %dma_start3A_233 = tpu.memref_squeeze %dma_start3A_232 : memref<1x128x128xf32, #tpu.memory_space<vmem>> -> memref<128x128xf32, #tpu.memory_space<vmem>>
    %dma_start3A_234 = arith.constant 0 : i32
    %dma_start3A_235 = tpu.memref_slice %arg8[%dma_start3A_227, %dma_start3A_228, %dma_start3A_234] : memref<40x2x128xi32, #tpu.memory_space<vmem>> -> memref<1x1x128xi32, #tpu.memory_space<vmem>>
    %dma_start3A_236 = tpu.memref_squeeze %dma_start3A_235 : memref<1x1x128xi32, #tpu.memory_space<vmem>> -> memref<128xi32, #tpu.memory_space<vmem>>
    %dma_start3A_237 = arith.constant 0 : i32
    %dma_start3A_238 = arith.constant 0 : i32
    %dma_start3A_239 = tpu.memref_slice %arg2[%dma_start3A_237, %dma_start3A_238] : memref<10000x128xf32, #tpu.memory_space<hbm>> -> memref<10000x128xf32, #tpu.memory_space<hbm>>
    tpu.enqueue_indirect_dma source(%dma_start3A_239 : memref<10000x128xf32, #tpu.memory_space<hbm>>) target(%dma_start3A_233 : memref<128x128xf32, #tpu.memory_space<vmem>>) offsets(%dma_start3A_236 : memref<128xi32, #tpu.memory_space<vmem>>) semaphore(%arg14 : memref<!tpu.dma_semaphore, #tpu.memory_space<semaphore_mem>>)
    %dma_start3A_240 = arith.constant 1 : i32
    %dma_start3A_241 = arith.constant 0 : i32
    %dma_start3A_242 = arith.constant 1 : i32
    %dma_start3A_243 = arith.constant 0 : i32
    %dma_start3A_244 = arith.constant 0 : i32
    %dma_start3A_245 = tpu.memref_slice %arg9[%dma_start3A_242, %dma_start3A_243, %dma_start3A_244] : memref<2x128x128xf32, #tpu.memory_space<vmem>> -> memref<1x128x128xf32, #tpu.memory_space<vmem>>
    %dma_start3A_246 = tpu.memref_squeeze %dma_start3A_245 : memref<1x128x128xf32, #tpu.memory_space<vmem>> -> memref<128x128xf32, #tpu.memory_space<vmem>>
    %dma_start3A_247 = arith.constant 0 : i32
    %dma_start3A_248 = tpu.memref_slice %arg8[%dma_start3A_240, %dma_start3A_241, %dma_start3A_247] : memref<40x2x128xi32, #tpu.memory_space<vmem>> -> memref<1x1x128xi32, #tpu.memory_space<vmem>>
    %dma_start3A_249 = tpu.memref_squeeze %dma_start3A_248 : memref<1x1x128xi32, #tpu.memory_space<vmem>> -> memref<128xi32, #tpu.memory_space<vmem>>
    %dma_start3A_250 = arith.constant 0 : i32
    %dma_start3A_251 = arith.constant 0 : i32
    %dma_start3A_252 = tpu.memref_slice %arg2[%dma_start3A_250, %dma_start3A_251] : memref<10000x128xf32, #tpu.memory_space<hbm>> -> memref<10000x128xf32, #tpu.memory_space<hbm>>
    tpu.enqueue_indirect_dma source(%dma_start3A_252 : memref<10000x128xf32, #tpu.memory_space<hbm>>) target(%dma_start3A_246 : memref<128x128xf32, #tpu.memory_space<vmem>>) offsets(%dma_start3A_249 : memref<128xi32, #tpu.memory_space<vmem>>) semaphore(%arg15 : memref<!tpu.dma_semaphore, #tpu.memory_space<semaphore_mem>>)
    %scan3A = arith.constant 0 : i32
    %scan3A_253 = arith.constant 19 : i32
    %scan3A_254 = arith.addi %scan3A, %scan3A_253 : i32
    %scan3A_255 = arith.constant 1 : i32
    scf.for %scan3A_604 = %scan3A to %scan3A_254 step %scan3A_255  : i32 {
      %mul3A_605 = arith.constant 1 : i32
      %mul3A_606 = arith.muli %scan3A_604, %mul3A_605 : i32
      %add3A_607 = arith.constant 0 : i32
      %add3A_608 = arith.addi %add3A_607, %mul3A_606 : i32
      %mul3A_609 = arith.constant 2 : i32
      %mul3A_610 = arith.muli %add3A_608, %mul3A_609 : i32
      %dma_wait3A_611 = arith.constant 0 : i32
      %dma_wait3A_612 = arith.constant 0 : i32
      %dma_wait3A_613 = arith.constant 0 : i32
      %dma_wait3A_614 = arith.constant 0 : i32
      %dma_wait3A_615 = tpu.memref_slice %arg9[%dma_wait3A_612, %dma_wait3A_613, %dma_wait3A_614] : memref<2x128x128xf32, #tpu.memory_space<vmem>> -> memref<1x128x128xf32, #tpu.memory_space<vmem>>
      %dma_wait3A_616 = tpu.memref_squeeze %dma_wait3A_615 : memref<1x128x128xf32, #tpu.memory_space<vmem>> -> memref<128x128xf32, #tpu.memory_space<vmem>>
      %dma_wait3A_617 = arith.constant 0 : i32
      %dma_wait3A_618 = tpu.memref_slice %arg8[%mul3A_610, %dma_wait3A_611, %dma_wait3A_617] : memref<40x2x128xi32, #tpu.memory_space<vmem>> -> memref<1x1x128xi32, #tpu.memory_space<vmem>>
      %dma_wait3A_619 = tpu.memref_squeeze %dma_wait3A_618 : memref<1x1x128xi32, #tpu.memory_space<vmem>> -> memref<128xi32, #tpu.memory_space<vmem>>
      %dma_wait3A_620 = arith.constant 0 : i32
      %dma_wait3A_621 = arith.constant 0 : i32
      %dma_wait3A_622 = tpu.memref_slice %arg2[%dma_wait3A_620, %dma_wait3A_621] : memref<10000x128xf32, #tpu.memory_space<hbm>> -> memref<10000x128xf32, #tpu.memory_space<hbm>>
      tpu.wait_indirect_dma semaphore(%arg14 : memref<!tpu.dma_semaphore, #tpu.memory_space<semaphore_mem>>) src(%dma_wait3A_622 : memref<10000x128xf32, #tpu.memory_space<hbm>>) dst(%dma_wait3A_616 : memref<128x128xf32, #tpu.memory_space<vmem>>)
      %run_scoped3A_623 = arith.constant 0 : i32
      %run_scoped3A_624 = arith.constant 1 : i32
      "tpu.region"() ({
        %run_scoped3A_681 = tpu.sem_alloc : memref<!tpu.dma_semaphore, #tpu.memory_space<semaphore_mem>>
        %dma_start3A_682 = arith.constant 0 : i32
        %dma_start3A_683 = arith.constant 0 : i32
        %dma_start3A_684 = tpu.memref_slice %arg9[%run_scoped3A_623, %dma_start3A_682, %dma_start3A_683] : memref<2x128x128xf32, #tpu.memory_space<vmem>> -> memref<1x128x128xf32, #tpu.memory_space<vmem>>
        %dma_start3A_685 = tpu.memref_squeeze %dma_start3A_684 : memref<1x128x128xf32, #tpu.memory_space<vmem>> -> memref<128x128xf32, #tpu.memory_space<vmem>>
        %dma_start3A_686 = arith.constant 0 : i32
        %dma_start3A_687 = tpu.memref_slice %arg8[%mul3A_610, %run_scoped3A_624, %dma_start3A_686] : memref<40x2x128xi32, #tpu.memory_space<vmem>> -> memref<1x1x128xi32, #tpu.memory_space<vmem>>
        %dma_start3A_688 = tpu.memref_squeeze %dma_start3A_687 : memref<1x1x128xi32, #tpu.memory_space<vmem>> -> memref<128xi32, #tpu.memory_space<vmem>>
        %dma_start3A_689 = arith.constant 0 : i32
        %dma_start3A_690 = arith.constant 0 : i32
        %dma_start3A_691 = tpu.memref_slice %arg12[%dma_start3A_689, %dma_start3A_690] : memref<10240x128xf32, #tpu.memory_space<vmem_shared>> -> memref<10240x128xf32, #tpu.memory_space<vmem_shared>>
        tpu.enqueue_indirect_dma source(%dma_start3A_685 : memref<128x128xf32, #tpu.memory_space<vmem>>) target(%dma_start3A_691 : memref<10240x128xf32, #tpu.memory_space<vmem_shared>>) offsets(%dma_start3A_688 : memref<128xi32, #tpu.memory_space<vmem>>) semaphore(%run_scoped3A_681 : memref<!tpu.dma_semaphore, #tpu.memory_space<semaphore_mem>>) {add = true}
        %dma_wait3A_692 = arith.constant 0 : i32
        %dma_wait3A_693 = arith.constant 0 : i32
        %dma_wait3A_694 = tpu.memref_slice %arg9[%run_scoped3A_623, %dma_wait3A_692, %dma_wait3A_693] : memref<2x128x128xf32, #tpu.memory_space<vmem>> -> memref<1x128x128xf32, #tpu.memory_space<vmem>>
        %dma_wait3A_695 = tpu.memref_squeeze %dma_wait3A_694 : memref<1x128x128xf32, #tpu.memory_space<vmem>> -> memref<128x128xf32, #tpu.memory_space<vmem>>
        %dma_wait3A_696 = arith.constant 0 : i32
        %dma_wait3A_697 = tpu.memref_slice %arg8[%mul3A_610, %run_scoped3A_624, %dma_wait3A_696] : memref<40x2x128xi32, #tpu.memory_space<vmem>> -> memref<1x1x128xi32, #tpu.memory_space<vmem>>
        %dma_wait3A_698 = tpu.memref_squeeze %dma_wait3A_697 : memref<1x1x128xi32, #tpu.memory_space<vmem>> -> memref<128xi32, #tpu.memory_space<vmem>>
        %dma_wait3A_699 = arith.constant 0 : i32
        %dma_wait3A_700 = arith.constant 0 : i32
        %dma_wait3A_701 = tpu.memref_slice %arg12[%dma_wait3A_699, %dma_wait3A_700] : memref<10240x128xf32, #tpu.memory_space<vmem_shared>> -> memref<10240x128xf32, #tpu.memory_space<vmem_shared>>
        tpu.wait_indirect_dma semaphore(%run_scoped3A_681 : memref<!tpu.dma_semaphore, #tpu.memory_space<semaphore_mem>>) src(%dma_wait3A_695 : memref<128x128xf32, #tpu.memory_space<vmem>>) dst(%dma_wait3A_701 : memref<10240x128xf32, #tpu.memory_space<vmem_shared>>)
        tpu.yield
      }) : () -> ()
      %dma_start3A_625 = arith.constant 1 : i32
      %dma_start3A_626 = arith.constant 0 : i32
      %dma_start3A_627 = tpu.memref_slice %arg8[%mul3A_610, %dma_start3A_625, %dma_start3A_626] : memref<40x2x128xi32, #tpu.memory_space<vmem>> -> memref<1x1x128xi32, #tpu.memory_space<vmem>>
      %dma_start3A_628 = tpu.memref_squeeze %dma_start3A_627 : memref<1x1x128xi32, #tpu.memory_space<vmem>> -> memref<128xi32, #tpu.memory_space<vmem>>
      %dma_start3A_629 = arith.constant 0 : i32
      %dma_start3A_630 = tpu.memref_slice %arg13[%dma_start3A_629] : memref<10240xf32, #tpu.memory_space<vmem_shared>> -> memref<10240xf32, #tpu.memory_space<vmem_shared>>
      tpu.enqueue_indirect_dma source(%arg10 : memref<128xf32, #tpu.memory_space<vmem>>) target(%dma_start3A_630 : memref<10240xf32, #tpu.memory_space<vmem_shared>>) offsets(%dma_start3A_628 : memref<128xi32, #tpu.memory_space<vmem>>) semaphore(%arg16 : memref<!tpu.dma_semaphore, #tpu.memory_space<semaphore_mem>>) {add = true}
      %add3A_631 = arith.constant 2 : i32
      %add3A_632 = arith.addi %mul3A_610, %add3A_631 : i32
      %dma_start3A_633 = arith.constant 0 : i32
      %dma_start3A_634 = arith.constant 0 : i32
      %dma_start3A_635 = arith.constant 0 : i32
      %dma_start3A_636 = arith.constant 0 : i32
      %dma_start3A_637 = tpu.memref_slice %arg9[%dma_start3A_634, %dma_start3A_635, %dma_start3A_636] : memref<2x128x128xf32, #tpu.memory_space<vmem>> -> memref<1x128x128xf32, #tpu.memory_space<vmem>>
      %dma_start3A_638 = tpu.memref_squeeze %dma_start3A_637 : memref<1x128x128xf32, #tpu.memory_space<vmem>> -> memref<128x128xf32, #tpu.memory_space<vmem>>
      %dma_start3A_639 = arith.constant 0 : i32
      %dma_start3A_640 = tpu.memref_slice %arg8[%add3A_632, %dma_start3A_633, %dma_start3A_639] : memref<40x2x128xi32, #tpu.memory_space<vmem>> -> memref<1x1x128xi32, #tpu.memory_space<vmem>>
      %dma_start3A_641 = tpu.memref_squeeze %dma_start3A_640 : memref<1x1x128xi32, #tpu.memory_space<vmem>> -> memref<128xi32, #tpu.memory_space<vmem>>
      %dma_start3A_642 = arith.constant 0 : i32
      %dma_start3A_643 = arith.constant 0 : i32
      %dma_start3A_644 = tpu.memref_slice %arg2[%dma_start3A_642, %dma_start3A_643] : memref<10000x128xf32, #tpu.memory_space<hbm>> -> memref<10000x128xf32, #tpu.memory_space<hbm>>
      tpu.enqueue_indirect_dma source(%dma_start3A_644 : memref<10000x128xf32, #tpu.memory_space<hbm>>) target(%dma_start3A_638 : memref<128x128xf32, #tpu.memory_space<vmem>>) offsets(%dma_start3A_641 : memref<128xi32, #tpu.memory_space<vmem>>) semaphore(%arg14 : memref<!tpu.dma_semaphore, #tpu.memory_space<semaphore_mem>>)
      %add3A_645 = arith.constant 1 : i32
      %add3A_646 = arith.addi %mul3A_610, %add3A_645 : i32
      %dma_wait3A_647 = arith.constant 0 : i32
      %dma_wait3A_648 = arith.constant 1 : i32
      %dma_wait3A_649 = arith.constant 0 : i32
      %dma_wait3A_650 = arith.constant 0 : i32
      %dma_wait3A_651 = tpu.memref_slice %arg9[%dma_wait3A_648, %dma_wait3A_649, %dma_wait3A_650] : memref<2x128x128xf32, #tpu.memory_space<vmem>> -> memref<1x128x128xf32, #tpu.memory_space<vmem>>
      %dma_wait3A_652 = tpu.memref_squeeze %dma_wait3A_651 : memref<1x128x128xf32, #tpu.memory_space<vmem>> -> memref<128x128xf32, #tpu.memory_space<vmem>>
      %dma_wait3A_653 = arith.constant 0 : i32
      %dma_wait3A_654 = tpu.memref_slice %arg8[%add3A_646, %dma_wait3A_647, %dma_wait3A_653] : memref<40x2x128xi32, #tpu.memory_space<vmem>> -> memref<1x1x128xi32, #tpu.memory_space<vmem>>
      %dma_wait3A_655 = tpu.memref_squeeze %dma_wait3A_654 : memref<1x1x128xi32, #tpu.memory_space<vmem>> -> memref<128xi32, #tpu.memory_space<vmem>>
      %dma_wait3A_656 = arith.constant 0 : i32
      %dma_wait3A_657 = arith.constant 0 : i32
      %dma_wait3A_658 = tpu.memref_slice %arg2[%dma_wait3A_656, %dma_wait3A_657] : memref<10000x128xf32, #tpu.memory_space<hbm>> -> memref<10000x128xf32, #tpu.memory_space<hbm>>
      tpu.wait_indirect_dma semaphore(%arg15 : memref<!tpu.dma_semaphore, #tpu.memory_space<semaphore_mem>>) src(%dma_wait3A_658 : memref<10000x128xf32, #tpu.memory_space<hbm>>) dst(%dma_wait3A_652 : memref<128x128xf32, #tpu.memory_space<vmem>>)
      %run_scoped3A_659 = arith.constant 1 : i32
      %run_scoped3A_660 = arith.constant 1 : i32
      "tpu.region"() ({
        %run_scoped3A_681 = tpu.sem_alloc : memref<!tpu.dma_semaphore, #tpu.memory_space<semaphore_mem>>
        %dma_start3A_682 = arith.constant 0 : i32
        %dma_start3A_683 = arith.constant 0 : i32
        %dma_start3A_684 = tpu.memref_slice %arg9[%run_scoped3A_659, %dma_start3A_682, %dma_start3A_683] : memref<2x128x128xf32, #tpu.memory_space<vmem>> -> memref<1x128x128xf32, #tpu.memory_space<vmem>>
        %dma_start3A_685 = tpu.memref_squeeze %dma_start3A_684 : memref<1x128x128xf32, #tpu.memory_space<vmem>> -> memref<128x128xf32, #tpu.memory_space<vmem>>
        %dma_start3A_686 = arith.constant 0 : i32
        %dma_start3A_687 = tpu.memref_slice %arg8[%add3A_646, %run_scoped3A_660, %dma_start3A_686] : memref<40x2x128xi32, #tpu.memory_space<vmem>> -> memref<1x1x128xi32, #tpu.memory_space<vmem>>
        %dma_start3A_688 = tpu.memref_squeeze %dma_start3A_687 : memref<1x1x128xi32, #tpu.memory_space<vmem>> -> memref<128xi32, #tpu.memory_space<vmem>>
        %dma_start3A_689 = arith.constant 0 : i32
        %dma_start3A_690 = arith.constant 0 : i32
        %dma_start3A_691 = tpu.memref_slice %arg12[%dma_start3A_689, %dma_start3A_690] : memref<10240x128xf32, #tpu.memory_space<vmem_shared>> -> memref<10240x128xf32, #tpu.memory_space<vmem_shared>>
        tpu.enqueue_indirect_dma source(%dma_start3A_685 : memref<128x128xf32, #tpu.memory_space<vmem>>) target(%dma_start3A_691 : memref<10240x128xf32, #tpu.memory_space<vmem_shared>>) offsets(%dma_start3A_688 : memref<128xi32, #tpu.memory_space<vmem>>) semaphore(%run_scoped3A_681 : memref<!tpu.dma_semaphore, #tpu.memory_space<semaphore_mem>>) {add = true}
        %dma_wait3A_692 = arith.constant 0 : i32
        %dma_wait3A_693 = arith.constant 0 : i32
        %dma_wait3A_694 = tpu.memref_slice %arg9[%run_scoped3A_659, %dma_wait3A_692, %dma_wait3A_693] : memref<2x128x128xf32, #tpu.memory_space<vmem>> -> memref<1x128x128xf32, #tpu.memory_space<vmem>>
        %dma_wait3A_695 = tpu.memref_squeeze %dma_wait3A_694 : memref<1x128x128xf32, #tpu.memory_space<vmem>> -> memref<128x128xf32, #tpu.memory_space<vmem>>
        %dma_wait3A_696 = arith.constant 0 : i32
        %dma_wait3A_697 = tpu.memref_slice %arg8[%add3A_646, %run_scoped3A_660, %dma_wait3A_696] : memref<40x2x128xi32, #tpu.memory_space<vmem>> -> memref<1x1x128xi32, #tpu.memory_space<vmem>>
        %dma_wait3A_698 = tpu.memref_squeeze %dma_wait3A_697 : memref<1x1x128xi32, #tpu.memory_space<vmem>> -> memref<128xi32, #tpu.memory_space<vmem>>
        %dma_wait3A_699 = arith.constant 0 : i32
        %dma_wait3A_700 = arith.constant 0 : i32
        %dma_wait3A_701 = tpu.memref_slice %arg12[%dma_wait3A_699, %dma_wait3A_700] : memref<10240x128xf32, #tpu.memory_space<vmem_shared>> -> memref<10240x128xf32, #tpu.memory_space<vmem_shared>>
        tpu.wait_indirect_dma semaphore(%run_scoped3A_681 : memref<!tpu.dma_semaphore, #tpu.memory_space<semaphore_mem>>) src(%dma_wait3A_695 : memref<128x128xf32, #tpu.memory_space<vmem>>) dst(%dma_wait3A_701 : memref<10240x128xf32, #tpu.memory_space<vmem_shared>>)
        tpu.yield
      }) : () -> ()
      %dma_start3A_661 = arith.constant 1 : i32
      %dma_start3A_662 = arith.constant 0 : i32
      %dma_start3A_663 = tpu.memref_slice %arg8[%add3A_646, %dma_start3A_661, %dma_start3A_662] : memref<40x2x128xi32, #tpu.memory_space<vmem>> -> memref<1x1x128xi32, #tpu.memory_space<vmem>>
      %dma_start3A_664 = tpu.memref_squeeze %dma_start3A_663 : memref<1x1x128xi32, #tpu.memory_space<vmem>> -> memref<128xi32, #tpu.memory_space<vmem>>
      %dma_start3A_665 = arith.constant 0 : i32
      %dma_start3A_666 = tpu.memref_slice %arg13[%dma_start3A_665] : memref<10240xf32, #tpu.memory_space<vmem_shared>> -> memref<10240xf32, #tpu.memory_space<vmem_shared>>
      tpu.enqueue_indirect_dma source(%arg10 : memref<128xf32, #tpu.memory_space<vmem>>) target(%dma_start3A_666 : memref<10240xf32, #tpu.memory_space<vmem_shared>>) offsets(%dma_start3A_664 : memref<128xi32, #tpu.memory_space<vmem>>) semaphore(%arg16 : memref<!tpu.dma_semaphore, #tpu.memory_space<semaphore_mem>>) {add = true}
      %add3A_667 = arith.constant 3 : i32
      %add3A_668 = arith.addi %mul3A_610, %add3A_667 : i32
      %dma_start3A_669 = arith.constant 0 : i32
      %dma_start3A_670 = arith.constant 1 : i32
      %dma_start3A_671 = arith.constant 0 : i32
      %dma_start3A_672 = arith.constant 0 : i32
      %dma_start3A_673 = tpu.memref_slice %arg9[%dma_start3A_670, %dma_start3A_671, %dma_start3A_672] : memref<2x128x128xf32, #tpu.memory_space<vmem>> -> memref<1x128x128xf32, #tpu.memory_space<vmem>>
      %dma_start3A_674 = tpu.memref_squeeze %dma_start3A_673 : memref<1x128x128xf32, #tpu.memory_space<vmem>> -> memref<128x128xf32, #tpu.memory_space<vmem>>
      %dma_start3A_675 = arith.constant 0 : i32
      %dma_start3A_676 = tpu.memref_slice %arg8[%add3A_668, %dma_start3A_669, %dma_start3A_675] : memref<40x2x128xi32, #tpu.memory_space<vmem>> -> memref<1x1x128xi32, #tpu.memory_space<vmem>>
      %dma_start3A_677 = tpu.memref_squeeze %dma_start3A_676 : memref<1x1x128xi32, #tpu.memory_space<vmem>> -> memref<128xi32, #tpu.memory_space<vmem>>
      %dma_start3A_678 = arith.constant 0 : i32
      %dma_start3A_679 = arith.constant 0 : i32
      %dma_start3A_680 = tpu.memref_slice %arg2[%dma_start3A_678, %dma_start3A_679] : memref<10000x128xf32, #tpu.memory_space<hbm>> -> memref<10000x128xf32, #tpu.memory_space<hbm>>
      tpu.enqueue_indirect_dma source(%dma_start3A_680 : memref<10000x128xf32, #tpu.memory_space<hbm>>) target(%dma_start3A_674 : memref<128x128xf32, #tpu.memory_space<vmem>>) offsets(%dma_start3A_677 : memref<128xi32, #tpu.memory_space<vmem>>) semaphore(%arg15 : memref<!tpu.dma_semaphore, #tpu.memory_space<semaphore_mem>>)
    }
    %scan3A_256 = arith.constant 19 : i32
    %dma_wait3A_257 = arith.constant 38 : i32
    %dma_wait3A_258 = arith.constant 0 : i32
    %dma_wait3A_259 = arith.constant 0 : i32
    %dma_wait3A_260 = arith.constant 0 : i32
    %dma_wait3A_261 = arith.constant 0 : i32
    %dma_wait3A_262 = tpu.memref_slice %arg9[%dma_wait3A_259, %dma_wait3A_260, %dma_wait3A_261] : memref<2x128x128xf32, #tpu.memory_space<vmem>> -> memref<1x128x128xf32, #tpu.memory_space<vmem>>
    %dma_wait3A_263 = tpu.memref_squeeze %dma_wait3A_262 : memref<1x128x128xf32, #tpu.memory_space<vmem>> -> memref<128x128xf32, #tpu.memory_space<vmem>>
    %dma_wait3A_264 = arith.constant 0 : i32
    %dma_wait3A_265 = tpu.memref_slice %arg8[%dma_wait3A_257, %dma_wait3A_258, %dma_wait3A_264] : memref<40x2x128xi32, #tpu.memory_space<vmem>> -> memref<1x1x128xi32, #tpu.memory_space<vmem>>
    %dma_wait3A_266 = tpu.memref_squeeze %dma_wait3A_265 : memref<1x1x128xi32, #tpu.memory_space<vmem>> -> memref<128xi32, #tpu.memory_space<vmem>>
    %dma_wait3A_267 = arith.constant 0 : i32
    %dma_wait3A_268 = arith.constant 0 : i32
    %dma_wait3A_269 = tpu.memref_slice %arg2[%dma_wait3A_267, %dma_wait3A_268] : memref<10000x128xf32, #tpu.memory_space<hbm>> -> memref<10000x128xf32, #tpu.memory_space<hbm>>
    tpu.wait_indirect_dma semaphore(%arg14 : memref<!tpu.dma_semaphore, #tpu.memory_space<semaphore_mem>>) src(%dma_wait3A_269 : memref<10000x128xf32, #tpu.memory_space<hbm>>) dst(%dma_wait3A_263 : memref<128x128xf32, #tpu.memory_space<vmem>>)
    %run_scoped3A_270 = arith.constant 0 : i32
    %run_scoped3A_271 = arith.constant 38 : i32
    %run_scoped3A_272 = arith.constant 1 : i32
    "tpu.region"() ({
      %run_scoped3A_604 = tpu.sem_alloc : memref<!tpu.dma_semaphore, #tpu.memory_space<semaphore_mem>>
      %dma_start3A_605 = arith.constant 0 : i32
      %dma_start3A_606 = arith.constant 0 : i32
      %dma_start3A_607 = tpu.memref_slice %arg9[%run_scoped3A_270, %dma_start3A_605, %dma_start3A_606] : memref<2x128x128xf32, #tpu.memory_space<vmem>> -> memref<1x128x128xf32, #tpu.memory_space<vmem>>
      %dma_start3A_608 = tpu.memref_squeeze %dma_start3A_607 : memref<1x128x128xf32, #tpu.memory_space<vmem>> -> memref<128x128xf32, #tpu.memory_space<vmem>>
      %dma_start3A_609 = arith.constant 0 : i32
      %dma_start3A_610 = tpu.memref_slice %arg8[%run_scoped3A_271, %run_scoped3A_272, %dma_start3A_609] : memref<40x2x128xi32, #tpu.memory_space<vmem>> -> memref<1x1x128xi32, #tpu.memory_space<vmem>>
      %dma_start3A_611 = tpu.memref_squeeze %dma_start3A_610 : memref<1x1x128xi32, #tpu.memory_space<vmem>> -> memref<128xi32, #tpu.memory_space<vmem>>
      %dma_start3A_612 = arith.constant 0 : i32
      %dma_start3A_613 = arith.constant 0 : i32
      %dma_start3A_614 = tpu.memref_slice %arg12[%dma_start3A_612, %dma_start3A_613] : memref<10240x128xf32, #tpu.memory_space<vmem_shared>> -> memref<10240x128xf32, #tpu.memory_space<vmem_shared>>
      tpu.enqueue_indirect_dma source(%dma_start3A_608 : memref<128x128xf32, #tpu.memory_space<vmem>>) target(%dma_start3A_614 : memref<10240x128xf32, #tpu.memory_space<vmem_shared>>) offsets(%dma_start3A_611 : memref<128xi32, #tpu.memory_space<vmem>>) semaphore(%run_scoped3A_604 : memref<!tpu.dma_semaphore, #tpu.memory_space<semaphore_mem>>) {add = true}
      %dma_wait3A_615 = arith.constant 0 : i32
      %dma_wait3A_616 = arith.constant 0 : i32
      %dma_wait3A_617 = tpu.memref_slice %arg9[%run_scoped3A_270, %dma_wait3A_615, %dma_wait3A_616] : memref<2x128x128xf32, #tpu.memory_space<vmem>> -> memref<1x128x128xf32, #tpu.memory_space<vmem>>
      %dma_wait3A_618 = tpu.memref_squeeze %dma_wait3A_617 : memref<1x128x128xf32, #tpu.memory_space<vmem>> -> memref<128x128xf32, #tpu.memory_space<vmem>>
      %dma_wait3A_619 = arith.constant 0 : i32
      %dma_wait3A_620 = tpu.memref_slice %arg8[%run_scoped3A_271, %run_scoped3A_272, %dma_wait3A_619] : memref<40x2x128xi32, #tpu.memory_space<vmem>> -> memref<1x1x128xi32, #tpu.memory_space<vmem>>
      %dma_wait3A_621 = tpu.memref_squeeze %dma_wait3A_620 : memref<1x1x128xi32, #tpu.memory_space<vmem>> -> memref<128xi32, #tpu.memory_space<vmem>>
      %dma_wait3A_622 = arith.constant 0 : i32
      %dma_wait3A_623 = arith.constant 0 : i32
      %dma_wait3A_624 = tpu.memref_slice %arg12[%dma_wait3A_622, %dma_wait3A_623] : memref<10240x128xf32, #tpu.memory_space<vmem_shared>> -> memref<10240x128xf32, #tpu.memory_space<vmem_shared>>
      tpu.wait_indirect_dma semaphore(%run_scoped3A_604 : memref<!tpu.dma_semaphore, #tpu.memory_space<semaphore_mem>>) src(%dma_wait3A_618 : memref<128x128xf32, #tpu.memory_space<vmem>>) dst(%dma_wait3A_624 : memref<10240x128xf32, #tpu.memory_space<vmem_shared>>)
      tpu.yield
    }) : () -> ()
    %dma_start3A_273 = arith.constant 38 : i32
    %dma_start3A_274 = arith.constant 1 : i32
    %dma_start3A_275 = arith.constant 0 : i32
    %dma_start3A_276 = tpu.memref_slice %arg8[%dma_start3A_273, %dma_start3A_274, %dma_start3A_275] : memref<40x2x128xi32, #tpu.memory_space<vmem>> -> memref<1x1x128xi32, #tpu.memory_space<vmem>>
    %dma_start3A_277 = tpu.memref_squeeze %dma_start3A_276 : memref<1x1x128xi32, #tpu.memory_space<vmem>> -> memref<128xi32, #tpu.memory_space<vmem>>
    %dma_start3A_278 = arith.constant 0 : i32
    %dma_start3A_279 = tpu.memref_slice %arg13[%dma_start3A_278] : memref<10240xf32, #tpu.memory_space<vmem_shared>> -> memref<10240xf32, #tpu.memory_space<vmem_shared>>
    tpu.enqueue_indirect_dma source(%arg10 : memref<128xf32, #tpu.memory_space<vmem>>) target(%dma_start3A_279 : memref<10240xf32, #tpu.memory_space<vmem_shared>>) offsets(%dma_start3A_277 : memref<128xi32, #tpu.memory_space<vmem>>) semaphore(%arg16 : memref<!tpu.dma_semaphore, #tpu.memory_space<semaphore_mem>>) {add = true}
    %dma_wait3A_280 = arith.constant 39 : i32
    %dma_wait3A_281 = arith.constant 0 : i32
    %dma_wait3A_282 = arith.constant 1 : i32
    %dma_wait3A_283 = arith.constant 0 : i32
    %dma_wait3A_284 = arith.constant 0 : i32
    %dma_wait3A_285 = tpu.memref_slice %arg9[%dma_wait3A_282, %dma_wait3A_283, %dma_wait3A_284] : memref<2x128x128xf32, #tpu.memory_space<vmem>> -> memref<1x128x128xf32, #tpu.memory_space<vmem>>
    %dma_wait3A_286 = tpu.memref_squeeze %dma_wait3A_285 : memref<1x128x128xf32, #tpu.memory_space<vmem>> -> memref<128x128xf32, #tpu.memory_space<vmem>>
    %dma_wait3A_287 = arith.constant 0 : i32
    %dma_wait3A_288 = tpu.memref_slice %arg8[%dma_wait3A_280, %dma_wait3A_281, %dma_wait3A_287] : memref<40x2x128xi32, #tpu.memory_space<vmem>> -> memref<1x1x128xi32, #tpu.memory_space<vmem>>
    %dma_wait3A_289 = tpu.memref_squeeze %dma_wait3A_288 : memref<1x1x128xi32, #tpu.memory_space<vmem>> -> memref<128xi32, #tpu.memory_space<vmem>>
    %dma_wait3A_290 = arith.constant 0 : i32
    %dma_wait3A_291 = arith.constant 0 : i32
    %dma_wait3A_292 = tpu.memref_slice %arg2[%dma_wait3A_290, %dma_wait3A_291] : memref<10000x128xf32, #tpu.memory_space<hbm>> -> memref<10000x128xf32, #tpu.memory_space<hbm>>
    tpu.wait_indirect_dma semaphore(%arg15 : memref<!tpu.dma_semaphore, #tpu.memory_space<semaphore_mem>>) src(%dma_wait3A_292 : memref<10000x128xf32, #tpu.memory_space<hbm>>) dst(%dma_wait3A_286 : memref<128x128xf32, #tpu.memory_space<vmem>>)
    %run_scoped3A_293 = arith.constant 1 : i32
    %run_scoped3A_294 = arith.constant 39 : i32
    %run_scoped3A_295 = arith.constant 1 : i32
    "tpu.region"() ({
      %run_scoped3A_604 = tpu.sem_alloc : memref<!tpu.dma_semaphore, #tpu.memory_space<semaphore_mem>>
      %dma_start3A_605 = arith.constant 0 : i32
      %dma_start3A_606 = arith.constant 0 : i32
      %dma_start3A_607 = tpu.memref_slice %arg9[%run_scoped3A_293, %dma_start3A_605, %dma_start3A_606] : memref<2x128x128xf32, #tpu.memory_space<vmem>> -> memref<1x128x128xf32, #tpu.memory_space<vmem>>
      %dma_start3A_608 = tpu.memref_squeeze %dma_start3A_607 : memref<1x128x128xf32, #tpu.memory_space<vmem>> -> memref<128x128xf32, #tpu.memory_space<vmem>>
      %dma_start3A_609 = arith.constant 0 : i32
      %dma_start3A_610 = tpu.memref_slice %arg8[%run_scoped3A_294, %run_scoped3A_295, %dma_start3A_609] : memref<40x2x128xi32, #tpu.memory_space<vmem>> -> memref<1x1x128xi32, #tpu.memory_space<vmem>>
      %dma_start3A_611 = tpu.memref_squeeze %dma_start3A_610 : memref<1x1x128xi32, #tpu.memory_space<vmem>> -> memref<128xi32, #tpu.memory_space<vmem>>
      %dma_start3A_612 = arith.constant 0 : i32
      %dma_start3A_613 = arith.constant 0 : i32
      %dma_start3A_614 = tpu.memref_slice %arg12[%dma_start3A_612, %dma_start3A_613] : memref<10240x128xf32, #tpu.memory_space<vmem_shared>> -> memref<10240x128xf32, #tpu.memory_space<vmem_shared>>
      tpu.enqueue_indirect_dma source(%dma_start3A_608 : memref<128x128xf32, #tpu.memory_space<vmem>>) target(%dma_start3A_614 : memref<10240x128xf32, #tpu.memory_space<vmem_shared>>) offsets(%dma_start3A_611 : memref<128xi32, #tpu.memory_space<vmem>>) semaphore(%run_scoped3A_604 : memref<!tpu.dma_semaphore, #tpu.memory_space<semaphore_mem>>) {add = true}
      %dma_wait3A_615 = arith.constant 0 : i32
      %dma_wait3A_616 = arith.constant 0 : i32
      %dma_wait3A_617 = tpu.memref_slice %arg9[%run_scoped3A_293, %dma_wait3A_615, %dma_wait3A_616] : memref<2x128x128xf32, #tpu.memory_space<vmem>> -> memref<1x128x128xf32, #tpu.memory_space<vmem>>
      %dma_wait3A_618 = tpu.memref_squeeze %dma_wait3A_617 : memref<1x128x128xf32, #tpu.memory_space<vmem>> -> memref<128x128xf32, #tpu.memory_space<vmem>>
      %dma_wait3A_619 = arith.constant 0 : i32
      %dma_wait3A_620 = tpu.memref_slice %arg8[%run_scoped3A_294, %run_scoped3A_295, %dma_wait3A_619] : memref<40x2x128xi32, #tpu.memory_space<vmem>> -> memref<1x1x128xi32, #tpu.memory_space<vmem>>
      %dma_wait3A_621 = tpu.memref_squeeze %dma_wait3A_620 : memref<1x1x128xi32, #tpu.memory_space<vmem>> -> memref<128xi32, #tpu.memory_space<vmem>>
      %dma_wait3A_622 = arith.constant 0 : i32
      %dma_wait3A_623 = arith.constant 0 : i32
      %dma_wait3A_624 = tpu.memref_slice %arg12[%dma_wait3A_622, %dma_wait3A_623] : memref<10240x128xf32, #tpu.memory_space<vmem_shared>> -> memref<10240x128xf32, #tpu.memory_space<vmem_shared>>
      tpu.wait_indirect_dma semaphore(%run_scoped3A_604 : memref<!tpu.dma_semaphore, #tpu.memory_space<semaphore_mem>>) src(%dma_wait3A_618 : memref<128x128xf32, #tpu.memory_space<vmem>>) dst(%dma_wait3A_624 : memref<10240x128xf32, #tpu.memory_space<vmem_shared>>)
      tpu.yield
    }) : () -> ()
    %dma_start3A_296 = arith.constant 39 : i32
    %dma_start3A_297 = arith.constant 1 : i32
    %dma_start3A_298 = arith.constant 0 : i32
    %dma_start3A_299 = tpu.memref_slice %arg8[%dma_start3A_296, %dma_start3A_297, %dma_start3A_298] : memref<40x2x128xi32, #tpu.memory_space<vmem>> -> memref<1x1x128xi32, #tpu.memory_space<vmem>>
    %dma_start3A_300 = tpu.memref_squeeze %dma_start3A_299 : memref<1x1x128xi32, #tpu.memory_space<vmem>> -> memref<128xi32, #tpu.memory_space<vmem>>
    %dma_start3A_301 = arith.constant 0 : i32
    %dma_start3A_302 = tpu.memref_slice %arg13[%dma_start3A_301] : memref<10240xf32, #tpu.memory_space<vmem_shared>> -> memref<10240xf32, #tpu.memory_space<vmem_shared>>
    tpu.enqueue_indirect_dma source(%arg10 : memref<128xf32, #tpu.memory_space<vmem>>) target(%dma_start3A_302 : memref<10240xf32, #tpu.memory_space<vmem_shared>>) offsets(%dma_start3A_300 : memref<128xi32, #tpu.memory_space<vmem>>) semaphore(%arg16 : memref<!tpu.dma_semaphore, #tpu.memory_space<semaphore_mem>>) {add = true}
    %scan3A_303 = arith.constant 0 : i32
    %scan3A_304 = arith.constant 40 : i32
    %scan3A_305 = arith.addi %scan3A_303, %scan3A_304 : i32
    %scan3A_306 = arith.constant 1 : i32
    scf.for %scan3A_604 = %scan3A_303 to %scan3A_305 step %scan3A_306  : i32 {
      %mul3A_605 = arith.constant 1 : i32
      %mul3A_606 = arith.muli %scan3A_604, %mul3A_605 : i32
      %add3A_607 = arith.constant 0 : i32
      %add3A_608 = arith.addi %add3A_607, %mul3A_606 : i32
      %dma_wait3A_609 = arith.constant 1 : i32
      %dma_wait3A_610 = arith.constant 0 : i32
      %dma_wait3A_611 = tpu.memref_slice %arg8[%add3A_608, %dma_wait3A_609, %dma_wait3A_610] : memref<40x2x128xi32, #tpu.memory_space<vmem>> -> memref<1x1x128xi32, #tpu.memory_space<vmem>>
      %dma_wait3A_612 = tpu.memref_squeeze %dma_wait3A_611 : memref<1x1x128xi32, #tpu.memory_space<vmem>> -> memref<128xi32, #tpu.memory_space<vmem>>
      %dma_wait3A_613 = arith.constant 0 : i32
      %dma_wait3A_614 = tpu.memref_slice %arg13[%dma_wait3A_613] : memref<10240xf32, #tpu.memory_space<vmem_shared>> -> memref<10240xf32, #tpu.memory_space<vmem_shared>>
      tpu.wait_indirect_dma semaphore(%arg16 : memref<!tpu.dma_semaphore, #tpu.memory_space<semaphore_mem>>) src(%arg10 : memref<128xf32, #tpu.memory_space<vmem>>) dst(%dma_wait3A_614 : memref<10240xf32, #tpu.memory_space<vmem_shared>>)
    }
    %scan3A_307 = arith.constant 40 : i32
    %mul3A_308 = arith.constant 80 : i32
    %mul3A_309 = arith.muli %add3A, %mul3A_308 : i32
    %add3A_310 = arith.constant 40 : i32
    %add3A_311 = arith.addi %mul3A_309, %add3A_310 : i32
    "tpu.region"() ({
      %run_scoped3A_604 = tpu.sem_alloc : memref<!tpu.dma_semaphore, #tpu.memory_space<semaphore_mem>>
      %dma_start3A_605 = arith.constant 0 : i32
      %dma_start3A_606 = arith.constant 0 : i32
      %dma_start3A_607 = tpu.memref_slice %arg3[%add3A_311, %dma_start3A_605, %dma_start3A_606] : memref<2560x2x128xi32, #tpu.memory_space<hbm>> -> memref<40x2x128xi32, #tpu.memory_space<hbm>>
      %dma_start3A_608 = arith.constant 0 : i32
      %dma_start3A_609 = arith.constant 0 : i32
      %dma_start3A_610 = tpu.memref_slice %arg3[%add3A_311, %dma_start3A_608, %dma_start3A_609] : memref<2560x2x128xi32, #tpu.memory_space<hbm>> -> memref<40x2x128xi32, #tpu.memory_space<hbm>>
      tpu.enqueue_dma source(%dma_start3A_610 : memref<40x2x128xi32, #tpu.memory_space<hbm>>) target(%arg8 : memref<40x2x128xi32, #tpu.memory_space<vmem>>) target_semaphore(%run_scoped3A_604 : memref<!tpu.dma_semaphore, #tpu.memory_space<semaphore_mem>>)
      %dma_wait3A_611 = arith.constant 0 : i32
      %dma_wait3A_612 = arith.constant 0 : i32
      %dma_wait3A_613 = tpu.memref_slice %arg3[%add3A_311, %dma_wait3A_611, %dma_wait3A_612] : memref<2560x2x128xi32, #tpu.memory_space<hbm>> -> memref<40x2x128xi32, #tpu.memory_space<hbm>>
      %dma_wait3A_614 = arith.constant 0 : i32
      %dma_wait3A_615 = arith.constant 0 : i32
      %dma_wait3A_616 = tpu.memref_slice %arg3[%add3A_311, %dma_wait3A_614, %dma_wait3A_615] : memref<2560x2x128xi32, #tpu.memory_space<hbm>> -> memref<40x2x128xi32, #tpu.memory_space<hbm>>
      tpu.wait_dma2 semaphore(%run_scoped3A_604 : memref<!tpu.dma_semaphore, #tpu.memory_space<semaphore_mem>>) src(%dma_wait3A_616 : memref<40x2x128xi32, #tpu.memory_space<hbm>>) dst(%arg8 : memref<40x2x128xi32, #tpu.memory_space<vmem>>)
      tpu.yield
    }) : () -> ()
    %dma_start3A_312 = arith.constant 0 : i32
    %dma_start3A_313 = arith.constant 0 : i32
    %dma_start3A_314 = arith.constant 0 : i32
    %dma_start3A_315 = arith.constant 0 : i32
    %dma_start3A_316 = arith.constant 0 : i32
    %dma_start3A_317 = tpu.memref_slice %arg9[%dma_start3A_314, %dma_start3A_315, %dma_start3A_316] : memref<2x128x128xf32, #tpu.memory_space<vmem>> -> memref<1x128x128xf32, #tpu.memory_space<vmem>>
    %dma_start3A_318 = tpu.memref_squeeze %dma_start3A_317 : memref<1x128x128xf32, #tpu.memory_space<vmem>> -> memref<128x128xf32, #tpu.memory_space<vmem>>
    %dma_start3A_319 = arith.constant 0 : i32
    %dma_start3A_320 = tpu.memref_slice %arg8[%dma_start3A_312, %dma_start3A_313, %dma_start3A_319] : memref<40x2x128xi32, #tpu.memory_space<vmem>> -> memref<1x1x128xi32, #tpu.memory_space<vmem>>
    %dma_start3A_321 = tpu.memref_squeeze %dma_start3A_320 : memref<1x1x128xi32, #tpu.memory_space<vmem>> -> memref<128xi32, #tpu.memory_space<vmem>>
    %dma_start3A_322 = arith.constant 0 : i32
    %dma_start3A_323 = arith.constant 0 : i32
    %dma_start3A_324 = tpu.memref_slice %arg2[%dma_start3A_322, %dma_start3A_323] : memref<10000x128xf32, #tpu.memory_space<hbm>> -> memref<10000x128xf32, #tpu.memory_space<hbm>>
    tpu.enqueue_indirect_dma source(%dma_start3A_324 : memref<10000x128xf32, #tpu.memory_space<hbm>>) target(%dma_start3A_318 : memref<128x128xf32, #tpu.memory_space<vmem>>) offsets(%dma_start3A_321 : memref<128xi32, #tpu.memory_space<vmem>>) semaphore(%arg14 : memref<!tpu.dma_semaphore, #tpu.memory_space<semaphore_mem>>)
    %dma_start3A_325 = arith.constant 1 : i32
    %dma_start3A_326 = arith.constant 0 : i32
    %dma_start3A_327 = arith.constant 1 : i32
    %dma_start3A_328 = arith.constant 0 : i32
    %dma_start3A_329 = arith.constant 0 : i32
    %dma_start3A_330 = tpu.memref_slice %arg9[%dma_start3A_327, %dma_start3A_328, %dma_start3A_329] : memref<2x128x128xf32, #tpu.memory_space<vmem>> -> memref<1x128x128xf32, #tpu.memory_space<vmem>>
    %dma_start3A_331 = tpu.memref_squeeze %dma_start3A_330 : memref<1x128x128xf32, #tpu.memory_space<vmem>> -> memref<128x128xf32, #tpu.memory_space<vmem>>
    %dma_start3A_332 = arith.constant 0 : i32
    %dma_start3A_333 = tpu.memref_slice %arg8[%dma_start3A_325, %dma_start3A_326, %dma_start3A_332] : memref<40x2x128xi32, #tpu.memory_space<vmem>> -> memref<1x1x128xi32, #tpu.memory_space<vmem>>
    %dma_start3A_334 = tpu.memref_squeeze %dma_start3A_333 : memref<1x1x128xi32, #tpu.memory_space<vmem>> -> memref<128xi32, #tpu.memory_space<vmem>>
    %dma_start3A_335 = arith.constant 0 : i32
    %dma_start3A_336 = arith.constant 0 : i32
    %dma_start3A_337 = tpu.memref_slice %arg2[%dma_start3A_335, %dma_start3A_336] : memref<10000x128xf32, #tpu.memory_space<hbm>> -> memref<10000x128xf32, #tpu.memory_space<hbm>>
    tpu.enqueue_indirect_dma source(%dma_start3A_337 : memref<10000x128xf32, #tpu.memory_space<hbm>>) target(%dma_start3A_331 : memref<128x128xf32, #tpu.memory_space<vmem>>) offsets(%dma_start3A_334 : memref<128xi32, #tpu.memory_space<vmem>>) semaphore(%arg15 : memref<!tpu.dma_semaphore, #tpu.memory_space<semaphore_mem>>)
    %scan3A_338 = arith.constant 0 : i32
    %scan3A_339 = arith.constant 19 : i32
    %scan3A_340 = arith.addi %scan3A_338, %scan3A_339 : i32
    %scan3A_341 = arith.constant 1 : i32
    scf.for %scan3A_604 = %scan3A_338 to %scan3A_340 step %scan3A_341  : i32 {
      %mul3A_605 = arith.constant 1 : i32
      %mul3A_606 = arith.muli %scan3A_604, %mul3A_605 : i32
      %add3A_607 = arith.constant 0 : i32
      %add3A_608 = arith.addi %add3A_607, %mul3A_606 : i32
      %mul3A_609 = arith.constant 2 : i32
      %mul3A_610 = arith.muli %add3A_608, %mul3A_609 : i32
      %dma_wait3A_611 = arith.constant 0 : i32
      %dma_wait3A_612 = arith.constant 0 : i32
      %dma_wait3A_613 = arith.constant 0 : i32
      %dma_wait3A_614 = arith.constant 0 : i32
      %dma_wait3A_615 = tpu.memref_slice %arg9[%dma_wait3A_612, %dma_wait3A_613, %dma_wait3A_614] : memref<2x128x128xf32, #tpu.memory_space<vmem>> -> memref<1x128x128xf32, #tpu.memory_space<vmem>>
      %dma_wait3A_616 = tpu.memref_squeeze %dma_wait3A_615 : memref<1x128x128xf32, #tpu.memory_space<vmem>> -> memref<128x128xf32, #tpu.memory_space<vmem>>
      %dma_wait3A_617 = arith.constant 0 : i32
      %dma_wait3A_618 = tpu.memref_slice %arg8[%mul3A_610, %dma_wait3A_611, %dma_wait3A_617] : memref<40x2x128xi32, #tpu.memory_space<vmem>> -> memref<1x1x128xi32, #tpu.memory_space<vmem>>
      %dma_wait3A_619 = tpu.memref_squeeze %dma_wait3A_618 : memref<1x1x128xi32, #tpu.memory_space<vmem>> -> memref<128xi32, #tpu.memory_space<vmem>>
      %dma_wait3A_620 = arith.constant 0 : i32
      %dma_wait3A_621 = arith.constant 0 : i32
      %dma_wait3A_622 = tpu.memref_slice %arg2[%dma_wait3A_620, %dma_wait3A_621] : memref<10000x128xf32, #tpu.memory_space<hbm>> -> memref<10000x128xf32, #tpu.memory_space<hbm>>
      tpu.wait_indirect_dma semaphore(%arg14 : memref<!tpu.dma_semaphore, #tpu.memory_space<semaphore_mem>>) src(%dma_wait3A_622 : memref<10000x128xf32, #tpu.memory_space<hbm>>) dst(%dma_wait3A_616 : memref<128x128xf32, #tpu.memory_space<vmem>>)
      %run_scoped3A_623 = arith.constant 0 : i32
      %run_scoped3A_624 = arith.constant 1 : i32
      "tpu.region"() ({
        %run_scoped3A_681 = tpu.sem_alloc : memref<!tpu.dma_semaphore, #tpu.memory_space<semaphore_mem>>
        %dma_start3A_682 = arith.constant 0 : i32
        %dma_start3A_683 = arith.constant 0 : i32
        %dma_start3A_684 = tpu.memref_slice %arg9[%run_scoped3A_623, %dma_start3A_682, %dma_start3A_683] : memref<2x128x128xf32, #tpu.memory_space<vmem>> -> memref<1x128x128xf32, #tpu.memory_space<vmem>>
        %dma_start3A_685 = tpu.memref_squeeze %dma_start3A_684 : memref<1x128x128xf32, #tpu.memory_space<vmem>> -> memref<128x128xf32, #tpu.memory_space<vmem>>
        %dma_start3A_686 = arith.constant 0 : i32
        %dma_start3A_687 = tpu.memref_slice %arg8[%mul3A_610, %run_scoped3A_624, %dma_start3A_686] : memref<40x2x128xi32, #tpu.memory_space<vmem>> -> memref<1x1x128xi32, #tpu.memory_space<vmem>>
        %dma_start3A_688 = tpu.memref_squeeze %dma_start3A_687 : memref<1x1x128xi32, #tpu.memory_space<vmem>> -> memref<128xi32, #tpu.memory_space<vmem>>
        %dma_start3A_689 = arith.constant 0 : i32
        %dma_start3A_690 = arith.constant 0 : i32
        %dma_start3A_691 = tpu.memref_slice %arg12[%dma_start3A_689, %dma_start3A_690] : memref<10240x128xf32, #tpu.memory_space<vmem_shared>> -> memref<10240x128xf32, #tpu.memory_space<vmem_shared>>
        tpu.enqueue_indirect_dma source(%dma_start3A_685 : memref<128x128xf32, #tpu.memory_space<vmem>>) target(%dma_start3A_691 : memref<10240x128xf32, #tpu.memory_space<vmem_shared>>) offsets(%dma_start3A_688 : memref<128xi32, #tpu.memory_space<vmem>>) semaphore(%run_scoped3A_681 : memref<!tpu.dma_semaphore, #tpu.memory_space<semaphore_mem>>) {add = true}
        %dma_wait3A_692 = arith.constant 0 : i32
        %dma_wait3A_693 = arith.constant 0 : i32
        %dma_wait3A_694 = tpu.memref_slice %arg9[%run_scoped3A_623, %dma_wait3A_692, %dma_wait3A_693] : memref<2x128x128xf32, #tpu.memory_space<vmem>> -> memref<1x128x128xf32, #tpu.memory_space<vmem>>
        %dma_wait3A_695 = tpu.memref_squeeze %dma_wait3A_694 : memref<1x128x128xf32, #tpu.memory_space<vmem>> -> memref<128x128xf32, #tpu.memory_space<vmem>>
        %dma_wait3A_696 = arith.constant 0 : i32
        %dma_wait3A_697 = tpu.memref_slice %arg8[%mul3A_610, %run_scoped3A_624, %dma_wait3A_696] : memref<40x2x128xi32, #tpu.memory_space<vmem>> -> memref<1x1x128xi32, #tpu.memory_space<vmem>>
        %dma_wait3A_698 = tpu.memref_squeeze %dma_wait3A_697 : memref<1x1x128xi32, #tpu.memory_space<vmem>> -> memref<128xi32, #tpu.memory_space<vmem>>
        %dma_wait3A_699 = arith.constant 0 : i32
        %dma_wait3A_700 = arith.constant 0 : i32
        %dma_wait3A_701 = tpu.memref_slice %arg12[%dma_wait3A_699, %dma_wait3A_700] : memref<10240x128xf32, #tpu.memory_space<vmem_shared>> -> memref<10240x128xf32, #tpu.memory_space<vmem_shared>>
        tpu.wait_indirect_dma semaphore(%run_scoped3A_681 : memref<!tpu.dma_semaphore, #tpu.memory_space<semaphore_mem>>) src(%dma_wait3A_695 : memref<128x128xf32, #tpu.memory_space<vmem>>) dst(%dma_wait3A_701 : memref<10240x128xf32, #tpu.memory_space<vmem_shared>>)
        tpu.yield
      }) : () -> ()
      %dma_start3A_625 = arith.constant 1 : i32
      %dma_start3A_626 = arith.constant 0 : i32
      %dma_start3A_627 = tpu.memref_slice %arg8[%mul3A_610, %dma_start3A_625, %dma_start3A_626] : memref<40x2x128xi32, #tpu.memory_space<vmem>> -> memref<1x1x128xi32, #tpu.memory_space<vmem>>
      %dma_start3A_628 = tpu.memref_squeeze %dma_start3A_627 : memref<1x1x128xi32, #tpu.memory_space<vmem>> -> memref<128xi32, #tpu.memory_space<vmem>>
      %dma_start3A_629 = arith.constant 0 : i32
      %dma_start3A_630 = tpu.memref_slice %arg13[%dma_start3A_629] : memref<10240xf32, #tpu.memory_space<vmem_shared>> -> memref<10240xf32, #tpu.memory_space<vmem_shared>>
      tpu.enqueue_indirect_dma source(%arg10 : memref<128xf32, #tpu.memory_space<vmem>>) target(%dma_start3A_630 : memref<10240xf32, #tpu.memory_space<vmem_shared>>) offsets(%dma_start3A_628 : memref<128xi32, #tpu.memory_space<vmem>>) semaphore(%arg16 : memref<!tpu.dma_semaphore, #tpu.memory_space<semaphore_mem>>) {add = true}
      %add3A_631 = arith.constant 2 : i32
      %add3A_632 = arith.addi %mul3A_610, %add3A_631 : i32
      %dma_start3A_633 = arith.constant 0 : i32
      %dma_start3A_634 = arith.constant 0 : i32
      %dma_start3A_635 = arith.constant 0 : i32
      %dma_start3A_636 = arith.constant 0 : i32
      %dma_start3A_637 = tpu.memref_slice %arg9[%dma_start3A_634, %dma_start3A_635, %dma_start3A_636] : memref<2x128x128xf32, #tpu.memory_space<vmem>> -> memref<1x128x128xf32, #tpu.memory_space<vmem>>
      %dma_start3A_638 = tpu.memref_squeeze %dma_start3A_637 : memref<1x128x128xf32, #tpu.memory_space<vmem>> -> memref<128x128xf32, #tpu.memory_space<vmem>>
      %dma_start3A_639 = arith.constant 0 : i32
      %dma_start3A_640 = tpu.memref_slice %arg8[%add3A_632, %dma_start3A_633, %dma_start3A_639] : memref<40x2x128xi32, #tpu.memory_space<vmem>> -> memref<1x1x128xi32, #tpu.memory_space<vmem>>
      %dma_start3A_641 = tpu.memref_squeeze %dma_start3A_640 : memref<1x1x128xi32, #tpu.memory_space<vmem>> -> memref<128xi32, #tpu.memory_space<vmem>>
      %dma_start3A_642 = arith.constant 0 : i32
      %dma_start3A_643 = arith.constant 0 : i32
      %dma_start3A_644 = tpu.memref_slice %arg2[%dma_start3A_642, %dma_start3A_643] : memref<10000x128xf32, #tpu.memory_space<hbm>> -> memref<10000x128xf32, #tpu.memory_space<hbm>>
      tpu.enqueue_indirect_dma source(%dma_start3A_644 : memref<10000x128xf32, #tpu.memory_space<hbm>>) target(%dma_start3A_638 : memref<128x128xf32, #tpu.memory_space<vmem>>) offsets(%dma_start3A_641 : memref<128xi32, #tpu.memory_space<vmem>>) semaphore(%arg14 : memref<!tpu.dma_semaphore, #tpu.memory_space<semaphore_mem>>)
      %add3A_645 = arith.constant 1 : i32
      %add3A_646 = arith.addi %mul3A_610, %add3A_645 : i32
      %dma_wait3A_647 = arith.constant 0 : i32
      %dma_wait3A_648 = arith.constant 1 : i32
      %dma_wait3A_649 = arith.constant 0 : i32
      %dma_wait3A_650 = arith.constant 0 : i32
      %dma_wait3A_651 = tpu.memref_slice %arg9[%dma_wait3A_648, %dma_wait3A_649, %dma_wait3A_650] : memref<2x128x128xf32, #tpu.memory_space<vmem>> -> memref<1x128x128xf32, #tpu.memory_space<vmem>>
      %dma_wait3A_652 = tpu.memref_squeeze %dma_wait3A_651 : memref<1x128x128xf32, #tpu.memory_space<vmem>> -> memref<128x128xf32, #tpu.memory_space<vmem>>
      %dma_wait3A_653 = arith.constant 0 : i32
      %dma_wait3A_654 = tpu.memref_slice %arg8[%add3A_646, %dma_wait3A_647, %dma_wait3A_653] : memref<40x2x128xi32, #tpu.memory_space<vmem>> -> memref<1x1x128xi32, #tpu.memory_space<vmem>>
      %dma_wait3A_655 = tpu.memref_squeeze %dma_wait3A_654 : memref<1x1x128xi32, #tpu.memory_space<vmem>> -> memref<128xi32, #tpu.memory_space<vmem>>
      %dma_wait3A_656 = arith.constant 0 : i32
      %dma_wait3A_657 = arith.constant 0 : i32
      %dma_wait3A_658 = tpu.memref_slice %arg2[%dma_wait3A_656, %dma_wait3A_657] : memref<10000x128xf32, #tpu.memory_space<hbm>> -> memref<10000x128xf32, #tpu.memory_space<hbm>>
      tpu.wait_indirect_dma semaphore(%arg15 : memref<!tpu.dma_semaphore, #tpu.memory_space<semaphore_mem>>) src(%dma_wait3A_658 : memref<10000x128xf32, #tpu.memory_space<hbm>>) dst(%dma_wait3A_652 : memref<128x128xf32, #tpu.memory_space<vmem>>)
      %run_scoped3A_659 = arith.constant 1 : i32
      %run_scoped3A_660 = arith.constant 1 : i32
      "tpu.region"() ({
        %run_scoped3A_681 = tpu.sem_alloc : memref<!tpu.dma_semaphore, #tpu.memory_space<semaphore_mem>>
        %dma_start3A_682 = arith.constant 0 : i32
        %dma_start3A_683 = arith.constant 0 : i32
        %dma_start3A_684 = tpu.memref_slice %arg9[%run_scoped3A_659, %dma_start3A_682, %dma_start3A_683] : memref<2x128x128xf32, #tpu.memory_space<vmem>> -> memref<1x128x128xf32, #tpu.memory_space<vmem>>
        %dma_start3A_685 = tpu.memref_squeeze %dma_start3A_684 : memref<1x128x128xf32, #tpu.memory_space<vmem>> -> memref<128x128xf32, #tpu.memory_space<vmem>>
        %dma_start3A_686 = arith.constant 0 : i32
        %dma_start3A_687 = tpu.memref_slice %arg8[%add3A_646, %run_scoped3A_660, %dma_start3A_686] : memref<40x2x128xi32, #tpu.memory_space<vmem>> -> memref<1x1x128xi32, #tpu.memory_space<vmem>>
        %dma_start3A_688 = tpu.memref_squeeze %dma_start3A_687 : memref<1x1x128xi32, #tpu.memory_space<vmem>> -> memref<128xi32, #tpu.memory_space<vmem>>
        %dma_start3A_689 = arith.constant 0 : i32
        %dma_start3A_690 = arith.constant 0 : i32
        %dma_start3A_691 = tpu.memref_slice %arg12[%dma_start3A_689, %dma_start3A_690] : memref<10240x128xf32, #tpu.memory_space<vmem_shared>> -> memref<10240x128xf32, #tpu.memory_space<vmem_shared>>
        tpu.enqueue_indirect_dma source(%dma_start3A_685 : memref<128x128xf32, #tpu.memory_space<vmem>>) target(%dma_start3A_691 : memref<10240x128xf32, #tpu.memory_space<vmem_shared>>) offsets(%dma_start3A_688 : memref<128xi32, #tpu.memory_space<vmem>>) semaphore(%run_scoped3A_681 : memref<!tpu.dma_semaphore, #tpu.memory_space<semaphore_mem>>) {add = true}
        %dma_wait3A_692 = arith.constant 0 : i32
        %dma_wait3A_693 = arith.constant 0 : i32
        %dma_wait3A_694 = tpu.memref_slice %arg9[%run_scoped3A_659, %dma_wait3A_692, %dma_wait3A_693] : memref<2x128x128xf32, #tpu.memory_space<vmem>> -> memref<1x128x128xf32, #tpu.memory_space<vmem>>
        %dma_wait3A_695 = tpu.memref_squeeze %dma_wait3A_694 : memref<1x128x128xf32, #tpu.memory_space<vmem>> -> memref<128x128xf32, #tpu.memory_space<vmem>>
        %dma_wait3A_696 = arith.constant 0 : i32
        %dma_wait3A_697 = tpu.memref_slice %arg8[%add3A_646, %run_scoped3A_660, %dma_wait3A_696] : memref<40x2x128xi32, #tpu.memory_space<vmem>> -> memref<1x1x128xi32, #tpu.memory_space<vmem>>
        %dma_wait3A_698 = tpu.memref_squeeze %dma_wait3A_697 : memref<1x1x128xi32, #tpu.memory_space<vmem>> -> memref<128xi32, #tpu.memory_space<vmem>>
        %dma_wait3A_699 = arith.constant 0 : i32
        %dma_wait3A_700 = arith.constant 0 : i32
        %dma_wait3A_701 = tpu.memref_slice %arg12[%dma_wait3A_699, %dma_wait3A_700] : memref<10240x128xf32, #tpu.memory_space<vmem_shared>> -> memref<10240x128xf32, #tpu.memory_space<vmem_shared>>
        tpu.wait_indirect_dma semaphore(%run_scoped3A_681 : memref<!tpu.dma_semaphore, #tpu.memory_space<semaphore_mem>>) src(%dma_wait3A_695 : memref<128x128xf32, #tpu.memory_space<vmem>>) dst(%dma_wait3A_701 : memref<10240x128xf32, #tpu.memory_space<vmem_shared>>)
        tpu.yield
      }) : () -> ()
      %dma_start3A_661 = arith.constant 1 : i32
      %dma_start3A_662 = arith.constant 0 : i32
      %dma_start3A_663 = tpu.memref_slice %arg8[%add3A_646, %dma_start3A_661, %dma_start3A_662] : memref<40x2x128xi32, #tpu.memory_space<vmem>> -> memref<1x1x128xi32, #tpu.memory_space<vmem>>
      %dma_start3A_664 = tpu.memref_squeeze %dma_start3A_663 : memref<1x1x128xi32, #tpu.memory_space<vmem>> -> memref<128xi32, #tpu.memory_space<vmem>>
      %dma_start3A_665 = arith.constant 0 : i32
      %dma_start3A_666 = tpu.memref_slice %arg13[%dma_start3A_665] : memref<10240xf32, #tpu.memory_space<vmem_shared>> -> memref<10240xf32, #tpu.memory_space<vmem_shared>>
      tpu.enqueue_indirect_dma source(%arg10 : memref<128xf32, #tpu.memory_space<vmem>>) target(%dma_start3A_666 : memref<10240xf32, #tpu.memory_space<vmem_shared>>) offsets(%dma_start3A_664 : memref<128xi32, #tpu.memory_space<vmem>>) semaphore(%arg16 : memref<!tpu.dma_semaphore, #tpu.memory_space<semaphore_mem>>) {add = true}
      %add3A_667 = arith.constant 3 : i32
      %add3A_668 = arith.addi %mul3A_610, %add3A_667 : i32
      %dma_start3A_669 = arith.constant 0 : i32
      %dma_start3A_670 = arith.constant 1 : i32
      %dma_start3A_671 = arith.constant 0 : i32
      %dma_start3A_672 = arith.constant 0 : i32
      %dma_start3A_673 = tpu.memref_slice %arg9[%dma_start3A_670, %dma_start3A_671, %dma_start3A_672] : memref<2x128x128xf32, #tpu.memory_space<vmem>> -> memref<1x128x128xf32, #tpu.memory_space<vmem>>
      %dma_start3A_674 = tpu.memref_squeeze %dma_start3A_673 : memref<1x128x128xf32, #tpu.memory_space<vmem>> -> memref<128x128xf32, #tpu.memory_space<vmem>>
      %dma_start3A_675 = arith.constant 0 : i32
      %dma_start3A_676 = tpu.memref_slice %arg8[%add3A_668, %dma_start3A_669, %dma_start3A_675] : memref<40x2x128xi32, #tpu.memory_space<vmem>> -> memref<1x1x128xi32, #tpu.memory_space<vmem>>
      %dma_start3A_677 = tpu.memref_squeeze %dma_start3A_676 : memref<1x1x128xi32, #tpu.memory_space<vmem>> -> memref<128xi32, #tpu.memory_space<vmem>>
      %dma_start3A_678 = arith.constant 0 : i32
      %dma_start3A_679 = arith.constant 0 : i32
      %dma_start3A_680 = tpu.memref_slice %arg2[%dma_start3A_678, %dma_start3A_679] : memref<10000x128xf32, #tpu.memory_space<hbm>> -> memref<10000x128xf32, #tpu.memory_space<hbm>>
      tpu.enqueue_indirect_dma source(%dma_start3A_680 : memref<10000x128xf32, #tpu.memory_space<hbm>>) target(%dma_start3A_674 : memref<128x128xf32, #tpu.memory_space<vmem>>) offsets(%dma_start3A_677 : memref<128xi32, #tpu.memory_space<vmem>>) semaphore(%arg15 : memref<!tpu.dma_semaphore, #tpu.memory_space<semaphore_mem>>)
    }
    %scan3A_342 = arith.constant 19 : i32
    %dma_wait3A_343 = arith.constant 38 : i32
    %dma_wait3A_344 = arith.constant 0 : i32
    %dma_wait3A_345 = arith.constant 0 : i32
    %dma_wait3A_346 = arith.constant 0 : i32
    %dma_wait3A_347 = arith.constant 0 : i32
    %dma_wait3A_348 = tpu.memref_slice %arg9[%dma_wait3A_345, %dma_wait3A_346, %dma_wait3A_347] : memref<2x128x128xf32, #tpu.memory_space<vmem>> -> memref<1x128x128xf32, #tpu.memory_space<vmem>>
    %dma_wait3A_349 = tpu.memref_squeeze %dma_wait3A_348 : memref<1x128x128xf32, #tpu.memory_space<vmem>> -> memref<128x128xf32, #tpu.memory_space<vmem>>
    %dma_wait3A_350 = arith.constant 0 : i32
    %dma_wait3A_351 = tpu.memref_slice %arg8[%dma_wait3A_343, %dma_wait3A_344, %dma_wait3A_350] : memref<40x2x128xi32, #tpu.memory_space<vmem>> -> memref<1x1x128xi32, #tpu.memory_space<vmem>>
    %dma_wait3A_352 = tpu.memref_squeeze %dma_wait3A_351 : memref<1x1x128xi32, #tpu.memory_space<vmem>> -> memref<128xi32, #tpu.memory_space<vmem>>
    %dma_wait3A_353 = arith.constant 0 : i32
    %dma_wait3A_354 = arith.constant 0 : i32
    %dma_wait3A_355 = tpu.memref_slice %arg2[%dma_wait3A_353, %dma_wait3A_354] : memref<10000x128xf32, #tpu.memory_space<hbm>> -> memref<10000x128xf32, #tpu.memory_space<hbm>>
    tpu.wait_indirect_dma semaphore(%arg14 : memref<!tpu.dma_semaphore, #tpu.memory_space<semaphore_mem>>) src(%dma_wait3A_355 : memref<10000x128xf32, #tpu.memory_space<hbm>>) dst(%dma_wait3A_349 : memref<128x128xf32, #tpu.memory_space<vmem>>)
    %run_scoped3A_356 = arith.constant 0 : i32
    %run_scoped3A_357 = arith.constant 38 : i32
    %run_scoped3A_358 = arith.constant 1 : i32
    "tpu.region"() ({
      %run_scoped3A_604 = tpu.sem_alloc : memref<!tpu.dma_semaphore, #tpu.memory_space<semaphore_mem>>
      %dma_start3A_605 = arith.constant 0 : i32
      %dma_start3A_606 = arith.constant 0 : i32
      %dma_start3A_607 = tpu.memref_slice %arg9[%run_scoped3A_356, %dma_start3A_605, %dma_start3A_606] : memref<2x128x128xf32, #tpu.memory_space<vmem>> -> memref<1x128x128xf32, #tpu.memory_space<vmem>>
      %dma_start3A_608 = tpu.memref_squeeze %dma_start3A_607 : memref<1x128x128xf32, #tpu.memory_space<vmem>> -> memref<128x128xf32, #tpu.memory_space<vmem>>
      %dma_start3A_609 = arith.constant 0 : i32
      %dma_start3A_610 = tpu.memref_slice %arg8[%run_scoped3A_357, %run_scoped3A_358, %dma_start3A_609] : memref<40x2x128xi32, #tpu.memory_space<vmem>> -> memref<1x1x128xi32, #tpu.memory_space<vmem>>
      %dma_start3A_611 = tpu.memref_squeeze %dma_start3A_610 : memref<1x1x128xi32, #tpu.memory_space<vmem>> -> memref<128xi32, #tpu.memory_space<vmem>>
      %dma_start3A_612 = arith.constant 0 : i32
      %dma_start3A_613 = arith.constant 0 : i32
      %dma_start3A_614 = tpu.memref_slice %arg12[%dma_start3A_612, %dma_start3A_613] : memref<10240x128xf32, #tpu.memory_space<vmem_shared>> -> memref<10240x128xf32, #tpu.memory_space<vmem_shared>>
      tpu.enqueue_indirect_dma source(%dma_start3A_608 : memref<128x128xf32, #tpu.memory_space<vmem>>) target(%dma_start3A_614 : memref<10240x128xf32, #tpu.memory_space<vmem_shared>>) offsets(%dma_start3A_611 : memref<128xi32, #tpu.memory_space<vmem>>) semaphore(%run_scoped3A_604 : memref<!tpu.dma_semaphore, #tpu.memory_space<semaphore_mem>>) {add = true}
      %dma_wait3A_615 = arith.constant 0 : i32
      %dma_wait3A_616 = arith.constant 0 : i32
      %dma_wait3A_617 = tpu.memref_slice %arg9[%run_scoped3A_356, %dma_wait3A_615, %dma_wait3A_616] : memref<2x128x128xf32, #tpu.memory_space<vmem>> -> memref<1x128x128xf32, #tpu.memory_space<vmem>>
      %dma_wait3A_618 = tpu.memref_squeeze %dma_wait3A_617 : memref<1x128x128xf32, #tpu.memory_space<vmem>> -> memref<128x128xf32, #tpu.memory_space<vmem>>
      %dma_wait3A_619 = arith.constant 0 : i32
      %dma_wait3A_620 = tpu.memref_slice %arg8[%run_scoped3A_357, %run_scoped3A_358, %dma_wait3A_619] : memref<40x2x128xi32, #tpu.memory_space<vmem>> -> memref<1x1x128xi32, #tpu.memory_space<vmem>>
      %dma_wait3A_621 = tpu.memref_squeeze %dma_wait3A_620 : memref<1x1x128xi32, #tpu.memory_space<vmem>> -> memref<128xi32, #tpu.memory_space<vmem>>
      %dma_wait3A_622 = arith.constant 0 : i32
      %dma_wait3A_623 = arith.constant 0 : i32
      %dma_wait3A_624 = tpu.memref_slice %arg12[%dma_wait3A_622, %dma_wait3A_623] : memref<10240x128xf32, #tpu.memory_space<vmem_shared>> -> memref<10240x128xf32, #tpu.memory_space<vmem_shared>>
      tpu.wait_indirect_dma semaphore(%run_scoped3A_604 : memref<!tpu.dma_semaphore, #tpu.memory_space<semaphore_mem>>) src(%dma_wait3A_618 : memref<128x128xf32, #tpu.memory_space<vmem>>) dst(%dma_wait3A_624 : memref<10240x128xf32, #tpu.memory_space<vmem_shared>>)
      tpu.yield
    }) : () -> ()
    %dma_start3A_359 = arith.constant 38 : i32
    %dma_start3A_360 = arith.constant 1 : i32
    %dma_start3A_361 = arith.constant 0 : i32
    %dma_start3A_362 = tpu.memref_slice %arg8[%dma_start3A_359, %dma_start3A_360, %dma_start3A_361] : memref<40x2x128xi32, #tpu.memory_space<vmem>> -> memref<1x1x128xi32, #tpu.memory_space<vmem>>
    %dma_start3A_363 = tpu.memref_squeeze %dma_start3A_362 : memref<1x1x128xi32, #tpu.memory_space<vmem>> -> memref<128xi32, #tpu.memory_space<vmem>>
    %dma_start3A_364 = arith.constant 0 : i32
    %dma_start3A_365 = tpu.memref_slice %arg13[%dma_start3A_364] : memref<10240xf32, #tpu.memory_space<vmem_shared>> -> memref<10240xf32, #tpu.memory_space<vmem_shared>>
    tpu.enqueue_indirect_dma source(%arg10 : memref<128xf32, #tpu.memory_space<vmem>>) target(%dma_start3A_365 : memref<10240xf32, #tpu.memory_space<vmem_shared>>) offsets(%dma_start3A_363 : memref<128xi32, #tpu.memory_space<vmem>>) semaphore(%arg16 : memref<!tpu.dma_semaphore, #tpu.memory_space<semaphore_mem>>) {add = true}
    %dma_wait3A_366 = arith.constant 39 : i32
    %dma_wait3A_367 = arith.constant 0 : i32
    %dma_wait3A_368 = arith.constant 1 : i32
    %dma_wait3A_369 = arith.constant 0 : i32
    %dma_wait3A_370 = arith.constant 0 : i32
    %dma_wait3A_371 = tpu.memref_slice %arg9[%dma_wait3A_368, %dma_wait3A_369, %dma_wait3A_370] : memref<2x128x128xf32, #tpu.memory_space<vmem>> -> memref<1x128x128xf32, #tpu.memory_space<vmem>>
    %dma_wait3A_372 = tpu.memref_squeeze %dma_wait3A_371 : memref<1x128x128xf32, #tpu.memory_space<vmem>> -> memref<128x128xf32, #tpu.memory_space<vmem>>
    %dma_wait3A_373 = arith.constant 0 : i32
    %dma_wait3A_374 = tpu.memref_slice %arg8[%dma_wait3A_366, %dma_wait3A_367, %dma_wait3A_373] : memref<40x2x128xi32, #tpu.memory_space<vmem>> -> memref<1x1x128xi32, #tpu.memory_space<vmem>>
    %dma_wait3A_375 = tpu.memref_squeeze %dma_wait3A_374 : memref<1x1x128xi32, #tpu.memory_space<vmem>> -> memref<128xi32, #tpu.memory_space<vmem>>
    %dma_wait3A_376 = arith.constant 0 : i32
    %dma_wait3A_377 = arith.constant 0 : i32
    %dma_wait3A_378 = tpu.memref_slice %arg2[%dma_wait3A_376, %dma_wait3A_377] : memref<10000x128xf32, #tpu.memory_space<hbm>> -> memref<10000x128xf32, #tpu.memory_space<hbm>>
    tpu.wait_indirect_dma semaphore(%arg15 : memref<!tpu.dma_semaphore, #tpu.memory_space<semaphore_mem>>) src(%dma_wait3A_378 : memref<10000x128xf32, #tpu.memory_space<hbm>>) dst(%dma_wait3A_372 : memref<128x128xf32, #tpu.memory_space<vmem>>)
    %run_scoped3A_379 = arith.constant 1 : i32
    %run_scoped3A_380 = arith.constant 39 : i32
    %run_scoped3A_381 = arith.constant 1 : i32
    "tpu.region"() ({
      %run_scoped3A_604 = tpu.sem_alloc : memref<!tpu.dma_semaphore, #tpu.memory_space<semaphore_mem>>
      %dma_start3A_605 = arith.constant 0 : i32
      %dma_start3A_606 = arith.constant 0 : i32
      %dma_start3A_607 = tpu.memref_slice %arg9[%run_scoped3A_379, %dma_start3A_605, %dma_start3A_606] : memref<2x128x128xf32, #tpu.memory_space<vmem>> -> memref<1x128x128xf32, #tpu.memory_space<vmem>>
      %dma_start3A_608 = tpu.memref_squeeze %dma_start3A_607 : memref<1x128x128xf32, #tpu.memory_space<vmem>> -> memref<128x128xf32, #tpu.memory_space<vmem>>
      %dma_start3A_609 = arith.constant 0 : i32
      %dma_start3A_610 = tpu.memref_slice %arg8[%run_scoped3A_380, %run_scoped3A_381, %dma_start3A_609] : memref<40x2x128xi32, #tpu.memory_space<vmem>> -> memref<1x1x128xi32, #tpu.memory_space<vmem>>
      %dma_start3A_611 = tpu.memref_squeeze %dma_start3A_610 : memref<1x1x128xi32, #tpu.memory_space<vmem>> -> memref<128xi32, #tpu.memory_space<vmem>>
      %dma_start3A_612 = arith.constant 0 : i32
      %dma_start3A_613 = arith.constant 0 : i32
      %dma_start3A_614 = tpu.memref_slice %arg12[%dma_start3A_612, %dma_start3A_613] : memref<10240x128xf32, #tpu.memory_space<vmem_shared>> -> memref<10240x128xf32, #tpu.memory_space<vmem_shared>>
      tpu.enqueue_indirect_dma source(%dma_start3A_608 : memref<128x128xf32, #tpu.memory_space<vmem>>) target(%dma_start3A_614 : memref<10240x128xf32, #tpu.memory_space<vmem_shared>>) offsets(%dma_start3A_611 : memref<128xi32, #tpu.memory_space<vmem>>) semaphore(%run_scoped3A_604 : memref<!tpu.dma_semaphore, #tpu.memory_space<semaphore_mem>>) {add = true}
      %dma_wait3A_615 = arith.constant 0 : i32
      %dma_wait3A_616 = arith.constant 0 : i32
      %dma_wait3A_617 = tpu.memref_slice %arg9[%run_scoped3A_379, %dma_wait3A_615, %dma_wait3A_616] : memref<2x128x128xf32, #tpu.memory_space<vmem>> -> memref<1x128x128xf32, #tpu.memory_space<vmem>>
      %dma_wait3A_618 = tpu.memref_squeeze %dma_wait3A_617 : memref<1x128x128xf32, #tpu.memory_space<vmem>> -> memref<128x128xf32, #tpu.memory_space<vmem>>
      %dma_wait3A_619 = arith.constant 0 : i32
      %dma_wait3A_620 = tpu.memref_slice %arg8[%run_scoped3A_380, %run_scoped3A_381, %dma_wait3A_619] : memref<40x2x128xi32, #tpu.memory_space<vmem>> -> memref<1x1x128xi32, #tpu.memory_space<vmem>>
      %dma_wait3A_621 = tpu.memref_squeeze %dma_wait3A_620 : memref<1x1x128xi32, #tpu.memory_space<vmem>> -> memref<128xi32, #tpu.memory_space<vmem>>
      %dma_wait3A_622 = arith.constant 0 : i32
      %dma_wait3A_623 = arith.constant 0 : i32
      %dma_wait3A_624 = tpu.memref_slice %arg12[%dma_wait3A_622, %dma_wait3A_623] : memref<10240x128xf32, #tpu.memory_space<vmem_shared>> -> memref<10240x128xf32, #tpu.memory_space<vmem_shared>>
      tpu.wait_indirect_dma semaphore(%run_scoped3A_604 : memref<!tpu.dma_semaphore, #tpu.memory_space<semaphore_mem>>) src(%dma_wait3A_618 : memref<128x128xf32, #tpu.memory_space<vmem>>) dst(%dma_wait3A_624 : memref<10240x128xf32, #tpu.memory_space<vmem_shared>>)
      tpu.yield
    }) : () -> ()
    %dma_start3A_382 = arith.constant 39 : i32
    %dma_start3A_383 = arith.constant 1 : i32
    %dma_start3A_384 = arith.constant 0 : i32
    %dma_start3A_385 = tpu.memref_slice %arg8[%dma_start3A_382, %dma_start3A_383, %dma_start3A_384] : memref<40x2x128xi32, #tpu.memory_space<vmem>> -> memref<1x1x128xi32, #tpu.memory_space<vmem>>
    %dma_start3A_386 = tpu.memref_squeeze %dma_start3A_385 : memref<1x1x128xi32, #tpu.memory_space<vmem>> -> memref<128xi32, #tpu.memory_space<vmem>>
    %dma_start3A_387 = arith.constant 0 : i32
    %dma_start3A_388 = tpu.memref_slice %arg13[%dma_start3A_387] : memref<10240xf32, #tpu.memory_space<vmem_shared>> -> memref<10240xf32, #tpu.memory_space<vmem_shared>>
    tpu.enqueue_indirect_dma source(%arg10 : memref<128xf32, #tpu.memory_space<vmem>>) target(%dma_start3A_388 : memref<10240xf32, #tpu.memory_space<vmem_shared>>) offsets(%dma_start3A_386 : memref<128xi32, #tpu.memory_space<vmem>>) semaphore(%arg16 : memref<!tpu.dma_semaphore, #tpu.memory_space<semaphore_mem>>) {add = true}
    %scan3A_389 = arith.constant 0 : i32
    %scan3A_390 = arith.constant 40 : i32
    %scan3A_391 = arith.addi %scan3A_389, %scan3A_390 : i32
    %scan3A_392 = arith.constant 1 : i32
    scf.for %scan3A_604 = %scan3A_389 to %scan3A_391 step %scan3A_392  : i32 {
      %mul3A_605 = arith.constant 1 : i32
      %mul3A_606 = arith.muli %scan3A_604, %mul3A_605 : i32
      %add3A_607 = arith.constant 0 : i32
      %add3A_608 = arith.addi %add3A_607, %mul3A_606 : i32
      %dma_wait3A_609 = arith.constant 1 : i32
      %dma_wait3A_610 = arith.constant 0 : i32
      %dma_wait3A_611 = tpu.memref_slice %arg8[%add3A_608, %dma_wait3A_609, %dma_wait3A_610] : memref<40x2x128xi32, #tpu.memory_space<vmem>> -> memref<1x1x128xi32, #tpu.memory_space<vmem>>
      %dma_wait3A_612 = tpu.memref_squeeze %dma_wait3A_611 : memref<1x1x128xi32, #tpu.memory_space<vmem>> -> memref<128xi32, #tpu.memory_space<vmem>>
      %dma_wait3A_613 = arith.constant 0 : i32
      %dma_wait3A_614 = tpu.memref_slice %arg13[%dma_wait3A_613] : memref<10240xf32, #tpu.memory_space<vmem_shared>> -> memref<10240xf32, #tpu.memory_space<vmem_shared>>
      tpu.wait_indirect_dma semaphore(%arg16 : memref<!tpu.dma_semaphore, #tpu.memory_space<semaphore_mem>>) src(%arg10 : memref<128xf32, #tpu.memory_space<vmem>>) dst(%dma_wait3A_614 : memref<10240xf32, #tpu.memory_space<vmem_shared>>)
    }
    %scan3A_393 = arith.constant 40 : i32
    %barrier3A_394 = arith.constant 0 : index
    tpu.barrier barrier_id(%barrier3A_394)
    %mul3A_395 = arith.constant 640 : i32
    %mul3A_396 = arith.muli %arg1, %mul3A_395 : i32
    %add3A_397 = arith.constant 0 : i32
    %add3A_398 = arith.addi %mul3A_396, %add3A_397 : i32
    %run_scoped3A_399 = arith.constant 0 : i32
    "tpu.region"() ({
      %run_scoped3A_604 = tpu.sem_alloc : memref<!tpu.dma_semaphore, #tpu.memory_space<semaphore_mem>>
      %dma_start3A_605 = arith.constant 0 : i32
      %dma_start3A_606 = arith.constant 0 : i32
      %dma_start3A_607 = tpu.memref_slice %arg9[%run_scoped3A_399, %dma_start3A_605, %dma_start3A_606] : memref<2x128x128xf32, #tpu.memory_space<vmem>> -> memref<1x128x128xf32, #tpu.memory_space<vmem>>
      %dma_start3A_608 = tpu.memref_squeeze %dma_start3A_607 : memref<1x128x128xf32, #tpu.memory_space<vmem>> -> memref<128x128xf32, #tpu.memory_space<vmem>>
      %dma_start3A_609 = arith.constant 0 : i32
      %dma_start3A_610 = tpu.memref_slice %arg12[%add3A_398, %dma_start3A_609] : memref<10240x128xf32, #tpu.memory_space<vmem_shared>> -> memref<128x128xf32, #tpu.memory_space<vmem_shared>>
      %dma_start3A_611 = arith.constant 0 : i32
      %dma_start3A_612 = arith.constant 0 : i32
      %dma_start3A_613 = tpu.memref_slice %arg9[%run_scoped3A_399, %dma_start3A_611, %dma_start3A_612] : memref<2x128x128xf32, #tpu.memory_space<vmem>> -> memref<1x128x128xf32, #tpu.memory_space<vmem>>
      %dma_start3A_614 = tpu.memref_squeeze %dma_start3A_613 : memref<1x128x128xf32, #tpu.memory_space<vmem>> -> memref<128x128xf32, #tpu.memory_space<vmem>>
      %dma_start3A_615 = arith.constant 0 : i32
      %dma_start3A_616 = tpu.memref_slice %arg12[%add3A_398, %dma_start3A_615] : memref<10240x128xf32, #tpu.memory_space<vmem_shared>> -> memref<128x128xf32, #tpu.memory_space<vmem_shared>>
      tpu.enqueue_dma source(%dma_start3A_616 : memref<128x128xf32, #tpu.memory_space<vmem_shared>>) target(%dma_start3A_614 : memref<128x128xf32, #tpu.memory_space<vmem>>) target_semaphore(%run_scoped3A_604 : memref<!tpu.dma_semaphore, #tpu.memory_space<semaphore_mem>>)
      %dma_wait3A_617 = arith.constant 0 : i32
      %dma_wait3A_618 = arith.constant 0 : i32
      %dma_wait3A_619 = tpu.memref_slice %arg9[%run_scoped3A_399, %dma_wait3A_617, %dma_wait3A_618] : memref<2x128x128xf32, #tpu.memory_space<vmem>> -> memref<1x128x128xf32, #tpu.memory_space<vmem>>
      %dma_wait3A_620 = tpu.memref_squeeze %dma_wait3A_619 : memref<1x128x128xf32, #tpu.memory_space<vmem>> -> memref<128x128xf32, #tpu.memory_space<vmem>>
      %dma_wait3A_621 = arith.constant 0 : i32
      %dma_wait3A_622 = tpu.memref_slice %arg12[%add3A_398, %dma_wait3A_621] : memref<10240x128xf32, #tpu.memory_space<vmem_shared>> -> memref<128x128xf32, #tpu.memory_space<vmem_shared>>
      %dma_wait3A_623 = arith.constant 0 : i32
      %dma_wait3A_624 = arith.constant 0 : i32
      %dma_wait3A_625 = tpu.memref_slice %arg9[%run_scoped3A_399, %dma_wait3A_623, %dma_wait3A_624] : memref<2x128x128xf32, #tpu.memory_space<vmem>> -> memref<1x128x128xf32, #tpu.memory_space<vmem>>
      %dma_wait3A_626 = tpu.memref_squeeze %dma_wait3A_625 : memref<1x128x128xf32, #tpu.memory_space<vmem>> -> memref<128x128xf32, #tpu.memory_space<vmem>>
      %dma_wait3A_627 = arith.constant 0 : i32
      %dma_wait3A_628 = tpu.memref_slice %arg12[%add3A_398, %dma_wait3A_627] : memref<10240x128xf32, #tpu.memory_space<vmem_shared>> -> memref<128x128xf32, #tpu.memory_space<vmem_shared>>
      tpu.wait_dma2 semaphore(%run_scoped3A_604 : memref<!tpu.dma_semaphore, #tpu.memory_space<semaphore_mem>>) src(%dma_wait3A_628 : memref<128x128xf32, #tpu.memory_space<vmem_shared>>) dst(%dma_wait3A_626 : memref<128x128xf32, #tpu.memory_space<vmem>>)
      tpu.yield
    }) : () -> ()
    %dma_start3A_400 = arith.constant 0 : i32
    %dma_start3A_401 = arith.constant 0 : i32
    %dma_start3A_402 = arith.constant 0 : i32
    %dma_start3A_403 = tpu.memref_slice %arg9[%dma_start3A_400, %dma_start3A_401, %dma_start3A_402] : memref<2x128x128xf32, #tpu.memory_space<vmem>> -> memref<1x128x128xf32, #tpu.memory_space<vmem>>
    %dma_start3A_404 = tpu.memref_squeeze %dma_start3A_403 : memref<1x128x128xf32, #tpu.memory_space<vmem>> -> memref<128x128xf32, #tpu.memory_space<vmem>>
    %dma_start3A_405 = arith.constant 0 : i32
    %dma_start3A_406 = tpu.memref_slice %arg6[%arg0, %add3A_398, %dma_start3A_405] : memref<2x10240x128xf32, #tpu.memory_space<hbm>> -> memref<1x128x128xf32, #tpu.memory_space<hbm>>
    %dma_start3A_407 = tpu.memref_squeeze %dma_start3A_406 : memref<1x128x128xf32, #tpu.memory_space<hbm>> -> memref<128x128xf32, #tpu.memory_space<hbm>>
    %dma_start3A_408 = arith.constant 0 : i32
    %dma_start3A_409 = tpu.memref_slice %arg6[%arg0, %add3A_398, %dma_start3A_408] : memref<2x10240x128xf32, #tpu.memory_space<hbm>> -> memref<1x128x128xf32, #tpu.memory_space<hbm>>
    %dma_start3A_410 = tpu.memref_squeeze %dma_start3A_409 : memref<1x128x128xf32, #tpu.memory_space<hbm>> -> memref<128x128xf32, #tpu.memory_space<hbm>>
    %dma_start3A_411 = arith.constant 0 : i32
    %dma_start3A_412 = arith.constant 0 : i32
    %dma_start3A_413 = tpu.memref_slice %arg9[%dma_start3A_400, %dma_start3A_411, %dma_start3A_412] : memref<2x128x128xf32, #tpu.memory_space<vmem>> -> memref<1x128x128xf32, #tpu.memory_space<vmem>>
    %dma_start3A_414 = tpu.memref_squeeze %dma_start3A_413 : memref<1x128x128xf32, #tpu.memory_space<vmem>> -> memref<128x128xf32, #tpu.memory_space<vmem>>
    tpu.enqueue_dma source(%dma_start3A_414 : memref<128x128xf32, #tpu.memory_space<vmem>>) target(%dma_start3A_410 : memref<128x128xf32, #tpu.memory_space<hbm>>) target_semaphore(%arg14 : memref<!tpu.dma_semaphore, #tpu.memory_space<semaphore_mem>>)
    %mul3A_415 = arith.constant 640 : i32
    %mul3A_416 = arith.muli %arg1, %mul3A_415 : i32
    %add3A_417 = arith.constant 128 : i32
    %add3A_418 = arith.addi %mul3A_416, %add3A_417 : i32
    %run_scoped3A_419 = arith.constant 1 : i32
    "tpu.region"() ({
      %run_scoped3A_604 = tpu.sem_alloc : memref<!tpu.dma_semaphore, #tpu.memory_space<semaphore_mem>>
      %dma_start3A_605 = arith.constant 0 : i32
      %dma_start3A_606 = arith.constant 0 : i32
      %dma_start3A_607 = tpu.memref_slice %arg9[%run_scoped3A_419, %dma_start3A_605, %dma_start3A_606] : memref<2x128x128xf32, #tpu.memory_space<vmem>> -> memref<1x128x128xf32, #tpu.memory_space<vmem>>
      %dma_start3A_608 = tpu.memref_squeeze %dma_start3A_607 : memref<1x128x128xf32, #tpu.memory_space<vmem>> -> memref<128x128xf32, #tpu.memory_space<vmem>>
      %dma_start3A_609 = arith.constant 0 : i32
      %dma_start3A_610 = tpu.memref_slice %arg12[%add3A_418, %dma_start3A_609] : memref<10240x128xf32, #tpu.memory_space<vmem_shared>> -> memref<128x128xf32, #tpu.memory_space<vmem_shared>>
      %dma_start3A_611 = arith.constant 0 : i32
      %dma_start3A_612 = arith.constant 0 : i32
      %dma_start3A_613 = tpu.memref_slice %arg9[%run_scoped3A_419, %dma_start3A_611, %dma_start3A_612] : memref<2x128x128xf32, #tpu.memory_space<vmem>> -> memref<1x128x128xf32, #tpu.memory_space<vmem>>
      %dma_start3A_614 = tpu.memref_squeeze %dma_start3A_613 : memref<1x128x128xf32, #tpu.memory_space<vmem>> -> memref<128x128xf32, #tpu.memory_space<vmem>>
      %dma_start3A_615 = arith.constant 0 : i32
      %dma_start3A_616 = tpu.memref_slice %arg12[%add3A_418, %dma_start3A_615] : memref<10240x128xf32, #tpu.memory_space<vmem_shared>> -> memref<128x128xf32, #tpu.memory_space<vmem_shared>>
      tpu.enqueue_dma source(%dma_start3A_616 : memref<128x128xf32, #tpu.memory_space<vmem_shared>>) target(%dma_start3A_614 : memref<128x128xf32, #tpu.memory_space<vmem>>) target_semaphore(%run_scoped3A_604 : memref<!tpu.dma_semaphore, #tpu.memory_space<semaphore_mem>>)
      %dma_wait3A_617 = arith.constant 0 : i32
      %dma_wait3A_618 = arith.constant 0 : i32
      %dma_wait3A_619 = tpu.memref_slice %arg9[%run_scoped3A_419, %dma_wait3A_617, %dma_wait3A_618] : memref<2x128x128xf32, #tpu.memory_space<vmem>> -> memref<1x128x128xf32, #tpu.memory_space<vmem>>
      %dma_wait3A_620 = tpu.memref_squeeze %dma_wait3A_619 : memref<1x128x128xf32, #tpu.memory_space<vmem>> -> memref<128x128xf32, #tpu.memory_space<vmem>>
      %dma_wait3A_621 = arith.constant 0 : i32
      %dma_wait3A_622 = tpu.memref_slice %arg12[%add3A_418, %dma_wait3A_621] : memref<10240x128xf32, #tpu.memory_space<vmem_shared>> -> memref<128x128xf32, #tpu.memory_space<vmem_shared>>
      %dma_wait3A_623 = arith.constant 0 : i32
      %dma_wait3A_624 = arith.constant 0 : i32
      %dma_wait3A_625 = tpu.memref_slice %arg9[%run_scoped3A_419, %dma_wait3A_623, %dma_wait3A_624] : memref<2x128x128xf32, #tpu.memory_space<vmem>> -> memref<1x128x128xf32, #tpu.memory_space<vmem>>
      %dma_wait3A_626 = tpu.memref_squeeze %dma_wait3A_625 : memref<1x128x128xf32, #tpu.memory_space<vmem>> -> memref<128x128xf32, #tpu.memory_space<vmem>>
      %dma_wait3A_627 = arith.constant 0 : i32
      %dma_wait3A_628 = tpu.memref_slice %arg12[%add3A_418, %dma_wait3A_627] : memref<10240x128xf32, #tpu.memory_space<vmem_shared>> -> memref<128x128xf32, #tpu.memory_space<vmem_shared>>
      tpu.wait_dma2 semaphore(%run_scoped3A_604 : memref<!tpu.dma_semaphore, #tpu.memory_space<semaphore_mem>>) src(%dma_wait3A_628 : memref<128x128xf32, #tpu.memory_space<vmem_shared>>) dst(%dma_wait3A_626 : memref<128x128xf32, #tpu.memory_space<vmem>>)
      tpu.yield
    }) : () -> ()
    %dma_start3A_420 = arith.constant 1 : i32
    %dma_start3A_421 = arith.constant 0 : i32
    %dma_start3A_422 = arith.constant 0 : i32
    %dma_start3A_423 = tpu.memref_slice %arg9[%dma_start3A_420, %dma_start3A_421, %dma_start3A_422] : memref<2x128x128xf32, #tpu.memory_space<vmem>> -> memref<1x128x128xf32, #tpu.memory_space<vmem>>
    %dma_start3A_424 = tpu.memref_squeeze %dma_start3A_423 : memref<1x128x128xf32, #tpu.memory_space<vmem>> -> memref<128x128xf32, #tpu.memory_space<vmem>>
    %dma_start3A_425 = arith.constant 0 : i32
    %dma_start3A_426 = tpu.memref_slice %arg6[%arg0, %add3A_418, %dma_start3A_425] : memref<2x10240x128xf32, #tpu.memory_space<hbm>> -> memref<1x128x128xf32, #tpu.memory_space<hbm>>
    %dma_start3A_427 = tpu.memref_squeeze %dma_start3A_426 : memref<1x128x128xf32, #tpu.memory_space<hbm>> -> memref<128x128xf32, #tpu.memory_space<hbm>>
    %dma_start3A_428 = arith.constant 0 : i32
    %dma_start3A_429 = tpu.memref_slice %arg6[%arg0, %add3A_418, %dma_start3A_428] : memref<2x10240x128xf32, #tpu.memory_space<hbm>> -> memref<1x128x128xf32, #tpu.memory_space<hbm>>
    %dma_start3A_430 = tpu.memref_squeeze %dma_start3A_429 : memref<1x128x128xf32, #tpu.memory_space<hbm>> -> memref<128x128xf32, #tpu.memory_space<hbm>>
    %dma_start3A_431 = arith.constant 0 : i32
    %dma_start3A_432 = arith.constant 0 : i32
    %dma_start3A_433 = tpu.memref_slice %arg9[%dma_start3A_420, %dma_start3A_431, %dma_start3A_432] : memref<2x128x128xf32, #tpu.memory_space<vmem>> -> memref<1x128x128xf32, #tpu.memory_space<vmem>>
    %dma_start3A_434 = tpu.memref_squeeze %dma_start3A_433 : memref<1x128x128xf32, #tpu.memory_space<vmem>> -> memref<128x128xf32, #tpu.memory_space<vmem>>
    tpu.enqueue_dma source(%dma_start3A_434 : memref<128x128xf32, #tpu.memory_space<vmem>>) target(%dma_start3A_430 : memref<128x128xf32, #tpu.memory_space<hbm>>) target_semaphore(%arg15 : memref<!tpu.dma_semaphore, #tpu.memory_space<semaphore_mem>>)
    %mul3A_435 = arith.constant 640 : i32
    %mul3A_436 = arith.muli %arg1, %mul3A_435 : i32
    %add3A_437 = arith.constant 0 : i32
    %add3A_438 = arith.addi %mul3A_436, %add3A_437 : i32
    %dma_wait3A_439 = arith.constant 0 : i32
    %dma_wait3A_440 = arith.constant 0 : i32
    %dma_wait3A_441 = arith.constant 0 : i32
    %dma_wait3A_442 = tpu.memref_slice %arg9[%dma_wait3A_439, %dma_wait3A_440, %dma_wait3A_441] : memref<2x128x128xf32, #tpu.memory_space<vmem>> -> memref<1x128x128xf32, #tpu.memory_space<vmem>>
    %dma_wait3A_443 = tpu.memref_squeeze %dma_wait3A_442 : memref<1x128x128xf32, #tpu.memory_space<vmem>> -> memref<128x128xf32, #tpu.memory_space<vmem>>
    %dma_wait3A_444 = arith.constant 0 : i32
    %dma_wait3A_445 = tpu.memref_slice %arg6[%arg0, %add3A_438, %dma_wait3A_444] : memref<2x10240x128xf32, #tpu.memory_space<hbm>> -> memref<1x128x128xf32, #tpu.memory_space<hbm>>
    %dma_wait3A_446 = tpu.memref_squeeze %dma_wait3A_445 : memref<1x128x128xf32, #tpu.memory_space<hbm>> -> memref<128x128xf32, #tpu.memory_space<hbm>>
    %dma_wait3A_447 = arith.constant 0 : i32
    %dma_wait3A_448 = tpu.memref_slice %arg6[%arg0, %add3A_438, %dma_wait3A_447] : memref<2x10240x128xf32, #tpu.memory_space<hbm>> -> memref<1x128x128xf32, #tpu.memory_space<hbm>>
    %dma_wait3A_449 = tpu.memref_squeeze %dma_wait3A_448 : memref<1x128x128xf32, #tpu.memory_space<hbm>> -> memref<128x128xf32, #tpu.memory_space<hbm>>
    %dma_wait3A_450 = arith.constant 0 : i32
    %dma_wait3A_451 = arith.constant 0 : i32
    %dma_wait3A_452 = tpu.memref_slice %arg9[%dma_wait3A_439, %dma_wait3A_450, %dma_wait3A_451] : memref<2x128x128xf32, #tpu.memory_space<vmem>> -> memref<1x128x128xf32, #tpu.memory_space<vmem>>
    %dma_wait3A_453 = tpu.memref_squeeze %dma_wait3A_452 : memref<1x128x128xf32, #tpu.memory_space<vmem>> -> memref<128x128xf32, #tpu.memory_space<vmem>>
    tpu.wait_dma2 semaphore(%arg14 : memref<!tpu.dma_semaphore, #tpu.memory_space<semaphore_mem>>) src(%dma_wait3A_453 : memref<128x128xf32, #tpu.memory_space<vmem>>) dst(%dma_wait3A_449 : memref<128x128xf32, #tpu.memory_space<hbm>>)
    %mul3A_454 = arith.constant 640 : i32
    %mul3A_455 = arith.muli %arg1, %mul3A_454 : i32
    %add3A_456 = arith.constant 256 : i32
    %add3A_457 = arith.addi %mul3A_455, %add3A_456 : i32
    %run_scoped3A_458 = arith.constant 0 : i32
    "tpu.region"() ({
      %run_scoped3A_604 = tpu.sem_alloc : memref<!tpu.dma_semaphore, #tpu.memory_space<semaphore_mem>>
      %dma_start3A_605 = arith.constant 0 : i32
      %dma_start3A_606 = arith.constant 0 : i32
      %dma_start3A_607 = tpu.memref_slice %arg9[%run_scoped3A_458, %dma_start3A_605, %dma_start3A_606] : memref<2x128x128xf32, #tpu.memory_space<vmem>> -> memref<1x128x128xf32, #tpu.memory_space<vmem>>
      %dma_start3A_608 = tpu.memref_squeeze %dma_start3A_607 : memref<1x128x128xf32, #tpu.memory_space<vmem>> -> memref<128x128xf32, #tpu.memory_space<vmem>>
      %dma_start3A_609 = arith.constant 0 : i32
      %dma_start3A_610 = tpu.memref_slice %arg12[%add3A_457, %dma_start3A_609] : memref<10240x128xf32, #tpu.memory_space<vmem_shared>> -> memref<128x128xf32, #tpu.memory_space<vmem_shared>>
      %dma_start3A_611 = arith.constant 0 : i32
      %dma_start3A_612 = arith.constant 0 : i32
      %dma_start3A_613 = tpu.memref_slice %arg9[%run_scoped3A_458, %dma_start3A_611, %dma_start3A_612] : memref<2x128x128xf32, #tpu.memory_space<vmem>> -> memref<1x128x128xf32, #tpu.memory_space<vmem>>
      %dma_start3A_614 = tpu.memref_squeeze %dma_start3A_613 : memref<1x128x128xf32, #tpu.memory_space<vmem>> -> memref<128x128xf32, #tpu.memory_space<vmem>>
      %dma_start3A_615 = arith.constant 0 : i32
      %dma_start3A_616 = tpu.memref_slice %arg12[%add3A_457, %dma_start3A_615] : memref<10240x128xf32, #tpu.memory_space<vmem_shared>> -> memref<128x128xf32, #tpu.memory_space<vmem_shared>>
      tpu.enqueue_dma source(%dma_start3A_616 : memref<128x128xf32, #tpu.memory_space<vmem_shared>>) target(%dma_start3A_614 : memref<128x128xf32, #tpu.memory_space<vmem>>) target_semaphore(%run_scoped3A_604 : memref<!tpu.dma_semaphore, #tpu.memory_space<semaphore_mem>>)
      %dma_wait3A_617 = arith.constant 0 : i32
      %dma_wait3A_618 = arith.constant 0 : i32
      %dma_wait3A_619 = tpu.memref_slice %arg9[%run_scoped3A_458, %dma_wait3A_617, %dma_wait3A_618] : memref<2x128x128xf32, #tpu.memory_space<vmem>> -> memref<1x128x128xf32, #tpu.memory_space<vmem>>
      %dma_wait3A_620 = tpu.memref_squeeze %dma_wait3A_619 : memref<1x128x128xf32, #tpu.memory_space<vmem>> -> memref<128x128xf32, #tpu.memory_space<vmem>>
      %dma_wait3A_621 = arith.constant 0 : i32
      %dma_wait3A_622 = tpu.memref_slice %arg12[%add3A_457, %dma_wait3A_621] : memref<10240x128xf32, #tpu.memory_space<vmem_shared>> -> memref<128x128xf32, #tpu.memory_space<vmem_shared>>
      %dma_wait3A_623 = arith.constant 0 : i32
      %dma_wait3A_624 = arith.constant 0 : i32
      %dma_wait3A_625 = tpu.memref_slice %arg9[%run_scoped3A_458, %dma_wait3A_623, %dma_wait3A_624] : memref<2x128x128xf32, #tpu.memory_space<vmem>> -> memref<1x128x128xf32, #tpu.memory_space<vmem>>
      %dma_wait3A_626 = tpu.memref_squeeze %dma_wait3A_625 : memref<1x128x128xf32, #tpu.memory_space<vmem>> -> memref<128x128xf32, #tpu.memory_space<vmem>>
      %dma_wait3A_627 = arith.constant 0 : i32
      %dma_wait3A_628 = tpu.memref_slice %arg12[%add3A_457, %dma_wait3A_627] : memref<10240x128xf32, #tpu.memory_space<vmem_shared>> -> memref<128x128xf32, #tpu.memory_space<vmem_shared>>
      tpu.wait_dma2 semaphore(%run_scoped3A_604 : memref<!tpu.dma_semaphore, #tpu.memory_space<semaphore_mem>>) src(%dma_wait3A_628 : memref<128x128xf32, #tpu.memory_space<vmem_shared>>) dst(%dma_wait3A_626 : memref<128x128xf32, #tpu.memory_space<vmem>>)
      tpu.yield
    }) : () -> ()
    %dma_start3A_459 = arith.constant 0 : i32
    %dma_start3A_460 = arith.constant 0 : i32
    %dma_start3A_461 = arith.constant 0 : i32
    %dma_start3A_462 = tpu.memref_slice %arg9[%dma_start3A_459, %dma_start3A_460, %dma_start3A_461] : memref<2x128x128xf32, #tpu.memory_space<vmem>> -> memref<1x128x128xf32, #tpu.memory_space<vmem>>
    %dma_start3A_463 = tpu.memref_squeeze %dma_start3A_462 : memref<1x128x128xf32, #tpu.memory_space<vmem>> -> memref<128x128xf32, #tpu.memory_space<vmem>>
    %dma_start3A_464 = arith.constant 0 : i32
    %dma_start3A_465 = tpu.memref_slice %arg6[%arg0, %add3A_457, %dma_start3A_464] : memref<2x10240x128xf32, #tpu.memory_space<hbm>> -> memref<1x128x128xf32, #tpu.memory_space<hbm>>
    %dma_start3A_466 = tpu.memref_squeeze %dma_start3A_465 : memref<1x128x128xf32, #tpu.memory_space<hbm>> -> memref<128x128xf32, #tpu.memory_space<hbm>>
    %dma_start3A_467 = arith.constant 0 : i32
    %dma_start3A_468 = tpu.memref_slice %arg6[%arg0, %add3A_457, %dma_start3A_467] : memref<2x10240x128xf32, #tpu.memory_space<hbm>> -> memref<1x128x128xf32, #tpu.memory_space<hbm>>
    %dma_start3A_469 = tpu.memref_squeeze %dma_start3A_468 : memref<1x128x128xf32, #tpu.memory_space<hbm>> -> memref<128x128xf32, #tpu.memory_space<hbm>>
    %dma_start3A_470 = arith.constant 0 : i32
    %dma_start3A_471 = arith.constant 0 : i32
    %dma_start3A_472 = tpu.memref_slice %arg9[%dma_start3A_459, %dma_start3A_470, %dma_start3A_471] : memref<2x128x128xf32, #tpu.memory_space<vmem>> -> memref<1x128x128xf32, #tpu.memory_space<vmem>>
    %dma_start3A_473 = tpu.memref_squeeze %dma_start3A_472 : memref<1x128x128xf32, #tpu.memory_space<vmem>> -> memref<128x128xf32, #tpu.memory_space<vmem>>
    tpu.enqueue_dma source(%dma_start3A_473 : memref<128x128xf32, #tpu.memory_space<vmem>>) target(%dma_start3A_469 : memref<128x128xf32, #tpu.memory_space<hbm>>) target_semaphore(%arg14 : memref<!tpu.dma_semaphore, #tpu.memory_space<semaphore_mem>>)
    %mul3A_474 = arith.constant 640 : i32
    %mul3A_475 = arith.muli %arg1, %mul3A_474 : i32
    %add3A_476 = arith.constant 128 : i32
    %add3A_477 = arith.addi %mul3A_475, %add3A_476 : i32
    %dma_wait3A_478 = arith.constant 1 : i32
    %dma_wait3A_479 = arith.constant 0 : i32
    %dma_wait3A_480 = arith.constant 0 : i32
    %dma_wait3A_481 = tpu.memref_slice %arg9[%dma_wait3A_478, %dma_wait3A_479, %dma_wait3A_480] : memref<2x128x128xf32, #tpu.memory_space<vmem>> -> memref<1x128x128xf32, #tpu.memory_space<vmem>>
    %dma_wait3A_482 = tpu.memref_squeeze %dma_wait3A_481 : memref<1x128x128xf32, #tpu.memory_space<vmem>> -> memref<128x128xf32, #tpu.memory_space<vmem>>
    %dma_wait3A_483 = arith.constant 0 : i32
    %dma_wait3A_484 = tpu.memref_slice %arg6[%arg0, %add3A_477, %dma_wait3A_483] : memref<2x10240x128xf32, #tpu.memory_space<hbm>> -> memref<1x128x128xf32, #tpu.memory_space<hbm>>
    %dma_wait3A_485 = tpu.memref_squeeze %dma_wait3A_484 : memref<1x128x128xf32, #tpu.memory_space<hbm>> -> memref<128x128xf32, #tpu.memory_space<hbm>>
    %dma_wait3A_486 = arith.constant 0 : i32
    %dma_wait3A_487 = tpu.memref_slice %arg6[%arg0, %add3A_477, %dma_wait3A_486] : memref<2x10240x128xf32, #tpu.memory_space<hbm>> -> memref<1x128x128xf32, #tpu.memory_space<hbm>>
    %dma_wait3A_488 = tpu.memref_squeeze %dma_wait3A_487 : memref<1x128x128xf32, #tpu.memory_space<hbm>> -> memref<128x128xf32, #tpu.memory_space<hbm>>
    %dma_wait3A_489 = arith.constant 0 : i32
    %dma_wait3A_490 = arith.constant 0 : i32
    %dma_wait3A_491 = tpu.memref_slice %arg9[%dma_wait3A_478, %dma_wait3A_489, %dma_wait3A_490] : memref<2x128x128xf32, #tpu.memory_space<vmem>> -> memref<1x128x128xf32, #tpu.memory_space<vmem>>
    %dma_wait3A_492 = tpu.memref_squeeze %dma_wait3A_491 : memref<1x128x128xf32, #tpu.memory_space<vmem>> -> memref<128x128xf32, #tpu.memory_space<vmem>>
    tpu.wait_dma2 semaphore(%arg15 : memref<!tpu.dma_semaphore, #tpu.memory_space<semaphore_mem>>) src(%dma_wait3A_492 : memref<128x128xf32, #tpu.memory_space<vmem>>) dst(%dma_wait3A_488 : memref<128x128xf32, #tpu.memory_space<hbm>>)
    %mul3A_493 = arith.constant 640 : i32
    %mul3A_494 = arith.muli %arg1, %mul3A_493 : i32
    %add3A_495 = arith.constant 384 : i32
    %add3A_496 = arith.addi %mul3A_494, %add3A_495 : i32
    %run_scoped3A_497 = arith.constant 1 : i32
    "tpu.region"() ({
      %run_scoped3A_604 = tpu.sem_alloc : memref<!tpu.dma_semaphore, #tpu.memory_space<semaphore_mem>>
      %dma_start3A_605 = arith.constant 0 : i32
      %dma_start3A_606 = arith.constant 0 : i32
      %dma_start3A_607 = tpu.memref_slice %arg9[%run_scoped3A_497, %dma_start3A_605, %dma_start3A_606] : memref<2x128x128xf32, #tpu.memory_space<vmem>> -> memref<1x128x128xf32, #tpu.memory_space<vmem>>
      %dma_start3A_608 = tpu.memref_squeeze %dma_start3A_607 : memref<1x128x128xf32, #tpu.memory_space<vmem>> -> memref<128x128xf32, #tpu.memory_space<vmem>>
      %dma_start3A_609 = arith.constant 0 : i32
      %dma_start3A_610 = tpu.memref_slice %arg12[%add3A_496, %dma_start3A_609] : memref<10240x128xf32, #tpu.memory_space<vmem_shared>> -> memref<128x128xf32, #tpu.memory_space<vmem_shared>>
      %dma_start3A_611 = arith.constant 0 : i32
      %dma_start3A_612 = arith.constant 0 : i32
      %dma_start3A_613 = tpu.memref_slice %arg9[%run_scoped3A_497, %dma_start3A_611, %dma_start3A_612] : memref<2x128x128xf32, #tpu.memory_space<vmem>> -> memref<1x128x128xf32, #tpu.memory_space<vmem>>
      %dma_start3A_614 = tpu.memref_squeeze %dma_start3A_613 : memref<1x128x128xf32, #tpu.memory_space<vmem>> -> memref<128x128xf32, #tpu.memory_space<vmem>>
      %dma_start3A_615 = arith.constant 0 : i32
      %dma_start3A_616 = tpu.memref_slice %arg12[%add3A_496, %dma_start3A_615] : memref<10240x128xf32, #tpu.memory_space<vmem_shared>> -> memref<128x128xf32, #tpu.memory_space<vmem_shared>>
      tpu.enqueue_dma source(%dma_start3A_616 : memref<128x128xf32, #tpu.memory_space<vmem_shared>>) target(%dma_start3A_614 : memref<128x128xf32, #tpu.memory_space<vmem>>) target_semaphore(%run_scoped3A_604 : memref<!tpu.dma_semaphore, #tpu.memory_space<semaphore_mem>>)
      %dma_wait3A_617 = arith.constant 0 : i32
      %dma_wait3A_618 = arith.constant 0 : i32
      %dma_wait3A_619 = tpu.memref_slice %arg9[%run_scoped3A_497, %dma_wait3A_617, %dma_wait3A_618] : memref<2x128x128xf32, #tpu.memory_space<vmem>> -> memref<1x128x128xf32, #tpu.memory_space<vmem>>
      %dma_wait3A_620 = tpu.memref_squeeze %dma_wait3A_619 : memref<1x128x128xf32, #tpu.memory_space<vmem>> -> memref<128x128xf32, #tpu.memory_space<vmem>>
      %dma_wait3A_621 = arith.constant 0 : i32
      %dma_wait3A_622 = tpu.memref_slice %arg12[%add3A_496, %dma_wait3A_621] : memref<10240x128xf32, #tpu.memory_space<vmem_shared>> -> memref<128x128xf32, #tpu.memory_space<vmem_shared>>
      %dma_wait3A_623 = arith.constant 0 : i32
      %dma_wait3A_624 = arith.constant 0 : i32
      %dma_wait3A_625 = tpu.memref_slice %arg9[%run_scoped3A_497, %dma_wait3A_623, %dma_wait3A_624] : memref<2x128x128xf32, #tpu.memory_space<vmem>> -> memref<1x128x128xf32, #tpu.memory_space<vmem>>
      %dma_wait3A_626 = tpu.memref_squeeze %dma_wait3A_625 : memref<1x128x128xf32, #tpu.memory_space<vmem>> -> memref<128x128xf32, #tpu.memory_space<vmem>>
      %dma_wait3A_627 = arith.constant 0 : i32
      %dma_wait3A_628 = tpu.memref_slice %arg12[%add3A_496, %dma_wait3A_627] : memref<10240x128xf32, #tpu.memory_space<vmem_shared>> -> memref<128x128xf32, #tpu.memory_space<vmem_shared>>
      tpu.wait_dma2 semaphore(%run_scoped3A_604 : memref<!tpu.dma_semaphore, #tpu.memory_space<semaphore_mem>>) src(%dma_wait3A_628 : memref<128x128xf32, #tpu.memory_space<vmem_shared>>) dst(%dma_wait3A_626 : memref<128x128xf32, #tpu.memory_space<vmem>>)
      tpu.yield
    }) : () -> ()
    %dma_start3A_498 = arith.constant 1 : i32
    %dma_start3A_499 = arith.constant 0 : i32
    %dma_start3A_500 = arith.constant 0 : i32
    %dma_start3A_501 = tpu.memref_slice %arg9[%dma_start3A_498, %dma_start3A_499, %dma_start3A_500] : memref<2x128x128xf32, #tpu.memory_space<vmem>> -> memref<1x128x128xf32, #tpu.memory_space<vmem>>
    %dma_start3A_502 = tpu.memref_squeeze %dma_start3A_501 : memref<1x128x128xf32, #tpu.memory_space<vmem>> -> memref<128x128xf32, #tpu.memory_space<vmem>>
    %dma_start3A_503 = arith.constant 0 : i32
    %dma_start3A_504 = tpu.memref_slice %arg6[%arg0, %add3A_496, %dma_start3A_503] : memref<2x10240x128xf32, #tpu.memory_space<hbm>> -> memref<1x128x128xf32, #tpu.memory_space<hbm>>
    %dma_start3A_505 = tpu.memref_squeeze %dma_start3A_504 : memref<1x128x128xf32, #tpu.memory_space<hbm>> -> memref<128x128xf32, #tpu.memory_space<hbm>>
    %dma_start3A_506 = arith.constant 0 : i32
    %dma_start3A_507 = tpu.memref_slice %arg6[%arg0, %add3A_496, %dma_start3A_506] : memref<2x10240x128xf32, #tpu.memory_space<hbm>> -> memref<1x128x128xf32, #tpu.memory_space<hbm>>
    %dma_start3A_508 = tpu.memref_squeeze %dma_start3A_507 : memref<1x128x128xf32, #tpu.memory_space<hbm>> -> memref<128x128xf32, #tpu.memory_space<hbm>>
    %dma_start3A_509 = arith.constant 0 : i32
    %dma_start3A_510 = arith.constant 0 : i32
    %dma_start3A_511 = tpu.memref_slice %arg9[%dma_start3A_498, %dma_start3A_509, %dma_start3A_510] : memref<2x128x128xf32, #tpu.memory_space<vmem>> -> memref<1x128x128xf32, #tpu.memory_space<vmem>>
    %dma_start3A_512 = tpu.memref_squeeze %dma_start3A_511 : memref<1x128x128xf32, #tpu.memory_space<vmem>> -> memref<128x128xf32, #tpu.memory_space<vmem>>
    tpu.enqueue_dma source(%dma_start3A_512 : memref<128x128xf32, #tpu.memory_space<vmem>>) target(%dma_start3A_508 : memref<128x128xf32, #tpu.memory_space<hbm>>) target_semaphore(%arg15 : memref<!tpu.dma_semaphore, #tpu.memory_space<semaphore_mem>>)
    %mul3A_513 = arith.constant 640 : i32
    %mul3A_514 = arith.muli %arg1, %mul3A_513 : i32
    %add3A_515 = arith.constant 256 : i32
    %add3A_516 = arith.addi %mul3A_514, %add3A_515 : i32
    %dma_wait3A_517 = arith.constant 0 : i32
    %dma_wait3A_518 = arith.constant 0 : i32
    %dma_wait3A_519 = arith.constant 0 : i32
    %dma_wait3A_520 = tpu.memref_slice %arg9[%dma_wait3A_517, %dma_wait3A_518, %dma_wait3A_519] : memref<2x128x128xf32, #tpu.memory_space<vmem>> -> memref<1x128x128xf32, #tpu.memory_space<vmem>>
    %dma_wait3A_521 = tpu.memref_squeeze %dma_wait3A_520 : memref<1x128x128xf32, #tpu.memory_space<vmem>> -> memref<128x128xf32, #tpu.memory_space<vmem>>
    %dma_wait3A_522 = arith.constant 0 : i32
    %dma_wait3A_523 = tpu.memref_slice %arg6[%arg0, %add3A_516, %dma_wait3A_522] : memref<2x10240x128xf32, #tpu.memory_space<hbm>> -> memref<1x128x128xf32, #tpu.memory_space<hbm>>
    %dma_wait3A_524 = tpu.memref_squeeze %dma_wait3A_523 : memref<1x128x128xf32, #tpu.memory_space<hbm>> -> memref<128x128xf32, #tpu.memory_space<hbm>>
    %dma_wait3A_525 = arith.constant 0 : i32
    %dma_wait3A_526 = tpu.memref_slice %arg6[%arg0, %add3A_516, %dma_wait3A_525] : memref<2x10240x128xf32, #tpu.memory_space<hbm>> -> memref<1x128x128xf32, #tpu.memory_space<hbm>>
    %dma_wait3A_527 = tpu.memref_squeeze %dma_wait3A_526 : memref<1x128x128xf32, #tpu.memory_space<hbm>> -> memref<128x128xf32, #tpu.memory_space<hbm>>
    %dma_wait3A_528 = arith.constant 0 : i32
    %dma_wait3A_529 = arith.constant 0 : i32
    %dma_wait3A_530 = tpu.memref_slice %arg9[%dma_wait3A_517, %dma_wait3A_528, %dma_wait3A_529] : memref<2x128x128xf32, #tpu.memory_space<vmem>> -> memref<1x128x128xf32, #tpu.memory_space<vmem>>
    %dma_wait3A_531 = tpu.memref_squeeze %dma_wait3A_530 : memref<1x128x128xf32, #tpu.memory_space<vmem>> -> memref<128x128xf32, #tpu.memory_space<vmem>>
    tpu.wait_dma2 semaphore(%arg14 : memref<!tpu.dma_semaphore, #tpu.memory_space<semaphore_mem>>) src(%dma_wait3A_531 : memref<128x128xf32, #tpu.memory_space<vmem>>) dst(%dma_wait3A_527 : memref<128x128xf32, #tpu.memory_space<hbm>>)
    %mul3A_532 = arith.constant 640 : i32
    %mul3A_533 = arith.muli %arg1, %mul3A_532 : i32
    %add3A_534 = arith.constant 512 : i32
    %add3A_535 = arith.addi %mul3A_533, %add3A_534 : i32
    %run_scoped3A_536 = arith.constant 0 : i32
    "tpu.region"() ({
      %run_scoped3A_604 = tpu.sem_alloc : memref<!tpu.dma_semaphore, #tpu.memory_space<semaphore_mem>>
      %dma_start3A_605 = arith.constant 0 : i32
      %dma_start3A_606 = arith.constant 0 : i32
      %dma_start3A_607 = tpu.memref_slice %arg9[%run_scoped3A_536, %dma_start3A_605, %dma_start3A_606] : memref<2x128x128xf32, #tpu.memory_space<vmem>> -> memref<1x128x128xf32, #tpu.memory_space<vmem>>
      %dma_start3A_608 = tpu.memref_squeeze %dma_start3A_607 : memref<1x128x128xf32, #tpu.memory_space<vmem>> -> memref<128x128xf32, #tpu.memory_space<vmem>>
      %dma_start3A_609 = arith.constant 0 : i32
      %dma_start3A_610 = tpu.memref_slice %arg12[%add3A_535, %dma_start3A_609] : memref<10240x128xf32, #tpu.memory_space<vmem_shared>> -> memref<128x128xf32, #tpu.memory_space<vmem_shared>>
      %dma_start3A_611 = arith.constant 0 : i32
      %dma_start3A_612 = arith.constant 0 : i32
      %dma_start3A_613 = tpu.memref_slice %arg9[%run_scoped3A_536, %dma_start3A_611, %dma_start3A_612] : memref<2x128x128xf32, #tpu.memory_space<vmem>> -> memref<1x128x128xf32, #tpu.memory_space<vmem>>
      %dma_start3A_614 = tpu.memref_squeeze %dma_start3A_613 : memref<1x128x128xf32, #tpu.memory_space<vmem>> -> memref<128x128xf32, #tpu.memory_space<vmem>>
      %dma_start3A_615 = arith.constant 0 : i32
      %dma_start3A_616 = tpu.memref_slice %arg12[%add3A_535, %dma_start3A_615] : memref<10240x128xf32, #tpu.memory_space<vmem_shared>> -> memref<128x128xf32, #tpu.memory_space<vmem_shared>>
      tpu.enqueue_dma source(%dma_start3A_616 : memref<128x128xf32, #tpu.memory_space<vmem_shared>>) target(%dma_start3A_614 : memref<128x128xf32, #tpu.memory_space<vmem>>) target_semaphore(%run_scoped3A_604 : memref<!tpu.dma_semaphore, #tpu.memory_space<semaphore_mem>>)
      %dma_wait3A_617 = arith.constant 0 : i32
      %dma_wait3A_618 = arith.constant 0 : i32
      %dma_wait3A_619 = tpu.memref_slice %arg9[%run_scoped3A_536, %dma_wait3A_617, %dma_wait3A_618] : memref<2x128x128xf32, #tpu.memory_space<vmem>> -> memref<1x128x128xf32, #tpu.memory_space<vmem>>
      %dma_wait3A_620 = tpu.memref_squeeze %dma_wait3A_619 : memref<1x128x128xf32, #tpu.memory_space<vmem>> -> memref<128x128xf32, #tpu.memory_space<vmem>>
      %dma_wait3A_621 = arith.constant 0 : i32
      %dma_wait3A_622 = tpu.memref_slice %arg12[%add3A_535, %dma_wait3A_621] : memref<10240x128xf32, #tpu.memory_space<vmem_shared>> -> memref<128x128xf32, #tpu.memory_space<vmem_shared>>
      %dma_wait3A_623 = arith.constant 0 : i32
      %dma_wait3A_624 = arith.constant 0 : i32
      %dma_wait3A_625 = tpu.memref_slice %arg9[%run_scoped3A_536, %dma_wait3A_623, %dma_wait3A_624] : memref<2x128x128xf32, #tpu.memory_space<vmem>> -> memref<1x128x128xf32, #tpu.memory_space<vmem>>
      %dma_wait3A_626 = tpu.memref_squeeze %dma_wait3A_625 : memref<1x128x128xf32, #tpu.memory_space<vmem>> -> memref<128x128xf32, #tpu.memory_space<vmem>>
      %dma_wait3A_627 = arith.constant 0 : i32
      %dma_wait3A_628 = tpu.memref_slice %arg12[%add3A_535, %dma_wait3A_627] : memref<10240x128xf32, #tpu.memory_space<vmem_shared>> -> memref<128x128xf32, #tpu.memory_space<vmem_shared>>
      tpu.wait_dma2 semaphore(%run_scoped3A_604 : memref<!tpu.dma_semaphore, #tpu.memory_space<semaphore_mem>>) src(%dma_wait3A_628 : memref<128x128xf32, #tpu.memory_space<vmem_shared>>) dst(%dma_wait3A_626 : memref<128x128xf32, #tpu.memory_space<vmem>>)
      tpu.yield
    }) : () -> ()
    %dma_start3A_537 = arith.constant 0 : i32
    %dma_start3A_538 = arith.constant 0 : i32
    %dma_start3A_539 = arith.constant 0 : i32
    %dma_start3A_540 = tpu.memref_slice %arg9[%dma_start3A_537, %dma_start3A_538, %dma_start3A_539] : memref<2x128x128xf32, #tpu.memory_space<vmem>> -> memref<1x128x128xf32, #tpu.memory_space<vmem>>
    %dma_start3A_541 = tpu.memref_squeeze %dma_start3A_540 : memref<1x128x128xf32, #tpu.memory_space<vmem>> -> memref<128x128xf32, #tpu.memory_space<vmem>>
    %dma_start3A_542 = arith.constant 0 : i32
    %dma_start3A_543 = tpu.memref_slice %arg6[%arg0, %add3A_535, %dma_start3A_542] : memref<2x10240x128xf32, #tpu.memory_space<hbm>> -> memref<1x128x128xf32, #tpu.memory_space<hbm>>
    %dma_start3A_544 = tpu.memref_squeeze %dma_start3A_543 : memref<1x128x128xf32, #tpu.memory_space<hbm>> -> memref<128x128xf32, #tpu.memory_space<hbm>>
    %dma_start3A_545 = arith.constant 0 : i32
    %dma_start3A_546 = tpu.memref_slice %arg6[%arg0, %add3A_535, %dma_start3A_545] : memref<2x10240x128xf32, #tpu.memory_space<hbm>> -> memref<1x128x128xf32, #tpu.memory_space<hbm>>
    %dma_start3A_547 = tpu.memref_squeeze %dma_start3A_546 : memref<1x128x128xf32, #tpu.memory_space<hbm>> -> memref<128x128xf32, #tpu.memory_space<hbm>>
    %dma_start3A_548 = arith.constant 0 : i32
    %dma_start3A_549 = arith.constant 0 : i32
    %dma_start3A_550 = tpu.memref_slice %arg9[%dma_start3A_537, %dma_start3A_548, %dma_start3A_549] : memref<2x128x128xf32, #tpu.memory_space<vmem>> -> memref<1x128x128xf32, #tpu.memory_space<vmem>>
    %dma_start3A_551 = tpu.memref_squeeze %dma_start3A_550 : memref<1x128x128xf32, #tpu.memory_space<vmem>> -> memref<128x128xf32, #tpu.memory_space<vmem>>
    tpu.enqueue_dma source(%dma_start3A_551 : memref<128x128xf32, #tpu.memory_space<vmem>>) target(%dma_start3A_547 : memref<128x128xf32, #tpu.memory_space<hbm>>) target_semaphore(%arg14 : memref<!tpu.dma_semaphore, #tpu.memory_space<semaphore_mem>>)
    %mul3A_552 = arith.constant 640 : i32
    %mul3A_553 = arith.muli %arg1, %mul3A_552 : i32
    "tpu.region"() ({
      %run_scoped3A_604 = tpu.sem_alloc : memref<!tpu.dma_semaphore, #tpu.memory_space<semaphore_mem>>
      %dma_start3A_605 = tpu.memref_slice %arg13[%mul3A_553] : memref<10240xf32, #tpu.memory_space<vmem_shared>> -> memref<640xf32, #tpu.memory_space<vmem_shared>>
      %dma_start3A_606 = tpu.memref_slice %arg13[%mul3A_553] : memref<10240xf32, #tpu.memory_space<vmem_shared>> -> memref<640xf32, #tpu.memory_space<vmem_shared>>
      tpu.enqueue_dma source(%dma_start3A_606 : memref<640xf32, #tpu.memory_space<vmem_shared>>) target(%arg11 : memref<640xf32, #tpu.memory_space<vmem>>) target_semaphore(%run_scoped3A_604 : memref<!tpu.dma_semaphore, #tpu.memory_space<semaphore_mem>>)
      %dma_wait3A_607 = tpu.memref_slice %arg13[%mul3A_553] : memref<10240xf32, #tpu.memory_space<vmem_shared>> -> memref<640xf32, #tpu.memory_space<vmem_shared>>
      %dma_wait3A_608 = tpu.memref_slice %arg13[%mul3A_553] : memref<10240xf32, #tpu.memory_space<vmem_shared>> -> memref<640xf32, #tpu.memory_space<vmem_shared>>
      tpu.wait_dma2 semaphore(%run_scoped3A_604 : memref<!tpu.dma_semaphore, #tpu.memory_space<semaphore_mem>>) src(%dma_wait3A_608 : memref<640xf32, #tpu.memory_space<vmem_shared>>) dst(%arg11 : memref<640xf32, #tpu.memory_space<vmem>>)
      tpu.yield
    }) : () -> ()
    %mul3A_554 = arith.constant 640 : i32
    %mul3A_555 = arith.muli %arg1, %mul3A_554 : i32
    %dma_start3A_556 = tpu.memref_slice %arg7[%arg0, %mul3A_555] : memref<2x10240xf32, #tpu.memory_space<hbm>> -> memref<1x640xf32, #tpu.memory_space<hbm>>
    %dma_start3A_557 = tpu.memref_squeeze %dma_start3A_556 : memref<1x640xf32, #tpu.memory_space<hbm>> -> memref<640xf32, #tpu.memory_space<hbm>>
    %dma_start3A_558 = tpu.memref_slice %arg7[%arg0, %mul3A_555] : memref<2x10240xf32, #tpu.memory_space<hbm>> -> memref<1x640xf32, #tpu.memory_space<hbm>>
    %dma_start3A_559 = tpu.memref_squeeze %dma_start3A_558 : memref<1x640xf32, #tpu.memory_space<hbm>> -> memref<640xf32, #tpu.memory_space<hbm>>
    tpu.enqueue_dma source(%arg11 : memref<640xf32, #tpu.memory_space<vmem>>) target(%dma_start3A_559 : memref<640xf32, #tpu.memory_space<hbm>>) target_semaphore(%arg16 : memref<!tpu.dma_semaphore, #tpu.memory_space<semaphore_mem>>)
    %mul3A_560 = arith.constant 640 : i32
    %mul3A_561 = arith.muli %arg1, %mul3A_560 : i32
    %add3A_562 = arith.constant 384 : i32
    %add3A_563 = arith.addi %mul3A_561, %add3A_562 : i32
    %dma_wait3A_564 = arith.constant 1 : i32
    %dma_wait3A_565 = arith.constant 0 : i32
    %dma_wait3A_566 = arith.constant 0 : i32
    %dma_wait3A_567 = tpu.memref_slice %arg9[%dma_wait3A_564, %dma_wait3A_565, %dma_wait3A_566] : memref<2x128x128xf32, #tpu.memory_space<vmem>> -> memref<1x128x128xf32, #tpu.memory_space<vmem>>
    %dma_wait3A_568 = tpu.memref_squeeze %dma_wait3A_567 : memref<1x128x128xf32, #tpu.memory_space<vmem>> -> memref<128x128xf32, #tpu.memory_space<vmem>>
    %dma_wait3A_569 = arith.constant 0 : i32
    %dma_wait3A_570 = tpu.memref_slice %arg6[%arg0, %add3A_563, %dma_wait3A_569] : memref<2x10240x128xf32, #tpu.memory_space<hbm>> -> memref<1x128x128xf32, #tpu.memory_space<hbm>>
    %dma_wait3A_571 = tpu.memref_squeeze %dma_wait3A_570 : memref<1x128x128xf32, #tpu.memory_space<hbm>> -> memref<128x128xf32, #tpu.memory_space<hbm>>
    %dma_wait3A_572 = arith.constant 0 : i32
    %dma_wait3A_573 = tpu.memref_slice %arg6[%arg0, %add3A_563, %dma_wait3A_572] : memref<2x10240x128xf32, #tpu.memory_space<hbm>> -> memref<1x128x128xf32, #tpu.memory_space<hbm>>
    %dma_wait3A_574 = tpu.memref_squeeze %dma_wait3A_573 : memref<1x128x128xf32, #tpu.memory_space<hbm>> -> memref<128x128xf32, #tpu.memory_space<hbm>>
    %dma_wait3A_575 = arith.constant 0 : i32
    %dma_wait3A_576 = arith.constant 0 : i32
    %dma_wait3A_577 = tpu.memref_slice %arg9[%dma_wait3A_564, %dma_wait3A_575, %dma_wait3A_576] : memref<2x128x128xf32, #tpu.memory_space<vmem>> -> memref<1x128x128xf32, #tpu.memory_space<vmem>>
    %dma_wait3A_578 = tpu.memref_squeeze %dma_wait3A_577 : memref<1x128x128xf32, #tpu.memory_space<vmem>> -> memref<128x128xf32, #tpu.memory_space<vmem>>
    tpu.wait_dma2 semaphore(%arg15 : memref<!tpu.dma_semaphore, #tpu.memory_space<semaphore_mem>>) src(%dma_wait3A_578 : memref<128x128xf32, #tpu.memory_space<vmem>>) dst(%dma_wait3A_574 : memref<128x128xf32, #tpu.memory_space<hbm>>)
    %mul3A_579 = arith.constant 640 : i32
    %mul3A_580 = arith.muli %arg1, %mul3A_579 : i32
    %add3A_581 = arith.constant 512 : i32
    %add3A_582 = arith.addi %mul3A_580, %add3A_581 : i32
    %dma_wait3A_583 = arith.constant 0 : i32
    %dma_wait3A_584 = arith.constant 0 : i32
    %dma_wait3A_585 = arith.constant 0 : i32
    %dma_wait3A_586 = tpu.memref_slice %arg9[%dma_wait3A_583, %dma_wait3A_584, %dma_wait3A_585] : memref<2x128x128xf32, #tpu.memory_space<vmem>> -> memref<1x128x128xf32, #tpu.memory_space<vmem>>
    %dma_wait3A_587 = tpu.memref_squeeze %dma_wait3A_586 : memref<1x128x128xf32, #tpu.memory_space<vmem>> -> memref<128x128xf32, #tpu.memory_space<vmem>>
    %dma_wait3A_588 = arith.constant 0 : i32
    %dma_wait3A_589 = tpu.memref_slice %arg6[%arg0, %add3A_582, %dma_wait3A_588] : memref<2x10240x128xf32, #tpu.memory_space<hbm>> -> memref<1x128x128xf32, #tpu.memory_space<hbm>>
    %dma_wait3A_590 = tpu.memref_squeeze %dma_wait3A_589 : memref<1x128x128xf32, #tpu.memory_space<hbm>> -> memref<128x128xf32, #tpu.memory_space<hbm>>
    %dma_wait3A_591 = arith.constant 0 : i32
    %dma_wait3A_592 = tpu.memref_slice %arg6[%arg0, %add3A_582, %dma_wait3A_591] : memref<2x10240x128xf32, #tpu.memory_space<hbm>> -> memref<1x128x128xf32, #tpu.memory_space<hbm>>
    %dma_wait3A_593 = tpu.memref_squeeze %dma_wait3A_592 : memref<1x128x128xf32, #tpu.memory_space<hbm>> -> memref<128x128xf32, #tpu.memory_space<hbm>>
    %dma_wait3A_594 = arith.constant 0 : i32
    %dma_wait3A_595 = arith.constant 0 : i32
    %dma_wait3A_596 = tpu.memref_slice %arg9[%dma_wait3A_583, %dma_wait3A_594, %dma_wait3A_595] : memref<2x128x128xf32, #tpu.memory_space<vmem>> -> memref<1x128x128xf32, #tpu.memory_space<vmem>>
    %dma_wait3A_597 = tpu.memref_squeeze %dma_wait3A_596 : memref<1x128x128xf32, #tpu.memory_space<vmem>> -> memref<128x128xf32, #tpu.memory_space<vmem>>
    tpu.wait_dma2 semaphore(%arg14 : memref<!tpu.dma_semaphore, #tpu.memory_space<semaphore_mem>>) src(%dma_wait3A_597 : memref<128x128xf32, #tpu.memory_space<vmem>>) dst(%dma_wait3A_593 : memref<128x128xf32, #tpu.memory_space<hbm>>)
    %mul3A_598 = arith.constant 640 : i32
    %mul3A_599 = arith.muli %arg1, %mul3A_598 : i32
    %dma_wait3A_600 = tpu.memref_slice %arg7[%arg0, %mul3A_599] : memref<2x10240xf32, #tpu.memory_space<hbm>> -> memref<1x640xf32, #tpu.memory_space<hbm>>
    %dma_wait3A_601 = tpu.memref_squeeze %dma_wait3A_600 : memref<1x640xf32, #tpu.memory_space<hbm>> -> memref<640xf32, #tpu.memory_space<hbm>>
    %dma_wait3A_602 = tpu.memref_slice %arg7[%arg0, %mul3A_599] : memref<2x10240xf32, #tpu.memory_space<hbm>> -> memref<1x640xf32, #tpu.memory_space<hbm>>
    %dma_wait3A_603 = tpu.memref_squeeze %dma_wait3A_602 : memref<1x640xf32, #tpu.memory_space<hbm>> -> memref<640xf32, #tpu.memory_space<hbm>>
    tpu.wait_dma2 semaphore(%arg16 : memref<!tpu.dma_semaphore, #tpu.memory_space<semaphore_mem>>) src(%arg11 : memref<640xf32, #tpu.memory_space<vmem>>) dst(%dma_wait3A_603 : memref<640xf32, #tpu.memory_space<hbm>>)
    return
  }
}

#map = affine_map<(d0, d1) -> (0, 0)>
#map1 = affine_map<(d0, d1) -> (0, 0, 0)>
#map2 = affine_map<(d0, d1) -> (0)>
module attributes {stable_mosaic.version = 14 : i64} {
  func.func @body(%arg0: i32, %arg1: i32, %arg2: memref<10000x128xf32, #tpu.memory_space<hbm>>, %arg3: memref<2560x2x128xi32, #tpu.memory_space<hbm>>, %arg4: memref<128x128xf32, #tpu.memory_space<hbm>>, %arg5: memref<640xf32, #tpu.memory_space<hbm>>, %arg6: memref<2x10240x128xf32, #tpu.memory_space<hbm>>, %arg7: memref<40x2x128xi32, #tpu.memory_space<vmem>>, %arg8: memref<2x128x128xf32, #tpu.memory_space<vmem>>, %arg9: memref<10240x128xf32, #tpu.memory_space<vmem_shared>>, %arg10: memref<!tpu.dma_semaphore, #tpu.memory_space<semaphore_mem>>, %arg11: memref<!tpu.dma_semaphore, #tpu.memory_space<semaphore_mem>>, %arg12: memref<!tpu.dma_semaphore, #tpu.memory_space<semaphore_mem>>) attributes {dimension_semantics = [#tpu.dimension_semantics<core_parallel>, #tpu.dimension_semantics<subcore_parallel>], iteration_bounds = array<i64: 2, 16>, scalar_prefetch = 0 : i64, scratch_operands = 6 : i64, tpu.core_type = #tpu.core_type<sc_vector_subcore>, window_params = [{transform_indices = #map}, {transform_indices = #map1}, {transform_indices = #map}, {transform_indices = #map2}, {transform_indices = #map1}]} {
    %mul3A = arith.constant 16 : i32
    %mul3A_0 = arith.muli %arg0, %mul3A : i32
    %add3A = arith.addi %mul3A_0, %arg1 : i32
    %run_scoped3A = arith.constant 0 : i32
    "tpu.region"() ({
      %run_scoped3A_498 = tpu.sem_alloc : memref<!tpu.dma_semaphore, #tpu.memory_space<semaphore_mem>>
      %dma_start3A_499 = arith.constant 0 : i32
      %dma_start3A_500 = arith.constant 0 : i32
      %dma_start3A_501 = tpu.memref_slice %arg8[%run_scoped3A, %dma_start3A_499, %dma_start3A_500] : memref<2x128x128xf32, #tpu.memory_space<vmem>> -> memref<1x128x128xf32, #tpu.memory_space<vmem>>
      %dma_start3A_502 = tpu.memref_squeeze %dma_start3A_501 : memref<1x128x128xf32, #tpu.memory_space<vmem>> -> memref<128x128xf32, #tpu.memory_space<vmem>>
      %dma_start3A_503 = arith.constant 0 : i32
      %dma_start3A_504 = arith.constant 0 : i32
      %dma_start3A_505 = tpu.memref_slice %arg8[%run_scoped3A, %dma_start3A_503, %dma_start3A_504] : memref<2x128x128xf32, #tpu.memory_space<vmem>> -> memref<1x128x128xf32, #tpu.memory_space<vmem>>
      %dma_start3A_506 = tpu.memref_squeeze %dma_start3A_505 : memref<1x128x128xf32, #tpu.memory_space<vmem>> -> memref<128x128xf32, #tpu.memory_space<vmem>>
      tpu.enqueue_dma source(%arg4 : memref<128x128xf32, #tpu.memory_space<hbm>>) target(%dma_start3A_506 : memref<128x128xf32, #tpu.memory_space<vmem>>) target_semaphore(%run_scoped3A_498 : memref<!tpu.dma_semaphore, #tpu.memory_space<semaphore_mem>>)
      %dma_wait3A_507 = arith.constant 0 : i32
      %dma_wait3A_508 = arith.constant 0 : i32
      %dma_wait3A_509 = tpu.memref_slice %arg8[%run_scoped3A, %dma_wait3A_507, %dma_wait3A_508] : memref<2x128x128xf32, #tpu.memory_space<vmem>> -> memref<1x128x128xf32, #tpu.memory_space<vmem>>
      %dma_wait3A_510 = tpu.memref_squeeze %dma_wait3A_509 : memref<1x128x128xf32, #tpu.memory_space<vmem>> -> memref<128x128xf32, #tpu.memory_space<vmem>>
      %dma_wait3A_511 = arith.constant 0 : i32
      %dma_wait3A_512 = arith.constant 0 : i32
      %dma_wait3A_513 = tpu.memref_slice %arg8[%run_scoped3A, %dma_wait3A_511, %dma_wait3A_512] : memref<2x128x128xf32, #tpu.memory_space<vmem>> -> memref<1x128x128xf32, #tpu.memory_space<vmem>>
      %dma_wait3A_514 = tpu.memref_squeeze %dma_wait3A_513 : memref<1x128x128xf32, #tpu.memory_space<vmem>> -> memref<128x128xf32, #tpu.memory_space<vmem>>
      tpu.wait_dma2 semaphore(%run_scoped3A_498 : memref<!tpu.dma_semaphore, #tpu.memory_space<semaphore_mem>>) src(%arg4 : memref<128x128xf32, #tpu.memory_space<hbm>>) dst(%dma_wait3A_514 : memref<128x128xf32, #tpu.memory_space<vmem>>)
      tpu.yield
    }) : () -> ()
    %mul3A_1 = arith.constant 640 : i32
    %mul3A_2 = arith.muli %arg1, %mul3A_1 : i32
    %add3A_3 = arith.constant 0 : i32
    %add3A_4 = arith.addi %mul3A_2, %add3A_3 : i32
    %dma_start3A = arith.constant 0 : i32
    %dma_start3A_5 = arith.constant 0 : i32
    %dma_start3A_6 = arith.constant 0 : i32
    %dma_start3A_7 = tpu.memref_slice %arg8[%dma_start3A, %dma_start3A_5, %dma_start3A_6] : memref<2x128x128xf32, #tpu.memory_space<vmem>> -> memref<1x128x128xf32, #tpu.memory_space<vmem>>
    %dma_start3A_8 = tpu.memref_squeeze %dma_start3A_7 : memref<1x128x128xf32, #tpu.memory_space<vmem>> -> memref<128x128xf32, #tpu.memory_space<vmem>>
    %dma_start3A_9 = arith.constant 0 : i32
    %dma_start3A_10 = tpu.memref_slice %arg9[%add3A_4, %dma_start3A_9] : memref<10240x128xf32, #tpu.memory_space<vmem_shared>> -> memref<128x128xf32, #tpu.memory_space<vmem_shared>>
    %dma_start3A_11 = arith.constant 0 : i32
    %dma_start3A_12 = tpu.memref_slice %arg9[%add3A_4, %dma_start3A_11] : memref<10240x128xf32, #tpu.memory_space<vmem_shared>> -> memref<128x128xf32, #tpu.memory_space<vmem_shared>>
    %dma_start3A_13 = arith.constant 0 : i32
    %dma_start3A_14 = arith.constant 0 : i32
    %dma_start3A_15 = tpu.memref_slice %arg8[%dma_start3A, %dma_start3A_13, %dma_start3A_14] : memref<2x128x128xf32, #tpu.memory_space<vmem>> -> memref<1x128x128xf32, #tpu.memory_space<vmem>>
    %dma_start3A_16 = tpu.memref_squeeze %dma_start3A_15 : memref<1x128x128xf32, #tpu.memory_space<vmem>> -> memref<128x128xf32, #tpu.memory_space<vmem>>
    tpu.enqueue_dma source(%dma_start3A_16 : memref<128x128xf32, #tpu.memory_space<vmem>>) target(%dma_start3A_12 : memref<128x128xf32, #tpu.memory_space<vmem_shared>>) target_semaphore(%arg10 : memref<!tpu.dma_semaphore, #tpu.memory_space<semaphore_mem>>)
    %mul3A_17 = arith.constant 640 : i32
    %mul3A_18 = arith.muli %arg1, %mul3A_17 : i32
    %add3A_19 = arith.constant 128 : i32
    %add3A_20 = arith.addi %mul3A_18, %add3A_19 : i32
    %dma_start3A_21 = arith.constant 0 : i32
    %dma_start3A_22 = arith.constant 0 : i32
    %dma_start3A_23 = arith.constant 0 : i32
    %dma_start3A_24 = tpu.memref_slice %arg8[%dma_start3A_21, %dma_start3A_22, %dma_start3A_23] : memref<2x128x128xf32, #tpu.memory_space<vmem>> -> memref<1x128x128xf32, #tpu.memory_space<vmem>>
    %dma_start3A_25 = tpu.memref_squeeze %dma_start3A_24 : memref<1x128x128xf32, #tpu.memory_space<vmem>> -> memref<128x128xf32, #tpu.memory_space<vmem>>
    %dma_start3A_26 = arith.constant 0 : i32
    %dma_start3A_27 = tpu.memref_slice %arg9[%add3A_20, %dma_start3A_26] : memref<10240x128xf32, #tpu.memory_space<vmem_shared>> -> memref<128x128xf32, #tpu.memory_space<vmem_shared>>
    %dma_start3A_28 = arith.constant 0 : i32
    %dma_start3A_29 = tpu.memref_slice %arg9[%add3A_20, %dma_start3A_28] : memref<10240x128xf32, #tpu.memory_space<vmem_shared>> -> memref<128x128xf32, #tpu.memory_space<vmem_shared>>
    %dma_start3A_30 = arith.constant 0 : i32
    %dma_start3A_31 = arith.constant 0 : i32
    %dma_start3A_32 = tpu.memref_slice %arg8[%dma_start3A_21, %dma_start3A_30, %dma_start3A_31] : memref<2x128x128xf32, #tpu.memory_space<vmem>> -> memref<1x128x128xf32, #tpu.memory_space<vmem>>
    %dma_start3A_33 = tpu.memref_squeeze %dma_start3A_32 : memref<1x128x128xf32, #tpu.memory_space<vmem>> -> memref<128x128xf32, #tpu.memory_space<vmem>>
    tpu.enqueue_dma source(%dma_start3A_33 : memref<128x128xf32, #tpu.memory_space<vmem>>) target(%dma_start3A_29 : memref<128x128xf32, #tpu.memory_space<vmem_shared>>) target_semaphore(%arg10 : memref<!tpu.dma_semaphore, #tpu.memory_space<semaphore_mem>>)
    %mul3A_34 = arith.constant 640 : i32
    %mul3A_35 = arith.muli %arg1, %mul3A_34 : i32
    %add3A_36 = arith.constant 256 : i32
    %add3A_37 = arith.addi %mul3A_35, %add3A_36 : i32
    %dma_start3A_38 = arith.constant 0 : i32
    %dma_start3A_39 = arith.constant 0 : i32
    %dma_start3A_40 = arith.constant 0 : i32
    %dma_start3A_41 = tpu.memref_slice %arg8[%dma_start3A_38, %dma_start3A_39, %dma_start3A_40] : memref<2x128x128xf32, #tpu.memory_space<vmem>> -> memref<1x128x128xf32, #tpu.memory_space<vmem>>
    %dma_start3A_42 = tpu.memref_squeeze %dma_start3A_41 : memref<1x128x128xf32, #tpu.memory_space<vmem>> -> memref<128x128xf32, #tpu.memory_space<vmem>>
    %dma_start3A_43 = arith.constant 0 : i32
    %dma_start3A_44 = tpu.memref_slice %arg9[%add3A_37, %dma_start3A_43] : memref<10240x128xf32, #tpu.memory_space<vmem_shared>> -> memref<128x128xf32, #tpu.memory_space<vmem_shared>>
    %dma_start3A_45 = arith.constant 0 : i32
    %dma_start3A_46 = tpu.memref_slice %arg9[%add3A_37, %dma_start3A_45] : memref<10240x128xf32, #tpu.memory_space<vmem_shared>> -> memref<128x128xf32, #tpu.memory_space<vmem_shared>>
    %dma_start3A_47 = arith.constant 0 : i32
    %dma_start3A_48 = arith.constant 0 : i32
    %dma_start3A_49 = tpu.memref_slice %arg8[%dma_start3A_38, %dma_start3A_47, %dma_start3A_48] : memref<2x128x128xf32, #tpu.memory_space<vmem>> -> memref<1x128x128xf32, #tpu.memory_space<vmem>>
    %dma_start3A_50 = tpu.memref_squeeze %dma_start3A_49 : memref<1x128x128xf32, #tpu.memory_space<vmem>> -> memref<128x128xf32, #tpu.memory_space<vmem>>
    tpu.enqueue_dma source(%dma_start3A_50 : memref<128x128xf32, #tpu.memory_space<vmem>>) target(%dma_start3A_46 : memref<128x128xf32, #tpu.memory_space<vmem_shared>>) target_semaphore(%arg10 : memref<!tpu.dma_semaphore, #tpu.memory_space<semaphore_mem>>)
    %mul3A_51 = arith.constant 640 : i32
    %mul3A_52 = arith.muli %arg1, %mul3A_51 : i32
    %add3A_53 = arith.constant 384 : i32
    %add3A_54 = arith.addi %mul3A_52, %add3A_53 : i32
    %dma_start3A_55 = arith.constant 0 : i32
    %dma_start3A_56 = arith.constant 0 : i32
    %dma_start3A_57 = arith.constant 0 : i32
    %dma_start3A_58 = tpu.memref_slice %arg8[%dma_start3A_55, %dma_start3A_56, %dma_start3A_57] : memref<2x128x128xf32, #tpu.memory_space<vmem>> -> memref<1x128x128xf32, #tpu.memory_space<vmem>>
    %dma_start3A_59 = tpu.memref_squeeze %dma_start3A_58 : memref<1x128x128xf32, #tpu.memory_space<vmem>> -> memref<128x128xf32, #tpu.memory_space<vmem>>
    %dma_start3A_60 = arith.constant 0 : i32
    %dma_start3A_61 = tpu.memref_slice %arg9[%add3A_54, %dma_start3A_60] : memref<10240x128xf32, #tpu.memory_space<vmem_shared>> -> memref<128x128xf32, #tpu.memory_space<vmem_shared>>
    %dma_start3A_62 = arith.constant 0 : i32
    %dma_start3A_63 = tpu.memref_slice %arg9[%add3A_54, %dma_start3A_62] : memref<10240x128xf32, #tpu.memory_space<vmem_shared>> -> memref<128x128xf32, #tpu.memory_space<vmem_shared>>
    %dma_start3A_64 = arith.constant 0 : i32
    %dma_start3A_65 = arith.constant 0 : i32
    %dma_start3A_66 = tpu.memref_slice %arg8[%dma_start3A_55, %dma_start3A_64, %dma_start3A_65] : memref<2x128x128xf32, #tpu.memory_space<vmem>> -> memref<1x128x128xf32, #tpu.memory_space<vmem>>
    %dma_start3A_67 = tpu.memref_squeeze %dma_start3A_66 : memref<1x128x128xf32, #tpu.memory_space<vmem>> -> memref<128x128xf32, #tpu.memory_space<vmem>>
    tpu.enqueue_dma source(%dma_start3A_67 : memref<128x128xf32, #tpu.memory_space<vmem>>) target(%dma_start3A_63 : memref<128x128xf32, #tpu.memory_space<vmem_shared>>) target_semaphore(%arg10 : memref<!tpu.dma_semaphore, #tpu.memory_space<semaphore_mem>>)
    %mul3A_68 = arith.constant 640 : i32
    %mul3A_69 = arith.muli %arg1, %mul3A_68 : i32
    %add3A_70 = arith.constant 512 : i32
    %add3A_71 = arith.addi %mul3A_69, %add3A_70 : i32
    %dma_start3A_72 = arith.constant 0 : i32
    %dma_start3A_73 = arith.constant 0 : i32
    %dma_start3A_74 = arith.constant 0 : i32
    %dma_start3A_75 = tpu.memref_slice %arg8[%dma_start3A_72, %dma_start3A_73, %dma_start3A_74] : memref<2x128x128xf32, #tpu.memory_space<vmem>> -> memref<1x128x128xf32, #tpu.memory_space<vmem>>
    %dma_start3A_76 = tpu.memref_squeeze %dma_start3A_75 : memref<1x128x128xf32, #tpu.memory_space<vmem>> -> memref<128x128xf32, #tpu.memory_space<vmem>>
    %dma_start3A_77 = arith.constant 0 : i32
    %dma_start3A_78 = tpu.memref_slice %arg9[%add3A_71, %dma_start3A_77] : memref<10240x128xf32, #tpu.memory_space<vmem_shared>> -> memref<128x128xf32, #tpu.memory_space<vmem_shared>>
    %dma_start3A_79 = arith.constant 0 : i32
    %dma_start3A_80 = tpu.memref_slice %arg9[%add3A_71, %dma_start3A_79] : memref<10240x128xf32, #tpu.memory_space<vmem_shared>> -> memref<128x128xf32, #tpu.memory_space<vmem_shared>>
    %dma_start3A_81 = arith.constant 0 : i32
    %dma_start3A_82 = arith.constant 0 : i32
    %dma_start3A_83 = tpu.memref_slice %arg8[%dma_start3A_72, %dma_start3A_81, %dma_start3A_82] : memref<2x128x128xf32, #tpu.memory_space<vmem>> -> memref<1x128x128xf32, #tpu.memory_space<vmem>>
    %dma_start3A_84 = tpu.memref_squeeze %dma_start3A_83 : memref<1x128x128xf32, #tpu.memory_space<vmem>> -> memref<128x128xf32, #tpu.memory_space<vmem>>
    tpu.enqueue_dma source(%dma_start3A_84 : memref<128x128xf32, #tpu.memory_space<vmem>>) target(%dma_start3A_80 : memref<128x128xf32, #tpu.memory_space<vmem_shared>>) target_semaphore(%arg10 : memref<!tpu.dma_semaphore, #tpu.memory_space<semaphore_mem>>)
    %mul3A_85 = arith.constant 640 : i32
    %mul3A_86 = arith.muli %arg1, %mul3A_85 : i32
    %add3A_87 = arith.constant 0 : i32
    %add3A_88 = arith.addi %mul3A_86, %add3A_87 : i32
    %dma_wait3A = arith.constant 0 : i32
    %dma_wait3A_89 = arith.constant 0 : i32
    %dma_wait3A_90 = arith.constant 0 : i32
    %dma_wait3A_91 = tpu.memref_slice %arg8[%dma_wait3A, %dma_wait3A_89, %dma_wait3A_90] : memref<2x128x128xf32, #tpu.memory_space<vmem>> -> memref<1x128x128xf32, #tpu.memory_space<vmem>>
    %dma_wait3A_92 = tpu.memref_squeeze %dma_wait3A_91 : memref<1x128x128xf32, #tpu.memory_space<vmem>> -> memref<128x128xf32, #tpu.memory_space<vmem>>
    %dma_wait3A_93 = arith.constant 0 : i32
    %dma_wait3A_94 = tpu.memref_slice %arg9[%add3A_88, %dma_wait3A_93] : memref<10240x128xf32, #tpu.memory_space<vmem_shared>> -> memref<128x128xf32, #tpu.memory_space<vmem_shared>>
    %dma_wait3A_95 = arith.constant 0 : i32
    %dma_wait3A_96 = tpu.memref_slice %arg9[%add3A_88, %dma_wait3A_95] : memref<10240x128xf32, #tpu.memory_space<vmem_shared>> -> memref<128x128xf32, #tpu.memory_space<vmem_shared>>
    %dma_wait3A_97 = arith.constant 0 : i32
    %dma_wait3A_98 = arith.constant 0 : i32
    %dma_wait3A_99 = tpu.memref_slice %arg8[%dma_wait3A, %dma_wait3A_97, %dma_wait3A_98] : memref<2x128x128xf32, #tpu.memory_space<vmem>> -> memref<1x128x128xf32, #tpu.memory_space<vmem>>
    %dma_wait3A_100 = tpu.memref_squeeze %dma_wait3A_99 : memref<1x128x128xf32, #tpu.memory_space<vmem>> -> memref<128x128xf32, #tpu.memory_space<vmem>>
    tpu.wait_dma2 semaphore(%arg10 : memref<!tpu.dma_semaphore, #tpu.memory_space<semaphore_mem>>) src(%dma_wait3A_100 : memref<128x128xf32, #tpu.memory_space<vmem>>) dst(%dma_wait3A_96 : memref<128x128xf32, #tpu.memory_space<vmem_shared>>)
    %mul3A_101 = arith.constant 640 : i32
    %mul3A_102 = arith.muli %arg1, %mul3A_101 : i32
    %add3A_103 = arith.constant 128 : i32
    %add3A_104 = arith.addi %mul3A_102, %add3A_103 : i32
    %dma_wait3A_105 = arith.constant 0 : i32
    %dma_wait3A_106 = arith.constant 0 : i32
    %dma_wait3A_107 = arith.constant 0 : i32
    %dma_wait3A_108 = tpu.memref_slice %arg8[%dma_wait3A_105, %dma_wait3A_106, %dma_wait3A_107] : memref<2x128x128xf32, #tpu.memory_space<vmem>> -> memref<1x128x128xf32, #tpu.memory_space<vmem>>
    %dma_wait3A_109 = tpu.memref_squeeze %dma_wait3A_108 : memref<1x128x128xf32, #tpu.memory_space<vmem>> -> memref<128x128xf32, #tpu.memory_space<vmem>>
    %dma_wait3A_110 = arith.constant 0 : i32
    %dma_wait3A_111 = tpu.memref_slice %arg9[%add3A_104, %dma_wait3A_110] : memref<10240x128xf32, #tpu.memory_space<vmem_shared>> -> memref<128x128xf32, #tpu.memory_space<vmem_shared>>
    %dma_wait3A_112 = arith.constant 0 : i32
    %dma_wait3A_113 = tpu.memref_slice %arg9[%add3A_104, %dma_wait3A_112] : memref<10240x128xf32, #tpu.memory_space<vmem_shared>> -> memref<128x128xf32, #tpu.memory_space<vmem_shared>>
    %dma_wait3A_114 = arith.constant 0 : i32
    %dma_wait3A_115 = arith.constant 0 : i32
    %dma_wait3A_116 = tpu.memref_slice %arg8[%dma_wait3A_105, %dma_wait3A_114, %dma_wait3A_115] : memref<2x128x128xf32, #tpu.memory_space<vmem>> -> memref<1x128x128xf32, #tpu.memory_space<vmem>>
    %dma_wait3A_117 = tpu.memref_squeeze %dma_wait3A_116 : memref<1x128x128xf32, #tpu.memory_space<vmem>> -> memref<128x128xf32, #tpu.memory_space<vmem>>
    tpu.wait_dma2 semaphore(%arg10 : memref<!tpu.dma_semaphore, #tpu.memory_space<semaphore_mem>>) src(%dma_wait3A_117 : memref<128x128xf32, #tpu.memory_space<vmem>>) dst(%dma_wait3A_113 : memref<128x128xf32, #tpu.memory_space<vmem_shared>>)
    %mul3A_118 = arith.constant 640 : i32
    %mul3A_119 = arith.muli %arg1, %mul3A_118 : i32
    %add3A_120 = arith.constant 256 : i32
    %add3A_121 = arith.addi %mul3A_119, %add3A_120 : i32
    %dma_wait3A_122 = arith.constant 0 : i32
    %dma_wait3A_123 = arith.constant 0 : i32
    %dma_wait3A_124 = arith.constant 0 : i32
    %dma_wait3A_125 = tpu.memref_slice %arg8[%dma_wait3A_122, %dma_wait3A_123, %dma_wait3A_124] : memref<2x128x128xf32, #tpu.memory_space<vmem>> -> memref<1x128x128xf32, #tpu.memory_space<vmem>>
    %dma_wait3A_126 = tpu.memref_squeeze %dma_wait3A_125 : memref<1x128x128xf32, #tpu.memory_space<vmem>> -> memref<128x128xf32, #tpu.memory_space<vmem>>
    %dma_wait3A_127 = arith.constant 0 : i32
    %dma_wait3A_128 = tpu.memref_slice %arg9[%add3A_121, %dma_wait3A_127] : memref<10240x128xf32, #tpu.memory_space<vmem_shared>> -> memref<128x128xf32, #tpu.memory_space<vmem_shared>>
    %dma_wait3A_129 = arith.constant 0 : i32
    %dma_wait3A_130 = tpu.memref_slice %arg9[%add3A_121, %dma_wait3A_129] : memref<10240x128xf32, #tpu.memory_space<vmem_shared>> -> memref<128x128xf32, #tpu.memory_space<vmem_shared>>
    %dma_wait3A_131 = arith.constant 0 : i32
    %dma_wait3A_132 = arith.constant 0 : i32
    %dma_wait3A_133 = tpu.memref_slice %arg8[%dma_wait3A_122, %dma_wait3A_131, %dma_wait3A_132] : memref<2x128x128xf32, #tpu.memory_space<vmem>> -> memref<1x128x128xf32, #tpu.memory_space<vmem>>
    %dma_wait3A_134 = tpu.memref_squeeze %dma_wait3A_133 : memref<1x128x128xf32, #tpu.memory_space<vmem>> -> memref<128x128xf32, #tpu.memory_space<vmem>>
    tpu.wait_dma2 semaphore(%arg10 : memref<!tpu.dma_semaphore, #tpu.memory_space<semaphore_mem>>) src(%dma_wait3A_134 : memref<128x128xf32, #tpu.memory_space<vmem>>) dst(%dma_wait3A_130 : memref<128x128xf32, #tpu.memory_space<vmem_shared>>)
    %mul3A_135 = arith.constant 640 : i32
    %mul3A_136 = arith.muli %arg1, %mul3A_135 : i32
    %add3A_137 = arith.constant 384 : i32
    %add3A_138 = arith.addi %mul3A_136, %add3A_137 : i32
    %dma_wait3A_139 = arith.constant 0 : i32
    %dma_wait3A_140 = arith.constant 0 : i32
    %dma_wait3A_141 = arith.constant 0 : i32
    %dma_wait3A_142 = tpu.memref_slice %arg8[%dma_wait3A_139, %dma_wait3A_140, %dma_wait3A_141] : memref<2x128x128xf32, #tpu.memory_space<vmem>> -> memref<1x128x128xf32, #tpu.memory_space<vmem>>
    %dma_wait3A_143 = tpu.memref_squeeze %dma_wait3A_142 : memref<1x128x128xf32, #tpu.memory_space<vmem>> -> memref<128x128xf32, #tpu.memory_space<vmem>>
    %dma_wait3A_144 = arith.constant 0 : i32
    %dma_wait3A_145 = tpu.memref_slice %arg9[%add3A_138, %dma_wait3A_144] : memref<10240x128xf32, #tpu.memory_space<vmem_shared>> -> memref<128x128xf32, #tpu.memory_space<vmem_shared>>
    %dma_wait3A_146 = arith.constant 0 : i32
    %dma_wait3A_147 = tpu.memref_slice %arg9[%add3A_138, %dma_wait3A_146] : memref<10240x128xf32, #tpu.memory_space<vmem_shared>> -> memref<128x128xf32, #tpu.memory_space<vmem_shared>>
    %dma_wait3A_148 = arith.constant 0 : i32
    %dma_wait3A_149 = arith.constant 0 : i32
    %dma_wait3A_150 = tpu.memref_slice %arg8[%dma_wait3A_139, %dma_wait3A_148, %dma_wait3A_149] : memref<2x128x128xf32, #tpu.memory_space<vmem>> -> memref<1x128x128xf32, #tpu.memory_space<vmem>>
    %dma_wait3A_151 = tpu.memref_squeeze %dma_wait3A_150 : memref<1x128x128xf32, #tpu.memory_space<vmem>> -> memref<128x128xf32, #tpu.memory_space<vmem>>
    tpu.wait_dma2 semaphore(%arg10 : memref<!tpu.dma_semaphore, #tpu.memory_space<semaphore_mem>>) src(%dma_wait3A_151 : memref<128x128xf32, #tpu.memory_space<vmem>>) dst(%dma_wait3A_147 : memref<128x128xf32, #tpu.memory_space<vmem_shared>>)
    %mul3A_152 = arith.constant 640 : i32
    %mul3A_153 = arith.muli %arg1, %mul3A_152 : i32
    %add3A_154 = arith.constant 512 : i32
    %add3A_155 = arith.addi %mul3A_153, %add3A_154 : i32
    %dma_wait3A_156 = arith.constant 0 : i32
    %dma_wait3A_157 = arith.constant 0 : i32
    %dma_wait3A_158 = arith.constant 0 : i32
    %dma_wait3A_159 = tpu.memref_slice %arg8[%dma_wait3A_156, %dma_wait3A_157, %dma_wait3A_158] : memref<2x128x128xf32, #tpu.memory_space<vmem>> -> memref<1x128x128xf32, #tpu.memory_space<vmem>>
    %dma_wait3A_160 = tpu.memref_squeeze %dma_wait3A_159 : memref<1x128x128xf32, #tpu.memory_space<vmem>> -> memref<128x128xf32, #tpu.memory_space<vmem>>
    %dma_wait3A_161 = arith.constant 0 : i32
    %dma_wait3A_162 = tpu.memref_slice %arg9[%add3A_155, %dma_wait3A_161] : memref<10240x128xf32, #tpu.memory_space<vmem_shared>> -> memref<128x128xf32, #tpu.memory_space<vmem_shared>>
    %dma_wait3A_163 = arith.constant 0 : i32
    %dma_wait3A_164 = tpu.memref_slice %arg9[%add3A_155, %dma_wait3A_163] : memref<10240x128xf32, #tpu.memory_space<vmem_shared>> -> memref<128x128xf32, #tpu.memory_space<vmem_shared>>
    %dma_wait3A_165 = arith.constant 0 : i32
    %dma_wait3A_166 = arith.constant 0 : i32
    %dma_wait3A_167 = tpu.memref_slice %arg8[%dma_wait3A_156, %dma_wait3A_165, %dma_wait3A_166] : memref<2x128x128xf32, #tpu.memory_space<vmem>> -> memref<1x128x128xf32, #tpu.memory_space<vmem>>
    %dma_wait3A_168 = tpu.memref_squeeze %dma_wait3A_167 : memref<1x128x128xf32, #tpu.memory_space<vmem>> -> memref<128x128xf32, #tpu.memory_space<vmem>>
    tpu.wait_dma2 semaphore(%arg10 : memref<!tpu.dma_semaphore, #tpu.memory_space<semaphore_mem>>) src(%dma_wait3A_168 : memref<128x128xf32, #tpu.memory_space<vmem>>) dst(%dma_wait3A_164 : memref<128x128xf32, #tpu.memory_space<vmem_shared>>)
    %barrier3A = arith.constant 0 : index
    tpu.barrier barrier_id(%barrier3A)
    %mul3A_169 = arith.constant 80 : i32
    %mul3A_170 = arith.muli %add3A, %mul3A_169 : i32
    %add3A_171 = arith.constant 0 : i32
    %add3A_172 = arith.addi %mul3A_170, %add3A_171 : i32
    "tpu.region"() ({
      %run_scoped3A_498 = tpu.sem_alloc : memref<!tpu.dma_semaphore, #tpu.memory_space<semaphore_mem>>
      %dma_start3A_499 = arith.constant 0 : i32
      %dma_start3A_500 = arith.constant 0 : i32
      %dma_start3A_501 = tpu.memref_slice %arg3[%add3A_172, %dma_start3A_499, %dma_start3A_500] : memref<2560x2x128xi32, #tpu.memory_space<hbm>> -> memref<40x2x128xi32, #tpu.memory_space<hbm>>
      %dma_start3A_502 = arith.constant 0 : i32
      %dma_start3A_503 = arith.constant 0 : i32
      %dma_start3A_504 = tpu.memref_slice %arg3[%add3A_172, %dma_start3A_502, %dma_start3A_503] : memref<2560x2x128xi32, #tpu.memory_space<hbm>> -> memref<40x2x128xi32, #tpu.memory_space<hbm>>
      tpu.enqueue_dma source(%dma_start3A_504 : memref<40x2x128xi32, #tpu.memory_space<hbm>>) target(%arg7 : memref<40x2x128xi32, #tpu.memory_space<vmem>>) target_semaphore(%run_scoped3A_498 : memref<!tpu.dma_semaphore, #tpu.memory_space<semaphore_mem>>)
      %dma_wait3A_505 = arith.constant 0 : i32
      %dma_wait3A_506 = arith.constant 0 : i32
      %dma_wait3A_507 = tpu.memref_slice %arg3[%add3A_172, %dma_wait3A_505, %dma_wait3A_506] : memref<2560x2x128xi32, #tpu.memory_space<hbm>> -> memref<40x2x128xi32, #tpu.memory_space<hbm>>
      %dma_wait3A_508 = arith.constant 0 : i32
      %dma_wait3A_509 = arith.constant 0 : i32
      %dma_wait3A_510 = tpu.memref_slice %arg3[%add3A_172, %dma_wait3A_508, %dma_wait3A_509] : memref<2560x2x128xi32, #tpu.memory_space<hbm>> -> memref<40x2x128xi32, #tpu.memory_space<hbm>>
      tpu.wait_dma2 semaphore(%run_scoped3A_498 : memref<!tpu.dma_semaphore, #tpu.memory_space<semaphore_mem>>) src(%dma_wait3A_510 : memref<40x2x128xi32, #tpu.memory_space<hbm>>) dst(%arg7 : memref<40x2x128xi32, #tpu.memory_space<vmem>>)
      tpu.yield
    }) : () -> ()
    %dma_start3A_173 = arith.constant 0 : i32
    %dma_start3A_174 = arith.constant 0 : i32
    %dma_start3A_175 = arith.constant 0 : i32
    %dma_start3A_176 = arith.constant 0 : i32
    %dma_start3A_177 = arith.constant 0 : i32
    %dma_start3A_178 = tpu.memref_slice %arg8[%dma_start3A_175, %dma_start3A_176, %dma_start3A_177] : memref<2x128x128xf32, #tpu.memory_space<vmem>> -> memref<1x128x128xf32, #tpu.memory_space<vmem>>
    %dma_start3A_179 = tpu.memref_squeeze %dma_start3A_178 : memref<1x128x128xf32, #tpu.memory_space<vmem>> -> memref<128x128xf32, #tpu.memory_space<vmem>>
    %dma_start3A_180 = arith.constant 0 : i32
    %dma_start3A_181 = tpu.memref_slice %arg7[%dma_start3A_173, %dma_start3A_174, %dma_start3A_180] : memref<40x2x128xi32, #tpu.memory_space<vmem>> -> memref<1x1x128xi32, #tpu.memory_space<vmem>>
    %dma_start3A_182 = tpu.memref_squeeze %dma_start3A_181 : memref<1x1x128xi32, #tpu.memory_space<vmem>> -> memref<128xi32, #tpu.memory_space<vmem>>
    %dma_start3A_183 = arith.constant 0 : i32
    %dma_start3A_184 = arith.constant 0 : i32
    %dma_start3A_185 = tpu.memref_slice %arg2[%dma_start3A_183, %dma_start3A_184] : memref<10000x128xf32, #tpu.memory_space<hbm>> -> memref<10000x128xf32, #tpu.memory_space<hbm>>
    tpu.enqueue_indirect_dma source(%dma_start3A_185 : memref<10000x128xf32, #tpu.memory_space<hbm>>) target(%dma_start3A_179 : memref<128x128xf32, #tpu.memory_space<vmem>>) offsets(%dma_start3A_182 : memref<128xi32, #tpu.memory_space<vmem>>) semaphore(%arg10 : memref<!tpu.dma_semaphore, #tpu.memory_space<semaphore_mem>>)
    %dma_start3A_186 = arith.constant 1 : i32
    %dma_start3A_187 = arith.constant 0 : i32
    %dma_start3A_188 = arith.constant 1 : i32
    %dma_start3A_189 = arith.constant 0 : i32
    %dma_start3A_190 = arith.constant 0 : i32
    %dma_start3A_191 = tpu.memref_slice %arg8[%dma_start3A_188, %dma_start3A_189, %dma_start3A_190] : memref<2x128x128xf32, #tpu.memory_space<vmem>> -> memref<1x128x128xf32, #tpu.memory_space<vmem>>
    %dma_start3A_192 = tpu.memref_squeeze %dma_start3A_191 : memref<1x128x128xf32, #tpu.memory_space<vmem>> -> memref<128x128xf32, #tpu.memory_space<vmem>>
    %dma_start3A_193 = arith.constant 0 : i32
    %dma_start3A_194 = tpu.memref_slice %arg7[%dma_start3A_186, %dma_start3A_187, %dma_start3A_193] : memref<40x2x128xi32, #tpu.memory_space<vmem>> -> memref<1x1x128xi32, #tpu.memory_space<vmem>>
    %dma_start3A_195 = tpu.memref_squeeze %dma_start3A_194 : memref<1x1x128xi32, #tpu.memory_space<vmem>> -> memref<128xi32, #tpu.memory_space<vmem>>
    %dma_start3A_196 = arith.constant 0 : i32
    %dma_start3A_197 = arith.constant 0 : i32
    %dma_start3A_198 = tpu.memref_slice %arg2[%dma_start3A_196, %dma_start3A_197] : memref<10000x128xf32, #tpu.memory_space<hbm>> -> memref<10000x128xf32, #tpu.memory_space<hbm>>
    tpu.enqueue_indirect_dma source(%dma_start3A_198 : memref<10000x128xf32, #tpu.memory_space<hbm>>) target(%dma_start3A_192 : memref<128x128xf32, #tpu.memory_space<vmem>>) offsets(%dma_start3A_195 : memref<128xi32, #tpu.memory_space<vmem>>) semaphore(%arg11 : memref<!tpu.dma_semaphore, #tpu.memory_space<semaphore_mem>>)
    %scan3A = arith.constant 0 : i32
    %scan3A_199 = arith.constant 19 : i32
    %scan3A_200 = arith.addi %scan3A, %scan3A_199 : i32
    %scan3A_201 = arith.constant 1 : i32
    scf.for %scan3A_498 = %scan3A to %scan3A_200 step %scan3A_201  : i32 {
      %mul3A_499 = arith.constant 1 : i32
      %mul3A_500 = arith.muli %scan3A_498, %mul3A_499 : i32
      %add3A_501 = arith.constant 0 : i32
      %add3A_502 = arith.addi %add3A_501, %mul3A_500 : i32
      %mul3A_503 = arith.constant 2 : i32
      %mul3A_504 = arith.muli %add3A_502, %mul3A_503 : i32
      %dma_wait3A_505 = arith.constant 0 : i32
      %dma_wait3A_506 = arith.constant 0 : i32
      %dma_wait3A_507 = arith.constant 0 : i32
      %dma_wait3A_508 = arith.constant 0 : i32
      %dma_wait3A_509 = tpu.memref_slice %arg8[%dma_wait3A_506, %dma_wait3A_507, %dma_wait3A_508] : memref<2x128x128xf32, #tpu.memory_space<vmem>> -> memref<1x128x128xf32, #tpu.memory_space<vmem>>
      %dma_wait3A_510 = tpu.memref_squeeze %dma_wait3A_509 : memref<1x128x128xf32, #tpu.memory_space<vmem>> -> memref<128x128xf32, #tpu.memory_space<vmem>>
      %dma_wait3A_511 = arith.constant 0 : i32
      %dma_wait3A_512 = tpu.memref_slice %arg7[%mul3A_504, %dma_wait3A_505, %dma_wait3A_511] : memref<40x2x128xi32, #tpu.memory_space<vmem>> -> memref<1x1x128xi32, #tpu.memory_space<vmem>>
      %dma_wait3A_513 = tpu.memref_squeeze %dma_wait3A_512 : memref<1x1x128xi32, #tpu.memory_space<vmem>> -> memref<128xi32, #tpu.memory_space<vmem>>
      %dma_wait3A_514 = arith.constant 0 : i32
      %dma_wait3A_515 = arith.constant 0 : i32
      %dma_wait3A_516 = tpu.memref_slice %arg2[%dma_wait3A_514, %dma_wait3A_515] : memref<10000x128xf32, #tpu.memory_space<hbm>> -> memref<10000x128xf32, #tpu.memory_space<hbm>>
      tpu.wait_indirect_dma semaphore(%arg10 : memref<!tpu.dma_semaphore, #tpu.memory_space<semaphore_mem>>) src(%dma_wait3A_516 : memref<10000x128xf32, #tpu.memory_space<hbm>>) dst(%dma_wait3A_510 : memref<128x128xf32, #tpu.memory_space<vmem>>)
      %run_scoped3A_517 = arith.constant 0 : i32
      %run_scoped3A_518 = arith.constant 1 : i32
      "tpu.region"() ({
        %run_scoped3A_563 = tpu.sem_alloc : memref<!tpu.dma_semaphore, #tpu.memory_space<semaphore_mem>>
        %dma_start3A_564 = arith.constant 0 : i32
        %dma_start3A_565 = arith.constant 0 : i32
        %dma_start3A_566 = tpu.memref_slice %arg8[%run_scoped3A_517, %dma_start3A_564, %dma_start3A_565] : memref<2x128x128xf32, #tpu.memory_space<vmem>> -> memref<1x128x128xf32, #tpu.memory_space<vmem>>
        %dma_start3A_567 = tpu.memref_squeeze %dma_start3A_566 : memref<1x128x128xf32, #tpu.memory_space<vmem>> -> memref<128x128xf32, #tpu.memory_space<vmem>>
        %dma_start3A_568 = arith.constant 0 : i32
        %dma_start3A_569 = tpu.memref_slice %arg7[%mul3A_504, %run_scoped3A_518, %dma_start3A_568] : memref<40x2x128xi32, #tpu.memory_space<vmem>> -> memref<1x1x128xi32, #tpu.memory_space<vmem>>
        %dma_start3A_570 = tpu.memref_squeeze %dma_start3A_569 : memref<1x1x128xi32, #tpu.memory_space<vmem>> -> memref<128xi32, #tpu.memory_space<vmem>>
        %dma_start3A_571 = arith.constant 0 : i32
        %dma_start3A_572 = arith.constant 0 : i32
        %dma_start3A_573 = tpu.memref_slice %arg9[%dma_start3A_571, %dma_start3A_572] : memref<10240x128xf32, #tpu.memory_space<vmem_shared>> -> memref<10240x128xf32, #tpu.memory_space<vmem_shared>>
        tpu.enqueue_indirect_dma source(%dma_start3A_567 : memref<128x128xf32, #tpu.memory_space<vmem>>) target(%dma_start3A_573 : memref<10240x128xf32, #tpu.memory_space<vmem_shared>>) offsets(%dma_start3A_570 : memref<128xi32, #tpu.memory_space<vmem>>) semaphore(%run_scoped3A_563 : memref<!tpu.dma_semaphore, #tpu.memory_space<semaphore_mem>>) {add = true}
        %dma_wait3A_574 = arith.constant 0 : i32
        %dma_wait3A_575 = arith.constant 0 : i32
        %dma_wait3A_576 = tpu.memref_slice %arg8[%run_scoped3A_517, %dma_wait3A_574, %dma_wait3A_575] : memref<2x128x128xf32, #tpu.memory_space<vmem>> -> memref<1x128x128xf32, #tpu.memory_space<vmem>>
        %dma_wait3A_577 = tpu.memref_squeeze %dma_wait3A_576 : memref<1x128x128xf32, #tpu.memory_space<vmem>> -> memref<128x128xf32, #tpu.memory_space<vmem>>
        %dma_wait3A_578 = arith.constant 0 : i32
        %dma_wait3A_579 = tpu.memref_slice %arg7[%mul3A_504, %run_scoped3A_518, %dma_wait3A_578] : memref<40x2x128xi32, #tpu.memory_space<vmem>> -> memref<1x1x128xi32, #tpu.memory_space<vmem>>
        %dma_wait3A_580 = tpu.memref_squeeze %dma_wait3A_579 : memref<1x1x128xi32, #tpu.memory_space<vmem>> -> memref<128xi32, #tpu.memory_space<vmem>>
        %dma_wait3A_581 = arith.constant 0 : i32
        %dma_wait3A_582 = arith.constant 0 : i32
        %dma_wait3A_583 = tpu.memref_slice %arg9[%dma_wait3A_581, %dma_wait3A_582] : memref<10240x128xf32, #tpu.memory_space<vmem_shared>> -> memref<10240x128xf32, #tpu.memory_space<vmem_shared>>
        tpu.wait_indirect_dma semaphore(%run_scoped3A_563 : memref<!tpu.dma_semaphore, #tpu.memory_space<semaphore_mem>>) src(%dma_wait3A_577 : memref<128x128xf32, #tpu.memory_space<vmem>>) dst(%dma_wait3A_583 : memref<10240x128xf32, #tpu.memory_space<vmem_shared>>)
        tpu.yield
      }) : () -> ()
      %add3A_519 = arith.constant 2 : i32
      %add3A_520 = arith.addi %mul3A_504, %add3A_519 : i32
      %dma_start3A_521 = arith.constant 0 : i32
      %dma_start3A_522 = arith.constant 0 : i32
      %dma_start3A_523 = arith.constant 0 : i32
      %dma_start3A_524 = arith.constant 0 : i32
      %dma_start3A_525 = tpu.memref_slice %arg8[%dma_start3A_522, %dma_start3A_523, %dma_start3A_524] : memref<2x128x128xf32, #tpu.memory_space<vmem>> -> memref<1x128x128xf32, #tpu.memory_space<vmem>>
      %dma_start3A_526 = tpu.memref_squeeze %dma_start3A_525 : memref<1x128x128xf32, #tpu.memory_space<vmem>> -> memref<128x128xf32, #tpu.memory_space<vmem>>
      %dma_start3A_527 = arith.constant 0 : i32
      %dma_start3A_528 = tpu.memref_slice %arg7[%add3A_520, %dma_start3A_521, %dma_start3A_527] : memref<40x2x128xi32, #tpu.memory_space<vmem>> -> memref<1x1x128xi32, #tpu.memory_space<vmem>>
      %dma_start3A_529 = tpu.memref_squeeze %dma_start3A_528 : memref<1x1x128xi32, #tpu.memory_space<vmem>> -> memref<128xi32, #tpu.memory_space<vmem>>
      %dma_start3A_530 = arith.constant 0 : i32
      %dma_start3A_531 = arith.constant 0 : i32
      %dma_start3A_532 = tpu.memref_slice %arg2[%dma_start3A_530, %dma_start3A_531] : memref<10000x128xf32, #tpu.memory_space<hbm>> -> memref<10000x128xf32, #tpu.memory_space<hbm>>
      tpu.enqueue_indirect_dma source(%dma_start3A_532 : memref<10000x128xf32, #tpu.memory_space<hbm>>) target(%dma_start3A_526 : memref<128x128xf32, #tpu.memory_space<vmem>>) offsets(%dma_start3A_529 : memref<128xi32, #tpu.memory_space<vmem>>) semaphore(%arg10 : memref<!tpu.dma_semaphore, #tpu.memory_space<semaphore_mem>>)
      %add3A_533 = arith.constant 1 : i32
      %add3A_534 = arith.addi %mul3A_504, %add3A_533 : i32
      %dma_wait3A_535 = arith.constant 0 : i32
      %dma_wait3A_536 = arith.constant 1 : i32
      %dma_wait3A_537 = arith.constant 0 : i32
      %dma_wait3A_538 = arith.constant 0 : i32
      %dma_wait3A_539 = tpu.memref_slice %arg8[%dma_wait3A_536, %dma_wait3A_537, %dma_wait3A_538] : memref<2x128x128xf32, #tpu.memory_space<vmem>> -> memref<1x128x128xf32, #tpu.memory_space<vmem>>
      %dma_wait3A_540 = tpu.memref_squeeze %dma_wait3A_539 : memref<1x128x128xf32, #tpu.memory_space<vmem>> -> memref<128x128xf32, #tpu.memory_space<vmem>>
      %dma_wait3A_541 = arith.constant 0 : i32
      %dma_wait3A_542 = tpu.memref_slice %arg7[%add3A_534, %dma_wait3A_535, %dma_wait3A_541] : memref<40x2x128xi32, #tpu.memory_space<vmem>> -> memref<1x1x128xi32, #tpu.memory_space<vmem>>
      %dma_wait3A_543 = tpu.memref_squeeze %dma_wait3A_542 : memref<1x1x128xi32, #tpu.memory_space<vmem>> -> memref<128xi32, #tpu.memory_space<vmem>>
      %dma_wait3A_544 = arith.constant 0 : i32
      %dma_wait3A_545 = arith.constant 0 : i32
      %dma_wait3A_546 = tpu.memref_slice %arg2[%dma_wait3A_544, %dma_wait3A_545] : memref<10000x128xf32, #tpu.memory_space<hbm>> -> memref<10000x128xf32, #tpu.memory_space<hbm>>
      tpu.wait_indirect_dma semaphore(%arg11 : memref<!tpu.dma_semaphore, #tpu.memory_space<semaphore_mem>>) src(%dma_wait3A_546 : memref<10000x128xf32, #tpu.memory_space<hbm>>) dst(%dma_wait3A_540 : memref<128x128xf32, #tpu.memory_space<vmem>>)
      %run_scoped3A_547 = arith.constant 1 : i32
      %run_scoped3A_548 = arith.constant 1 : i32
      "tpu.region"() ({
        %run_scoped3A_563 = tpu.sem_alloc : memref<!tpu.dma_semaphore, #tpu.memory_space<semaphore_mem>>
        %dma_start3A_564 = arith.constant 0 : i32
        %dma_start3A_565 = arith.constant 0 : i32
        %dma_start3A_566 = tpu.memref_slice %arg8[%run_scoped3A_547, %dma_start3A_564, %dma_start3A_565] : memref<2x128x128xf32, #tpu.memory_space<vmem>> -> memref<1x128x128xf32, #tpu.memory_space<vmem>>
        %dma_start3A_567 = tpu.memref_squeeze %dma_start3A_566 : memref<1x128x128xf32, #tpu.memory_space<vmem>> -> memref<128x128xf32, #tpu.memory_space<vmem>>
        %dma_start3A_568 = arith.constant 0 : i32
        %dma_start3A_569 = tpu.memref_slice %arg7[%add3A_534, %run_scoped3A_548, %dma_start3A_568] : memref<40x2x128xi32, #tpu.memory_space<vmem>> -> memref<1x1x128xi32, #tpu.memory_space<vmem>>
        %dma_start3A_570 = tpu.memref_squeeze %dma_start3A_569 : memref<1x1x128xi32, #tpu.memory_space<vmem>> -> memref<128xi32, #tpu.memory_space<vmem>>
        %dma_start3A_571 = arith.constant 0 : i32
        %dma_start3A_572 = arith.constant 0 : i32
        %dma_start3A_573 = tpu.memref_slice %arg9[%dma_start3A_571, %dma_start3A_572] : memref<10240x128xf32, #tpu.memory_space<vmem_shared>> -> memref<10240x128xf32, #tpu.memory_space<vmem_shared>>
        tpu.enqueue_indirect_dma source(%dma_start3A_567 : memref<128x128xf32, #tpu.memory_space<vmem>>) target(%dma_start3A_573 : memref<10240x128xf32, #tpu.memory_space<vmem_shared>>) offsets(%dma_start3A_570 : memref<128xi32, #tpu.memory_space<vmem>>) semaphore(%run_scoped3A_563 : memref<!tpu.dma_semaphore, #tpu.memory_space<semaphore_mem>>) {add = true}
        %dma_wait3A_574 = arith.constant 0 : i32
        %dma_wait3A_575 = arith.constant 0 : i32
        %dma_wait3A_576 = tpu.memref_slice %arg8[%run_scoped3A_547, %dma_wait3A_574, %dma_wait3A_575] : memref<2x128x128xf32, #tpu.memory_space<vmem>> -> memref<1x128x128xf32, #tpu.memory_space<vmem>>
        %dma_wait3A_577 = tpu.memref_squeeze %dma_wait3A_576 : memref<1x128x128xf32, #tpu.memory_space<vmem>> -> memref<128x128xf32, #tpu.memory_space<vmem>>
        %dma_wait3A_578 = arith.constant 0 : i32
        %dma_wait3A_579 = tpu.memref_slice %arg7[%add3A_534, %run_scoped3A_548, %dma_wait3A_578] : memref<40x2x128xi32, #tpu.memory_space<vmem>> -> memref<1x1x128xi32, #tpu.memory_space<vmem>>
        %dma_wait3A_580 = tpu.memref_squeeze %dma_wait3A_579 : memref<1x1x128xi32, #tpu.memory_space<vmem>> -> memref<128xi32, #tpu.memory_space<vmem>>
        %dma_wait3A_581 = arith.constant 0 : i32
        %dma_wait3A_582 = arith.constant 0 : i32
        %dma_wait3A_583 = tpu.memref_slice %arg9[%dma_wait3A_581, %dma_wait3A_582] : memref<10240x128xf32, #tpu.memory_space<vmem_shared>> -> memref<10240x128xf32, #tpu.memory_space<vmem_shared>>
        tpu.wait_indirect_dma semaphore(%run_scoped3A_563 : memref<!tpu.dma_semaphore, #tpu.memory_space<semaphore_mem>>) src(%dma_wait3A_577 : memref<128x128xf32, #tpu.memory_space<vmem>>) dst(%dma_wait3A_583 : memref<10240x128xf32, #tpu.memory_space<vmem_shared>>)
        tpu.yield
      }) : () -> ()
      %add3A_549 = arith.constant 3 : i32
      %add3A_550 = arith.addi %mul3A_504, %add3A_549 : i32
      %dma_start3A_551 = arith.constant 0 : i32
      %dma_start3A_552 = arith.constant 1 : i32
      %dma_start3A_553 = arith.constant 0 : i32
      %dma_start3A_554 = arith.constant 0 : i32
      %dma_start3A_555 = tpu.memref_slice %arg8[%dma_start3A_552, %dma_start3A_553, %dma_start3A_554] : memref<2x128x128xf32, #tpu.memory_space<vmem>> -> memref<1x128x128xf32, #tpu.memory_space<vmem>>
      %dma_start3A_556 = tpu.memref_squeeze %dma_start3A_555 : memref<1x128x128xf32, #tpu.memory_space<vmem>> -> memref<128x128xf32, #tpu.memory_space<vmem>>
      %dma_start3A_557 = arith.constant 0 : i32
      %dma_start3A_558 = tpu.memref_slice %arg7[%add3A_550, %dma_start3A_551, %dma_start3A_557] : memref<40x2x128xi32, #tpu.memory_space<vmem>> -> memref<1x1x128xi32, #tpu.memory_space<vmem>>
      %dma_start3A_559 = tpu.memref_squeeze %dma_start3A_558 : memref<1x1x128xi32, #tpu.memory_space<vmem>> -> memref<128xi32, #tpu.memory_space<vmem>>
      %dma_start3A_560 = arith.constant 0 : i32
      %dma_start3A_561 = arith.constant 0 : i32
      %dma_start3A_562 = tpu.memref_slice %arg2[%dma_start3A_560, %dma_start3A_561] : memref<10000x128xf32, #tpu.memory_space<hbm>> -> memref<10000x128xf32, #tpu.memory_space<hbm>>
      tpu.enqueue_indirect_dma source(%dma_start3A_562 : memref<10000x128xf32, #tpu.memory_space<hbm>>) target(%dma_start3A_556 : memref<128x128xf32, #tpu.memory_space<vmem>>) offsets(%dma_start3A_559 : memref<128xi32, #tpu.memory_space<vmem>>) semaphore(%arg11 : memref<!tpu.dma_semaphore, #tpu.memory_space<semaphore_mem>>)
    }
    %scan3A_202 = arith.constant 19 : i32
    %dma_wait3A_203 = arith.constant 38 : i32
    %dma_wait3A_204 = arith.constant 0 : i32
    %dma_wait3A_205 = arith.constant 0 : i32
    %dma_wait3A_206 = arith.constant 0 : i32
    %dma_wait3A_207 = arith.constant 0 : i32
    %dma_wait3A_208 = tpu.memref_slice %arg8[%dma_wait3A_205, %dma_wait3A_206, %dma_wait3A_207] : memref<2x128x128xf32, #tpu.memory_space<vmem>> -> memref<1x128x128xf32, #tpu.memory_space<vmem>>
    %dma_wait3A_209 = tpu.memref_squeeze %dma_wait3A_208 : memref<1x128x128xf32, #tpu.memory_space<vmem>> -> memref<128x128xf32, #tpu.memory_space<vmem>>
    %dma_wait3A_210 = arith.constant 0 : i32
    %dma_wait3A_211 = tpu.memref_slice %arg7[%dma_wait3A_203, %dma_wait3A_204, %dma_wait3A_210] : memref<40x2x128xi32, #tpu.memory_space<vmem>> -> memref<1x1x128xi32, #tpu.memory_space<vmem>>
    %dma_wait3A_212 = tpu.memref_squeeze %dma_wait3A_211 : memref<1x1x128xi32, #tpu.memory_space<vmem>> -> memref<128xi32, #tpu.memory_space<vmem>>
    %dma_wait3A_213 = arith.constant 0 : i32
    %dma_wait3A_214 = arith.constant 0 : i32
    %dma_wait3A_215 = tpu.memref_slice %arg2[%dma_wait3A_213, %dma_wait3A_214] : memref<10000x128xf32, #tpu.memory_space<hbm>> -> memref<10000x128xf32, #tpu.memory_space<hbm>>
    tpu.wait_indirect_dma semaphore(%arg10 : memref<!tpu.dma_semaphore, #tpu.memory_space<semaphore_mem>>) src(%dma_wait3A_215 : memref<10000x128xf32, #tpu.memory_space<hbm>>) dst(%dma_wait3A_209 : memref<128x128xf32, #tpu.memory_space<vmem>>)
    %run_scoped3A_216 = arith.constant 0 : i32
    %run_scoped3A_217 = arith.constant 38 : i32
    %run_scoped3A_218 = arith.constant 1 : i32
    "tpu.region"() ({
      %run_scoped3A_498 = tpu.sem_alloc : memref<!tpu.dma_semaphore, #tpu.memory_space<semaphore_mem>>
      %dma_start3A_499 = arith.constant 0 : i32
      %dma_start3A_500 = arith.constant 0 : i32
      %dma_start3A_501 = tpu.memref_slice %arg8[%run_scoped3A_216, %dma_start3A_499, %dma_start3A_500] : memref<2x128x128xf32, #tpu.memory_space<vmem>> -> memref<1x128x128xf32, #tpu.memory_space<vmem>>
      %dma_start3A_502 = tpu.memref_squeeze %dma_start3A_501 : memref<1x128x128xf32, #tpu.memory_space<vmem>> -> memref<128x128xf32, #tpu.memory_space<vmem>>
      %dma_start3A_503 = arith.constant 0 : i32
      %dma_start3A_504 = tpu.memref_slice %arg7[%run_scoped3A_217, %run_scoped3A_218, %dma_start3A_503] : memref<40x2x128xi32, #tpu.memory_space<vmem>> -> memref<1x1x128xi32, #tpu.memory_space<vmem>>
      %dma_start3A_505 = tpu.memref_squeeze %dma_start3A_504 : memref<1x1x128xi32, #tpu.memory_space<vmem>> -> memref<128xi32, #tpu.memory_space<vmem>>
      %dma_start3A_506 = arith.constant 0 : i32
      %dma_start3A_507 = arith.constant 0 : i32
      %dma_start3A_508 = tpu.memref_slice %arg9[%dma_start3A_506, %dma_start3A_507] : memref<10240x128xf32, #tpu.memory_space<vmem_shared>> -> memref<10240x128xf32, #tpu.memory_space<vmem_shared>>
      tpu.enqueue_indirect_dma source(%dma_start3A_502 : memref<128x128xf32, #tpu.memory_space<vmem>>) target(%dma_start3A_508 : memref<10240x128xf32, #tpu.memory_space<vmem_shared>>) offsets(%dma_start3A_505 : memref<128xi32, #tpu.memory_space<vmem>>) semaphore(%run_scoped3A_498 : memref<!tpu.dma_semaphore, #tpu.memory_space<semaphore_mem>>) {add = true}
      %dma_wait3A_509 = arith.constant 0 : i32
      %dma_wait3A_510 = arith.constant 0 : i32
      %dma_wait3A_511 = tpu.memref_slice %arg8[%run_scoped3A_216, %dma_wait3A_509, %dma_wait3A_510] : memref<2x128x128xf32, #tpu.memory_space<vmem>> -> memref<1x128x128xf32, #tpu.memory_space<vmem>>
      %dma_wait3A_512 = tpu.memref_squeeze %dma_wait3A_511 : memref<1x128x128xf32, #tpu.memory_space<vmem>> -> memref<128x128xf32, #tpu.memory_space<vmem>>
      %dma_wait3A_513 = arith.constant 0 : i32
      %dma_wait3A_514 = tpu.memref_slice %arg7[%run_scoped3A_217, %run_scoped3A_218, %dma_wait3A_513] : memref<40x2x128xi32, #tpu.memory_space<vmem>> -> memref<1x1x128xi32, #tpu.memory_space<vmem>>
      %dma_wait3A_515 = tpu.memref_squeeze %dma_wait3A_514 : memref<1x1x128xi32, #tpu.memory_space<vmem>> -> memref<128xi32, #tpu.memory_space<vmem>>
      %dma_wait3A_516 = arith.constant 0 : i32
      %dma_wait3A_517 = arith.constant 0 : i32
      %dma_wait3A_518 = tpu.memref_slice %arg9[%dma_wait3A_516, %dma_wait3A_517] : memref<10240x128xf32, #tpu.memory_space<vmem_shared>> -> memref<10240x128xf32, #tpu.memory_space<vmem_shared>>
      tpu.wait_indirect_dma semaphore(%run_scoped3A_498 : memref<!tpu.dma_semaphore, #tpu.memory_space<semaphore_mem>>) src(%dma_wait3A_512 : memref<128x128xf32, #tpu.memory_space<vmem>>) dst(%dma_wait3A_518 : memref<10240x128xf32, #tpu.memory_space<vmem_shared>>)
      tpu.yield
    }) : () -> ()
    %dma_wait3A_219 = arith.constant 39 : i32
    %dma_wait3A_220 = arith.constant 0 : i32
    %dma_wait3A_221 = arith.constant 1 : i32
    %dma_wait3A_222 = arith.constant 0 : i32
    %dma_wait3A_223 = arith.constant 0 : i32
    %dma_wait3A_224 = tpu.memref_slice %arg8[%dma_wait3A_221, %dma_wait3A_222, %dma_wait3A_223] : memref<2x128x128xf32, #tpu.memory_space<vmem>> -> memref<1x128x128xf32, #tpu.memory_space<vmem>>
    %dma_wait3A_225 = tpu.memref_squeeze %dma_wait3A_224 : memref<1x128x128xf32, #tpu.memory_space<vmem>> -> memref<128x128xf32, #tpu.memory_space<vmem>>
    %dma_wait3A_226 = arith.constant 0 : i32
    %dma_wait3A_227 = tpu.memref_slice %arg7[%dma_wait3A_219, %dma_wait3A_220, %dma_wait3A_226] : memref<40x2x128xi32, #tpu.memory_space<vmem>> -> memref<1x1x128xi32, #tpu.memory_space<vmem>>
    %dma_wait3A_228 = tpu.memref_squeeze %dma_wait3A_227 : memref<1x1x128xi32, #tpu.memory_space<vmem>> -> memref<128xi32, #tpu.memory_space<vmem>>
    %dma_wait3A_229 = arith.constant 0 : i32
    %dma_wait3A_230 = arith.constant 0 : i32
    %dma_wait3A_231 = tpu.memref_slice %arg2[%dma_wait3A_229, %dma_wait3A_230] : memref<10000x128xf32, #tpu.memory_space<hbm>> -> memref<10000x128xf32, #tpu.memory_space<hbm>>
    tpu.wait_indirect_dma semaphore(%arg11 : memref<!tpu.dma_semaphore, #tpu.memory_space<semaphore_mem>>) src(%dma_wait3A_231 : memref<10000x128xf32, #tpu.memory_space<hbm>>) dst(%dma_wait3A_225 : memref<128x128xf32, #tpu.memory_space<vmem>>)
    %run_scoped3A_232 = arith.constant 1 : i32
    %run_scoped3A_233 = arith.constant 39 : i32
    %run_scoped3A_234 = arith.constant 1 : i32
    "tpu.region"() ({
      %run_scoped3A_498 = tpu.sem_alloc : memref<!tpu.dma_semaphore, #tpu.memory_space<semaphore_mem>>
      %dma_start3A_499 = arith.constant 0 : i32
      %dma_start3A_500 = arith.constant 0 : i32
      %dma_start3A_501 = tpu.memref_slice %arg8[%run_scoped3A_232, %dma_start3A_499, %dma_start3A_500] : memref<2x128x128xf32, #tpu.memory_space<vmem>> -> memref<1x128x128xf32, #tpu.memory_space<vmem>>
      %dma_start3A_502 = tpu.memref_squeeze %dma_start3A_501 : memref<1x128x128xf32, #tpu.memory_space<vmem>> -> memref<128x128xf32, #tpu.memory_space<vmem>>
      %dma_start3A_503 = arith.constant 0 : i32
      %dma_start3A_504 = tpu.memref_slice %arg7[%run_scoped3A_233, %run_scoped3A_234, %dma_start3A_503] : memref<40x2x128xi32, #tpu.memory_space<vmem>> -> memref<1x1x128xi32, #tpu.memory_space<vmem>>
      %dma_start3A_505 = tpu.memref_squeeze %dma_start3A_504 : memref<1x1x128xi32, #tpu.memory_space<vmem>> -> memref<128xi32, #tpu.memory_space<vmem>>
      %dma_start3A_506 = arith.constant 0 : i32
      %dma_start3A_507 = arith.constant 0 : i32
      %dma_start3A_508 = tpu.memref_slice %arg9[%dma_start3A_506, %dma_start3A_507] : memref<10240x128xf32, #tpu.memory_space<vmem_shared>> -> memref<10240x128xf32, #tpu.memory_space<vmem_shared>>
      tpu.enqueue_indirect_dma source(%dma_start3A_502 : memref<128x128xf32, #tpu.memory_space<vmem>>) target(%dma_start3A_508 : memref<10240x128xf32, #tpu.memory_space<vmem_shared>>) offsets(%dma_start3A_505 : memref<128xi32, #tpu.memory_space<vmem>>) semaphore(%run_scoped3A_498 : memref<!tpu.dma_semaphore, #tpu.memory_space<semaphore_mem>>) {add = true}
      %dma_wait3A_509 = arith.constant 0 : i32
      %dma_wait3A_510 = arith.constant 0 : i32
      %dma_wait3A_511 = tpu.memref_slice %arg8[%run_scoped3A_232, %dma_wait3A_509, %dma_wait3A_510] : memref<2x128x128xf32, #tpu.memory_space<vmem>> -> memref<1x128x128xf32, #tpu.memory_space<vmem>>
      %dma_wait3A_512 = tpu.memref_squeeze %dma_wait3A_511 : memref<1x128x128xf32, #tpu.memory_space<vmem>> -> memref<128x128xf32, #tpu.memory_space<vmem>>
      %dma_wait3A_513 = arith.constant 0 : i32
      %dma_wait3A_514 = tpu.memref_slice %arg7[%run_scoped3A_233, %run_scoped3A_234, %dma_wait3A_513] : memref<40x2x128xi32, #tpu.memory_space<vmem>> -> memref<1x1x128xi32, #tpu.memory_space<vmem>>
      %dma_wait3A_515 = tpu.memref_squeeze %dma_wait3A_514 : memref<1x1x128xi32, #tpu.memory_space<vmem>> -> memref<128xi32, #tpu.memory_space<vmem>>
      %dma_wait3A_516 = arith.constant 0 : i32
      %dma_wait3A_517 = arith.constant 0 : i32
      %dma_wait3A_518 = tpu.memref_slice %arg9[%dma_wait3A_516, %dma_wait3A_517] : memref<10240x128xf32, #tpu.memory_space<vmem_shared>> -> memref<10240x128xf32, #tpu.memory_space<vmem_shared>>
      tpu.wait_indirect_dma semaphore(%run_scoped3A_498 : memref<!tpu.dma_semaphore, #tpu.memory_space<semaphore_mem>>) src(%dma_wait3A_512 : memref<128x128xf32, #tpu.memory_space<vmem>>) dst(%dma_wait3A_518 : memref<10240x128xf32, #tpu.memory_space<vmem_shared>>)
      tpu.yield
    }) : () -> ()
    %mul3A_235 = arith.constant 80 : i32
    %mul3A_236 = arith.muli %add3A, %mul3A_235 : i32
    %add3A_237 = arith.constant 40 : i32
    %add3A_238 = arith.addi %mul3A_236, %add3A_237 : i32
    "tpu.region"() ({
      %run_scoped3A_498 = tpu.sem_alloc : memref<!tpu.dma_semaphore, #tpu.memory_space<semaphore_mem>>
      %dma_start3A_499 = arith.constant 0 : i32
      %dma_start3A_500 = arith.constant 0 : i32
      %dma_start3A_501 = tpu.memref_slice %arg3[%add3A_238, %dma_start3A_499, %dma_start3A_500] : memref<2560x2x128xi32, #tpu.memory_space<hbm>> -> memref<40x2x128xi32, #tpu.memory_space<hbm>>
      %dma_start3A_502 = arith.constant 0 : i32
      %dma_start3A_503 = arith.constant 0 : i32
      %dma_start3A_504 = tpu.memref_slice %arg3[%add3A_238, %dma_start3A_502, %dma_start3A_503] : memref<2560x2x128xi32, #tpu.memory_space<hbm>> -> memref<40x2x128xi32, #tpu.memory_space<hbm>>
      tpu.enqueue_dma source(%dma_start3A_504 : memref<40x2x128xi32, #tpu.memory_space<hbm>>) target(%arg7 : memref<40x2x128xi32, #tpu.memory_space<vmem>>) target_semaphore(%run_scoped3A_498 : memref<!tpu.dma_semaphore, #tpu.memory_space<semaphore_mem>>)
      %dma_wait3A_505 = arith.constant 0 : i32
      %dma_wait3A_506 = arith.constant 0 : i32
      %dma_wait3A_507 = tpu.memref_slice %arg3[%add3A_238, %dma_wait3A_505, %dma_wait3A_506] : memref<2560x2x128xi32, #tpu.memory_space<hbm>> -> memref<40x2x128xi32, #tpu.memory_space<hbm>>
      %dma_wait3A_508 = arith.constant 0 : i32
      %dma_wait3A_509 = arith.constant 0 : i32
      %dma_wait3A_510 = tpu.memref_slice %arg3[%add3A_238, %dma_wait3A_508, %dma_wait3A_509] : memref<2560x2x128xi32, #tpu.memory_space<hbm>> -> memref<40x2x128xi32, #tpu.memory_space<hbm>>
      tpu.wait_dma2 semaphore(%run_scoped3A_498 : memref<!tpu.dma_semaphore, #tpu.memory_space<semaphore_mem>>) src(%dma_wait3A_510 : memref<40x2x128xi32, #tpu.memory_space<hbm>>) dst(%arg7 : memref<40x2x128xi32, #tpu.memory_space<vmem>>)
      tpu.yield
    }) : () -> ()
    %dma_start3A_239 = arith.constant 0 : i32
    %dma_start3A_240 = arith.constant 0 : i32
    %dma_start3A_241 = arith.constant 0 : i32
    %dma_start3A_242 = arith.constant 0 : i32
    %dma_start3A_243 = arith.constant 0 : i32
    %dma_start3A_244 = tpu.memref_slice %arg8[%dma_start3A_241, %dma_start3A_242, %dma_start3A_243] : memref<2x128x128xf32, #tpu.memory_space<vmem>> -> memref<1x128x128xf32, #tpu.memory_space<vmem>>
    %dma_start3A_245 = tpu.memref_squeeze %dma_start3A_244 : memref<1x128x128xf32, #tpu.memory_space<vmem>> -> memref<128x128xf32, #tpu.memory_space<vmem>>
    %dma_start3A_246 = arith.constant 0 : i32
    %dma_start3A_247 = tpu.memref_slice %arg7[%dma_start3A_239, %dma_start3A_240, %dma_start3A_246] : memref<40x2x128xi32, #tpu.memory_space<vmem>> -> memref<1x1x128xi32, #tpu.memory_space<vmem>>
    %dma_start3A_248 = tpu.memref_squeeze %dma_start3A_247 : memref<1x1x128xi32, #tpu.memory_space<vmem>> -> memref<128xi32, #tpu.memory_space<vmem>>
    %dma_start3A_249 = arith.constant 0 : i32
    %dma_start3A_250 = arith.constant 0 : i32
    %dma_start3A_251 = tpu.memref_slice %arg2[%dma_start3A_249, %dma_start3A_250] : memref<10000x128xf32, #tpu.memory_space<hbm>> -> memref<10000x128xf32, #tpu.memory_space<hbm>>
    tpu.enqueue_indirect_dma source(%dma_start3A_251 : memref<10000x128xf32, #tpu.memory_space<hbm>>) target(%dma_start3A_245 : memref<128x128xf32, #tpu.memory_space<vmem>>) offsets(%dma_start3A_248 : memref<128xi32, #tpu.memory_space<vmem>>) semaphore(%arg10 : memref<!tpu.dma_semaphore, #tpu.memory_space<semaphore_mem>>)
    %dma_start3A_252 = arith.constant 1 : i32
    %dma_start3A_253 = arith.constant 0 : i32
    %dma_start3A_254 = arith.constant 1 : i32
    %dma_start3A_255 = arith.constant 0 : i32
    %dma_start3A_256 = arith.constant 0 : i32
    %dma_start3A_257 = tpu.memref_slice %arg8[%dma_start3A_254, %dma_start3A_255, %dma_start3A_256] : memref<2x128x128xf32, #tpu.memory_space<vmem>> -> memref<1x128x128xf32, #tpu.memory_space<vmem>>
    %dma_start3A_258 = tpu.memref_squeeze %dma_start3A_257 : memref<1x128x128xf32, #tpu.memory_space<vmem>> -> memref<128x128xf32, #tpu.memory_space<vmem>>
    %dma_start3A_259 = arith.constant 0 : i32
    %dma_start3A_260 = tpu.memref_slice %arg7[%dma_start3A_252, %dma_start3A_253, %dma_start3A_259] : memref<40x2x128xi32, #tpu.memory_space<vmem>> -> memref<1x1x128xi32, #tpu.memory_space<vmem>>
    %dma_start3A_261 = tpu.memref_squeeze %dma_start3A_260 : memref<1x1x128xi32, #tpu.memory_space<vmem>> -> memref<128xi32, #tpu.memory_space<vmem>>
    %dma_start3A_262 = arith.constant 0 : i32
    %dma_start3A_263 = arith.constant 0 : i32
    %dma_start3A_264 = tpu.memref_slice %arg2[%dma_start3A_262, %dma_start3A_263] : memref<10000x128xf32, #tpu.memory_space<hbm>> -> memref<10000x128xf32, #tpu.memory_space<hbm>>
    tpu.enqueue_indirect_dma source(%dma_start3A_264 : memref<10000x128xf32, #tpu.memory_space<hbm>>) target(%dma_start3A_258 : memref<128x128xf32, #tpu.memory_space<vmem>>) offsets(%dma_start3A_261 : memref<128xi32, #tpu.memory_space<vmem>>) semaphore(%arg11 : memref<!tpu.dma_semaphore, #tpu.memory_space<semaphore_mem>>)
    %scan3A_265 = arith.constant 0 : i32
    %scan3A_266 = arith.constant 19 : i32
    %scan3A_267 = arith.addi %scan3A_265, %scan3A_266 : i32
    %scan3A_268 = arith.constant 1 : i32
    scf.for %scan3A_498 = %scan3A_265 to %scan3A_267 step %scan3A_268  : i32 {
      %mul3A_499 = arith.constant 1 : i32
      %mul3A_500 = arith.muli %scan3A_498, %mul3A_499 : i32
      %add3A_501 = arith.constant 0 : i32
      %add3A_502 = arith.addi %add3A_501, %mul3A_500 : i32
      %mul3A_503 = arith.constant 2 : i32
      %mul3A_504 = arith.muli %add3A_502, %mul3A_503 : i32
      %dma_wait3A_505 = arith.constant 0 : i32
      %dma_wait3A_506 = arith.constant 0 : i32
      %dma_wait3A_507 = arith.constant 0 : i32
      %dma_wait3A_508 = arith.constant 0 : i32
      %dma_wait3A_509 = tpu.memref_slice %arg8[%dma_wait3A_506, %dma_wait3A_507, %dma_wait3A_508] : memref<2x128x128xf32, #tpu.memory_space<vmem>> -> memref<1x128x128xf32, #tpu.memory_space<vmem>>
      %dma_wait3A_510 = tpu.memref_squeeze %dma_wait3A_509 : memref<1x128x128xf32, #tpu.memory_space<vmem>> -> memref<128x128xf32, #tpu.memory_space<vmem>>
      %dma_wait3A_511 = arith.constant 0 : i32
      %dma_wait3A_512 = tpu.memref_slice %arg7[%mul3A_504, %dma_wait3A_505, %dma_wait3A_511] : memref<40x2x128xi32, #tpu.memory_space<vmem>> -> memref<1x1x128xi32, #tpu.memory_space<vmem>>
      %dma_wait3A_513 = tpu.memref_squeeze %dma_wait3A_512 : memref<1x1x128xi32, #tpu.memory_space<vmem>> -> memref<128xi32, #tpu.memory_space<vmem>>
      %dma_wait3A_514 = arith.constant 0 : i32
      %dma_wait3A_515 = arith.constant 0 : i32
      %dma_wait3A_516 = tpu.memref_slice %arg2[%dma_wait3A_514, %dma_wait3A_515] : memref<10000x128xf32, #tpu.memory_space<hbm>> -> memref<10000x128xf32, #tpu.memory_space<hbm>>
      tpu.wait_indirect_dma semaphore(%arg10 : memref<!tpu.dma_semaphore, #tpu.memory_space<semaphore_mem>>) src(%dma_wait3A_516 : memref<10000x128xf32, #tpu.memory_space<hbm>>) dst(%dma_wait3A_510 : memref<128x128xf32, #tpu.memory_space<vmem>>)
      %run_scoped3A_517 = arith.constant 0 : i32
      %run_scoped3A_518 = arith.constant 1 : i32
      "tpu.region"() ({
        %run_scoped3A_563 = tpu.sem_alloc : memref<!tpu.dma_semaphore, #tpu.memory_space<semaphore_mem>>
        %dma_start3A_564 = arith.constant 0 : i32
        %dma_start3A_565 = arith.constant 0 : i32
        %dma_start3A_566 = tpu.memref_slice %arg8[%run_scoped3A_517, %dma_start3A_564, %dma_start3A_565] : memref<2x128x128xf32, #tpu.memory_space<vmem>> -> memref<1x128x128xf32, #tpu.memory_space<vmem>>
        %dma_start3A_567 = tpu.memref_squeeze %dma_start3A_566 : memref<1x128x128xf32, #tpu.memory_space<vmem>> -> memref<128x128xf32, #tpu.memory_space<vmem>>
        %dma_start3A_568 = arith.constant 0 : i32
        %dma_start3A_569 = tpu.memref_slice %arg7[%mul3A_504, %run_scoped3A_518, %dma_start3A_568] : memref<40x2x128xi32, #tpu.memory_space<vmem>> -> memref<1x1x128xi32, #tpu.memory_space<vmem>>
        %dma_start3A_570 = tpu.memref_squeeze %dma_start3A_569 : memref<1x1x128xi32, #tpu.memory_space<vmem>> -> memref<128xi32, #tpu.memory_space<vmem>>
        %dma_start3A_571 = arith.constant 0 : i32
        %dma_start3A_572 = arith.constant 0 : i32
        %dma_start3A_573 = tpu.memref_slice %arg9[%dma_start3A_571, %dma_start3A_572] : memref<10240x128xf32, #tpu.memory_space<vmem_shared>> -> memref<10240x128xf32, #tpu.memory_space<vmem_shared>>
        tpu.enqueue_indirect_dma source(%dma_start3A_567 : memref<128x128xf32, #tpu.memory_space<vmem>>) target(%dma_start3A_573 : memref<10240x128xf32, #tpu.memory_space<vmem_shared>>) offsets(%dma_start3A_570 : memref<128xi32, #tpu.memory_space<vmem>>) semaphore(%run_scoped3A_563 : memref<!tpu.dma_semaphore, #tpu.memory_space<semaphore_mem>>) {add = true}
        %dma_wait3A_574 = arith.constant 0 : i32
        %dma_wait3A_575 = arith.constant 0 : i32
        %dma_wait3A_576 = tpu.memref_slice %arg8[%run_scoped3A_517, %dma_wait3A_574, %dma_wait3A_575] : memref<2x128x128xf32, #tpu.memory_space<vmem>> -> memref<1x128x128xf32, #tpu.memory_space<vmem>>
        %dma_wait3A_577 = tpu.memref_squeeze %dma_wait3A_576 : memref<1x128x128xf32, #tpu.memory_space<vmem>> -> memref<128x128xf32, #tpu.memory_space<vmem>>
        %dma_wait3A_578 = arith.constant 0 : i32
        %dma_wait3A_579 = tpu.memref_slice %arg7[%mul3A_504, %run_scoped3A_518, %dma_wait3A_578] : memref<40x2x128xi32, #tpu.memory_space<vmem>> -> memref<1x1x128xi32, #tpu.memory_space<vmem>>
        %dma_wait3A_580 = tpu.memref_squeeze %dma_wait3A_579 : memref<1x1x128xi32, #tpu.memory_space<vmem>> -> memref<128xi32, #tpu.memory_space<vmem>>
        %dma_wait3A_581 = arith.constant 0 : i32
        %dma_wait3A_582 = arith.constant 0 : i32
        %dma_wait3A_583 = tpu.memref_slice %arg9[%dma_wait3A_581, %dma_wait3A_582] : memref<10240x128xf32, #tpu.memory_space<vmem_shared>> -> memref<10240x128xf32, #tpu.memory_space<vmem_shared>>
        tpu.wait_indirect_dma semaphore(%run_scoped3A_563 : memref<!tpu.dma_semaphore, #tpu.memory_space<semaphore_mem>>) src(%dma_wait3A_577 : memref<128x128xf32, #tpu.memory_space<vmem>>) dst(%dma_wait3A_583 : memref<10240x128xf32, #tpu.memory_space<vmem_shared>>)
        tpu.yield
      }) : () -> ()
      %add3A_519 = arith.constant 2 : i32
      %add3A_520 = arith.addi %mul3A_504, %add3A_519 : i32
      %dma_start3A_521 = arith.constant 0 : i32
      %dma_start3A_522 = arith.constant 0 : i32
      %dma_start3A_523 = arith.constant 0 : i32
      %dma_start3A_524 = arith.constant 0 : i32
      %dma_start3A_525 = tpu.memref_slice %arg8[%dma_start3A_522, %dma_start3A_523, %dma_start3A_524] : memref<2x128x128xf32, #tpu.memory_space<vmem>> -> memref<1x128x128xf32, #tpu.memory_space<vmem>>
      %dma_start3A_526 = tpu.memref_squeeze %dma_start3A_525 : memref<1x128x128xf32, #tpu.memory_space<vmem>> -> memref<128x128xf32, #tpu.memory_space<vmem>>
      %dma_start3A_527 = arith.constant 0 : i32
      %dma_start3A_528 = tpu.memref_slice %arg7[%add3A_520, %dma_start3A_521, %dma_start3A_527] : memref<40x2x128xi32, #tpu.memory_space<vmem>> -> memref<1x1x128xi32, #tpu.memory_space<vmem>>
      %dma_start3A_529 = tpu.memref_squeeze %dma_start3A_528 : memref<1x1x128xi32, #tpu.memory_space<vmem>> -> memref<128xi32, #tpu.memory_space<vmem>>
      %dma_start3A_530 = arith.constant 0 : i32
      %dma_start3A_531 = arith.constant 0 : i32
      %dma_start3A_532 = tpu.memref_slice %arg2[%dma_start3A_530, %dma_start3A_531] : memref<10000x128xf32, #tpu.memory_space<hbm>> -> memref<10000x128xf32, #tpu.memory_space<hbm>>
      tpu.enqueue_indirect_dma source(%dma_start3A_532 : memref<10000x128xf32, #tpu.memory_space<hbm>>) target(%dma_start3A_526 : memref<128x128xf32, #tpu.memory_space<vmem>>) offsets(%dma_start3A_529 : memref<128xi32, #tpu.memory_space<vmem>>) semaphore(%arg10 : memref<!tpu.dma_semaphore, #tpu.memory_space<semaphore_mem>>)
      %add3A_533 = arith.constant 1 : i32
      %add3A_534 = arith.addi %mul3A_504, %add3A_533 : i32
      %dma_wait3A_535 = arith.constant 0 : i32
      %dma_wait3A_536 = arith.constant 1 : i32
      %dma_wait3A_537 = arith.constant 0 : i32
      %dma_wait3A_538 = arith.constant 0 : i32
      %dma_wait3A_539 = tpu.memref_slice %arg8[%dma_wait3A_536, %dma_wait3A_537, %dma_wait3A_538] : memref<2x128x128xf32, #tpu.memory_space<vmem>> -> memref<1x128x128xf32, #tpu.memory_space<vmem>>
      %dma_wait3A_540 = tpu.memref_squeeze %dma_wait3A_539 : memref<1x128x128xf32, #tpu.memory_space<vmem>> -> memref<128x128xf32, #tpu.memory_space<vmem>>
      %dma_wait3A_541 = arith.constant 0 : i32
      %dma_wait3A_542 = tpu.memref_slice %arg7[%add3A_534, %dma_wait3A_535, %dma_wait3A_541] : memref<40x2x128xi32, #tpu.memory_space<vmem>> -> memref<1x1x128xi32, #tpu.memory_space<vmem>>
      %dma_wait3A_543 = tpu.memref_squeeze %dma_wait3A_542 : memref<1x1x128xi32, #tpu.memory_space<vmem>> -> memref<128xi32, #tpu.memory_space<vmem>>
      %dma_wait3A_544 = arith.constant 0 : i32
      %dma_wait3A_545 = arith.constant 0 : i32
      %dma_wait3A_546 = tpu.memref_slice %arg2[%dma_wait3A_544, %dma_wait3A_545] : memref<10000x128xf32, #tpu.memory_space<hbm>> -> memref<10000x128xf32, #tpu.memory_space<hbm>>
      tpu.wait_indirect_dma semaphore(%arg11 : memref<!tpu.dma_semaphore, #tpu.memory_space<semaphore_mem>>) src(%dma_wait3A_546 : memref<10000x128xf32, #tpu.memory_space<hbm>>) dst(%dma_wait3A_540 : memref<128x128xf32, #tpu.memory_space<vmem>>)
      %run_scoped3A_547 = arith.constant 1 : i32
      %run_scoped3A_548 = arith.constant 1 : i32
      "tpu.region"() ({
        %run_scoped3A_563 = tpu.sem_alloc : memref<!tpu.dma_semaphore, #tpu.memory_space<semaphore_mem>>
        %dma_start3A_564 = arith.constant 0 : i32
        %dma_start3A_565 = arith.constant 0 : i32
        %dma_start3A_566 = tpu.memref_slice %arg8[%run_scoped3A_547, %dma_start3A_564, %dma_start3A_565] : memref<2x128x128xf32, #tpu.memory_space<vmem>> -> memref<1x128x128xf32, #tpu.memory_space<vmem>>
        %dma_start3A_567 = tpu.memref_squeeze %dma_start3A_566 : memref<1x128x128xf32, #tpu.memory_space<vmem>> -> memref<128x128xf32, #tpu.memory_space<vmem>>
        %dma_start3A_568 = arith.constant 0 : i32
        %dma_start3A_569 = tpu.memref_slice %arg7[%add3A_534, %run_scoped3A_548, %dma_start3A_568] : memref<40x2x128xi32, #tpu.memory_space<vmem>> -> memref<1x1x128xi32, #tpu.memory_space<vmem>>
        %dma_start3A_570 = tpu.memref_squeeze %dma_start3A_569 : memref<1x1x128xi32, #tpu.memory_space<vmem>> -> memref<128xi32, #tpu.memory_space<vmem>>
        %dma_start3A_571 = arith.constant 0 : i32
        %dma_start3A_572 = arith.constant 0 : i32
        %dma_start3A_573 = tpu.memref_slice %arg9[%dma_start3A_571, %dma_start3A_572] : memref<10240x128xf32, #tpu.memory_space<vmem_shared>> -> memref<10240x128xf32, #tpu.memory_space<vmem_shared>>
        tpu.enqueue_indirect_dma source(%dma_start3A_567 : memref<128x128xf32, #tpu.memory_space<vmem>>) target(%dma_start3A_573 : memref<10240x128xf32, #tpu.memory_space<vmem_shared>>) offsets(%dma_start3A_570 : memref<128xi32, #tpu.memory_space<vmem>>) semaphore(%run_scoped3A_563 : memref<!tpu.dma_semaphore, #tpu.memory_space<semaphore_mem>>) {add = true}
        %dma_wait3A_574 = arith.constant 0 : i32
        %dma_wait3A_575 = arith.constant 0 : i32
        %dma_wait3A_576 = tpu.memref_slice %arg8[%run_scoped3A_547, %dma_wait3A_574, %dma_wait3A_575] : memref<2x128x128xf32, #tpu.memory_space<vmem>> -> memref<1x128x128xf32, #tpu.memory_space<vmem>>
        %dma_wait3A_577 = tpu.memref_squeeze %dma_wait3A_576 : memref<1x128x128xf32, #tpu.memory_space<vmem>> -> memref<128x128xf32, #tpu.memory_space<vmem>>
        %dma_wait3A_578 = arith.constant 0 : i32
        %dma_wait3A_579 = tpu.memref_slice %arg7[%add3A_534, %run_scoped3A_548, %dma_wait3A_578] : memref<40x2x128xi32, #tpu.memory_space<vmem>> -> memref<1x1x128xi32, #tpu.memory_space<vmem>>
        %dma_wait3A_580 = tpu.memref_squeeze %dma_wait3A_579 : memref<1x1x128xi32, #tpu.memory_space<vmem>> -> memref<128xi32, #tpu.memory_space<vmem>>
        %dma_wait3A_581 = arith.constant 0 : i32
        %dma_wait3A_582 = arith.constant 0 : i32
        %dma_wait3A_583 = tpu.memref_slice %arg9[%dma_wait3A_581, %dma_wait3A_582] : memref<10240x128xf32, #tpu.memory_space<vmem_shared>> -> memref<10240x128xf32, #tpu.memory_space<vmem_shared>>
        tpu.wait_indirect_dma semaphore(%run_scoped3A_563 : memref<!tpu.dma_semaphore, #tpu.memory_space<semaphore_mem>>) src(%dma_wait3A_577 : memref<128x128xf32, #tpu.memory_space<vmem>>) dst(%dma_wait3A_583 : memref<10240x128xf32, #tpu.memory_space<vmem_shared>>)
        tpu.yield
      }) : () -> ()
      %add3A_549 = arith.constant 3 : i32
      %add3A_550 = arith.addi %mul3A_504, %add3A_549 : i32
      %dma_start3A_551 = arith.constant 0 : i32
      %dma_start3A_552 = arith.constant 1 : i32
      %dma_start3A_553 = arith.constant 0 : i32
      %dma_start3A_554 = arith.constant 0 : i32
      %dma_start3A_555 = tpu.memref_slice %arg8[%dma_start3A_552, %dma_start3A_553, %dma_start3A_554] : memref<2x128x128xf32, #tpu.memory_space<vmem>> -> memref<1x128x128xf32, #tpu.memory_space<vmem>>
      %dma_start3A_556 = tpu.memref_squeeze %dma_start3A_555 : memref<1x128x128xf32, #tpu.memory_space<vmem>> -> memref<128x128xf32, #tpu.memory_space<vmem>>
      %dma_start3A_557 = arith.constant 0 : i32
      %dma_start3A_558 = tpu.memref_slice %arg7[%add3A_550, %dma_start3A_551, %dma_start3A_557] : memref<40x2x128xi32, #tpu.memory_space<vmem>> -> memref<1x1x128xi32, #tpu.memory_space<vmem>>
      %dma_start3A_559 = tpu.memref_squeeze %dma_start3A_558 : memref<1x1x128xi32, #tpu.memory_space<vmem>> -> memref<128xi32, #tpu.memory_space<vmem>>
      %dma_start3A_560 = arith.constant 0 : i32
      %dma_start3A_561 = arith.constant 0 : i32
      %dma_start3A_562 = tpu.memref_slice %arg2[%dma_start3A_560, %dma_start3A_561] : memref<10000x128xf32, #tpu.memory_space<hbm>> -> memref<10000x128xf32, #tpu.memory_space<hbm>>
      tpu.enqueue_indirect_dma source(%dma_start3A_562 : memref<10000x128xf32, #tpu.memory_space<hbm>>) target(%dma_start3A_556 : memref<128x128xf32, #tpu.memory_space<vmem>>) offsets(%dma_start3A_559 : memref<128xi32, #tpu.memory_space<vmem>>) semaphore(%arg11 : memref<!tpu.dma_semaphore, #tpu.memory_space<semaphore_mem>>)
    }
    %scan3A_269 = arith.constant 19 : i32
    %dma_wait3A_270 = arith.constant 38 : i32
    %dma_wait3A_271 = arith.constant 0 : i32
    %dma_wait3A_272 = arith.constant 0 : i32
    %dma_wait3A_273 = arith.constant 0 : i32
    %dma_wait3A_274 = arith.constant 0 : i32
    %dma_wait3A_275 = tpu.memref_slice %arg8[%dma_wait3A_272, %dma_wait3A_273, %dma_wait3A_274] : memref<2x128x128xf32, #tpu.memory_space<vmem>> -> memref<1x128x128xf32, #tpu.memory_space<vmem>>
    %dma_wait3A_276 = tpu.memref_squeeze %dma_wait3A_275 : memref<1x128x128xf32, #tpu.memory_space<vmem>> -> memref<128x128xf32, #tpu.memory_space<vmem>>
    %dma_wait3A_277 = arith.constant 0 : i32
    %dma_wait3A_278 = tpu.memref_slice %arg7[%dma_wait3A_270, %dma_wait3A_271, %dma_wait3A_277] : memref<40x2x128xi32, #tpu.memory_space<vmem>> -> memref<1x1x128xi32, #tpu.memory_space<vmem>>
    %dma_wait3A_279 = tpu.memref_squeeze %dma_wait3A_278 : memref<1x1x128xi32, #tpu.memory_space<vmem>> -> memref<128xi32, #tpu.memory_space<vmem>>
    %dma_wait3A_280 = arith.constant 0 : i32
    %dma_wait3A_281 = arith.constant 0 : i32
    %dma_wait3A_282 = tpu.memref_slice %arg2[%dma_wait3A_280, %dma_wait3A_281] : memref<10000x128xf32, #tpu.memory_space<hbm>> -> memref<10000x128xf32, #tpu.memory_space<hbm>>
    tpu.wait_indirect_dma semaphore(%arg10 : memref<!tpu.dma_semaphore, #tpu.memory_space<semaphore_mem>>) src(%dma_wait3A_282 : memref<10000x128xf32, #tpu.memory_space<hbm>>) dst(%dma_wait3A_276 : memref<128x128xf32, #tpu.memory_space<vmem>>)
    %run_scoped3A_283 = arith.constant 0 : i32
    %run_scoped3A_284 = arith.constant 38 : i32
    %run_scoped3A_285 = arith.constant 1 : i32
    "tpu.region"() ({
      %run_scoped3A_498 = tpu.sem_alloc : memref<!tpu.dma_semaphore, #tpu.memory_space<semaphore_mem>>
      %dma_start3A_499 = arith.constant 0 : i32
      %dma_start3A_500 = arith.constant 0 : i32
      %dma_start3A_501 = tpu.memref_slice %arg8[%run_scoped3A_283, %dma_start3A_499, %dma_start3A_500] : memref<2x128x128xf32, #tpu.memory_space<vmem>> -> memref<1x128x128xf32, #tpu.memory_space<vmem>>
      %dma_start3A_502 = tpu.memref_squeeze %dma_start3A_501 : memref<1x128x128xf32, #tpu.memory_space<vmem>> -> memref<128x128xf32, #tpu.memory_space<vmem>>
      %dma_start3A_503 = arith.constant 0 : i32
      %dma_start3A_504 = tpu.memref_slice %arg7[%run_scoped3A_284, %run_scoped3A_285, %dma_start3A_503] : memref<40x2x128xi32, #tpu.memory_space<vmem>> -> memref<1x1x128xi32, #tpu.memory_space<vmem>>
      %dma_start3A_505 = tpu.memref_squeeze %dma_start3A_504 : memref<1x1x128xi32, #tpu.memory_space<vmem>> -> memref<128xi32, #tpu.memory_space<vmem>>
      %dma_start3A_506 = arith.constant 0 : i32
      %dma_start3A_507 = arith.constant 0 : i32
      %dma_start3A_508 = tpu.memref_slice %arg9[%dma_start3A_506, %dma_start3A_507] : memref<10240x128xf32, #tpu.memory_space<vmem_shared>> -> memref<10240x128xf32, #tpu.memory_space<vmem_shared>>
      tpu.enqueue_indirect_dma source(%dma_start3A_502 : memref<128x128xf32, #tpu.memory_space<vmem>>) target(%dma_start3A_508 : memref<10240x128xf32, #tpu.memory_space<vmem_shared>>) offsets(%dma_start3A_505 : memref<128xi32, #tpu.memory_space<vmem>>) semaphore(%run_scoped3A_498 : memref<!tpu.dma_semaphore, #tpu.memory_space<semaphore_mem>>) {add = true}
      %dma_wait3A_509 = arith.constant 0 : i32
      %dma_wait3A_510 = arith.constant 0 : i32
      %dma_wait3A_511 = tpu.memref_slice %arg8[%run_scoped3A_283, %dma_wait3A_509, %dma_wait3A_510] : memref<2x128x128xf32, #tpu.memory_space<vmem>> -> memref<1x128x128xf32, #tpu.memory_space<vmem>>
      %dma_wait3A_512 = tpu.memref_squeeze %dma_wait3A_511 : memref<1x128x128xf32, #tpu.memory_space<vmem>> -> memref<128x128xf32, #tpu.memory_space<vmem>>
      %dma_wait3A_513 = arith.constant 0 : i32
      %dma_wait3A_514 = tpu.memref_slice %arg7[%run_scoped3A_284, %run_scoped3A_285, %dma_wait3A_513] : memref<40x2x128xi32, #tpu.memory_space<vmem>> -> memref<1x1x128xi32, #tpu.memory_space<vmem>>
      %dma_wait3A_515 = tpu.memref_squeeze %dma_wait3A_514 : memref<1x1x128xi32, #tpu.memory_space<vmem>> -> memref<128xi32, #tpu.memory_space<vmem>>
      %dma_wait3A_516 = arith.constant 0 : i32
      %dma_wait3A_517 = arith.constant 0 : i32
      %dma_wait3A_518 = tpu.memref_slice %arg9[%dma_wait3A_516, %dma_wait3A_517] : memref<10240x128xf32, #tpu.memory_space<vmem_shared>> -> memref<10240x128xf32, #tpu.memory_space<vmem_shared>>
      tpu.wait_indirect_dma semaphore(%run_scoped3A_498 : memref<!tpu.dma_semaphore, #tpu.memory_space<semaphore_mem>>) src(%dma_wait3A_512 : memref<128x128xf32, #tpu.memory_space<vmem>>) dst(%dma_wait3A_518 : memref<10240x128xf32, #tpu.memory_space<vmem_shared>>)
      tpu.yield
    }) : () -> ()
    %dma_wait3A_286 = arith.constant 39 : i32
    %dma_wait3A_287 = arith.constant 0 : i32
    %dma_wait3A_288 = arith.constant 1 : i32
    %dma_wait3A_289 = arith.constant 0 : i32
    %dma_wait3A_290 = arith.constant 0 : i32
    %dma_wait3A_291 = tpu.memref_slice %arg8[%dma_wait3A_288, %dma_wait3A_289, %dma_wait3A_290] : memref<2x128x128xf32, #tpu.memory_space<vmem>> -> memref<1x128x128xf32, #tpu.memory_space<vmem>>
    %dma_wait3A_292 = tpu.memref_squeeze %dma_wait3A_291 : memref<1x128x128xf32, #tpu.memory_space<vmem>> -> memref<128x128xf32, #tpu.memory_space<vmem>>
    %dma_wait3A_293 = arith.constant 0 : i32
    %dma_wait3A_294 = tpu.memref_slice %arg7[%dma_wait3A_286, %dma_wait3A_287, %dma_wait3A_293] : memref<40x2x128xi32, #tpu.memory_space<vmem>> -> memref<1x1x128xi32, #tpu.memory_space<vmem>>
    %dma_wait3A_295 = tpu.memref_squeeze %dma_wait3A_294 : memref<1x1x128xi32, #tpu.memory_space<vmem>> -> memref<128xi32, #tpu.memory_space<vmem>>
    %dma_wait3A_296 = arith.constant 0 : i32
    %dma_wait3A_297 = arith.constant 0 : i32
    %dma_wait3A_298 = tpu.memref_slice %arg2[%dma_wait3A_296, %dma_wait3A_297] : memref<10000x128xf32, #tpu.memory_space<hbm>> -> memref<10000x128xf32, #tpu.memory_space<hbm>>
    tpu.wait_indirect_dma semaphore(%arg11 : memref<!tpu.dma_semaphore, #tpu.memory_space<semaphore_mem>>) src(%dma_wait3A_298 : memref<10000x128xf32, #tpu.memory_space<hbm>>) dst(%dma_wait3A_292 : memref<128x128xf32, #tpu.memory_space<vmem>>)
    %run_scoped3A_299 = arith.constant 1 : i32
    %run_scoped3A_300 = arith.constant 39 : i32
    %run_scoped3A_301 = arith.constant 1 : i32
    "tpu.region"() ({
      %run_scoped3A_498 = tpu.sem_alloc : memref<!tpu.dma_semaphore, #tpu.memory_space<semaphore_mem>>
      %dma_start3A_499 = arith.constant 0 : i32
      %dma_start3A_500 = arith.constant 0 : i32
      %dma_start3A_501 = tpu.memref_slice %arg8[%run_scoped3A_299, %dma_start3A_499, %dma_start3A_500] : memref<2x128x128xf32, #tpu.memory_space<vmem>> -> memref<1x128x128xf32, #tpu.memory_space<vmem>>
      %dma_start3A_502 = tpu.memref_squeeze %dma_start3A_501 : memref<1x128x128xf32, #tpu.memory_space<vmem>> -> memref<128x128xf32, #tpu.memory_space<vmem>>
      %dma_start3A_503 = arith.constant 0 : i32
      %dma_start3A_504 = tpu.memref_slice %arg7[%run_scoped3A_300, %run_scoped3A_301, %dma_start3A_503] : memref<40x2x128xi32, #tpu.memory_space<vmem>> -> memref<1x1x128xi32, #tpu.memory_space<vmem>>
      %dma_start3A_505 = tpu.memref_squeeze %dma_start3A_504 : memref<1x1x128xi32, #tpu.memory_space<vmem>> -> memref<128xi32, #tpu.memory_space<vmem>>
      %dma_start3A_506 = arith.constant 0 : i32
      %dma_start3A_507 = arith.constant 0 : i32
      %dma_start3A_508 = tpu.memref_slice %arg9[%dma_start3A_506, %dma_start3A_507] : memref<10240x128xf32, #tpu.memory_space<vmem_shared>> -> memref<10240x128xf32, #tpu.memory_space<vmem_shared>>
      tpu.enqueue_indirect_dma source(%dma_start3A_502 : memref<128x128xf32, #tpu.memory_space<vmem>>) target(%dma_start3A_508 : memref<10240x128xf32, #tpu.memory_space<vmem_shared>>) offsets(%dma_start3A_505 : memref<128xi32, #tpu.memory_space<vmem>>) semaphore(%run_scoped3A_498 : memref<!tpu.dma_semaphore, #tpu.memory_space<semaphore_mem>>) {add = true}
      %dma_wait3A_509 = arith.constant 0 : i32
      %dma_wait3A_510 = arith.constant 0 : i32
      %dma_wait3A_511 = tpu.memref_slice %arg8[%run_scoped3A_299, %dma_wait3A_509, %dma_wait3A_510] : memref<2x128x128xf32, #tpu.memory_space<vmem>> -> memref<1x128x128xf32, #tpu.memory_space<vmem>>
      %dma_wait3A_512 = tpu.memref_squeeze %dma_wait3A_511 : memref<1x128x128xf32, #tpu.memory_space<vmem>> -> memref<128x128xf32, #tpu.memory_space<vmem>>
      %dma_wait3A_513 = arith.constant 0 : i32
      %dma_wait3A_514 = tpu.memref_slice %arg7[%run_scoped3A_300, %run_scoped3A_301, %dma_wait3A_513] : memref<40x2x128xi32, #tpu.memory_space<vmem>> -> memref<1x1x128xi32, #tpu.memory_space<vmem>>
      %dma_wait3A_515 = tpu.memref_squeeze %dma_wait3A_514 : memref<1x1x128xi32, #tpu.memory_space<vmem>> -> memref<128xi32, #tpu.memory_space<vmem>>
      %dma_wait3A_516 = arith.constant 0 : i32
      %dma_wait3A_517 = arith.constant 0 : i32
      %dma_wait3A_518 = tpu.memref_slice %arg9[%dma_wait3A_516, %dma_wait3A_517] : memref<10240x128xf32, #tpu.memory_space<vmem_shared>> -> memref<10240x128xf32, #tpu.memory_space<vmem_shared>>
      tpu.wait_indirect_dma semaphore(%run_scoped3A_498 : memref<!tpu.dma_semaphore, #tpu.memory_space<semaphore_mem>>) src(%dma_wait3A_512 : memref<128x128xf32, #tpu.memory_space<vmem>>) dst(%dma_wait3A_518 : memref<10240x128xf32, #tpu.memory_space<vmem_shared>>)
      tpu.yield
    }) : () -> ()
    %barrier3A_302 = arith.constant 0 : index
    tpu.barrier barrier_id(%barrier3A_302)
    %mul3A_303 = arith.constant 640 : i32
    %mul3A_304 = arith.muli %arg1, %mul3A_303 : i32
    %add3A_305 = arith.constant 0 : i32
    %add3A_306 = arith.addi %mul3A_304, %add3A_305 : i32
    %run_scoped3A_307 = arith.constant 0 : i32
    "tpu.region"() ({
      %run_scoped3A_498 = tpu.sem_alloc : memref<!tpu.dma_semaphore, #tpu.memory_space<semaphore_mem>>
      %dma_start3A_499 = arith.constant 0 : i32
      %dma_start3A_500 = arith.constant 0 : i32
      %dma_start3A_501 = tpu.memref_slice %arg8[%run_scoped3A_307, %dma_start3A_499, %dma_start3A_500] : memref<2x128x128xf32, #tpu.memory_space<vmem>> -> memref<1x128x128xf32, #tpu.memory_space<vmem>>
      %dma_start3A_502 = tpu.memref_squeeze %dma_start3A_501 : memref<1x128x128xf32, #tpu.memory_space<vmem>> -> memref<128x128xf32, #tpu.memory_space<vmem>>
      %dma_start3A_503 = arith.constant 0 : i32
      %dma_start3A_504 = tpu.memref_slice %arg9[%add3A_306, %dma_start3A_503] : memref<10240x128xf32, #tpu.memory_space<vmem_shared>> -> memref<128x128xf32, #tpu.memory_space<vmem_shared>>
      %dma_start3A_505 = arith.constant 0 : i32
      %dma_start3A_506 = arith.constant 0 : i32
      %dma_start3A_507 = tpu.memref_slice %arg8[%run_scoped3A_307, %dma_start3A_505, %dma_start3A_506] : memref<2x128x128xf32, #tpu.memory_space<vmem>> -> memref<1x128x128xf32, #tpu.memory_space<vmem>>
      %dma_start3A_508 = tpu.memref_squeeze %dma_start3A_507 : memref<1x128x128xf32, #tpu.memory_space<vmem>> -> memref<128x128xf32, #tpu.memory_space<vmem>>
      %dma_start3A_509 = arith.constant 0 : i32
      %dma_start3A_510 = tpu.memref_slice %arg9[%add3A_306, %dma_start3A_509] : memref<10240x128xf32, #tpu.memory_space<vmem_shared>> -> memref<128x128xf32, #tpu.memory_space<vmem_shared>>
      tpu.enqueue_dma source(%dma_start3A_510 : memref<128x128xf32, #tpu.memory_space<vmem_shared>>) target(%dma_start3A_508 : memref<128x128xf32, #tpu.memory_space<vmem>>) target_semaphore(%run_scoped3A_498 : memref<!tpu.dma_semaphore, #tpu.memory_space<semaphore_mem>>)
      %dma_wait3A_511 = arith.constant 0 : i32
      %dma_wait3A_512 = arith.constant 0 : i32
      %dma_wait3A_513 = tpu.memref_slice %arg8[%run_scoped3A_307, %dma_wait3A_511, %dma_wait3A_512] : memref<2x128x128xf32, #tpu.memory_space<vmem>> -> memref<1x128x128xf32, #tpu.memory_space<vmem>>
      %dma_wait3A_514 = tpu.memref_squeeze %dma_wait3A_513 : memref<1x128x128xf32, #tpu.memory_space<vmem>> -> memref<128x128xf32, #tpu.memory_space<vmem>>
      %dma_wait3A_515 = arith.constant 0 : i32
      %dma_wait3A_516 = tpu.memref_slice %arg9[%add3A_306, %dma_wait3A_515] : memref<10240x128xf32, #tpu.memory_space<vmem_shared>> -> memref<128x128xf32, #tpu.memory_space<vmem_shared>>
      %dma_wait3A_517 = arith.constant 0 : i32
      %dma_wait3A_518 = arith.constant 0 : i32
      %dma_wait3A_519 = tpu.memref_slice %arg8[%run_scoped3A_307, %dma_wait3A_517, %dma_wait3A_518] : memref<2x128x128xf32, #tpu.memory_space<vmem>> -> memref<1x128x128xf32, #tpu.memory_space<vmem>>
      %dma_wait3A_520 = tpu.memref_squeeze %dma_wait3A_519 : memref<1x128x128xf32, #tpu.memory_space<vmem>> -> memref<128x128xf32, #tpu.memory_space<vmem>>
      %dma_wait3A_521 = arith.constant 0 : i32
      %dma_wait3A_522 = tpu.memref_slice %arg9[%add3A_306, %dma_wait3A_521] : memref<10240x128xf32, #tpu.memory_space<vmem_shared>> -> memref<128x128xf32, #tpu.memory_space<vmem_shared>>
      tpu.wait_dma2 semaphore(%run_scoped3A_498 : memref<!tpu.dma_semaphore, #tpu.memory_space<semaphore_mem>>) src(%dma_wait3A_522 : memref<128x128xf32, #tpu.memory_space<vmem_shared>>) dst(%dma_wait3A_520 : memref<128x128xf32, #tpu.memory_space<vmem>>)
      tpu.yield
    }) : () -> ()
    %dma_start3A_308 = arith.constant 0 : i32
    %dma_start3A_309 = arith.constant 0 : i32
    %dma_start3A_310 = arith.constant 0 : i32
    %dma_start3A_311 = tpu.memref_slice %arg8[%dma_start3A_308, %dma_start3A_309, %dma_start3A_310] : memref<2x128x128xf32, #tpu.memory_space<vmem>> -> memref<1x128x128xf32, #tpu.memory_space<vmem>>
    %dma_start3A_312 = tpu.memref_squeeze %dma_start3A_311 : memref<1x128x128xf32, #tpu.memory_space<vmem>> -> memref<128x128xf32, #tpu.memory_space<vmem>>
    %dma_start3A_313 = arith.constant 0 : i32
    %dma_start3A_314 = tpu.memref_slice %arg6[%arg0, %add3A_306, %dma_start3A_313] : memref<2x10240x128xf32, #tpu.memory_space<hbm>> -> memref<1x128x128xf32, #tpu.memory_space<hbm>>
    %dma_start3A_315 = tpu.memref_squeeze %dma_start3A_314 : memref<1x128x128xf32, #tpu.memory_space<hbm>> -> memref<128x128xf32, #tpu.memory_space<hbm>>
    %dma_start3A_316 = arith.constant 0 : i32
    %dma_start3A_317 = tpu.memref_slice %arg6[%arg0, %add3A_306, %dma_start3A_316] : memref<2x10240x128xf32, #tpu.memory_space<hbm>> -> memref<1x128x128xf32, #tpu.memory_space<hbm>>
    %dma_start3A_318 = tpu.memref_squeeze %dma_start3A_317 : memref<1x128x128xf32, #tpu.memory_space<hbm>> -> memref<128x128xf32, #tpu.memory_space<hbm>>
    %dma_start3A_319 = arith.constant 0 : i32
    %dma_start3A_320 = arith.constant 0 : i32
    %dma_start3A_321 = tpu.memref_slice %arg8[%dma_start3A_308, %dma_start3A_319, %dma_start3A_320] : memref<2x128x128xf32, #tpu.memory_space<vmem>> -> memref<1x128x128xf32, #tpu.memory_space<vmem>>
    %dma_start3A_322 = tpu.memref_squeeze %dma_start3A_321 : memref<1x128x128xf32, #tpu.memory_space<vmem>> -> memref<128x128xf32, #tpu.memory_space<vmem>>
    tpu.enqueue_dma source(%dma_start3A_322 : memref<128x128xf32, #tpu.memory_space<vmem>>) target(%dma_start3A_318 : memref<128x128xf32, #tpu.memory_space<hbm>>) target_semaphore(%arg10 : memref<!tpu.dma_semaphore, #tpu.memory_space<semaphore_mem>>)
    %mul3A_323 = arith.constant 640 : i32
    %mul3A_324 = arith.muli %arg1, %mul3A_323 : i32
    %add3A_325 = arith.constant 128 : i32
    %add3A_326 = arith.addi %mul3A_324, %add3A_325 : i32
    %run_scoped3A_327 = arith.constant 1 : i32
    "tpu.region"() ({
      %run_scoped3A_498 = tpu.sem_alloc : memref<!tpu.dma_semaphore, #tpu.memory_space<semaphore_mem>>
      %dma_start3A_499 = arith.constant 0 : i32
      %dma_start3A_500 = arith.constant 0 : i32
      %dma_start3A_501 = tpu.memref_slice %arg8[%run_scoped3A_327, %dma_start3A_499, %dma_start3A_500] : memref<2x128x128xf32, #tpu.memory_space<vmem>> -> memref<1x128x128xf32, #tpu.memory_space<vmem>>
      %dma_start3A_502 = tpu.memref_squeeze %dma_start3A_501 : memref<1x128x128xf32, #tpu.memory_space<vmem>> -> memref<128x128xf32, #tpu.memory_space<vmem>>
      %dma_start3A_503 = arith.constant 0 : i32
      %dma_start3A_504 = tpu.memref_slice %arg9[%add3A_326, %dma_start3A_503] : memref<10240x128xf32, #tpu.memory_space<vmem_shared>> -> memref<128x128xf32, #tpu.memory_space<vmem_shared>>
      %dma_start3A_505 = arith.constant 0 : i32
      %dma_start3A_506 = arith.constant 0 : i32
      %dma_start3A_507 = tpu.memref_slice %arg8[%run_scoped3A_327, %dma_start3A_505, %dma_start3A_506] : memref<2x128x128xf32, #tpu.memory_space<vmem>> -> memref<1x128x128xf32, #tpu.memory_space<vmem>>
      %dma_start3A_508 = tpu.memref_squeeze %dma_start3A_507 : memref<1x128x128xf32, #tpu.memory_space<vmem>> -> memref<128x128xf32, #tpu.memory_space<vmem>>
      %dma_start3A_509 = arith.constant 0 : i32
      %dma_start3A_510 = tpu.memref_slice %arg9[%add3A_326, %dma_start3A_509] : memref<10240x128xf32, #tpu.memory_space<vmem_shared>> -> memref<128x128xf32, #tpu.memory_space<vmem_shared>>
      tpu.enqueue_dma source(%dma_start3A_510 : memref<128x128xf32, #tpu.memory_space<vmem_shared>>) target(%dma_start3A_508 : memref<128x128xf32, #tpu.memory_space<vmem>>) target_semaphore(%run_scoped3A_498 : memref<!tpu.dma_semaphore, #tpu.memory_space<semaphore_mem>>)
      %dma_wait3A_511 = arith.constant 0 : i32
      %dma_wait3A_512 = arith.constant 0 : i32
      %dma_wait3A_513 = tpu.memref_slice %arg8[%run_scoped3A_327, %dma_wait3A_511, %dma_wait3A_512] : memref<2x128x128xf32, #tpu.memory_space<vmem>> -> memref<1x128x128xf32, #tpu.memory_space<vmem>>
      %dma_wait3A_514 = tpu.memref_squeeze %dma_wait3A_513 : memref<1x128x128xf32, #tpu.memory_space<vmem>> -> memref<128x128xf32, #tpu.memory_space<vmem>>
      %dma_wait3A_515 = arith.constant 0 : i32
      %dma_wait3A_516 = tpu.memref_slice %arg9[%add3A_326, %dma_wait3A_515] : memref<10240x128xf32, #tpu.memory_space<vmem_shared>> -> memref<128x128xf32, #tpu.memory_space<vmem_shared>>
      %dma_wait3A_517 = arith.constant 0 : i32
      %dma_wait3A_518 = arith.constant 0 : i32
      %dma_wait3A_519 = tpu.memref_slice %arg8[%run_scoped3A_327, %dma_wait3A_517, %dma_wait3A_518] : memref<2x128x128xf32, #tpu.memory_space<vmem>> -> memref<1x128x128xf32, #tpu.memory_space<vmem>>
      %dma_wait3A_520 = tpu.memref_squeeze %dma_wait3A_519 : memref<1x128x128xf32, #tpu.memory_space<vmem>> -> memref<128x128xf32, #tpu.memory_space<vmem>>
      %dma_wait3A_521 = arith.constant 0 : i32
      %dma_wait3A_522 = tpu.memref_slice %arg9[%add3A_326, %dma_wait3A_521] : memref<10240x128xf32, #tpu.memory_space<vmem_shared>> -> memref<128x128xf32, #tpu.memory_space<vmem_shared>>
      tpu.wait_dma2 semaphore(%run_scoped3A_498 : memref<!tpu.dma_semaphore, #tpu.memory_space<semaphore_mem>>) src(%dma_wait3A_522 : memref<128x128xf32, #tpu.memory_space<vmem_shared>>) dst(%dma_wait3A_520 : memref<128x128xf32, #tpu.memory_space<vmem>>)
      tpu.yield
    }) : () -> ()
    %dma_start3A_328 = arith.constant 1 : i32
    %dma_start3A_329 = arith.constant 0 : i32
    %dma_start3A_330 = arith.constant 0 : i32
    %dma_start3A_331 = tpu.memref_slice %arg8[%dma_start3A_328, %dma_start3A_329, %dma_start3A_330] : memref<2x128x128xf32, #tpu.memory_space<vmem>> -> memref<1x128x128xf32, #tpu.memory_space<vmem>>
    %dma_start3A_332 = tpu.memref_squeeze %dma_start3A_331 : memref<1x128x128xf32, #tpu.memory_space<vmem>> -> memref<128x128xf32, #tpu.memory_space<vmem>>
    %dma_start3A_333 = arith.constant 0 : i32
    %dma_start3A_334 = tpu.memref_slice %arg6[%arg0, %add3A_326, %dma_start3A_333] : memref<2x10240x128xf32, #tpu.memory_space<hbm>> -> memref<1x128x128xf32, #tpu.memory_space<hbm>>
    %dma_start3A_335 = tpu.memref_squeeze %dma_start3A_334 : memref<1x128x128xf32, #tpu.memory_space<hbm>> -> memref<128x128xf32, #tpu.memory_space<hbm>>
    %dma_start3A_336 = arith.constant 0 : i32
    %dma_start3A_337 = tpu.memref_slice %arg6[%arg0, %add3A_326, %dma_start3A_336] : memref<2x10240x128xf32, #tpu.memory_space<hbm>> -> memref<1x128x128xf32, #tpu.memory_space<hbm>>
    %dma_start3A_338 = tpu.memref_squeeze %dma_start3A_337 : memref<1x128x128xf32, #tpu.memory_space<hbm>> -> memref<128x128xf32, #tpu.memory_space<hbm>>
    %dma_start3A_339 = arith.constant 0 : i32
    %dma_start3A_340 = arith.constant 0 : i32
    %dma_start3A_341 = tpu.memref_slice %arg8[%dma_start3A_328, %dma_start3A_339, %dma_start3A_340] : memref<2x128x128xf32, #tpu.memory_space<vmem>> -> memref<1x128x128xf32, #tpu.memory_space<vmem>>
    %dma_start3A_342 = tpu.memref_squeeze %dma_start3A_341 : memref<1x128x128xf32, #tpu.memory_space<vmem>> -> memref<128x128xf32, #tpu.memory_space<vmem>>
    tpu.enqueue_dma source(%dma_start3A_342 : memref<128x128xf32, #tpu.memory_space<vmem>>) target(%dma_start3A_338 : memref<128x128xf32, #tpu.memory_space<hbm>>) target_semaphore(%arg11 : memref<!tpu.dma_semaphore, #tpu.memory_space<semaphore_mem>>)
    %mul3A_343 = arith.constant 640 : i32
    %mul3A_344 = arith.muli %arg1, %mul3A_343 : i32
    %add3A_345 = arith.constant 0 : i32
    %add3A_346 = arith.addi %mul3A_344, %add3A_345 : i32
    %dma_wait3A_347 = arith.constant 0 : i32
    %dma_wait3A_348 = arith.constant 0 : i32
    %dma_wait3A_349 = arith.constant 0 : i32
    %dma_wait3A_350 = tpu.memref_slice %arg8[%dma_wait3A_347, %dma_wait3A_348, %dma_wait3A_349] : memref<2x128x128xf32, #tpu.memory_space<vmem>> -> memref<1x128x128xf32, #tpu.memory_space<vmem>>
    %dma_wait3A_351 = tpu.memref_squeeze %dma_wait3A_350 : memref<1x128x128xf32, #tpu.memory_space<vmem>> -> memref<128x128xf32, #tpu.memory_space<vmem>>
    %dma_wait3A_352 = arith.constant 0 : i32
    %dma_wait3A_353 = tpu.memref_slice %arg6[%arg0, %add3A_346, %dma_wait3A_352] : memref<2x10240x128xf32, #tpu.memory_space<hbm>> -> memref<1x128x128xf32, #tpu.memory_space<hbm>>
    %dma_wait3A_354 = tpu.memref_squeeze %dma_wait3A_353 : memref<1x128x128xf32, #tpu.memory_space<hbm>> -> memref<128x128xf32, #tpu.memory_space<hbm>>
    %dma_wait3A_355 = arith.constant 0 : i32
    %dma_wait3A_356 = tpu.memref_slice %arg6[%arg0, %add3A_346, %dma_wait3A_355] : memref<2x10240x128xf32, #tpu.memory_space<hbm>> -> memref<1x128x128xf32, #tpu.memory_space<hbm>>
    %dma_wait3A_357 = tpu.memref_squeeze %dma_wait3A_356 : memref<1x128x128xf32, #tpu.memory_space<hbm>> -> memref<128x128xf32, #tpu.memory_space<hbm>>
    %dma_wait3A_358 = arith.constant 0 : i32
    %dma_wait3A_359 = arith.constant 0 : i32
    %dma_wait3A_360 = tpu.memref_slice %arg8[%dma_wait3A_347, %dma_wait3A_358, %dma_wait3A_359] : memref<2x128x128xf32, #tpu.memory_space<vmem>> -> memref<1x128x128xf32, #tpu.memory_space<vmem>>
    %dma_wait3A_361 = tpu.memref_squeeze %dma_wait3A_360 : memref<1x128x128xf32, #tpu.memory_space<vmem>> -> memref<128x128xf32, #tpu.memory_space<vmem>>
    tpu.wait_dma2 semaphore(%arg10 : memref<!tpu.dma_semaphore, #tpu.memory_space<semaphore_mem>>) src(%dma_wait3A_361 : memref<128x128xf32, #tpu.memory_space<vmem>>) dst(%dma_wait3A_357 : memref<128x128xf32, #tpu.memory_space<hbm>>)
    %mul3A_362 = arith.constant 640 : i32
    %mul3A_363 = arith.muli %arg1, %mul3A_362 : i32
    %add3A_364 = arith.constant 256 : i32
    %add3A_365 = arith.addi %mul3A_363, %add3A_364 : i32
    %run_scoped3A_366 = arith.constant 0 : i32
    "tpu.region"() ({
      %run_scoped3A_498 = tpu.sem_alloc : memref<!tpu.dma_semaphore, #tpu.memory_space<semaphore_mem>>
      %dma_start3A_499 = arith.constant 0 : i32
      %dma_start3A_500 = arith.constant 0 : i32
      %dma_start3A_501 = tpu.memref_slice %arg8[%run_scoped3A_366, %dma_start3A_499, %dma_start3A_500] : memref<2x128x128xf32, #tpu.memory_space<vmem>> -> memref<1x128x128xf32, #tpu.memory_space<vmem>>
      %dma_start3A_502 = tpu.memref_squeeze %dma_start3A_501 : memref<1x128x128xf32, #tpu.memory_space<vmem>> -> memref<128x128xf32, #tpu.memory_space<vmem>>
      %dma_start3A_503 = arith.constant 0 : i32
      %dma_start3A_504 = tpu.memref_slice %arg9[%add3A_365, %dma_start3A_503] : memref<10240x128xf32, #tpu.memory_space<vmem_shared>> -> memref<128x128xf32, #tpu.memory_space<vmem_shared>>
      %dma_start3A_505 = arith.constant 0 : i32
      %dma_start3A_506 = arith.constant 0 : i32
      %dma_start3A_507 = tpu.memref_slice %arg8[%run_scoped3A_366, %dma_start3A_505, %dma_start3A_506] : memref<2x128x128xf32, #tpu.memory_space<vmem>> -> memref<1x128x128xf32, #tpu.memory_space<vmem>>
      %dma_start3A_508 = tpu.memref_squeeze %dma_start3A_507 : memref<1x128x128xf32, #tpu.memory_space<vmem>> -> memref<128x128xf32, #tpu.memory_space<vmem>>
      %dma_start3A_509 = arith.constant 0 : i32
      %dma_start3A_510 = tpu.memref_slice %arg9[%add3A_365, %dma_start3A_509] : memref<10240x128xf32, #tpu.memory_space<vmem_shared>> -> memref<128x128xf32, #tpu.memory_space<vmem_shared>>
      tpu.enqueue_dma source(%dma_start3A_510 : memref<128x128xf32, #tpu.memory_space<vmem_shared>>) target(%dma_start3A_508 : memref<128x128xf32, #tpu.memory_space<vmem>>) target_semaphore(%run_scoped3A_498 : memref<!tpu.dma_semaphore, #tpu.memory_space<semaphore_mem>>)
      %dma_wait3A_511 = arith.constant 0 : i32
      %dma_wait3A_512 = arith.constant 0 : i32
      %dma_wait3A_513 = tpu.memref_slice %arg8[%run_scoped3A_366, %dma_wait3A_511, %dma_wait3A_512] : memref<2x128x128xf32, #tpu.memory_space<vmem>> -> memref<1x128x128xf32, #tpu.memory_space<vmem>>
      %dma_wait3A_514 = tpu.memref_squeeze %dma_wait3A_513 : memref<1x128x128xf32, #tpu.memory_space<vmem>> -> memref<128x128xf32, #tpu.memory_space<vmem>>
      %dma_wait3A_515 = arith.constant 0 : i32
      %dma_wait3A_516 = tpu.memref_slice %arg9[%add3A_365, %dma_wait3A_515] : memref<10240x128xf32, #tpu.memory_space<vmem_shared>> -> memref<128x128xf32, #tpu.memory_space<vmem_shared>>
      %dma_wait3A_517 = arith.constant 0 : i32
      %dma_wait3A_518 = arith.constant 0 : i32
      %dma_wait3A_519 = tpu.memref_slice %arg8[%run_scoped3A_366, %dma_wait3A_517, %dma_wait3A_518] : memref<2x128x128xf32, #tpu.memory_space<vmem>> -> memref<1x128x128xf32, #tpu.memory_space<vmem>>
      %dma_wait3A_520 = tpu.memref_squeeze %dma_wait3A_519 : memref<1x128x128xf32, #tpu.memory_space<vmem>> -> memref<128x128xf32, #tpu.memory_space<vmem>>
      %dma_wait3A_521 = arith.constant 0 : i32
      %dma_wait3A_522 = tpu.memref_slice %arg9[%add3A_365, %dma_wait3A_521] : memref<10240x128xf32, #tpu.memory_space<vmem_shared>> -> memref<128x128xf32, #tpu.memory_space<vmem_shared>>
      tpu.wait_dma2 semaphore(%run_scoped3A_498 : memref<!tpu.dma_semaphore, #tpu.memory_space<semaphore_mem>>) src(%dma_wait3A_522 : memref<128x128xf32, #tpu.memory_space<vmem_shared>>) dst(%dma_wait3A_520 : memref<128x128xf32, #tpu.memory_space<vmem>>)
      tpu.yield
    }) : () -> ()
    %dma_start3A_367 = arith.constant 0 : i32
    %dma_start3A_368 = arith.constant 0 : i32
    %dma_start3A_369 = arith.constant 0 : i32
    %dma_start3A_370 = tpu.memref_slice %arg8[%dma_start3A_367, %dma_start3A_368, %dma_start3A_369] : memref<2x128x128xf32, #tpu.memory_space<vmem>> -> memref<1x128x128xf32, #tpu.memory_space<vmem>>
    %dma_start3A_371 = tpu.memref_squeeze %dma_start3A_370 : memref<1x128x128xf32, #tpu.memory_space<vmem>> -> memref<128x128xf32, #tpu.memory_space<vmem>>
    %dma_start3A_372 = arith.constant 0 : i32
    %dma_start3A_373 = tpu.memref_slice %arg6[%arg0, %add3A_365, %dma_start3A_372] : memref<2x10240x128xf32, #tpu.memory_space<hbm>> -> memref<1x128x128xf32, #tpu.memory_space<hbm>>
    %dma_start3A_374 = tpu.memref_squeeze %dma_start3A_373 : memref<1x128x128xf32, #tpu.memory_space<hbm>> -> memref<128x128xf32, #tpu.memory_space<hbm>>
    %dma_start3A_375 = arith.constant 0 : i32
    %dma_start3A_376 = tpu.memref_slice %arg6[%arg0, %add3A_365, %dma_start3A_375] : memref<2x10240x128xf32, #tpu.memory_space<hbm>> -> memref<1x128x128xf32, #tpu.memory_space<hbm>>
    %dma_start3A_377 = tpu.memref_squeeze %dma_start3A_376 : memref<1x128x128xf32, #tpu.memory_space<hbm>> -> memref<128x128xf32, #tpu.memory_space<hbm>>
    %dma_start3A_378 = arith.constant 0 : i32
    %dma_start3A_379 = arith.constant 0 : i32
    %dma_start3A_380 = tpu.memref_slice %arg8[%dma_start3A_367, %dma_start3A_378, %dma_start3A_379] : memref<2x128x128xf32, #tpu.memory_space<vmem>> -> memref<1x128x128xf32, #tpu.memory_space<vmem>>
    %dma_start3A_381 = tpu.memref_squeeze %dma_start3A_380 : memref<1x128x128xf32, #tpu.memory_space<vmem>> -> memref<128x128xf32, #tpu.memory_space<vmem>>
    tpu.enqueue_dma source(%dma_start3A_381 : memref<128x128xf32, #tpu.memory_space<vmem>>) target(%dma_start3A_377 : memref<128x128xf32, #tpu.memory_space<hbm>>) target_semaphore(%arg10 : memref<!tpu.dma_semaphore, #tpu.memory_space<semaphore_mem>>)
    %mul3A_382 = arith.constant 640 : i32
    %mul3A_383 = arith.muli %arg1, %mul3A_382 : i32
    %add3A_384 = arith.constant 128 : i32
    %add3A_385 = arith.addi %mul3A_383, %add3A_384 : i32
    %dma_wait3A_386 = arith.constant 1 : i32
    %dma_wait3A_387 = arith.constant 0 : i32
    %dma_wait3A_388 = arith.constant 0 : i32
    %dma_wait3A_389 = tpu.memref_slice %arg8[%dma_wait3A_386, %dma_wait3A_387, %dma_wait3A_388] : memref<2x128x128xf32, #tpu.memory_space<vmem>> -> memref<1x128x128xf32, #tpu.memory_space<vmem>>
    %dma_wait3A_390 = tpu.memref_squeeze %dma_wait3A_389 : memref<1x128x128xf32, #tpu.memory_space<vmem>> -> memref<128x128xf32, #tpu.memory_space<vmem>>
    %dma_wait3A_391 = arith.constant 0 : i32
    %dma_wait3A_392 = tpu.memref_slice %arg6[%arg0, %add3A_385, %dma_wait3A_391] : memref<2x10240x128xf32, #tpu.memory_space<hbm>> -> memref<1x128x128xf32, #tpu.memory_space<hbm>>
    %dma_wait3A_393 = tpu.memref_squeeze %dma_wait3A_392 : memref<1x128x128xf32, #tpu.memory_space<hbm>> -> memref<128x128xf32, #tpu.memory_space<hbm>>
    %dma_wait3A_394 = arith.constant 0 : i32
    %dma_wait3A_395 = tpu.memref_slice %arg6[%arg0, %add3A_385, %dma_wait3A_394] : memref<2x10240x128xf32, #tpu.memory_space<hbm>> -> memref<1x128x128xf32, #tpu.memory_space<hbm>>
    %dma_wait3A_396 = tpu.memref_squeeze %dma_wait3A_395 : memref<1x128x128xf32, #tpu.memory_space<hbm>> -> memref<128x128xf32, #tpu.memory_space<hbm>>
    %dma_wait3A_397 = arith.constant 0 : i32
    %dma_wait3A_398 = arith.constant 0 : i32
    %dma_wait3A_399 = tpu.memref_slice %arg8[%dma_wait3A_386, %dma_wait3A_397, %dma_wait3A_398] : memref<2x128x128xf32, #tpu.memory_space<vmem>> -> memref<1x128x128xf32, #tpu.memory_space<vmem>>
    %dma_wait3A_400 = tpu.memref_squeeze %dma_wait3A_399 : memref<1x128x128xf32, #tpu.memory_space<vmem>> -> memref<128x128xf32, #tpu.memory_space<vmem>>
    tpu.wait_dma2 semaphore(%arg11 : memref<!tpu.dma_semaphore, #tpu.memory_space<semaphore_mem>>) src(%dma_wait3A_400 : memref<128x128xf32, #tpu.memory_space<vmem>>) dst(%dma_wait3A_396 : memref<128x128xf32, #tpu.memory_space<hbm>>)
    %mul3A_401 = arith.constant 640 : i32
    %mul3A_402 = arith.muli %arg1, %mul3A_401 : i32
    %add3A_403 = arith.constant 384 : i32
    %add3A_404 = arith.addi %mul3A_402, %add3A_403 : i32
    %run_scoped3A_405 = arith.constant 1 : i32
    "tpu.region"() ({
      %run_scoped3A_498 = tpu.sem_alloc : memref<!tpu.dma_semaphore, #tpu.memory_space<semaphore_mem>>
      %dma_start3A_499 = arith.constant 0 : i32
      %dma_start3A_500 = arith.constant 0 : i32
      %dma_start3A_501 = tpu.memref_slice %arg8[%run_scoped3A_405, %dma_start3A_499, %dma_start3A_500] : memref<2x128x128xf32, #tpu.memory_space<vmem>> -> memref<1x128x128xf32, #tpu.memory_space<vmem>>
      %dma_start3A_502 = tpu.memref_squeeze %dma_start3A_501 : memref<1x128x128xf32, #tpu.memory_space<vmem>> -> memref<128x128xf32, #tpu.memory_space<vmem>>
      %dma_start3A_503 = arith.constant 0 : i32
      %dma_start3A_504 = tpu.memref_slice %arg9[%add3A_404, %dma_start3A_503] : memref<10240x128xf32, #tpu.memory_space<vmem_shared>> -> memref<128x128xf32, #tpu.memory_space<vmem_shared>>
      %dma_start3A_505 = arith.constant 0 : i32
      %dma_start3A_506 = arith.constant 0 : i32
      %dma_start3A_507 = tpu.memref_slice %arg8[%run_scoped3A_405, %dma_start3A_505, %dma_start3A_506] : memref<2x128x128xf32, #tpu.memory_space<vmem>> -> memref<1x128x128xf32, #tpu.memory_space<vmem>>
      %dma_start3A_508 = tpu.memref_squeeze %dma_start3A_507 : memref<1x128x128xf32, #tpu.memory_space<vmem>> -> memref<128x128xf32, #tpu.memory_space<vmem>>
      %dma_start3A_509 = arith.constant 0 : i32
      %dma_start3A_510 = tpu.memref_slice %arg9[%add3A_404, %dma_start3A_509] : memref<10240x128xf32, #tpu.memory_space<vmem_shared>> -> memref<128x128xf32, #tpu.memory_space<vmem_shared>>
      tpu.enqueue_dma source(%dma_start3A_510 : memref<128x128xf32, #tpu.memory_space<vmem_shared>>) target(%dma_start3A_508 : memref<128x128xf32, #tpu.memory_space<vmem>>) target_semaphore(%run_scoped3A_498 : memref<!tpu.dma_semaphore, #tpu.memory_space<semaphore_mem>>)
      %dma_wait3A_511 = arith.constant 0 : i32
      %dma_wait3A_512 = arith.constant 0 : i32
      %dma_wait3A_513 = tpu.memref_slice %arg8[%run_scoped3A_405, %dma_wait3A_511, %dma_wait3A_512] : memref<2x128x128xf32, #tpu.memory_space<vmem>> -> memref<1x128x128xf32, #tpu.memory_space<vmem>>
      %dma_wait3A_514 = tpu.memref_squeeze %dma_wait3A_513 : memref<1x128x128xf32, #tpu.memory_space<vmem>> -> memref<128x128xf32, #tpu.memory_space<vmem>>
      %dma_wait3A_515 = arith.constant 0 : i32
      %dma_wait3A_516 = tpu.memref_slice %arg9[%add3A_404, %dma_wait3A_515] : memref<10240x128xf32, #tpu.memory_space<vmem_shared>> -> memref<128x128xf32, #tpu.memory_space<vmem_shared>>
      %dma_wait3A_517 = arith.constant 0 : i32
      %dma_wait3A_518 = arith.constant 0 : i32
      %dma_wait3A_519 = tpu.memref_slice %arg8[%run_scoped3A_405, %dma_wait3A_517, %dma_wait3A_518] : memref<2x128x128xf32, #tpu.memory_space<vmem>> -> memref<1x128x128xf32, #tpu.memory_space<vmem>>
      %dma_wait3A_520 = tpu.memref_squeeze %dma_wait3A_519 : memref<1x128x128xf32, #tpu.memory_space<vmem>> -> memref<128x128xf32, #tpu.memory_space<vmem>>
      %dma_wait3A_521 = arith.constant 0 : i32
      %dma_wait3A_522 = tpu.memref_slice %arg9[%add3A_404, %dma_wait3A_521] : memref<10240x128xf32, #tpu.memory_space<vmem_shared>> -> memref<128x128xf32, #tpu.memory_space<vmem_shared>>
      tpu.wait_dma2 semaphore(%run_scoped3A_498 : memref<!tpu.dma_semaphore, #tpu.memory_space<semaphore_mem>>) src(%dma_wait3A_522 : memref<128x128xf32, #tpu.memory_space<vmem_shared>>) dst(%dma_wait3A_520 : memref<128x128xf32, #tpu.memory_space<vmem>>)
      tpu.yield
    }) : () -> ()
    %dma_start3A_406 = arith.constant 1 : i32
    %dma_start3A_407 = arith.constant 0 : i32
    %dma_start3A_408 = arith.constant 0 : i32
    %dma_start3A_409 = tpu.memref_slice %arg8[%dma_start3A_406, %dma_start3A_407, %dma_start3A_408] : memref<2x128x128xf32, #tpu.memory_space<vmem>> -> memref<1x128x128xf32, #tpu.memory_space<vmem>>
    %dma_start3A_410 = tpu.memref_squeeze %dma_start3A_409 : memref<1x128x128xf32, #tpu.memory_space<vmem>> -> memref<128x128xf32, #tpu.memory_space<vmem>>
    %dma_start3A_411 = arith.constant 0 : i32
    %dma_start3A_412 = tpu.memref_slice %arg6[%arg0, %add3A_404, %dma_start3A_411] : memref<2x10240x128xf32, #tpu.memory_space<hbm>> -> memref<1x128x128xf32, #tpu.memory_space<hbm>>
    %dma_start3A_413 = tpu.memref_squeeze %dma_start3A_412 : memref<1x128x128xf32, #tpu.memory_space<hbm>> -> memref<128x128xf32, #tpu.memory_space<hbm>>
    %dma_start3A_414 = arith.constant 0 : i32
    %dma_start3A_415 = tpu.memref_slice %arg6[%arg0, %add3A_404, %dma_start3A_414] : memref<2x10240x128xf32, #tpu.memory_space<hbm>> -> memref<1x128x128xf32, #tpu.memory_space<hbm>>
    %dma_start3A_416 = tpu.memref_squeeze %dma_start3A_415 : memref<1x128x128xf32, #tpu.memory_space<hbm>> -> memref<128x128xf32, #tpu.memory_space<hbm>>
    %dma_start3A_417 = arith.constant 0 : i32
    %dma_start3A_418 = arith.constant 0 : i32
    %dma_start3A_419 = tpu.memref_slice %arg8[%dma_start3A_406, %dma_start3A_417, %dma_start3A_418] : memref<2x128x128xf32, #tpu.memory_space<vmem>> -> memref<1x128x128xf32, #tpu.memory_space<vmem>>
    %dma_start3A_420 = tpu.memref_squeeze %dma_start3A_419 : memref<1x128x128xf32, #tpu.memory_space<vmem>> -> memref<128x128xf32, #tpu.memory_space<vmem>>
    tpu.enqueue_dma source(%dma_start3A_420 : memref<128x128xf32, #tpu.memory_space<vmem>>) target(%dma_start3A_416 : memref<128x128xf32, #tpu.memory_space<hbm>>) target_semaphore(%arg11 : memref<!tpu.dma_semaphore, #tpu.memory_space<semaphore_mem>>)
    %mul3A_421 = arith.constant 640 : i32
    %mul3A_422 = arith.muli %arg1, %mul3A_421 : i32
    %add3A_423 = arith.constant 256 : i32
    %add3A_424 = arith.addi %mul3A_422, %add3A_423 : i32
    %dma_wait3A_425 = arith.constant 0 : i32
    %dma_wait3A_426 = arith.constant 0 : i32
    %dma_wait3A_427 = arith.constant 0 : i32
    %dma_wait3A_428 = tpu.memref_slice %arg8[%dma_wait3A_425, %dma_wait3A_426, %dma_wait3A_427] : memref<2x128x128xf32, #tpu.memory_space<vmem>> -> memref<1x128x128xf32, #tpu.memory_space<vmem>>
    %dma_wait3A_429 = tpu.memref_squeeze %dma_wait3A_428 : memref<1x128x128xf32, #tpu.memory_space<vmem>> -> memref<128x128xf32, #tpu.memory_space<vmem>>
    %dma_wait3A_430 = arith.constant 0 : i32
    %dma_wait3A_431 = tpu.memref_slice %arg6[%arg0, %add3A_424, %dma_wait3A_430] : memref<2x10240x128xf32, #tpu.memory_space<hbm>> -> memref<1x128x128xf32, #tpu.memory_space<hbm>>
    %dma_wait3A_432 = tpu.memref_squeeze %dma_wait3A_431 : memref<1x128x128xf32, #tpu.memory_space<hbm>> -> memref<128x128xf32, #tpu.memory_space<hbm>>
    %dma_wait3A_433 = arith.constant 0 : i32
    %dma_wait3A_434 = tpu.memref_slice %arg6[%arg0, %add3A_424, %dma_wait3A_433] : memref<2x10240x128xf32, #tpu.memory_space<hbm>> -> memref<1x128x128xf32, #tpu.memory_space<hbm>>
    %dma_wait3A_435 = tpu.memref_squeeze %dma_wait3A_434 : memref<1x128x128xf32, #tpu.memory_space<hbm>> -> memref<128x128xf32, #tpu.memory_space<hbm>>
    %dma_wait3A_436 = arith.constant 0 : i32
    %dma_wait3A_437 = arith.constant 0 : i32
    %dma_wait3A_438 = tpu.memref_slice %arg8[%dma_wait3A_425, %dma_wait3A_436, %dma_wait3A_437] : memref<2x128x128xf32, #tpu.memory_space<vmem>> -> memref<1x128x128xf32, #tpu.memory_space<vmem>>
    %dma_wait3A_439 = tpu.memref_squeeze %dma_wait3A_438 : memref<1x128x128xf32, #tpu.memory_space<vmem>> -> memref<128x128xf32, #tpu.memory_space<vmem>>
    tpu.wait_dma2 semaphore(%arg10 : memref<!tpu.dma_semaphore, #tpu.memory_space<semaphore_mem>>) src(%dma_wait3A_439 : memref<128x128xf32, #tpu.memory_space<vmem>>) dst(%dma_wait3A_435 : memref<128x128xf32, #tpu.memory_space<hbm>>)
    %mul3A_440 = arith.constant 640 : i32
    %mul3A_441 = arith.muli %arg1, %mul3A_440 : i32
    %add3A_442 = arith.constant 512 : i32
    %add3A_443 = arith.addi %mul3A_441, %add3A_442 : i32
    %run_scoped3A_444 = arith.constant 0 : i32
    "tpu.region"() ({
      %run_scoped3A_498 = tpu.sem_alloc : memref<!tpu.dma_semaphore, #tpu.memory_space<semaphore_mem>>
      %dma_start3A_499 = arith.constant 0 : i32
      %dma_start3A_500 = arith.constant 0 : i32
      %dma_start3A_501 = tpu.memref_slice %arg8[%run_scoped3A_444, %dma_start3A_499, %dma_start3A_500] : memref<2x128x128xf32, #tpu.memory_space<vmem>> -> memref<1x128x128xf32, #tpu.memory_space<vmem>>
      %dma_start3A_502 = tpu.memref_squeeze %dma_start3A_501 : memref<1x128x128xf32, #tpu.memory_space<vmem>> -> memref<128x128xf32, #tpu.memory_space<vmem>>
      %dma_start3A_503 = arith.constant 0 : i32
      %dma_start3A_504 = tpu.memref_slice %arg9[%add3A_443, %dma_start3A_503] : memref<10240x128xf32, #tpu.memory_space<vmem_shared>> -> memref<128x128xf32, #tpu.memory_space<vmem_shared>>
      %dma_start3A_505 = arith.constant 0 : i32
      %dma_start3A_506 = arith.constant 0 : i32
      %dma_start3A_507 = tpu.memref_slice %arg8[%run_scoped3A_444, %dma_start3A_505, %dma_start3A_506] : memref<2x128x128xf32, #tpu.memory_space<vmem>> -> memref<1x128x128xf32, #tpu.memory_space<vmem>>
      %dma_start3A_508 = tpu.memref_squeeze %dma_start3A_507 : memref<1x128x128xf32, #tpu.memory_space<vmem>> -> memref<128x128xf32, #tpu.memory_space<vmem>>
      %dma_start3A_509 = arith.constant 0 : i32
      %dma_start3A_510 = tpu.memref_slice %arg9[%add3A_443, %dma_start3A_509] : memref<10240x128xf32, #tpu.memory_space<vmem_shared>> -> memref<128x128xf32, #tpu.memory_space<vmem_shared>>
      tpu.enqueue_dma source(%dma_start3A_510 : memref<128x128xf32, #tpu.memory_space<vmem_shared>>) target(%dma_start3A_508 : memref<128x128xf32, #tpu.memory_space<vmem>>) target_semaphore(%run_scoped3A_498 : memref<!tpu.dma_semaphore, #tpu.memory_space<semaphore_mem>>)
      %dma_wait3A_511 = arith.constant 0 : i32
      %dma_wait3A_512 = arith.constant 0 : i32
      %dma_wait3A_513 = tpu.memref_slice %arg8[%run_scoped3A_444, %dma_wait3A_511, %dma_wait3A_512] : memref<2x128x128xf32, #tpu.memory_space<vmem>> -> memref<1x128x128xf32, #tpu.memory_space<vmem>>
      %dma_wait3A_514 = tpu.memref_squeeze %dma_wait3A_513 : memref<1x128x128xf32, #tpu.memory_space<vmem>> -> memref<128x128xf32, #tpu.memory_space<vmem>>
      %dma_wait3A_515 = arith.constant 0 : i32
      %dma_wait3A_516 = tpu.memref_slice %arg9[%add3A_443, %dma_wait3A_515] : memref<10240x128xf32, #tpu.memory_space<vmem_shared>> -> memref<128x128xf32, #tpu.memory_space<vmem_shared>>
      %dma_wait3A_517 = arith.constant 0 : i32
      %dma_wait3A_518 = arith.constant 0 : i32
      %dma_wait3A_519 = tpu.memref_slice %arg8[%run_scoped3A_444, %dma_wait3A_517, %dma_wait3A_518] : memref<2x128x128xf32, #tpu.memory_space<vmem>> -> memref<1x128x128xf32, #tpu.memory_space<vmem>>
      %dma_wait3A_520 = tpu.memref_squeeze %dma_wait3A_519 : memref<1x128x128xf32, #tpu.memory_space<vmem>> -> memref<128x128xf32, #tpu.memory_space<vmem>>
      %dma_wait3A_521 = arith.constant 0 : i32
      %dma_wait3A_522 = tpu.memref_slice %arg9[%add3A_443, %dma_wait3A_521] : memref<10240x128xf32, #tpu.memory_space<vmem_shared>> -> memref<128x128xf32, #tpu.memory_space<vmem_shared>>
      tpu.wait_dma2 semaphore(%run_scoped3A_498 : memref<!tpu.dma_semaphore, #tpu.memory_space<semaphore_mem>>) src(%dma_wait3A_522 : memref<128x128xf32, #tpu.memory_space<vmem_shared>>) dst(%dma_wait3A_520 : memref<128x128xf32, #tpu.memory_space<vmem>>)
      tpu.yield
    }) : () -> ()
    %dma_start3A_445 = arith.constant 0 : i32
    %dma_start3A_446 = arith.constant 0 : i32
    %dma_start3A_447 = arith.constant 0 : i32
    %dma_start3A_448 = tpu.memref_slice %arg8[%dma_start3A_445, %dma_start3A_446, %dma_start3A_447] : memref<2x128x128xf32, #tpu.memory_space<vmem>> -> memref<1x128x128xf32, #tpu.memory_space<vmem>>
    %dma_start3A_449 = tpu.memref_squeeze %dma_start3A_448 : memref<1x128x128xf32, #tpu.memory_space<vmem>> -> memref<128x128xf32, #tpu.memory_space<vmem>>
    %dma_start3A_450 = arith.constant 0 : i32
    %dma_start3A_451 = tpu.memref_slice %arg6[%arg0, %add3A_443, %dma_start3A_450] : memref<2x10240x128xf32, #tpu.memory_space<hbm>> -> memref<1x128x128xf32, #tpu.memory_space<hbm>>
    %dma_start3A_452 = tpu.memref_squeeze %dma_start3A_451 : memref<1x128x128xf32, #tpu.memory_space<hbm>> -> memref<128x128xf32, #tpu.memory_space<hbm>>
    %dma_start3A_453 = arith.constant 0 : i32
    %dma_start3A_454 = tpu.memref_slice %arg6[%arg0, %add3A_443, %dma_start3A_453] : memref<2x10240x128xf32, #tpu.memory_space<hbm>> -> memref<1x128x128xf32, #tpu.memory_space<hbm>>
    %dma_start3A_455 = tpu.memref_squeeze %dma_start3A_454 : memref<1x128x128xf32, #tpu.memory_space<hbm>> -> memref<128x128xf32, #tpu.memory_space<hbm>>
    %dma_start3A_456 = arith.constant 0 : i32
    %dma_start3A_457 = arith.constant 0 : i32
    %dma_start3A_458 = tpu.memref_slice %arg8[%dma_start3A_445, %dma_start3A_456, %dma_start3A_457] : memref<2x128x128xf32, #tpu.memory_space<vmem>> -> memref<1x128x128xf32, #tpu.memory_space<vmem>>
    %dma_start3A_459 = tpu.memref_squeeze %dma_start3A_458 : memref<1x128x128xf32, #tpu.memory_space<vmem>> -> memref<128x128xf32, #tpu.memory_space<vmem>>
    tpu.enqueue_dma source(%dma_start3A_459 : memref<128x128xf32, #tpu.memory_space<vmem>>) target(%dma_start3A_455 : memref<128x128xf32, #tpu.memory_space<hbm>>) target_semaphore(%arg10 : memref<!tpu.dma_semaphore, #tpu.memory_space<semaphore_mem>>)
    %mul3A_460 = arith.constant 640 : i32
    %mul3A_461 = arith.muli %arg1, %mul3A_460 : i32
    %add3A_462 = arith.constant 384 : i32
    %add3A_463 = arith.addi %mul3A_461, %add3A_462 : i32
    %dma_wait3A_464 = arith.constant 1 : i32
    %dma_wait3A_465 = arith.constant 0 : i32
    %dma_wait3A_466 = arith.constant 0 : i32
    %dma_wait3A_467 = tpu.memref_slice %arg8[%dma_wait3A_464, %dma_wait3A_465, %dma_wait3A_466] : memref<2x128x128xf32, #tpu.memory_space<vmem>> -> memref<1x128x128xf32, #tpu.memory_space<vmem>>
    %dma_wait3A_468 = tpu.memref_squeeze %dma_wait3A_467 : memref<1x128x128xf32, #tpu.memory_space<vmem>> -> memref<128x128xf32, #tpu.memory_space<vmem>>
    %dma_wait3A_469 = arith.constant 0 : i32
    %dma_wait3A_470 = tpu.memref_slice %arg6[%arg0, %add3A_463, %dma_wait3A_469] : memref<2x10240x128xf32, #tpu.memory_space<hbm>> -> memref<1x128x128xf32, #tpu.memory_space<hbm>>
    %dma_wait3A_471 = tpu.memref_squeeze %dma_wait3A_470 : memref<1x128x128xf32, #tpu.memory_space<hbm>> -> memref<128x128xf32, #tpu.memory_space<hbm>>
    %dma_wait3A_472 = arith.constant 0 : i32
    %dma_wait3A_473 = tpu.memref_slice %arg6[%arg0, %add3A_463, %dma_wait3A_472] : memref<2x10240x128xf32, #tpu.memory_space<hbm>> -> memref<1x128x128xf32, #tpu.memory_space<hbm>>
    %dma_wait3A_474 = tpu.memref_squeeze %dma_wait3A_473 : memref<1x128x128xf32, #tpu.memory_space<hbm>> -> memref<128x128xf32, #tpu.memory_space<hbm>>
    %dma_wait3A_475 = arith.constant 0 : i32
    %dma_wait3A_476 = arith.constant 0 : i32
    %dma_wait3A_477 = tpu.memref_slice %arg8[%dma_wait3A_464, %dma_wait3A_475, %dma_wait3A_476] : memref<2x128x128xf32, #tpu.memory_space<vmem>> -> memref<1x128x128xf32, #tpu.memory_space<vmem>>
    %dma_wait3A_478 = tpu.memref_squeeze %dma_wait3A_477 : memref<1x128x128xf32, #tpu.memory_space<vmem>> -> memref<128x128xf32, #tpu.memory_space<vmem>>
    tpu.wait_dma2 semaphore(%arg11 : memref<!tpu.dma_semaphore, #tpu.memory_space<semaphore_mem>>) src(%dma_wait3A_478 : memref<128x128xf32, #tpu.memory_space<vmem>>) dst(%dma_wait3A_474 : memref<128x128xf32, #tpu.memory_space<hbm>>)
    %mul3A_479 = arith.constant 640 : i32
    %mul3A_480 = arith.muli %arg1, %mul3A_479 : i32
    %add3A_481 = arith.constant 512 : i32
    %add3A_482 = arith.addi %mul3A_480, %add3A_481 : i32
    %dma_wait3A_483 = arith.constant 0 : i32
    %dma_wait3A_484 = arith.constant 0 : i32
    %dma_wait3A_485 = arith.constant 0 : i32
    %dma_wait3A_486 = tpu.memref_slice %arg8[%dma_wait3A_483, %dma_wait3A_484, %dma_wait3A_485] : memref<2x128x128xf32, #tpu.memory_space<vmem>> -> memref<1x128x128xf32, #tpu.memory_space<vmem>>
    %dma_wait3A_487 = tpu.memref_squeeze %dma_wait3A_486 : memref<1x128x128xf32, #tpu.memory_space<vmem>> -> memref<128x128xf32, #tpu.memory_space<vmem>>
    %dma_wait3A_488 = arith.constant 0 : i32
    %dma_wait3A_489 = tpu.memref_slice %arg6[%arg0, %add3A_482, %dma_wait3A_488] : memref<2x10240x128xf32, #tpu.memory_space<hbm>> -> memref<1x128x128xf32, #tpu.memory_space<hbm>>
    %dma_wait3A_490 = tpu.memref_squeeze %dma_wait3A_489 : memref<1x128x128xf32, #tpu.memory_space<hbm>> -> memref<128x128xf32, #tpu.memory_space<hbm>>
    %dma_wait3A_491 = arith.constant 0 : i32
    %dma_wait3A_492 = tpu.memref_slice %arg6[%arg0, %add3A_482, %dma_wait3A_491] : memref<2x10240x128xf32, #tpu.memory_space<hbm>> -> memref<1x128x128xf32, #tpu.memory_space<hbm>>
    %dma_wait3A_493 = tpu.memref_squeeze %dma_wait3A_492 : memref<1x128x128xf32, #tpu.memory_space<hbm>> -> memref<128x128xf32, #tpu.memory_space<hbm>>
    %dma_wait3A_494 = arith.constant 0 : i32
    %dma_wait3A_495 = arith.constant 0 : i32
    %dma_wait3A_496 = tpu.memref_slice %arg8[%dma_wait3A_483, %dma_wait3A_494, %dma_wait3A_495] : memref<2x128x128xf32, #tpu.memory_space<vmem>> -> memref<1x128x128xf32, #tpu.memory_space<vmem>>
    %dma_wait3A_497 = tpu.memref_squeeze %dma_wait3A_496 : memref<1x128x128xf32, #tpu.memory_space<vmem>> -> memref<128x128xf32, #tpu.memory_space<vmem>>
    tpu.wait_dma2 semaphore(%arg10 : memref<!tpu.dma_semaphore, #tpu.memory_space<semaphore_mem>>) src(%dma_wait3A_497 : memref<128x128xf32, #tpu.memory_space<vmem>>) dst(%dma_wait3A_493 : memref<128x128xf32, #tpu.memory_space<hbm>>)
    return
  }
}

module attributes {stable_mosaic.version = 14 : i64} {
  func.func @_dense_body(%arg0: i32, %arg1: memref<2x2000x128xf32, #tpu.memory_space<vmem>>, %arg2: memref<2x2000x1xf32, #tpu.memory_space<vmem>>, %arg3: memref<2000x128xf32, #tpu.memory_space<vmem>>, %arg4: memref<128x128xf32, #tpu.memory_space<vmem>>, %arg5: memref<1x128xf32, #tpu.memory_space<vmem>>, %arg6: memref<128x128xf32, #tpu.memory_space<vmem>>, %arg7: memref<2000x128xf32, #tpu.memory_space<vmem>>) attributes {dimension_semantics = [#tpu.dimension_semantics<arbitrary>], iteration_bounds = array<i64: 5>, scalar_prefetch = 0 : i64, scratch_operands = 0 : i64, tpu.core_type = #tpu.core_type<tc>, window_params = [{transform_indices = @transform_0, window_bounds = array<i64: 2, 2000, 128>}, {transform_indices = @transform_1, window_bounds = array<i64: 2, 2000, 1>}, {transform_indices = @transform_2, window_bounds = array<i64: 2000, 128>}, {pipeline_mode = #tpu.pipeline_mode<synchronous>, transform_indices = @transform_3, window_bounds = array<i64: 128, 128>}, {pipeline_mode = #tpu.pipeline_mode<synchronous>, transform_indices = @transform_4, window_bounds = array<i64: 1, 128>}, {pipeline_mode = #tpu.pipeline_mode<synchronous>, transform_indices = @transform_5, window_bounds = array<i64: 128, 128>}, {transform_indices = @transform_6, window_bounds = array<i64: 2000, 128>}]} {
    %get3A = arith.constant 0 : index
    %get3A_0 = arith.constant 0 : index
    %get3A_1 = arith.constant 0 : index
    %get3A_2 = vector.load %arg2[%get3A, %get3A_0, %get3A_1] : memref<2x2000x1xf32, #tpu.memory_space<vmem>>, vector<1x2000x1xf32>
    %get3A_3 = vector.shape_cast %get3A_2 : vector<1x2000x1xf32> to vector<2000x1xf32>
    %get3A_4 = arith.constant 1 : index
    %get3A_5 = arith.constant 0 : index
    %get3A_6 = arith.constant 0 : index
    %get3A_7 = vector.load %arg2[%get3A_4, %get3A_5, %get3A_6] : memref<2x2000x1xf32, #tpu.memory_space<vmem>>, vector<1x2000x1xf32>
    %get3A_8 = vector.shape_cast %get3A_7 : vector<1x2000x1xf32> to vector<2000x1xf32>
    %add3A = arith.addf %get3A_3, %get3A_8 : vector<2000x1xf32>
    %max3A = arith.constant 1.000000e+00 : f32
    %max3A_9 = vector.broadcast %max3A : f32 to vector<2000x1xf32>
    %max3A_10 = arith.maximumf %add3A, %max3A_9 : vector<2000x1xf32>
    %div3A = arith.constant 1.000000e+00 : f32
    %div3A_11 = vector.broadcast %div3A : f32 to vector<2000x1xf32>
    %div3A_12 = arith.divf %div3A_11, %max3A_10 : vector<2000x1xf32>
    %get3A_13 = arith.constant 0 : index
    %get3A_14 = arith.constant 0 : index
    %get3A_15 = arith.constant 0 : index
    %get3A_16 = vector.load %arg1[%get3A_13, %get3A_14, %get3A_15] : memref<2x2000x128xf32, #tpu.memory_space<vmem>>, vector<1x2000x128xf32>
    %get3A_17 = vector.shape_cast %get3A_16 : vector<1x2000x128xf32> to vector<2000x128xf32>
    %get3A_18 = arith.constant 1 : index
    %get3A_19 = arith.constant 0 : index
    %get3A_20 = arith.constant 0 : index
    %get3A_21 = vector.load %arg1[%get3A_18, %get3A_19, %get3A_20] : memref<2x2000x128xf32, #tpu.memory_space<vmem>>, vector<1x2000x128xf32>
    %get3A_22 = vector.shape_cast %get3A_21 : vector<1x2000x128xf32> to vector<2000x128xf32>
    %add3A_23 = arith.addf %get3A_17, %get3A_22 : vector<2000x128xf32>
    %mul3A = vector.broadcast %div3A_12 : vector<2000x1xf32> to vector<2000x128xf32>
    %mul3A_24 = arith.mulf %add3A_23, %mul3A : vector<2000x128xf32>
    %get3A_25 = arith.constant 0 : index
    %get3A_26 = arith.constant 0 : index
    %get3A_27 = vector.load %arg4[%get3A_25, %get3A_26] : memref<128x128xf32, #tpu.memory_space<vmem>>, vector<128x128xf32>
    %dot_general3A = arith.constant dense<0.000000e+00> : vector<2000x128xf32>
    %dot_general3A_28 = tpu.matmul %mul3A_24, %get3A_27, %dot_general3A {dimension_numbers = #tpu.dot_dimension_numbers<[1], [0], [0], [1], [0, 0, 1, 1], [], []>, transpose_lhs_hint = false} : vector<2000x128xf32>, vector<128x128xf32>, vector<2000x128xf32> -> vector<2000x128xf32>
    %get3A_29 = arith.constant 0 : index
    %get3A_30 = arith.constant 0 : index
    %get3A_31 = vector.load %arg5[%get3A_29, %get3A_30] : memref<1x128xf32, #tpu.memory_space<vmem>>, vector<1x128xf32>
    %add3A_32 = vector.broadcast %get3A_31 : vector<1x128xf32> to vector<2000x128xf32>
    %add3A_33 = arith.addf %dot_general3A_28, %add3A_32 : vector<2000x128xf32>
    %get3A_34 = arith.constant 0 : index
    %get3A_35 = arith.constant 0 : index
    %get3A_36 = vector.load %arg3[%get3A_34, %get3A_35] : memref<2000x128xf32, #tpu.memory_space<vmem>>, vector<2000x128xf32>
    %get3A_37 = arith.constant 0 : index
    %get3A_38 = arith.constant 0 : index
    %get3A_39 = vector.load %arg6[%get3A_37, %get3A_38] : memref<128x128xf32, #tpu.memory_space<vmem>>, vector<128x128xf32>
    %dot_general3A_40 = arith.constant dense<0.000000e+00> : vector<2000x128xf32>
    %dot_general3A_41 = tpu.matmul %get3A_36, %get3A_39, %dot_general3A_40 {dimension_numbers = #tpu.dot_dimension_numbers<[1], [0], [0], [1], [0, 0, 1, 1], [], []>, transpose_lhs_hint = false} : vector<2000x128xf32>, vector<128x128xf32>, vector<2000x128xf32> -> vector<2000x128xf32>
    %add3A_42 = arith.addf %add3A_33, %dot_general3A_41 : vector<2000x128xf32>
    %gt3A = arith.constant 0.000000e+00 : f32
    %gt3A_43 = vector.broadcast %gt3A : f32 to vector<2000x128xf32>
    %gt3A_44 = arith.cmpf ogt, %add3A_42, %gt3A_43 : vector<2000x128xf32>
    %exp3A = math.exp %add3A_42 : vector<2000x128xf32>
    %sub3A = arith.constant 1.000000e+00 : f32
    %sub3A_45 = vector.broadcast %sub3A : f32 to vector<2000x128xf32>
    %sub3A_46 = arith.subf %exp3A, %sub3A_45 : vector<2000x128xf32>
    %select_n3A = arith.select %gt3A_44, %add3A_42, %sub3A_46 : vector<2000x128xi1>, vector<2000x128xf32>
    %swap3A = arith.constant 0 : index
    %swap3A_47 = arith.constant 0 : index
    %swap3A_48 = vector.load %arg7[%swap3A, %swap3A_47] : memref<2000x128xf32, #tpu.memory_space<vmem>>, vector<2000x128xf32>
    tpu.vector_store %arg7[%swap3A, %swap3A_47], %select_n3A {strides = array<i32>} : memref<2000x128xf32, #tpu.memory_space<vmem>>, vector<2000x128xf32>,
    return
  }
  func.func @transform_0(%arg0: i32) -> (i32, i32, i32) {
    %c0_i32 = arith.constant 0 : i32
    %c0_i32_0 = arith.constant 0 : i32
    %c0_i32_1 = arith.constant 0 : i32
    return %c0_i32, %arg0, %c0_i32_0 : i32, i32, i32
  }
  func.func @transform_1(%arg0: i32) -> (i32, i32, i32) {
    %c0_i32 = arith.constant 0 : i32
    %c0_i32_0 = arith.constant 0 : i32
    %c0_i32_1 = arith.constant 0 : i32
    return %c0_i32, %arg0, %c0_i32_0 : i32, i32, i32
  }
  func.func @transform_2(%arg0: i32) -> (i32, i32) {
    %c0_i32 = arith.constant 0 : i32
    %c0_i32_0 = arith.constant 0 : i32
    return %arg0, %c0_i32 : i32, i32
  }
  func.func @transform_3(%arg0: i32) -> (i32, i32) {
    %c0_i32 = arith.constant 0 : i32
    %c0_i32_0 = arith.constant 0 : i32
    %c0_i32_1 = arith.constant 0 : i32
    return %c0_i32, %c0_i32_0 : i32, i32
  }
  func.func @transform_4(%arg0: i32) -> (i32, i32) {
    %c0_i32 = arith.constant 0 : i32
    %c0_i32_0 = arith.constant 0 : i32
    %c0_i32_1 = arith.constant 0 : i32
    return %c0_i32, %c0_i32_0 : i32, i32
  }
  func.func @transform_5(%arg0: i32) -> (i32, i32) {
    %c0_i32 = arith.constant 0 : i32
    %c0_i32_0 = arith.constant 0 : i32
    %c0_i32_1 = arith.constant 0 : i32
    return %c0_i32, %c0_i32_0 : i32, i32
  }
  func.func @transform_6(%arg0: i32) -> (i32, i32) {
    %c0_i32 = arith.constant 0 : i32
    %c0_i32_0 = arith.constant 0 : i32
    return %arg0, %c0_i32 : i32, i32
  }
}

module attributes {stable_mosaic.version = 14 : i64} {
  func.func @_dense_body(%arg0: i32, %arg1: memref<2x2000x128xf32, #tpu.memory_space<vmem>>, %arg2: memref<2x2000x1xf32, #tpu.memory_space<vmem>>, %arg3: memref<2000x128xf32, #tpu.memory_space<vmem>>, %arg4: memref<128x128xf32, #tpu.memory_space<vmem>>, %arg5: memref<1x128xf32, #tpu.memory_space<vmem>>, %arg6: memref<128x128xf32, #tpu.memory_space<vmem>>, %arg7: memref<2000x128xf32, #tpu.memory_space<vmem>>) attributes {dimension_semantics = [#tpu.dimension_semantics<arbitrary>], iteration_bounds = array<i64: 5>, scalar_prefetch = 0 : i64, scratch_operands = 0 : i64, tpu.core_type = #tpu.core_type<tc>, window_params = [{transform_indices = @transform_0, window_bounds = array<i64: 2, 2000, 128>}, {transform_indices = @transform_1, window_bounds = array<i64: 2, 2000, 1>}, {transform_indices = @transform_2, window_bounds = array<i64: 2000, 128>}, {pipeline_mode = #tpu.pipeline_mode<synchronous>, transform_indices = @transform_3, window_bounds = array<i64: 128, 128>}, {pipeline_mode = #tpu.pipeline_mode<synchronous>, transform_indices = @transform_4, window_bounds = array<i64: 1, 128>}, {pipeline_mode = #tpu.pipeline_mode<synchronous>, transform_indices = @transform_5, window_bounds = array<i64: 128, 128>}, {transform_indices = @transform_6, window_bounds = array<i64: 2000, 128>}]} {
    %get3A = arith.constant 0 : index
    %get3A_0 = arith.constant 0 : index
    %get3A_1 = arith.constant 0 : index
    %get3A_2 = vector.load %arg2[%get3A, %get3A_0, %get3A_1] : memref<2x2000x1xf32, #tpu.memory_space<vmem>>, vector<1x2000x1xf32>
    %get3A_3 = vector.shape_cast %get3A_2 : vector<1x2000x1xf32> to vector<2000x1xf32>
    %get3A_4 = arith.constant 1 : index
    %get3A_5 = arith.constant 0 : index
    %get3A_6 = arith.constant 0 : index
    %get3A_7 = vector.load %arg2[%get3A_4, %get3A_5, %get3A_6] : memref<2x2000x1xf32, #tpu.memory_space<vmem>>, vector<1x2000x1xf32>
    %get3A_8 = vector.shape_cast %get3A_7 : vector<1x2000x1xf32> to vector<2000x1xf32>
    %add3A = arith.addf %get3A_3, %get3A_8 : vector<2000x1xf32>
    %max3A = arith.constant 1.000000e+00 : f32
    %max3A_9 = vector.broadcast %max3A : f32 to vector<2000x1xf32>
    %max3A_10 = arith.maximumf %add3A, %max3A_9 : vector<2000x1xf32>
    %div3A = arith.constant 1.000000e+00 : f32
    %div3A_11 = vector.broadcast %div3A : f32 to vector<2000x1xf32>
    %div3A_12 = arith.divf %div3A_11, %max3A_10 : vector<2000x1xf32>
    %get3A_13 = arith.constant 0 : index
    %get3A_14 = arith.constant 0 : index
    %get3A_15 = arith.constant 0 : index
    %get3A_16 = vector.load %arg1[%get3A_13, %get3A_14, %get3A_15] : memref<2x2000x128xf32, #tpu.memory_space<vmem>>, vector<1x2000x128xf32>
    %get3A_17 = vector.shape_cast %get3A_16 : vector<1x2000x128xf32> to vector<2000x128xf32>
    %get3A_18 = arith.constant 1 : index
    %get3A_19 = arith.constant 0 : index
    %get3A_20 = arith.constant 0 : index
    %get3A_21 = vector.load %arg1[%get3A_18, %get3A_19, %get3A_20] : memref<2x2000x128xf32, #tpu.memory_space<vmem>>, vector<1x2000x128xf32>
    %get3A_22 = vector.shape_cast %get3A_21 : vector<1x2000x128xf32> to vector<2000x128xf32>
    %add3A_23 = arith.addf %get3A_17, %get3A_22 : vector<2000x128xf32>
    %mul3A = vector.broadcast %div3A_12 : vector<2000x1xf32> to vector<2000x128xf32>
    %mul3A_24 = arith.mulf %add3A_23, %mul3A : vector<2000x128xf32>
    %get3A_25 = arith.constant 0 : index
    %get3A_26 = arith.constant 0 : index
    %get3A_27 = vector.load %arg4[%get3A_25, %get3A_26] : memref<128x128xf32, #tpu.memory_space<vmem>>, vector<128x128xf32>
    %dot_general3A = arith.constant dense<0.000000e+00> : vector<2000x128xf32>
    %dot_general3A_28 = tpu.matmul %mul3A_24, %get3A_27, %dot_general3A {dimension_numbers = #tpu.dot_dimension_numbers<[1], [0], [0], [1], [0, 0, 1, 1], [], []>, transpose_lhs_hint = false} : vector<2000x128xf32>, vector<128x128xf32>, vector<2000x128xf32> -> vector<2000x128xf32>
    %get3A_29 = arith.constant 0 : index
    %get3A_30 = arith.constant 0 : index
    %get3A_31 = vector.load %arg5[%get3A_29, %get3A_30] : memref<1x128xf32, #tpu.memory_space<vmem>>, vector<1x128xf32>
    %add3A_32 = vector.broadcast %get3A_31 : vector<1x128xf32> to vector<2000x128xf32>
    %add3A_33 = arith.addf %dot_general3A_28, %add3A_32 : vector<2000x128xf32>
    %get3A_34 = arith.constant 0 : index
    %get3A_35 = arith.constant 0 : index
    %get3A_36 = vector.load %arg3[%get3A_34, %get3A_35] : memref<2000x128xf32, #tpu.memory_space<vmem>>, vector<2000x128xf32>
    %get3A_37 = arith.constant 0 : index
    %get3A_38 = arith.constant 0 : index
    %get3A_39 = vector.load %arg6[%get3A_37, %get3A_38] : memref<128x128xf32, #tpu.memory_space<vmem>>, vector<128x128xf32>
    %dot_general3A_40 = arith.constant dense<0.000000e+00> : vector<2000x128xf32>
    %dot_general3A_41 = tpu.matmul %get3A_36, %get3A_39, %dot_general3A_40 {dimension_numbers = #tpu.dot_dimension_numbers<[1], [0], [0], [1], [0, 0, 1, 1], [], []>, transpose_lhs_hint = false} : vector<2000x128xf32>, vector<128x128xf32>, vector<2000x128xf32> -> vector<2000x128xf32>
    %add3A_42 = arith.addf %add3A_33, %dot_general3A_41 : vector<2000x128xf32>
    %swap3A = arith.constant 0 : index
    %swap3A_43 = arith.constant 0 : index
    %swap3A_44 = vector.load %arg7[%swap3A, %swap3A_43] : memref<2000x128xf32, #tpu.memory_space<vmem>>, vector<2000x128xf32>
    tpu.vector_store %arg7[%swap3A, %swap3A_43], %add3A_42 {strides = array<i32>} : memref<2000x128xf32, #tpu.memory_space<vmem>>, vector<2000x128xf32>,
    return
  }
  func.func @transform_0(%arg0: i32) -> (i32, i32, i32) {
    %c0_i32 = arith.constant 0 : i32
    %c0_i32_0 = arith.constant 0 : i32
    %c0_i32_1 = arith.constant 0 : i32
    return %c0_i32, %arg0, %c0_i32_0 : i32, i32, i32
  }
  func.func @transform_1(%arg0: i32) -> (i32, i32, i32) {
    %c0_i32 = arith.constant 0 : i32
    %c0_i32_0 = arith.constant 0 : i32
    %c0_i32_1 = arith.constant 0 : i32
    return %c0_i32, %arg0, %c0_i32_0 : i32, i32, i32
  }
  func.func @transform_2(%arg0: i32) -> (i32, i32) {
    %c0_i32 = arith.constant 0 : i32
    %c0_i32_0 = arith.constant 0 : i32
    return %arg0, %c0_i32 : i32, i32
  }
  func.func @transform_3(%arg0: i32) -> (i32, i32) {
    %c0_i32 = arith.constant 0 : i32
    %c0_i32_0 = arith.constant 0 : i32
    %c0_i32_1 = arith.constant 0 : i32
    return %c0_i32, %c0_i32_0 : i32, i32
  }
  func.func @transform_4(%arg0: i32) -> (i32, i32) {
    %c0_i32 = arith.constant 0 : i32
    %c0_i32_0 = arith.constant 0 : i32
    %c0_i32_1 = arith.constant 0 : i32
    return %c0_i32, %c0_i32_0 : i32, i32
  }
  func.func @transform_5(%arg0: i32) -> (i32, i32) {
    %c0_i32 = arith.constant 0 : i32
    %c0_i32_0 = arith.constant 0 : i32
    %c0_i32_1 = arith.constant 0 : i32
    return %c0_i32, %c0_i32_0 : i32, i32
  }
  func.func @transform_6(%arg0: i32) -> (i32, i32) {
    %c0_i32 = arith.constant 0 : i32
    %c0_i32_0 = arith.constant 0 : i32
    return %arg0, %c0_i32 : i32, i32
  }
}

</mosaic_0001>

<sc_bundles>
// kernel: kernel.6.cloned.1.call-start
scs
__scs_entry_jumppad:
0x0: {  	(pc) =	sbr.rel $0x88, $3  }
0x1: {  	(tag) =	ssettag $0x0;
	lr =	simm.s32 $0x1  }
0x2: {  	[smem:$0x3F99] =	sst lr;
	_ =	strace $0xD0000000  }
0x3: {  	_ = 	snop  }
0x4: {  	_ = 	snop  }
0x5: {  	_ = 	snop  }
0x6: {  	_ = 	snop  }
0x7: {  	_ = 	snop  }
__scs_overlays_trampoline_lowered:
0x8: {  	[smem:$0x3FA8] =	sst s0  }
0x9: {  	[smem:$0x3FA9] =	sst s1  }
0xa: {  	[smem:$0x3FAA] =	sst s2  }
0xb: {  	[smem:$0x3FAB] =	sst s3  }
0xc: {  	[smem:$0x3FAC] =	sst s4  }
0xd: {  	[smem:$0x3FAD] =	sst s5  }
0xe: {  	[smem:$0x3FAE] =	sst s6  }
0xf: {  	[smem:$0x3FAF] =	sst s7  }
0x10: {  	[smem:$0x3FB0] =	sst s8  }
0x11: {  	[smem:$0x3FB1] =	sst s9;
	s0 =	simm.s32 @!p0 $0x0  }
0x12: {  	s1 =	sld [smem:$0x3F97];
	s0 =	simm.s32 @p0 $0x1  }
0x13: {  	[smem:$0x3FB2] =	sst s0;
	s0 =	simm.s32 @!p1 $0x0  }
0x14: {  	s2 =	sld [smem:$0x3F96];
	s0 =	simm.s32 @p1 $0x1  }
0x15: {  	[smem:$0x3FB3] =	sst s0;
	s0 =	simm.s32 @!p2 $0x0  }
0x16: {  	s3 =	sld [smem:$0x3FDB];
	s0 =	simm.s32 @p2 $0x1  }
0x17: {  	s4 =	simm.s32 $0x1BF5;
	[smem:$0x3FB5] =	sst s0  }
0x18: {  	s0 =	sld [smem:$0x3F98];
	_ =	swait.ge [sflag:s4], $0x0  }
0x19: {  	s7 =	sld [smem:$0x3F99]  }
0x1a: {  	s8 =	sadd.s32 $0xFFFFE003, lr  }
0x1b: {  	s9 =	sadd.s32 $0xFFFFFEF7, lr;
	s5 =	simm.s32 $0xFFFFFFFF;
	p2 =	slt.u32 s8, $0xFFFFF086  }
0x1c: {  	p1 =	slt.u32 s9, $0xF7A;
	s5 =	simm.s32 @!p2 $0x0  }
0x1d: {  	s5 =	simm.s32 @p1 $0x1;
	p0 =	seq.s32 s7, s2  }
0x1e: {  	s7 =	smul.u32 @!p0 $0xF7A, s2;
	p2 =	seq.s32 @!p0 s5, $0x0  }
0x1f: {  	s9 =	smul.u32 $0xF7A, s1;
	s8 =	simm.s32 @!p0 $0x1BF5;
	p2 =	por !p2, p0  }
0x20: {  	[sflag:s8] =	ssyncset.s32 @!p0 $0xFFFFF086;
	s6 =	sadd.s32 @!p0 s3, s7;
	s7 =	simm.s32 @!p0 $0x108  }
0x21: {  	s3 =	sadd.s32 s3, s9;
	s6 =	sadd.s32 @!p0 $0x88, s6;
	s7 =	simm.s32 @p2 $0x1082  }
0x22: {  	[simem:s7], [sflag:s8] =	dma.local @!p0 [hbm:s6], $0xF7A  }
0x23: {  	s9 =	sor.u32 $0xD0000000, s2;
	s6 =	simm.s32 $0x108;
	_ =	swait.ge @!p0 [sflag:s8], $0x0  }
0x24: {  	s3 =	sadd.s32 $0x88, s3;
	s6 =	simm.s32 @!p1 $0x1082;
	[sflag:s4] =	ssyncset.s32 $0xFFFFF086  }
0x25: {  	[simem:s6], [sflag:s4] =	dma.local [hbm:s3], $0xF7A  }
0x26: {  	[smem:$0x3F99] =	sst s1;
	(tag) =	ssettag s2;
	_ =	strace s9  }
0x27: {  	s1 =	sld [smem:$0x3FA9]  }
0x28: {  	s2 =	sld [smem:$0x3FAA]  }
0x29: {  	s4 =	sld [smem:$0x3FAC]  }
0x2a: {  	p0 =	seq.s32 s5, $0x0;
	s5 =	sld [smem:$0x3FAD]  }
0x2b: {  	s6 =	sld [smem:$0x3FAE]  }
0x2c: {  	s7 =	sld [smem:$0x3FAF]  }
0x2d: {  	s3 =	simm.s32 $0x108;
	s8 =	sld [smem:$0x3FB0]  }
0x2e: {  	s3 =	simm.s32 @!p0 $0x1082;
	s9 =	sld [smem:$0x3FB1]  }
0x2f: {  	lr =	sadd.s32 s0, s3;
	s0 =	sld [smem:$0x3FA8]  }
0x30: {  	s3 =	sld [smem:$0x3FAB]  }
0x31: {  	[smem:$0x3FB4] =	sst s10  }
0x32: {  	s10 =	sld [smem:$0x3FB2];
	_ =	sdelay $0x3  }
0x33: {  	p0 =	seq.s32 s10, $0x1;
	s10 =	sld [smem:$0x3FB4];
	_ =	sdelay $0x3  }
0x34: {  	[smem:$0x3FB4] =	sst s10  }
0x35: {  	s10 =	sld [smem:$0x3FB3];
	_ =	sdelay $0x3  }
0x36: {  	p1 =	seq.s32 s10, $0x1;
	s10 =	sld [smem:$0x3FB4];
	_ =	sdelay $0x3  }
0x37: {  	[smem:$0x3FB4] =	sst s10  }
0x38: {  	s10 =	sld [smem:$0x3FB5]  }
0x39: {  	_ = 	snop;
	(pc) =	sbr.ind lr, $3  }
0x3a: {  	_ = 	snop  }
0x3b: {  	_ = 	snop  }
0x3c: {  	p2 =	seq.s32 s10, $0x1;
	s10 =	sld [smem:$0x3FB4]  }
0x3d: {  	_ =	shalt  }
0x3e: {  	_ =	shalt  }
0x3f: {  	_ =	shalt  }
0x40: {  	_ =	shalt  }
0x41: {  	_ =	shalt  }
0x42: {  	_ =	shalt  }
0x43: {  	_ =	shalt  }
0x44: {  	_ =	shalt  }
0x45: {  	_ =	shalt  }
0x46: {  	_ =	shalt  }
0x47: {  	_ =	shalt  }
0x48: {  	_ =	shalt  }
0x49: {  	_ =	shalt  }
0x4a: {  	_ =	shalt  }
0x4b: {  	_ =	shalt  }
0x4c: {  	_ =	shalt  }
0x4d: {  	_ =	shalt  }
0x4e: {  	_ =	shalt  }
0x4f: {  	_ =	shalt  }
0x50: {  	_ =	shalt  }
0x51: {  	_ =	shalt  }
0x52: {  	_ =	shalt  }
0x53: {  	_ =	shalt  }
0x54: {  	_ =	shalt  }
0x55: {  	_ =	shalt  }
0x56: {  	_ =	shalt  }
0x57: {  	_ =	shalt  }
0x58: {  	_ =	shalt  }
0x59: {  	_ =	shalt  }
0x5a: {  	_ =	shalt  }
0x5b: {  	_ =	shalt  }
0x5c: {  	_ =	shalt  }
0x5d: {  	_ =	shalt  }
0x5e: {  	_ =	shalt  }
0x5f: {  	_ =	shalt  }
0x60: {  	_ =	shalt  }
0x61: {  	_ =	shalt  }
0x62: {  	_ =	shalt  }
0x63: {  	_ =	shalt  }
0x64: {  	_ =	shalt  }
0x65: {  	_ =	shalt  }
0x66: {  	_ =	shalt  }
0x67: {  	_ =	shalt  }
0x68: {  	_ =	shalt  }
0x69: {  	_ =	shalt  }
0x6a: {  	_ =	shalt  }
0x6b: {  	_ =	shalt  }
0x6c: {  	_ =	shalt  }
0x6d: {  	_ =	shalt  }
0x6e: {  	_ =	shalt  }
0x6f: {  	_ =	shalt  }
0x70: {  	_ =	shalt  }
0x71: {  	_ =	shalt  }
0x72: {  	_ =	shalt  }
0x73: {  	_ =	shalt  }
0x74: {  	_ =	shalt  }
0x75: {  	_ =	shalt  }
0x76: {  	_ =	shalt  }
0x77: {  	_ =	shalt  }
0x78: {  	_ =	shalt  }
0x79: {  	_ =	shalt  }
0x7a: {  	_ =	shalt  }
0x7b: {  	_ =	shalt  }
0x7c: {  	_ =	shalt  }
0x7d: {  	_ =	shalt  }
0x7e: {  	_ =	shalt  }
0x7f: {  	_ =	shalt  }
0x80: {  	_ =	shalt  }
0x81: {  	_ =	shalt  }
0x82: {  	_ =	shalt  }
0x83: {  	_ =	shalt  }
0x84: {  	_ =	shalt  }
0x85: {  	_ =	shalt  }
0x86: {  	_ =	shalt  }
0x87: {  	_ =	shalt  }
.Lfunc_end0:
.L_simem_size_0:
called_computation_lowered:
.L_overlay_start_0:
0x88: {  	s2 =	sld [smem:$0x3FD9]  }
0x89: {  	s3 =	sld [smem:$0x3FFE];
	_ =	sdelay $0x1  }
0x8a: {  	s1 =	srdreg.scid  }
0x8b: {  	s0 =	sand.u32 $0x1, s1  }
0x8c: {  	s17 =	sshll.u32 s0, $0xA;
	s2 =	sadd.s32 s3, s2  }
0x8d: {  	s2 =	sadd.s32 s2, s17  }
0x8e: {  	[smem:$0x3FC0] =	sst s2  }
0x8f: {  	_ = 	snop  }
0x90: {  	s2 =	sld [smem:$0x3FC9]  }
0x91: {  	s18 =	sld [smem:$0x3FD0];
	(tm) =	ssettm $0x1  }
0x92: {  	s4 =	sld [smem:$0x3FFB];
	_ =	sdelay $0x3  }
0x93: {  	_ =	strace s4  }
0x94: {  	s4 =	sld [smem:$0x3FFC];
	_ =	sdelay $0x3  }
0x95: {  	_ =	strace s4  }
0x96: {  	s4 =	sld [smem:$0x3FFD];
	_ =	sdelay $0x3  }
0x97: {  	_ =	strace s4  }
0x98: {  	_ =	strace $0x8FFFFFFF  }
0x99: {  	s19 =	sld [smem:$0x3FDB];
	_ =	sdelay $0x1  }
0x9a: {  	s5 =	simm.s32 $_scs_section_size  }
0x9b: {  	s6 =	simm.s32 $_size__tile_overlayer_lowered;
	s7 =	simm.s32 $_tile_overlayer_lowered  }
0x9c: {  	s22 =	simm.s32 $0x1BFF;
	s21 =	sshll.u32 s7, $0x1;
	s4 =	sadd.s32 s5, s19  }
0x9d: {  	s8 =	simm.s32 $0x0;
	s20 =	sshll.u32 s6, $0x1;
	s6 =	sadd.s32 s21, s4  }
0x9e: {  	[timem:s8], [sflag:s22] =	dma.local [hbm:s6], s20  }
0x9f: {  	_ =	swait.ge [sflag:s22], s20  }
0xa0: {  	s5 =	ssub.s32 $0x0, s20;
	[sflag:s22] =	ssyncset.done $0x0  }
0xa1: {  	[sflag:s22] =	ssyncadd.s32 s5;
	_ =	sdelay $0x1  }
0xa2: {  	s23 =	simm.s32 $0x1B8B  }
0xa3: {  	_ =	swait.ge [sflag:s23], $0x1  }
0xa4: {  	[sflag:s23] =	ssyncset.done $0x0  }
0xa5: {  	s25 =	simm.s32 $0x1B8E;
	s24 =	sld [smem:$0x3FFE];
	[sflag:s23] =	ssyncadd.s32 $0xFFFFFFFF  }
0xa6: {  	s26 =	simm.s32 $execute0_lowered;
	[smem:$0x3FD2] =	sst s25  }
0xa7: {  	s6 =	sshll.u32 s26, $0x1;
	_ =	strace $0x80000046;
	[dreg:$0x1] =	wrdreg $0xFFFFFFFF  }
0xa8: {  	s28 =	simm.s32 $_size_execute0_lowered;
	s4 =	sadd.s32 s4, s6;
	[dreg:$0x0] =	wrdreg $0x0  }
0xa9: {  	s6 =	sshll.u32 s28, $0x1;
	[dreg:$0x2] =	wrdreg s4  }
0xaa: {  	[dreg:$0x3] =	wrdreg s6  }
0xab: {  	[dreg:$0x4] =	wrdreg $0xC0  }
0xac: {  	_ =	task [dreg:s8], $0x5FFFF  }
0xad: {  	[dreg:$0x1] =	wrdreg $0xFFFFFFFF  }
0xae: {  	[dreg:$0x0] =	wrdreg $0x60  }
0xaf: {  	[dreg:$0x2] =	wrdreg s2  }
0xb0: {  	[dreg:$0x3] =	wrdreg s24  }
0xb1: {  	[dreg:$0x4] =	wrdreg s18  }
0xb2: {  	[dreg:$0x5] =	wrdreg $0xAB000  }
0xb3: {  	[dreg:$0x6] =	wrdreg $0x1EB000  }
0xb4: {  	[dreg:$0x7] =	wrdreg $0x9  }
0xb5: {  	_ =	task.clear_ibuf [dreg:s8], $0x8FFFF;
	_ =	strace $0x90000046  }
0xb6: {  	s29 =	simm.s32 $0x9;
	_ =	strace $0x80000048  }
0xb7: {  	_ =	swait.ge [sflag:s29], $0x1  }
0xb8: {  	[sflag:s29] =	ssyncadd.s32 $0xFFFFFFFF  }
0xb9: {  	_ =	strace $0x90000048  }
0xba: {  	_ =	sfence  }
0xbb: {  	s30 =	sld [smem:$0x0];
	_ =	sdelay $0x2  }
0xbc: {  	s31 =	sshll.u32 s1, $0xD;
	s1 =	sshrl.u32 s1, $0x2  }
0xbd: {  	s3 =	sand.u32 $0x4000, s31;
	s1 =	sadd.s32 s1, s30  }
0xbe: {  	s0 =	sor.u32 s3, s0;
	s1 =	sshll.u32 s1, $0x11  }
0xbf: {  	s0 =	sor.u32 s1, s0  }
0xc0: {  	s0 =	sadd.s32 $0x8F2B, s0  }
0xc1: {  	[sflag:s0] =	ssyncadd.remote.s32 $0x1  }
0xc2: {  	_ =	sfence.sel $0xFFFF  }
0xc3: {  	[dreg:$0x0] =	wrdreg $0xFFFFFFFF;
	(pc) =	sbr.abs _section_cstart, $3  }
0xc4: {  	[dreg:$0x1] =	wrdreg $0xFFFFFFFF  }
0xc5: {  	_ =	task.clear_ibuf [dreg:s8], $0x2FFFF;
	_ =	strace $0x9FFFFFFF  }
0xc6: {  	(tm) =	ssettm $0x7FFFFFFF  }
0xc7: {  	_ =	shalt  }
tec
execute0_lowered:
.L_overlay_start_1:
0x0: {  	(tag) =	ssettag $0x1  }
0x1: {  	s1 =	rddreg [dreg:$0x0]  }
0x2: {  	s0 =	rddreg [dreg:$0x1]  }
0x3: {  	s5 =	rddreg [dreg:$0x2]  }
0x4: {  	s2 =	rddreg [dreg:$0x3]  }
0x5: {  	s3 =	rddreg [dreg:$0x4];
	s4 =	simm.s32 $0x0;
	s7 =	srdreg.scid  }
0x6: {  	s22 =	stileid.u32;
	s28 =	simm.s32 $0x2;
	s29 =	simm.s32 $0x80  }
0x7: {  	s30 =	simm.s32 $0x100;
	s31 =	simm.s32 $0x6800;
	[smem:$0x7FF] =	sst s4  }
0x8: {  	s6 =	sadd.s32 $0x2200, s0;
	s8 =	sadd.s32 $0x16400, s0;
	s7 =	sand.u32 $0x1, s7  }
0x9: {  	s15 =	sadd.s32 $0x16200, s0;
	s12 =	smul.u32 $0x280, s22;
	s0 =	sadd.s32 $0x16C00, s0  }
0xa: {  	s10 =	smul.u32 $0x50000, s22;
	_ =	strace $0x80000047;
	[dreg:$0x6] =	wrdreg s8  }
0xb: {  	s23 =	smul.u32 $0x14000, s22;
	[dreg:$0x7] =	wrdreg s15;
	s16 =	ssub.s32 $0x2, s7  }
0xc: {  	s17 =	sshll.u32 s7, $0x4;
	s20 =	smul.u32 $0x140000, s7;
	s9 =	sshrl.u32 s16, $0x1  }
0xd: {  	s13 =	sshll.u32 s12, $0x7;
	s11 =	sor.u32 s22, s17;
	s18 =	sshrl.u32 s10, $0x2  }
0xe: {  	s22 =	smul.u32 $0x500, s22;
	s15 =	ssub.s32 s16, s9;
	s16 =	sadd.s32 $0x4000, s13  }
0xf: {  	s8 =	sadd.s32 s18, s2;
	s14 =	smul.u32 $0xA00, s11;
	s17 =	sadd.s32 $0x8000, s13  }
0x10: {  	s18 =	sadd.s32 $0xC000, s13;
	s19 =	smul.u32 $0x5000, s11;
	s21 =	sadd.s32 $0x10000, s13  }
0x11: {  	s24 =	sadd.s32 s23, s20;
	s23 =	sshll.u32 s7, $0x7;
	s7 =	simm.s32 $0x3  }
0x12: {  	s9 =	sadd.s32 s16, s2;
	s10 =	sadd.s32 s17, s2;
	s11 =	sadd.s32 s18, s2  }
0x13: {  	s13 =	sadd.s32 s21, s2;
	s25 =	sadd.s32 s20, s16;
	s26 =	sadd.s32 s20, s17  }
0x14: {  	s21 =	sadd.s32 s20, s21;
	s19 =	sshrl.u32 s19, $0x3;
	s14 =	sadd.s32 s6, s14  }
0x15: {  	s17 =	sshrl.u32 s26, $0x3;
	[dreg:$0x8] =	wrdreg s14;
	s6 =	sadd.s32 s6, s19  }
0x16: {  	s14 =	sadd.s32 s12, s3;
	s12 =	sshrl.u32 s25, $0x3;
	s19 =	sadd.s32 s20, s18  }
0x17: {  	s18 =	sadd.s32 s0, s17;
	s25 =	sshrl.u32 s21, $0x3;
	s6 =	sadd.s32 $0x500, s6  }
0x18: {  	s20 =	sadd.s32 s0, s25;
	[dreg:$0x9] =	wrdreg s6;
	s6 =	sshrl.u32 s24, $0x3  }
0x19: {  	s25 =	simm.s32 $0xA880;
	s24 =	sshrl.u32 s19, $0x3;
	s6 =	sadd.s32 s0, s6  }
0x1a: {  	s19 =	sadd.s32 s0, s24;
	s24 =	simm.s32 $0x4;
	[dreg:$0xa] =	wrdreg s6  }
0x1b: {  	s6 =	sadd.s32 s0, s12;
	s0 =	simm.s32 $0xA800;
	s12 =	simm.s32 $0x0  }
0x1c: {  	[dreg:$0xb] =	wrdreg s6;
	s6 =	sor.u32 s23, s22;
	s22 =	smax.u32 s15, $0x1  }
0x1d: {  	s23 =	simm.s32 $0x2800;
	s26 =	sshrl.u32 s6, $0x3;
	s6 =	simm.s32 $0x2780  }
0x1e: {  	v0 =	vimm.f32 $1.000000000e+00;
	s21 =	sadd.s32 s5, s26;
	s26 =	simm.s32 $0x1;
	s5 =	simm.s32 $0x2680  }
.LBB2_1:
0x1f: {  	[tilespmem:$0xA800] =	vst v0  }
0x20: {  	[tilespmem:$0xA810] =	vst v0  }
0x21: {  	[tilespmem:$0xA820] =	vst v0  }
0x22: {  	[tilespmem:$0xA830] =	vst v0  }
0x23: {  	[tilespmem:$0xA840] =	vst v0  }
0x24: {  	[tilespmem:$0xA850] =	vst v0  }
0x25: {  	[tilespmem:$0xA860] =	vst v0  }
0x26: {  	[tilespmem:$0xA870] =	vst v0;
	s15 =	rddreg [dreg:$0x6]  }
0x27: {  	[tilespmem:s23], [sflag:$0x4] =	stream.linear.gather [hbm4b:s15+s4], $0x4000, $0x38;
	[tilespmem:$0x1ED80] =	vst v63  }
0x28: {  	_ =	swait.ge [sflag:s24], $0x4000  }
0x29: {  	[sflag:s24] =	ssyncset.done $0x0  }
0x2a: {  	[sflag:s24] =	ssyncadd.s32 $0xFFFFC000  }
0x2b: {  	[spmem:s8] =	stream.linear.scatter [tilespmem:s23], [sflag:$0x1], $0x4000, $0x38;
	[tilespmem:$0x1ED80] =	vst v63  }
0x2c: {  	_ = 	snop  }
0x2d: {  	[spmem:s9] =	stream.linear.scatter [tilespmem:s23], [sflag:$0x1], $0x4000, $0x38;
	[tilespmem:$0x1ED80] =	vst v63  }
0x2e: {  	_ = 	snop  }
0x2f: {  	[spmem:s10] =	stream.linear.scatter [tilespmem:s23], [sflag:$0x1], $0x4000, $0x38;
	[tilespmem:$0x1ED80] =	vst v63  }
0x30: {  	_ = 	snop  }
0x31: {  	[spmem:s11] =	stream.linear.scatter [tilespmem:s23], [sflag:$0x1], $0x4000, $0x38;
	[tilespmem:$0x1ED80] =	vst v63  }
0x32: {  	_ = 	snop  }
0x33: {  	[spmem:s13] =	stream.linear.scatter [tilespmem:s23], [sflag:$0x1], $0x4000, $0x38;
	[tilespmem:$0x1ED80] =	vst v63  }
0x34: {  	s17 =	rddreg [dreg:$0x7]  }
0x35: {  	[tilespmem:s25], [sflag:$0x4] =	stream.linear.gather [hbm4b:s17+s4], $0x280, $0x38;
	[tilespmem:$0x1ED80] =	vst v63  }
0x36: {  	_ =	swait.ge [sflag:s24], $0x280  }
0x37: {  	[sflag:s24] =	ssyncset.done $0x0  }
0x38: {  	[sflag:s24] =	ssyncadd.s32 $0xFFFFFD80  }
0x39: {  	[spmem:s14] =	stream.linear.scatter [tilespmem:s25], [sflag:$0x2], $0x280, $0x38;
	[tilespmem:$0x1ED80] =	vst v63  }
0x3a: {  	_ =	swait.ge [sflag:s26], $0x4000  }
0x3b: {  	[sflag:s26] =	ssyncset.done $0x0  }
0x3c: {  	[sflag:s26] =	ssyncadd.s32 $0xFFFFC000  }
0x3d: {  	_ =	swait.ge [sflag:s26], $0x4000  }
0x3e: {  	[sflag:s26] =	ssyncset.done $0x0  }
0x3f: {  	[sflag:s26] =	ssyncadd.s32 $0xFFFFC000  }
0x40: {  	_ =	swait.ge [sflag:s26], $0x4000  }
0x41: {  	[sflag:s26] =	ssyncset.done $0x0  }
0x42: {  	[sflag:s26] =	ssyncadd.s32 $0xFFFFC000  }
0x43: {  	_ =	swait.ge [sflag:s26], $0x4000  }
0x44: {  	[sflag:s26] =	ssyncset.done $0x0  }
0x45: {  	[sflag:s26] =	ssyncadd.s32 $0xFFFFC000  }
0x46: {  	_ =	swait.ge [sflag:s26], $0x4000  }
0x47: {  	[sflag:s26] =	ssyncset.done $0x0  }
0x48: {  	[sflag:s26] =	ssyncadd.s32 $0xFFFFC000  }
0x49: {  	_ =	swait.ge [sflag:s28], $0x280  }
0x4a: {  	[sflag:s28] =	ssyncset.done $0x0  }
0x4b: {  	[sflag:s28] =	ssyncadd.s32 $0xFFFFFD80  }
0x4c: {  	[bflag:$0x0] =	sbarrier.arrive $0xFFFF  }
0x4d: {  	s16 =	rddreg [dreg:$0x8]  }
0x4e: {  	[tilespmem:s4], [sflag:$0x4] =	stream.linear.gather [hbm4b:s16+s4], $0x2800, $0x38;
	[tilespmem:$0x1ED80] =	vst v63  }
0x4f: {  	_ =	swait.ge [sflag:s24], $0x2800  }
0x50: {  	[sflag:s24] =	ssyncset.done $0x0  }
0x51: {  	[sflag:s24] =	ssyncadd.s32 $0xFFFFD800  }
0x52: {  	[tilespmem:s23], [sflag:$0x1] =	stream.indirect.gather [hbm4b:s1+s29], $0x80, s4, s29, $0xb8;
	[tilespmem:$0x1ED80] =	vst v63  }
0x53: {  	_ = 	snop  }
0x54: {  	[tilespmem:s31], [sflag:$0x2] =	stream.indirect.gather [hbm4b:s1+s29], $0x80, s30, s29, $0xb8;
	[tilespmem:$0x1ED80] =	vst v63  }
0x55: {  	_ =	swait.ge [sflag:s26], $0x4000  }
0x56: {  	[sflag:s26] =	ssyncset.done $0x0  }
0x57: {  	s17 =	simm.s32 $0x80;
	[sflag:s26] =	ssyncadd.s32 $0xFFFFC000  }
0x58: {  	[spmem:s2] =	stream.indirect.scatter.add.f32 [tilespmem:s23], [sflag:$0x4], $0x80, s17, s29, $0xb8;
	[tilespmem:$0x1ED80] =	vst v63  }
0x59: {  	_ =	swait.ge [sflag:s24], $0x4000  }
0x5a: {  	[sflag:s24] =	ssyncset.done $0x0  }
0x5b: {  	[sflag:s24] =	ssyncadd.s32 $0xFFFFC000  }
0x5c: {  	[spmem:s3] =	stream.indirect.scatter.add.f32 [tilespmem:s0], [sflag:$0x3], $0x1, s17, s29, $0xb8;
	[tilespmem:$0x1ED80] =	vst v63  }
0x5d: {  	s16 =	simm.s32 $0x200  }
0x5e: {  	[tilespmem:s23], [sflag:$0x1] =	stream.indirect.gather [hbm4b:s1+s29], $0x80, s16, s29, $0xb8;
	[tilespmem:$0x1ED80] =	vst v63  }
0x5f: {  	_ =	swait.ge [sflag:s28], $0x4000  }
0x60: {  	[sflag:s28] =	ssyncset.done $0x0  }
0x61: {  	s17 =	simm.s32 $0x180;
	[sflag:s28] =	ssyncadd.s32 $0xFFFFC000  }
0x62: {  	[spmem:s2] =	stream.indirect.scatter.add.f32 [tilespmem:s31], [sflag:$0x4], $0x80, s17, s29, $0xb8;
	[tilespmem:$0x1ED80] =	vst v63  }
0x63: {  	_ =	swait.ge [sflag:s24], $0x4000  }
0x64: {  	[sflag:s24] =	ssyncset.done $0x0  }
0x65: {  	s15 =	simm.s32 $0xFFFF7000;
	s16 =	simm.s32 $0x300;
	[sflag:s24] =	ssyncadd.s32 $0xFFFFC000  }
0x66: {  	[spmem:s3] =	stream.indirect.scatter.add.f32 [tilespmem:s0], [sflag:$0x3], $0x1, s17, s29, $0xb8;
	[tilespmem:$0x1ED80] =	vst v63  }
.LBB2_2:
0x67: {  	[tilespmem:s31], [sflag:$0x2] =	stream.indirect.gather [hbm4b:s1+s29], $0x80, s16, s29, $0xb8;
	[tilespmem:$0x1ED80] =	vst v63  }
0x68: {  	s16 =	smov.u32 s15  }
0x69: {  	p0 =	sne.s32 s15, $0xFFFFF800;
	s15 =	sadd.s32 $0x800, s15;
	_ =	swait.ge [sflag:s26], $0x4000  }
0x6a: {  	s16 =	sshra.s32 s16, $0x2;
	[sflag:s26] =	ssyncset.done $0x0  }
0x6b: {  	s17 =	sadd.s32 $0x2680, s16;
	[sflag:s26] =	ssyncadd.s32 $0xFFFFC000  }
0x6c: {  	[spmem:s2] =	stream.indirect.scatter.add.f32 [tilespmem:s23], [sflag:$0x4], $0x80, s17, s29, $0xb8;
	[tilespmem:$0x1ED80] =	vst v63  }
0x6d: {  	_ =	swait.ge [sflag:s24], $0x4000  }
0x6e: {  	[sflag:s24] =	ssyncset.done $0x0  }
0x6f: {  	[sflag:s24] =	ssyncadd.s32 $0xFFFFC000  }
0x70: {  	[spmem:s3] =	stream.indirect.scatter.add.f32 [tilespmem:s0], [sflag:$0x3], $0x1, s17, s29, $0xb8;
	[tilespmem:$0x1ED80] =	vst v63  }
0x71: {  	s17 =	sadd.s32 $0x2800, s16  }
0x72: {  	[tilespmem:s23], [sflag:$0x1] =	stream.indirect.gather [hbm4b:s1+s29], $0x80, s17, s29, $0xb8;
	[tilespmem:$0x1ED80] =	vst v63  }
0x73: {  	_ =	swait.ge [sflag:s28], $0x4000  }
0x74: {  	[sflag:s28] =	ssyncset.done $0x0  }
0x75: {  	s17 =	sadd.s32 $0x2780, s16;
	[sflag:s28] =	ssyncadd.s32 $0xFFFFC000  }
0x76: {  	[spmem:s2] =	stream.indirect.scatter.add.f32 [tilespmem:s31], [sflag:$0x4], $0x80, s17, s29, $0xb8;
	[tilespmem:$0x1ED80] =	vst v63  }
.Ltmp0:
0x77: {  	_ =	swait.ge [sflag:s24], $0x4000;
	(pc) =	sbr.rel @p0 .LBB2_2-.Ltmp0, $4  }
0x78: {  	[sflag:s24] =	ssyncset.done $0x0  }
0x79: {  	[sflag:s24] =	ssyncadd.s32 $0xFFFFC000  }
0x7a: {  	[spmem:s3] =	stream.indirect.scatter.add.f32 [tilespmem:s0], [sflag:$0x3], $0x1, s17, s29, $0xb8;
	[tilespmem:$0x1ED80] =	vst v63  }
0x7b: {  	s16 =	sadd.s32 $0x2900, s16  }
0x7c: {  	[tilespmem:s31], [sflag:$0x2] =	stream.indirect.gather [hbm4b:s1+s29], $0x80, s16, s29, $0xb8;
	[tilespmem:$0x1ED80] =	vst v63  }
0x7d: {  	_ =	swait.ge [sflag:s26], $0x4000  }
0x7e: {  	[sflag:s26] =	ssyncset.done $0x0  }
0x7f: {  	[sflag:s26] =	ssyncadd.s32 $0xFFFFC000  }
0x80: {  	[spmem:s2] =	stream.indirect.scatter.add.f32 [tilespmem:s23], [sflag:$0x4], $0x80, s5, s29, $0xb8;
	[tilespmem:$0x1ED80] =	vst v63  }
0x81: {  	_ =	swait.ge [sflag:s24], $0x4000  }
0x82: {  	[sflag:s24] =	ssyncset.done $0x0  }
0x83: {  	[sflag:s24] =	ssyncadd.s32 $0xFFFFC000  }
0x84: {  	[spmem:s3] =	stream.indirect.scatter.add.f32 [tilespmem:s0], [sflag:$0x3], $0x1, s5, s29, $0xb8;
	[tilespmem:$0x1ED80] =	vst v63  }
0x85: {  	_ =	swait.ge [sflag:s28], $0x4000  }
0x86: {  	[sflag:s28] =	ssyncset.done $0x0  }
0x87: {  	[sflag:s28] =	ssyncadd.s32 $0xFFFFC000  }
0x88: {  	[spmem:s2] =	stream.indirect.scatter.add.f32 [tilespmem:s31], [sflag:$0x4], $0x80, s6, s29, $0xb8;
	[tilespmem:$0x1ED80] =	vst v63  }
0x89: {  	_ =	swait.ge [sflag:s24], $0x4000  }
0x8a: {  	[sflag:s24] =	ssyncset.done $0x0  }
0x8b: {  	[sflag:s24] =	ssyncadd.s32 $0xFFFFC000  }
0x8c: {  	[spmem:s3] =	stream.indirect.scatter.add.f32 [tilespmem:s0], [sflag:$0x3], $0x1, s6, s29, $0xb8;
	[tilespmem:$0x1ED80] =	vst v63  }
0x8d: {  	_ =	swait.ge [sflag:s7], $0x80  }
0x8e: {  	s15 =	simm.s32 $0x27;
	[sflag:s7] =	ssyncset.done $0x0  }
.LBB2_4:
0x8f: {  	p0 =	sne.s32 s15, $0x1;
	s15 =	sadd.s32 $0xFFFFFFFF, s15;
	[sflag:s7] =	ssyncadd.s32 $0xFFFFFF80  }
.Ltmp1:
0x90: {  	(pc) =	sbr.rel @p0 .LBB2_4-.Ltmp1, $3  }
0x91: {  	_ =	sdelay $0x1  }
0x92: {  	_ =	swait.ge [sflag:s7], $0x80  }
0x93: {  	[sflag:s7] =	ssyncset.done $0x0  }
0x94: {  	[sflag:s7] =	ssyncadd.s32 $0xFFFFFF80;
	s15 =	rddreg [dreg:$0x9]  }
0x95: {  	[tilespmem:s4], [sflag:$0x4] =	stream.linear.gather [hbm4b:s15+s4], $0x2800, $0x38;
	[tilespmem:$0x1ED80] =	vst v63  }
0x96: {  	_ =	swait.ge [sflag:s24], $0x2800  }
0x97: {  	[sflag:s24] =	ssyncset.done $0x0  }
0x98: {  	[sflag:s24] =	ssyncadd.s32 $0xFFFFD800  }
0x99: {  	[tilespmem:s23], [sflag:$0x1] =	stream.indirect.gather [hbm4b:s1+s29], $0x80, s4, s29, $0xb8;
	[tilespmem:$0x1ED80] =	vst v63  }
0x9a: {  	_ = 	snop  }
0x9b: {  	[tilespmem:s31], [sflag:$0x2] =	stream.indirect.gather [hbm4b:s1+s29], $0x80, s30, s29, $0xb8;
	[tilespmem:$0x1ED80] =	vst v63  }
0x9c: {  	_ =	swait.ge [sflag:s26], $0x4000  }
0x9d: {  	[sflag:s26] =	ssyncset.done $0x0  }
0x9e: {  	s17 =	simm.s32 $0x80;
	[sflag:s26] =	ssyncadd.s32 $0xFFFFC000  }
0x9f: {  	[spmem:s2] =	stream.indirect.scatter.add.f32 [tilespmem:s23], [sflag:$0x4], $0x80, s17, s29, $0xb8;
	[tilespmem:$0x1ED80] =	vst v63  }
0xa0: {  	_ =	swait.ge [sflag:s24], $0x4000  }
0xa1: {  	[sflag:s24] =	ssyncset.done $0x0  }
0xa2: {  	[sflag:s24] =	ssyncadd.s32 $0xFFFFC000  }
0xa3: {  	[spmem:s3] =	stream.indirect.scatter.add.f32 [tilespmem:s0], [sflag:$0x3], $0x1, s17, s29, $0xb8;
	[tilespmem:$0x1ED80] =	vst v63  }
0xa4: {  	s16 =	simm.s32 $0x200  }
0xa5: {  	[tilespmem:s23], [sflag:$0x1] =	stream.indirect.gather [hbm4b:s1+s29], $0x80, s16, s29, $0xb8;
	[tilespmem:$0x1ED80] =	vst v63  }
0xa6: {  	_ =	swait.ge [sflag:s28], $0x4000  }
0xa7: {  	[sflag:s28] =	ssyncset.done $0x0  }
0xa8: {  	s17 =	simm.s32 $0x180;
	[sflag:s28] =	ssyncadd.s32 $0xFFFFC000  }
0xa9: {  	[spmem:s2] =	stream.indirect.scatter.add.f32 [tilespmem:s31], [sflag:$0x4], $0x80, s17, s29, $0xb8;
	[tilespmem:$0x1ED80] =	vst v63  }
0xaa: {  	_ =	swait.ge [sflag:s24], $0x4000  }
0xab: {  	[sflag:s24] =	ssyncset.done $0x0  }
0xac: {  	s15 =	simm.s32 $0xFFFF7000;
	s16 =	simm.s32 $0x300;
	[sflag:s24] =	ssyncadd.s32 $0xFFFFC000  }
0xad: {  	[spmem:s3] =	stream.indirect.scatter.add.f32 [tilespmem:s0], [sflag:$0x3], $0x1, s17, s29, $0xb8;
	[tilespmem:$0x1ED80] =	vst v63  }
.LBB2_6:
0xae: {  	[tilespmem:s31], [sflag:$0x2] =	stream.indirect.gather [hbm4b:s1+s29], $0x80, s16, s29, $0xb8;
	[tilespmem:$0x1ED80] =	vst v63  }
0xaf: {  	s16 =	smov.u32 s15  }
0xb0: {  	p0 =	sne.s32 s15, $0xFFFFF800;
	s15 =	sadd.s32 $0x800, s15;
	_ =	swait.ge [sflag:s26], $0x4000  }
0xb1: {  	s16 =	sshra.s32 s16, $0x2;
	[sflag:s26] =	ssyncset.done $0x0  }
0xb2: {  	s17 =	sadd.s32 $0x2680, s16;
	[sflag:s26] =	ssyncadd.s32 $0xFFFFC000  }
0xb3: {  	[spmem:s2] =	stream.indirect.scatter.add.f32 [tilespmem:s23], [sflag:$0x4], $0x80, s17, s29, $0xb8;
	[tilespmem:$0x1ED80] =	vst v63  }
0xb4: {  	_ =	swait.ge [sflag:s24], $0x4000  }
0xb5: {  	[sflag:s24] =	ssyncset.done $0x0  }
0xb6: {  	[sflag:s24] =	ssyncadd.s32 $0xFFFFC000  }
0xb7: {  	[spmem:s3] =	stream.indirect.scatter.add.f32 [tilespmem:s0], [sflag:$0x3], $0x1, s17, s29, $0xb8;
	[tilespmem:$0x1ED80] =	vst v63  }
0xb8: {  	s17 =	sadd.s32 $0x2800, s16  }
0xb9: {  	[tilespmem:s23], [sflag:$0x1] =	stream.indirect.gather [hbm4b:s1+s29], $0x80, s17, s29, $0xb8;
	[tilespmem:$0x1ED80] =	vst v63  }
0xba: {  	_ =	swait.ge [sflag:s28], $0x4000  }
0xbb: {  	[sflag:s28] =	ssyncset.done $0x0  }
0xbc: {  	s17 =	sadd.s32 $0x2780, s16;
	[sflag:s28] =	ssyncadd.s32 $0xFFFFC000  }
0xbd: {  	[spmem:s2] =	stream.indirect.scatter.add.f32 [tilespmem:s31], [sflag:$0x4], $0x80, s17, s29, $0xb8;
	[tilespmem:$0x1ED80] =	vst v63  }
.Ltmp2:
0xbe: {  	_ =	swait.ge [sflag:s24], $0x4000;
	(pc) =	sbr.rel @p0 .LBB2_6-.Ltmp2, $4  }
0xbf: {  	[sflag:s24] =	ssyncset.done $0x0  }
0xc0: {  	[sflag:s24] =	ssyncadd.s32 $0xFFFFC000  }
0xc1: {  	[spmem:s3] =	stream.indirect.scatter.add.f32 [tilespmem:s0], [sflag:$0x3], $0x1, s17, s29, $0xb8;
	[tilespmem:$0x1ED80] =	vst v63  }
0xc2: {  	s16 =	sadd.s32 $0x2900, s16  }
0xc3: {  	[tilespmem:s31], [sflag:$0x2] =	stream.indirect.gather [hbm4b:s1+s29], $0x80, s16, s29, $0xb8;
	[tilespmem:$0x1ED80] =	vst v63  }
0xc4: {  	_ =	swait.ge [sflag:s26], $0x4000  }
0xc5: {  	[sflag:s26] =	ssyncset.done $0x0  }
0xc6: {  	[sflag:s26] =	ssyncadd.s32 $0xFFFFC000  }
0xc7: {  	[spmem:s2] =	stream.indirect.scatter.add.f32 [tilespmem:s23], [sflag:$0x4], $0x80, s5, s29, $0xb8;
	[tilespmem:$0x1ED80] =	vst v63  }
0xc8: {  	_ =	swait.ge [sflag:s24], $0x4000  }
0xc9: {  	[sflag:s24] =	ssyncset.done $0x0  }
0xca: {  	[sflag:s24] =	ssyncadd.s32 $0xFFFFC000  }
0xcb: {  	[spmem:s3] =	stream.indirect.scatter.add.f32 [tilespmem:s0], [sflag:$0x3], $0x1, s5, s29, $0xb8;
	[tilespmem:$0x1ED80] =	vst v63  }
0xcc: {  	_ =	swait.ge [sflag:s28], $0x4000  }
0xcd: {  	[sflag:s28] =	ssyncset.done $0x0  }
0xce: {  	[sflag:s28] =	ssyncadd.s32 $0xFFFFC000  }
0xcf: {  	[spmem:s2] =	stream.indirect.scatter.add.f32 [tilespmem:s31], [sflag:$0x4], $0x80, s6, s29, $0xb8;
	[tilespmem:$0x1ED80] =	vst v63  }
0xd0: {  	_ =	swait.ge [sflag:s24], $0x4000  }
0xd1: {  	[sflag:s24] =	ssyncset.done $0x0  }
0xd2: {  	[sflag:s24] =	ssyncadd.s32 $0xFFFFC000  }
0xd3: {  	[spmem:s3] =	stream.indirect.scatter.add.f32 [tilespmem:s0], [sflag:$0x3], $0x1, s6, s29, $0xb8;
	[tilespmem:$0x1ED80] =	vst v63  }
0xd4: {  	_ =	swait.ge [sflag:s7], $0x80  }
0xd5: {  	s15 =	simm.s32 $0x27;
	[sflag:s7] =	ssyncset.done $0x0  }
.LBB2_8:
0xd6: {  	p0 =	sne.s32 s15, $0x1;
	s15 =	sadd.s32 $0xFFFFFFFF, s15;
	[sflag:s7] =	ssyncadd.s32 $0xFFFFFF80  }
.Ltmp3:
0xd7: {  	(pc) =	sbr.rel @p0 .LBB2_8-.Ltmp3, $3  }
0xd8: {  	_ =	sdelay $0x1  }
0xd9: {  	_ =	swait.ge [sflag:s7], $0x80  }
0xda: {  	[sflag:s7] =	ssyncset.done $0x0  }
0xdb: {  	[sflag:s7] =	ssyncadd.s32 $0xFFFFFF80  }
0xdc: {  	[bflag:$0x0] =	sbarrier.arrive $0xFFFF  }
0xdd: {  	[tilespmem:s23], [sflag:$0x4] =	stream.linear.gather [spmem:s8], $0x4000, $0x38;
	[tilespmem:$0x1ED80] =	vst v63  }
0xde: {  	_ =	swait.ge [sflag:s24], $0x4000  }
0xdf: {  	[sflag:s24] =	ssyncset.done $0x0  }
0xe0: {  	s15 =	rddreg [dreg:$0xa];
	[sflag:s24] =	ssyncadd.s32 $0xFFFFC000  }
0xe1: {  	[hbm4b:s15+s4] =	stream.linear.scatter [tilespmem:s23], [sflag:$0x1], $0x4000, $0x38;
	[tilespmem:$0x1ED80] =	vst v63  }
0xe2: {  	_ = 	snop  }
0xe3: {  	[tilespmem:s31], [sflag:$0x4] =	stream.linear.gather [spmem:s9], $0x4000, $0x38;
	[tilespmem:$0x1ED80] =	vst v63  }
0xe4: {  	_ =	swait.ge [sflag:s24], $0x4000  }
0xe5: {  	[sflag:s24] =	ssyncset.done $0x0  }
0xe6: {  	s17 =	rddreg [dreg:$0xb];
	[sflag:s24] =	ssyncadd.s32 $0xFFFFC000  }
0xe7: {  	[hbm4b:s17+s4] =	stream.linear.scatter [tilespmem:s31], [sflag:$0x2], $0x4000, $0x38;
	[tilespmem:$0x1ED80] =	vst v63  }
0xe8: {  	_ =	swait.ge [sflag:s26], $0x4000  }
0xe9: {  	[sflag:s26] =	ssyncset.done $0x0  }
0xea: {  	[sflag:s26] =	ssyncadd.s32 $0xFFFFC000  }
0xeb: {  	[tilespmem:s23], [sflag:$0x4] =	stream.linear.gather [spmem:s10], $0x4000, $0x38;
	[tilespmem:$0x1ED80] =	vst v63  }
0xec: {  	_ =	swait.ge [sflag:s24], $0x4000  }
0xed: {  	[sflag:s24] =	ssyncset.done $0x0  }
0xee: {  	[sflag:s24] =	ssyncadd.s32 $0xFFFFC000  }
0xef: {  	[hbm4b:s18+s4] =	stream.linear.scatter [tilespmem:s23], [sflag:$0x1], $0x4000, $0x38;
	[tilespmem:$0x1ED80] =	vst v63  }
0xf0: {  	_ =	swait.ge [sflag:s28], $0x4000  }
0xf1: {  	[sflag:s28] =	ssyncset.done $0x0  }
0xf2: {  	[sflag:s28] =	ssyncadd.s32 $0xFFFFC000  }
0xf3: {  	[tilespmem:s31], [sflag:$0x4] =	stream.linear.gather [spmem:s11], $0x4000, $0x38;
	[tilespmem:$0x1ED80] =	vst v63  }
0xf4: {  	_ =	swait.ge [sflag:s24], $0x4000  }
0xf5: {  	[sflag:s24] =	ssyncset.done $0x0  }
0xf6: {  	[sflag:s24] =	ssyncadd.s32 $0xFFFFC000  }
0xf7: {  	[hbm4b:s19+s4] =	stream.linear.scatter [tilespmem:s31], [sflag:$0x2], $0x4000, $0x38;
	[tilespmem:$0x1ED80] =	vst v63  }
0xf8: {  	_ =	swait.ge [sflag:s26], $0x4000  }
0xf9: {  	[sflag:s26] =	ssyncset.done $0x0  }
0xfa: {  	[sflag:s26] =	ssyncadd.s32 $0xFFFFC000  }
0xfb: {  	[tilespmem:s23], [sflag:$0x4] =	stream.linear.gather [spmem:s13], $0x4000, $0x38;
	[tilespmem:$0x1ED80] =	vst v63  }
0xfc: {  	_ =	swait.ge [sflag:s24], $0x4000  }
0xfd: {  	[sflag:s24] =	ssyncset.done $0x0  }
0xfe: {  	[sflag:s24] =	ssyncadd.s32 $0xFFFFC000  }
0xff: {  	[hbm4b:s20+s4] =	stream.linear.scatter [tilespmem:s23], [sflag:$0x1], $0x4000, $0x38;
	[tilespmem:$0x1ED80] =	vst v63  }
0x100: {  	_ = 	snop  }
0x101: {  	[tilespmem:s25], [sflag:$0x4] =	stream.linear.gather [spmem:s14], $0x280, $0x38;
	[tilespmem:$0x1ED80] =	vst v63  }
0x102: {  	_ =	swait.ge [sflag:s24], $0x280  }
0x103: {  	[sflag:s24] =	ssyncset.done $0x0  }
0x104: {  	[sflag:s24] =	ssyncadd.s32 $0xFFFFFD80  }
0x105: {  	[hbm4b:s21+s29] =	stream.strided.scatter [tilespmem:s25], [sflag:$0x3], $0x280, s30, s29, $0x38;
	[tilespmem:$0x1ED80] =	vst v63  }
0x106: {  	_ =	swait.ge [sflag:s28], $0x4000  }
0x107: {  	[sflag:s28] =	ssyncset.done $0x0  }
0x108: {  	s12 =	sadd.s32 $0x1, s12;
	[sflag:s28] =	ssyncadd.s32 $0xFFFFC000  }
0x109: {  	p0 =	sne.s32 s12, s22;
	_ =	swait.ge [sflag:s26], $0x4000  }
.Ltmp4:
0x10a: {  	[sflag:s26] =	ssyncset.done $0x0;
	(pc) =	sbr.rel @p0 .LBB2_1-.Ltmp4, $4  }
0x10b: {  	[sflag:s26] =	ssyncadd.s32 $0xFFFFC000  }
0x10c: {  	_ =	swait.ge [sflag:s7], $0x280  }
0x10d: {  	[sflag:s7] =	ssyncset.done $0x0  }
0x10e: {  	[sflag:s7] =	ssyncadd.s32 $0xFFFFFD80  }
0x10f: {  	_ =	sfence.sel $0x180000  }
0x110: {  	[bflag:$0x0] =	sbarrier.arrive $0xFFFF  }
0x111: {  	_ =	strace $0x90000047  }
0x112: {  	s0 =	stileid.u32;
	[bflag:$0x2] =	sbarrier.arrive $0xFFFF  }
0x113: {  	p0 =	sne.s32 s0, $0x0;
	s0 =	rddreg [dreg:$0x5]  }
0x114: {  	s0 =	sadd.s32 @!p0 $0x100000, s0  }
0x115: {  	[sflag:s0] =	ssyncadd.tile.s32 @!p0 $0x1;
	_ =	shalt  }
.Lfunc_end2:
_tile_overlayer_lowered:
.L_overlay_start_2:
0x116: {  	(tag) =	ssettag $0x2  }
0x117: {  	s0 =	rddreg [dreg:$0x0];
	s2 =	stileid.u32  }
0x118: {  	s1 =	rddreg [dreg:$0x1];
	p0 =	sne.s32 s2, $0x0  }
0x119: {  	s3 =	rddreg [dreg:$0x2];
	[bflag:$0x3] =	sbarrier.arrive $0xFFFF;
	s2 =	simm.s32 @!p0 $0x1C04  }
0x11a: {  	[timem:s3], [sflag:s2] =	dma.local @!p0 [hbm:s0], s1  }
0x11b: {  	s0 =	simm.s32 @!p0 $0x4  }
0x11c: {  	_ =	swait.ge @!p0 [sflag:s0], s1  }
0x11d: {  	s1 =	ssub.s32 @!p0 $0x0, s1;
	[sflag:s0] =	ssyncset.done @!p0 $0x0  }
0x11e: {  	[sflag:s0] =	ssyncadd.s32 @!p0 s1  }
0x11f: {  	[bflag:$0x3] =	sbarrier.arrive $0xFFFF  }
0x120: {  	_ =	shalt  }

// kernel: kernel.9.cloned.1.call-start
scs
__scs_entry_jumppad:
0x0: {  	(pc) =	sbr.rel $0x88, $3  }
0x1: {  	(tag) =	ssettag $0x0;
	lr =	simm.s32 $0x1  }
0x2: {  	[smem:$0x3F99] =	sst lr;
	_ =	strace $0xD0000000  }
0x3: {  	_ = 	snop  }
0x4: {  	_ = 	snop  }
0x5: {  	_ = 	snop  }
0x6: {  	_ = 	snop  }
0x7: {  	_ = 	snop  }
__scs_overlays_trampoline_lowered:
0x8: {  	[smem:$0x3FA8] =	sst s0  }
0x9: {  	[smem:$0x3FA9] =	sst s1  }
0xa: {  	[smem:$0x3FAA] =	sst s2  }
0xb: {  	[smem:$0x3FAB] =	sst s3  }
0xc: {  	[smem:$0x3FAC] =	sst s4  }
0xd: {  	[smem:$0x3FAD] =	sst s5  }
0xe: {  	[smem:$0x3FAE] =	sst s6  }
0xf: {  	[smem:$0x3FAF] =	sst s7  }
0x10: {  	[smem:$0x3FB0] =	sst s8  }
0x11: {  	[smem:$0x3FB1] =	sst s9;
	s0 =	simm.s32 @!p0 $0x0  }
0x12: {  	s1 =	sld [smem:$0x3F97];
	s0 =	simm.s32 @p0 $0x1  }
0x13: {  	[smem:$0x3FB2] =	sst s0;
	s0 =	simm.s32 @!p1 $0x0  }
0x14: {  	s2 =	sld [smem:$0x3F96];
	s0 =	simm.s32 @p1 $0x1  }
0x15: {  	[smem:$0x3FB3] =	sst s0;
	s0 =	simm.s32 @!p2 $0x0  }
0x16: {  	s3 =	sld [smem:$0x3FDB];
	s0 =	simm.s32 @p2 $0x1  }
0x17: {  	s4 =	simm.s32 $0x1BF5;
	[smem:$0x3FB5] =	sst s0  }
0x18: {  	s0 =	sld [smem:$0x3F98];
	_ =	swait.ge [sflag:s4], $0x0  }
0x19: {  	s7 =	sld [smem:$0x3F99]  }
0x1a: {  	s8 =	sadd.s32 $0xFFFFE003, lr  }
0x1b: {  	s9 =	sadd.s32 $0xFFFFFEF7, lr;
	s5 =	simm.s32 $0xFFFFFFFF;
	p2 =	slt.u32 s8, $0xFFFFF086  }
0x1c: {  	p1 =	slt.u32 s9, $0xF7A;
	s5 =	simm.s32 @!p2 $0x0  }
0x1d: {  	s5 =	simm.s32 @p1 $0x1;
	p0 =	seq.s32 s7, s2  }
0x1e: {  	s7 =	smul.u32 @!p0 $0xF7A, s2;
	p2 =	seq.s32 @!p0 s5, $0x0  }
0x1f: {  	s9 =	smul.u32 $0xF7A, s1;
	s8 =	simm.s32 @!p0 $0x1BF5;
	p2 =	por !p2, p0  }
0x20: {  	[sflag:s8] =	ssyncset.s32 @!p0 $0xFFFFF086;
	s6 =	sadd.s32 @!p0 s3, s7;
	s7 =	simm.s32 @!p0 $0x108  }
0x21: {  	s3 =	sadd.s32 s3, s9;
	s6 =	sadd.s32 @!p0 $0x88, s6;
	s7 =	simm.s32 @p2 $0x1082  }
0x22: {  	[simem:s7], [sflag:s8] =	dma.local @!p0 [hbm:s6], $0xF7A  }
0x23: {  	s9 =	sor.u32 $0xD0000000, s2;
	s6 =	simm.s32 $0x108;
	_ =	swait.ge @!p0 [sflag:s8], $0x0  }
0x24: {  	s3 =	sadd.s32 $0x88, s3;
	s6 =	simm.s32 @!p1 $0x1082;
	[sflag:s4] =	ssyncset.s32 $0xFFFFF086  }
0x25: {  	[simem:s6], [sflag:s4] =	dma.local [hbm:s3], $0xF7A  }
0x26: {  	[smem:$0x3F99] =	sst s1;
	(tag) =	ssettag s2;
	_ =	strace s9  }
0x27: {  	s1 =	sld [smem:$0x3FA9]  }
0x28: {  	s2 =	sld [smem:$0x3FAA]  }
0x29: {  	s4 =	sld [smem:$0x3FAC]  }
0x2a: {  	p0 =	seq.s32 s5, $0x0;
	s5 =	sld [smem:$0x3FAD]  }
0x2b: {  	s6 =	sld [smem:$0x3FAE]  }
0x2c: {  	s7 =	sld [smem:$0x3FAF]  }
0x2d: {  	s3 =	simm.s32 $0x108;
	s8 =	sld [smem:$0x3FB0]  }
0x2e: {  	s3 =	simm.s32 @!p0 $0x1082;
	s9 =	sld [smem:$0x3FB1]  }
0x2f: {  	lr =	sadd.s32 s0, s3;
	s0 =	sld [smem:$0x3FA8]  }
0x30: {  	s3 =	sld [smem:$0x3FAB]  }
0x31: {  	[smem:$0x3FB4] =	sst s10  }
0x32: {  	s10 =	sld [smem:$0x3FB2];
	_ =	sdelay $0x3  }
0x33: {  	p0 =	seq.s32 s10, $0x1;
	s10 =	sld [smem:$0x3FB4];
	_ =	sdelay $0x3  }
0x34: {  	[smem:$0x3FB4] =	sst s10  }
0x35: {  	s10 =	sld [smem:$0x3FB3];
	_ =	sdelay $0x3  }
0x36: {  	p1 =	seq.s32 s10, $0x1;
	s10 =	sld [smem:$0x3FB4];
	_ =	sdelay $0x3  }
0x37: {  	[smem:$0x3FB4] =	sst s10  }
0x38: {  	s10 =	sld [smem:$0x3FB5]  }
0x39: {  	_ = 	snop;
	(pc) =	sbr.ind lr, $3  }
0x3a: {  	_ = 	snop  }
0x3b: {  	_ = 	snop  }
0x3c: {  	p2 =	seq.s32 s10, $0x1;
	s10 =	sld [smem:$0x3FB4]  }
0x3d: {  	_ =	shalt  }
0x3e: {  	_ =	shalt  }
0x3f: {  	_ =	shalt  }
0x40: {  	_ =	shalt  }
0x41: {  	_ =	shalt  }
0x42: {  	_ =	shalt  }
0x43: {  	_ =	shalt  }
0x44: {  	_ =	shalt  }
0x45: {  	_ =	shalt  }
0x46: {  	_ =	shalt  }
0x47: {  	_ =	shalt  }
0x48: {  	_ =	shalt  }
0x49: {  	_ =	shalt  }
0x4a: {  	_ =	shalt  }
0x4b: {  	_ =	shalt  }
0x4c: {  	_ =	shalt  }
0x4d: {  	_ =	shalt  }
0x4e: {  	_ =	shalt  }
0x4f: {  	_ =	shalt  }
0x50: {  	_ =	shalt  }
0x51: {  	_ =	shalt  }
0x52: {  	_ =	shalt  }
0x53: {  	_ =	shalt  }
0x54: {  	_ =	shalt  }
0x55: {  	_ =	shalt  }
0x56: {  	_ =	shalt  }
0x57: {  	_ =	shalt  }
0x58: {  	_ =	shalt  }
0x59: {  	_ =	shalt  }
0x5a: {  	_ =	shalt  }
0x5b: {  	_ =	shalt  }
0x5c: {  	_ =	shalt  }
0x5d: {  	_ =	shalt  }
0x5e: {  	_ =	shalt  }
0x5f: {  	_ =	shalt  }
0x60: {  	_ =	shalt  }
0x61: {  	_ =	shalt  }
0x62: {  	_ =	shalt  }
0x63: {  	_ =	shalt  }
0x64: {  	_ =	shalt  }
0x65: {  	_ =	shalt  }
0x66: {  	_ =	shalt  }
0x67: {  	_ =	shalt  }
0x68: {  	_ =	shalt  }
0x69: {  	_ =	shalt  }
0x6a: {  	_ =	shalt  }
0x6b: {  	_ =	shalt  }
0x6c: {  	_ =	shalt  }
0x6d: {  	_ =	shalt  }
0x6e: {  	_ =	shalt  }
0x6f: {  	_ =	shalt  }
0x70: {  	_ =	shalt  }
0x71: {  	_ =	shalt  }
0x72: {  	_ =	shalt  }
0x73: {  	_ =	shalt  }
0x74: {  	_ =	shalt  }
0x75: {  	_ =	shalt  }
0x76: {  	_ =	shalt  }
0x77: {  	_ =	shalt  }
0x78: {  	_ =	shalt  }
0x79: {  	_ =	shalt  }
0x7a: {  	_ =	shalt  }
0x7b: {  	_ =	shalt  }
0x7c: {  	_ =	shalt  }
0x7d: {  	_ =	shalt  }
0x7e: {  	_ =	shalt  }
0x7f: {  	_ =	shalt  }
0x80: {  	_ =	shalt  }
0x81: {  	_ =	shalt  }
0x82: {  	_ =	shalt  }
0x83: {  	_ =	shalt  }
0x84: {  	_ =	shalt  }
0x85: {  	_ =	shalt  }
0x86: {  	_ =	shalt  }
0x87: {  	_ =	shalt  }
.Lfunc_end0:
.L_simem_size_0:
called_computation.1_lowered:
.L_overlay_start_0:
0x88: {  	s2 =	sld [smem:$0x3FD9]  }
0x89: {  	s3 =	sld [smem:$0x3FFE];
	_ =	sdelay $0x1  }
0x8a: {  	s1 =	srdreg.scid  }
0x8b: {  	s0 =	sand.u32 $0x1, s1  }
0x8c: {  	s17 =	sshll.u32 s0, $0xA;
	s2 =	sadd.s32 s3, s2  }
0x8d: {  	s2 =	sadd.s32 s2, s17  }
0x8e: {  	[smem:$0x3FC0] =	sst s2  }
0x8f: {  	_ = 	snop  }
0x90: {  	s2 =	sld [smem:$0x3FD0];
	(tm) =	ssettm $0x1  }
0x91: {  	s18 =	sld [smem:$0x3FFB];
	_ =	sdelay $0x3  }
0x92: {  	_ =	strace s18  }
0x93: {  	s3 =	sld [smem:$0x3FFC];
	_ =	sdelay $0x3  }
0x94: {  	_ =	strace s3  }
0x95: {  	s3 =	sld [smem:$0x3FFD];
	_ =	sdelay $0x3  }
0x96: {  	_ =	strace s3  }
0x97: {  	_ =	strace $0x8FFFFFFF  }
0x98: {  	s19 =	sld [smem:$0x3FDB];
	_ =	sdelay $0x1  }
0x99: {  	s4 =	simm.s32 $_scs_section_size  }
0x9a: {  	s5 =	simm.s32 $_size__tile_overlayer_lowered;
	s6 =	simm.s32 $_tile_overlayer_lowered  }
0x9b: {  	s22 =	simm.s32 $0x1BFF;
	s21 =	sshll.u32 s6, $0x1;
	s3 =	sadd.s32 s4, s19  }
0x9c: {  	s7 =	simm.s32 $0x0;
	s20 =	sshll.u32 s5, $0x1;
	s5 =	sadd.s32 s21, s3  }
0x9d: {  	[timem:s7], [sflag:s22] =	dma.local [hbm:s5], s20  }
0x9e: {  	_ =	swait.ge [sflag:s22], s20  }
0x9f: {  	s4 =	ssub.s32 $0x0, s20;
	[sflag:s22] =	ssyncset.done $0x0  }
0xa0: {  	[sflag:s22] =	ssyncadd.s32 s4;
	_ =	sdelay $0x1  }
0xa1: {  	s23 =	simm.s32 $0x1B8B  }
0xa2: {  	_ =	swait.ge [sflag:s23], $0x1  }
0xa3: {  	[sflag:s23] =	ssyncset.done $0x0  }
0xa4: {  	s25 =	simm.s32 $0x1B8E;
	s24 =	sld [smem:$0x3FFE];
	[sflag:s23] =	ssyncadd.s32 $0xFFFFFFFF  }
0xa5: {  	s26 =	simm.s32 $execute0_lowered;
	[smem:$0x3FD2] =	sst s25  }
0xa6: {  	s5 =	sshll.u32 s26, $0x1;
	_ =	strace $0x80000049;
	[dreg:$0x1] =	wrdreg $0xFFFFFFFF  }
0xa7: {  	s28 =	simm.s32 $_size_execute0_lowered;
	s3 =	sadd.s32 s3, s5;
	[dreg:$0x0] =	wrdreg $0x0  }
0xa8: {  	s5 =	sshll.u32 s28, $0x1;
	[dreg:$0x2] =	wrdreg s3  }
0xa9: {  	[dreg:$0x3] =	wrdreg s5  }
0xaa: {  	[dreg:$0x4] =	wrdreg $0xC0  }
0xab: {  	_ =	task [dreg:s7], $0x5FFFF  }
0xac: {  	[dreg:$0x1] =	wrdreg $0xFFFFFFFF  }
0xad: {  	[dreg:$0x0] =	wrdreg $0x60  }
0xae: {  	[dreg:$0x2] =	wrdreg s2  }
0xaf: {  	[dreg:$0x3] =	wrdreg s24  }
0xb0: {  	[dreg:$0x4] =	wrdreg $0xA8000  }
0xb1: {  	[dreg:$0x5] =	wrdreg $0x9  }
0xb2: {  	_ =	task.clear_ibuf [dreg:s7], $0x6FFFF;
	_ =	strace $0x90000049  }
0xb3: {  	s29 =	simm.s32 $0x9;
	_ =	strace $0x8000004B  }
0xb4: {  	_ =	swait.ge [sflag:s29], $0x1  }
0xb5: {  	[sflag:s29] =	ssyncadd.s32 $0xFFFFFFFF  }
0xb6: {  	_ =	strace $0x9000004B  }
0xb7: {  	_ =	sfence  }
0xb8: {  	s30 =	sld [smem:$0x0];
	_ =	sdelay $0x2  }
0xb9: {  	s31 =	sshll.u32 s1, $0xD;
	s1 =	sshrl.u32 s1, $0x2  }
0xba: {  	s3 =	sand.u32 $0x4000, s31;
	s1 =	sadd.s32 s1, s30  }
0xbb: {  	s0 =	sor.u32 s3, s0;
	s1 =	sshll.u32 s1, $0x11  }
0xbc: {  	s0 =	sor.u32 s1, s0  }
0xbd: {  	s0 =	sadd.s32 $0x8F2B, s0  }
0xbe: {  	[sflag:s0] =	ssyncadd.remote.s32 $0x1  }
0xbf: {  	_ =	sfence.sel $0xFFFF  }
0xc0: {  	[dreg:$0x0] =	wrdreg $0xFFFFFFFF;
	(pc) =	sbr.abs _section_cstart, $3  }
0xc1: {  	[dreg:$0x1] =	wrdreg $0xFFFFFFFF  }
0xc2: {  	_ =	task.clear_ibuf [dreg:s7], $0x2FFFF;
	_ =	strace $0x9FFFFFFF  }
0xc3: {  	(tm) =	ssettm $0x7FFFFFFF  }
tec
execute0_lowered:
.L_overlay_start_1:
0x0: {  	(tag) =	ssettag $0x1  }
0x1: {  	s1 =	rddreg [dreg:$0x0]  }
0x2: {  	s6 =	rddreg [dreg:$0x1]  }
0x3: {  	s2 =	rddreg [dreg:$0x2];
	s3 =	simm.s32 $0x0;
	s7 =	srdreg.scid  }
0x4: {  	s4 =	stileid.u32;
	s22 =	simm.s32 $0x80;
	s28 =	simm.s32 $0x2780  }
0x5: {  	s29 =	simm.s32 $0x0;
	[smem:$0x7FF] =	sst s3;
	s12 =	sadd.s32 $0x2200, s6  }
0x6: {  	s5 =	sadd.s32 $0x16400, s6;
	s8 =	sand.u32 $0x1, s7;
	s24 =	smul.u32 $0x50000, s4  }
0x7: {  	s17 =	sadd.s32 $0x16C00, s6;
	s13 =	smul.u32 $0x14000, s4;
	_ =	strace $0x8000004A  }
0x8: {  	s23 =	ssub.s32 $0x2, s8;
	s10 =	sshll.u32 s8, $0x4;
	s21 =	smul.u32 $0x140000, s8  }
0x9: {  	s9 =	sshrl.u32 s23, $0x1;
	s25 =	sor.u32 s4, s10;
	s26 =	sshrl.u32 s24, $0x2  }
0xa: {  	s14 =	sadd.s32 $0x4000, s13;
	s15 =	sadd.s32 $0x8000, s13;
	s19 =	sadd.s32 $0xC000, s13  }
0xb: {  	s20 =	sadd.s32 $0x10000, s13;
	s24 =	simm.s32 $0x6800;
	s18 =	ssub.s32 s23, s9  }
0xc: {  	s6 =	sadd.s32 s26, s2;
	s11 =	smul.u32 $0xA00, s25;
	s7 =	sadd.s32 s14, s2  }
0xd: {  	s16 =	smul.u32 $0x5000, s25;
	s8 =	sadd.s32 s15, s2;
	s9 =	sadd.s32 s19, s2  }
0xe: {  	s10 =	sadd.s32 s20, s2;
	s13 =	sadd.s32 s13, s21;
	s14 =	sadd.s32 s21, s14  }
0xf: {  	s15 =	sadd.s32 s21, s15;
	s30 =	sadd.s32 s21, s19;
	s31 =	sadd.s32 s21, s20  }
0x10: {  	s20 =	simm.s32 $0x3;
	s21 =	simm.s32 $0x1;
	s23 =	simm.s32 $0x100  }
0x11: {  	s25 =	simm.s32 $0x2;
	s26 =	simm.s32 $0x2680;
	s13 =	sshrl.u32 s13, $0x3  }
0x12: {  	s14 =	sshrl.u32 s14, $0x3;
	s15 =	sshrl.u32 s15, $0x3;
	s19 =	sshrl.u32 s31, $0x3  }
0x13: {  	s18 =	smax.u32 s18, $0x1;
	s11 =	sadd.s32 s12, s11;
	s16 =	sshrl.u32 s16, $0x3  }
0x14: {  	s13 =	sadd.s32 s17, s13;
	s14 =	sadd.s32 s17, s14;
	s12 =	sadd.s32 s12, s16  }
0x15: {  	s15 =	sadd.s32 s17, s15;
	s16 =	sshrl.u32 s30, $0x3;
	s12 =	sadd.s32 $0x500, s12  }
0x16: {  	s16 =	sadd.s32 s17, s16;
	s17 =	sadd.s32 s17, s19;
	s19 =	simm.s32 $0x2800  }
.LBB2_1:
0x17: {  	[tilespmem:s19], [sflag:$0x3] =	stream.linear.gather [hbm4b:s5+s3], $0x4000, $0x38;
	[tilespmem:$0x1E800] =	vst v63  }
0x18: {  	_ =	swait.ge [sflag:s20], $0x4000  }
0x19: {  	[sflag:s20] =	ssyncset.done $0x0  }
0x1a: {  	[sflag:s20] =	ssyncadd.s32 $0xFFFFC000  }
0x1b: {  	[spmem:s6] =	stream.linear.scatter [tilespmem:s19], [sflag:$0x1], $0x4000, $0x38;
	[tilespmem:$0x1E800] =	vst v63  }
0x1c: {  	_ = 	snop  }
0x1d: {  	[spmem:s7] =	stream.linear.scatter [tilespmem:s19], [sflag:$0x1], $0x4000, $0x38;
	[tilespmem:$0x1E800] =	vst v63  }
0x1e: {  	_ = 	snop  }
0x1f: {  	[spmem:s8] =	stream.linear.scatter [tilespmem:s19], [sflag:$0x1], $0x4000, $0x38;
	[tilespmem:$0x1E800] =	vst v63  }
0x20: {  	_ = 	snop  }
0x21: {  	[spmem:s9] =	stream.linear.scatter [tilespmem:s19], [sflag:$0x1], $0x4000, $0x38;
	[tilespmem:$0x1E800] =	vst v63  }
0x22: {  	_ = 	snop  }
0x23: {  	[spmem:s10] =	stream.linear.scatter [tilespmem:s19], [sflag:$0x1], $0x4000, $0x38;
	[tilespmem:$0x1E800] =	vst v63  }
0x24: {  	_ =	swait.ge [sflag:s21], $0x4000  }
0x25: {  	[sflag:s21] =	ssyncset.done $0x0  }
0x26: {  	[sflag:s21] =	ssyncadd.s32 $0xFFFFC000  }
0x27: {  	_ =	swait.ge [sflag:s21], $0x4000  }
0x28: {  	[sflag:s21] =	ssyncset.done $0x0  }
0x29: {  	[sflag:s21] =	ssyncadd.s32 $0xFFFFC000  }
0x2a: {  	_ =	swait.ge [sflag:s21], $0x4000  }
0x2b: {  	[sflag:s21] =	ssyncset.done $0x0  }
0x2c: {  	[sflag:s21] =	ssyncadd.s32 $0xFFFFC000  }
0x2d: {  	_ =	swait.ge [sflag:s21], $0x4000  }
0x2e: {  	[sflag:s21] =	ssyncset.done $0x0  }
0x2f: {  	[sflag:s21] =	ssyncadd.s32 $0xFFFFC000  }
0x30: {  	_ =	swait.ge [sflag:s21], $0x4000  }
0x31: {  	[sflag:s21] =	ssyncset.done $0x0  }
0x32: {  	[sflag:s21] =	ssyncadd.s32 $0xFFFFC000  }
0x33: {  	[bflag:$0x0] =	sbarrier.arrive $0xFFFF  }
0x34: {  	[tilespmem:s3], [sflag:$0x3] =	stream.linear.gather [hbm4b:s11+s3], $0x2800, $0x38;
	[tilespmem:$0x1E800] =	vst v63  }
0x35: {  	_ =	swait.ge [sflag:s20], $0x2800  }
0x36: {  	[sflag:s20] =	ssyncset.done $0x0  }
0x37: {  	[sflag:s20] =	ssyncadd.s32 $0xFFFFD800  }
0x38: {  	[tilespmem:s19], [sflag:$0x1] =	stream.indirect.gather [hbm4b:s1+s22], $0x80, s3, s22, $0xb8;
	[tilespmem:$0x1E800] =	vst v63  }
0x39: {  	_ = 	snop  }
0x3a: {  	[tilespmem:s24], [sflag:$0x2] =	stream.indirect.gather [hbm4b:s1+s22], $0x80, s23, s22, $0xb8;
	[tilespmem:$0x1E800] =	vst v63  }
0x3b: {  	_ =	swait.ge [sflag:s21], $0x4000  }
0x3c: {  	[sflag:s21] =	ssyncset.done $0x0  }
0x3d: {  	s30 =	simm.s32 $0x80;
	[sflag:s21] =	ssyncadd.s32 $0xFFFFC000  }
0x3e: {  	[spmem:s2] =	stream.indirect.scatter.add.f32 [tilespmem:s19], [sflag:$0x3], $0x80, s30, s22, $0xb8;
	[tilespmem:$0x1E800] =	vst v63  }
0x3f: {  	_ =	swait.ge [sflag:s20], $0x4000  }
0x40: {  	[sflag:s20] =	ssyncset.done $0x0  }
0x41: {  	s30 =	simm.s32 $0x200;
	[sflag:s20] =	ssyncadd.s32 $0xFFFFC000  }
0x42: {  	[tilespmem:s19], [sflag:$0x1] =	stream.indirect.gather [hbm4b:s1+s22], $0x80, s30, s22, $0xb8;
	[tilespmem:$0x1E800] =	vst v63  }
0x43: {  	_ =	swait.ge [sflag:s25], $0x4000  }
0x44: {  	[sflag:s25] =	ssyncset.done $0x0  }
0x45: {  	s30 =	simm.s32 $0x180;
	[sflag:s25] =	ssyncadd.s32 $0xFFFFC000  }
0x46: {  	[spmem:s2] =	stream.indirect.scatter.add.f32 [tilespmem:s24], [sflag:$0x3], $0x80, s30, s22, $0xb8;
	[tilespmem:$0x1E800] =	vst v63  }
0x47: {  	_ =	swait.ge [sflag:s20], $0x4000  }
0x48: {  	[sflag:s20] =	ssyncset.done $0x0  }
0x49: {  	s31 =	simm.s32 $0x300;
	s30 =	simm.s32 $0xFFFF7000;
	[sflag:s20] =	ssyncadd.s32 $0xFFFFC000  }
.LBB2_2:
0x4a: {  	[tilespmem:s24], [sflag:$0x2] =	stream.indirect.gather [hbm4b:s1+s22], $0x80, s31, s22, $0xb8;
	[tilespmem:$0x1E800] =	vst v63  }
0x4b: {  	s31 =	smov.u32 s30  }
0x4c: {  	p0 =	sne.s32 s30, $0xFFFFF800;
	s30 =	sadd.s32 $0x800, s30;
	_ =	swait.ge [sflag:s21], $0x4000  }
0x4d: {  	s31 =	sshra.s32 s31, $0x2;
	[sflag:s21] =	ssyncset.done $0x0  }
0x4e: {  	s0 =	sadd.s32 $0x2680, s31;
	[sflag:s21] =	ssyncadd.s32 $0xFFFFC000  }
0x4f: {  	[spmem:s2] =	stream.indirect.scatter.add.f32 [tilespmem:s19], [sflag:$0x3], $0x80, s0, s22, $0xb8;
	[tilespmem:$0x1E800] =	vst v63  }
0x50: {  	_ =	swait.ge [sflag:s20], $0x4000  }
0x51: {  	[sflag:s20] =	ssyncset.done $0x0  }
0x52: {  	s0 =	sadd.s32 $0x2800, s31;
	[sflag:s20] =	ssyncadd.s32 $0xFFFFC000  }
0x53: {  	[tilespmem:s19], [sflag:$0x1] =	stream.indirect.gather [hbm4b:s1+s22], $0x80, s0, s22, $0xb8;
	[tilespmem:$0x1E800] =	vst v63  }
0x54: {  	_ =	swait.ge [sflag:s25], $0x4000  }
0x55: {  	[sflag:s25] =	ssyncset.done $0x0  }
.Ltmp0:
0x56: {  	s0 =	sadd.s32 $0x2780, s31;
	[sflag:s25] =	ssyncadd.s32 $0xFFFFC000;
	(pc) =	sbr.rel @p0 .LBB2_2-.Ltmp0, $4  }
0x57: {  	[spmem:s2] =	stream.indirect.scatter.add.f32 [tilespmem:s24], [sflag:$0x3], $0x80, s0, s22, $0xb8;
	[tilespmem:$0x1E800] =	vst v63  }
0x58: {  	_ =	swait.ge [sflag:s20], $0x4000  }
0x59: {  	[sflag:s20] =	ssyncset.done $0x0  }
0x5a: {  	s31 =	sadd.s32 $0x2900, s31;
	[sflag:s20] =	ssyncadd.s32 $0xFFFFC000  }
0x5b: {  	[tilespmem:s24], [sflag:$0x2] =	stream.indirect.gather [hbm4b:s1+s22], $0x80, s31, s22, $0xb8;
	[tilespmem:$0x1E800] =	vst v63  }
0x5c: {  	_ =	swait.ge [sflag:s21], $0x4000  }
0x5d: {  	[sflag:s21] =	ssyncset.done $0x0  }
0x5e: {  	[sflag:s21] =	ssyncadd.s32 $0xFFFFC000  }
0x5f: {  	[spmem:s2] =	stream.indirect.scatter.add.f32 [tilespmem:s19], [sflag:$0x3], $0x80, s26, s22, $0xb8;
	[tilespmem:$0x1E800] =	vst v63  }
0x60: {  	_ =	swait.ge [sflag:s20], $0x4000  }
0x61: {  	[sflag:s20] =	ssyncset.done $0x0  }
0x62: {  	[sflag:s20] =	ssyncadd.s32 $0xFFFFC000  }
0x63: {  	_ =	swait.ge [sflag:s25], $0x4000  }
0x64: {  	[sflag:s25] =	ssyncset.done $0x0  }
0x65: {  	[sflag:s25] =	ssyncadd.s32 $0xFFFFC000  }
0x66: {  	[spmem:s2] =	stream.indirect.scatter.add.f32 [tilespmem:s24], [sflag:$0x3], $0x80, s28, s22, $0xb8;
	[tilespmem:$0x1E800] =	vst v63  }
0x67: {  	_ =	swait.ge [sflag:s20], $0x4000  }
0x68: {  	[sflag:s20] =	ssyncset.done $0x0  }
0x69: {  	[sflag:s20] =	ssyncadd.s32 $0xFFFFC000  }
0x6a: {  	[tilespmem:s3], [sflag:$0x3] =	stream.linear.gather [hbm4b:s12+s3], $0x2800, $0x38;
	[tilespmem:$0x1E800] =	vst v63  }
0x6b: {  	_ =	swait.ge [sflag:s20], $0x2800  }
0x6c: {  	[sflag:s20] =	ssyncset.done $0x0  }
0x6d: {  	[sflag:s20] =	ssyncadd.s32 $0xFFFFD800  }
0x6e: {  	[tilespmem:s19], [sflag:$0x1] =	stream.indirect.gather [hbm4b:s1+s22], $0x80, s3, s22, $0xb8;
	[tilespmem:$0x1E800] =	vst v63  }
0x6f: {  	_ = 	snop  }
0x70: {  	[tilespmem:s24], [sflag:$0x2] =	stream.indirect.gather [hbm4b:s1+s22], $0x80, s23, s22, $0xb8;
	[tilespmem:$0x1E800] =	vst v63  }
0x71: {  	_ =	swait.ge [sflag:s21], $0x4000  }
0x72: {  	[sflag:s21] =	ssyncset.done $0x0  }
0x73: {  	s0 =	simm.s32 $0x80;
	[sflag:s21] =	ssyncadd.s32 $0xFFFFC000  }
0x74: {  	[spmem:s2] =	stream.indirect.scatter.add.f32 [tilespmem:s19], [sflag:$0x3], $0x80, s0, s22, $0xb8;
	[tilespmem:$0x1E800] =	vst v63  }
0x75: {  	_ =	swait.ge [sflag:s20], $0x4000  }
0x76: {  	[sflag:s20] =	ssyncset.done $0x0  }
0x77: {  	s0 =	simm.s32 $0x200;
	[sflag:s20] =	ssyncadd.s32 $0xFFFFC000  }
0x78: {  	[tilespmem:s19], [sflag:$0x1] =	stream.indirect.gather [hbm4b:s1+s22], $0x80, s0, s22, $0xb8;
	[tilespmem:$0x1E800] =	vst v63  }
0x79: {  	_ =	swait.ge [sflag:s25], $0x4000  }
0x7a: {  	[sflag:s25] =	ssyncset.done $0x0  }
0x7b: {  	s0 =	simm.s32 $0x180;
	[sflag:s25] =	ssyncadd.s32 $0xFFFFC000  }
0x7c: {  	[spmem:s2] =	stream.indirect.scatter.add.f32 [tilespmem:s24], [sflag:$0x3], $0x80, s0, s22, $0xb8;
	[tilespmem:$0x1E800] =	vst v63  }
0x7d: {  	_ =	swait.ge [sflag:s20], $0x4000  }
0x7e: {  	[sflag:s20] =	ssyncset.done $0x0  }
0x7f: {  	s30 =	simm.s32 $0xFFFF7000;
	s31 =	simm.s32 $0x300;
	[sflag:s20] =	ssyncadd.s32 $0xFFFFC000  }
.LBB2_4:
0x80: {  	[tilespmem:s24], [sflag:$0x2] =	stream.indirect.gather [hbm4b:s1+s22], $0x80, s31, s22, $0xb8;
	[tilespmem:$0x1E800] =	vst v63  }
0x81: {  	s0 =	smov.u32 s30  }
0x82: {  	p0 =	sne.s32 s30, $0xFFFFF800;
	s30 =	sadd.s32 $0x800, s30;
	_ =	swait.ge [sflag:s21], $0x4000  }
0x83: {  	s0 =	sshra.s32 s0, $0x2;
	[sflag:s21] =	ssyncset.done $0x0  }
0x84: {  	s31 =	sadd.s32 $0x2680, s0;
	[sflag:s21] =	ssyncadd.s32 $0xFFFFC000  }
0x85: {  	[spmem:s2] =	stream.indirect.scatter.add.f32 [tilespmem:s19], [sflag:$0x3], $0x80, s31, s22, $0xb8;
	[tilespmem:$0x1E800] =	vst v63  }
0x86: {  	_ =	swait.ge [sflag:s20], $0x4000  }
0x87: {  	[sflag:s20] =	ssyncset.done $0x0  }
0x88: {  	s31 =	sadd.s32 $0x2800, s0;
	[sflag:s20] =	ssyncadd.s32 $0xFFFFC000  }
0x89: {  	[tilespmem:s19], [sflag:$0x1] =	stream.indirect.gather [hbm4b:s1+s22], $0x80, s31, s22, $0xb8;
	[tilespmem:$0x1E800] =	vst v63  }
0x8a: {  	_ =	swait.ge [sflag:s25], $0x4000  }
0x8b: {  	[sflag:s25] =	ssyncset.done $0x0  }
.Ltmp1:
0x8c: {  	s31 =	sadd.s32 $0x2780, s0;
	[sflag:s25] =	ssyncadd.s32 $0xFFFFC000;
	(pc) =	sbr.rel @p0 .LBB2_4-.Ltmp1, $4  }
0x8d: {  	[spmem:s2] =	stream.indirect.scatter.add.f32 [tilespmem:s24], [sflag:$0x3], $0x80, s31, s22, $0xb8;
	[tilespmem:$0x1E800] =	vst v63  }
0x8e: {  	_ =	swait.ge [sflag:s20], $0x4000  }
0x8f: {  	[sflag:s20] =	ssyncset.done $0x0  }
0x90: {  	s31 =	sadd.s32 $0x2900, s0;
	[sflag:s20] =	ssyncadd.s32 $0xFFFFC000  }
0x91: {  	[tilespmem:s24], [sflag:$0x2] =	stream.indirect.gather [hbm4b:s1+s22], $0x80, s31, s22, $0xb8;
	[tilespmem:$0x1E800] =	vst v63  }
0x92: {  	_ =	swait.ge [sflag:s21], $0x4000  }
0x93: {  	[sflag:s21] =	ssyncset.done $0x0  }
0x94: {  	[sflag:s21] =	ssyncadd.s32 $0xFFFFC000  }
0x95: {  	[spmem:s2] =	stream.indirect.scatter.add.f32 [tilespmem:s19], [sflag:$0x3], $0x80, s26, s22, $0xb8;
	[tilespmem:$0x1E800] =	vst v63  }
0x96: {  	_ =	swait.ge [sflag:s20], $0x4000  }
0x97: {  	[sflag:s20] =	ssyncset.done $0x0  }
0x98: {  	[sflag:s20] =	ssyncadd.s32 $0xFFFFC000  }
0x99: {  	_ =	swait.ge [sflag:s25], $0x4000  }
0x9a: {  	[sflag:s25] =	ssyncset.done $0x0  }
0x9b: {  	[sflag:s25] =	ssyncadd.s32 $0xFFFFC000  }
0x9c: {  	[spmem:s2] =	stream.indirect.scatter.add.f32 [tilespmem:s24], [sflag:$0x3], $0x80, s28, s22, $0xb8;
	[tilespmem:$0x1E800] =	vst v63  }
0x9d: {  	_ =	swait.ge [sflag:s20], $0x4000  }
0x9e: {  	[sflag:s20] =	ssyncset.done $0x0  }
0x9f: {  	[sflag:s20] =	ssyncadd.s32 $0xFFFFC000  }
0xa0: {  	[bflag:$0x0] =	sbarrier.arrive $0xFFFF  }
0xa1: {  	[tilespmem:s19], [sflag:$0x3] =	stream.linear.gather [spmem:s6], $0x4000, $0x38;
	[tilespmem:$0x1E800] =	vst v63  }
0xa2: {  	_ =	swait.ge [sflag:s20], $0x4000  }
0xa3: {  	[sflag:s20] =	ssyncset.done $0x0  }
0xa4: {  	[sflag:s20] =	ssyncadd.s32 $0xFFFFC000  }
0xa5: {  	[hbm4b:s13+s3] =	stream.linear.scatter [tilespmem:s19], [sflag:$0x1], $0x4000, $0x38;
	[tilespmem:$0x1E800] =	vst v63  }
0xa6: {  	_ = 	snop  }
0xa7: {  	[tilespmem:s24], [sflag:$0x3] =	stream.linear.gather [spmem:s7], $0x4000, $0x38;
	[tilespmem:$0x1E800] =	vst v63  }
0xa8: {  	_ =	swait.ge [sflag:s20], $0x4000  }
0xa9: {  	[sflag:s20] =	ssyncset.done $0x0  }
0xaa: {  	[sflag:s20] =	ssyncadd.s32 $0xFFFFC000  }
0xab: {  	[hbm4b:s14+s3] =	stream.linear.scatter [tilespmem:s24], [sflag:$0x2], $0x4000, $0x38;
	[tilespmem:$0x1E800] =	vst v63  }
0xac: {  	_ =	swait.ge [sflag:s21], $0x4000  }
0xad: {  	[sflag:s21] =	ssyncset.done $0x0  }
0xae: {  	[sflag:s21] =	ssyncadd.s32 $0xFFFFC000  }
0xaf: {  	[tilespmem:s19], [sflag:$0x3] =	stream.linear.gather [spmem:s8], $0x4000, $0x38;
	[tilespmem:$0x1E800] =	vst v63  }
0xb0: {  	_ =	swait.ge [sflag:s20], $0x4000  }
0xb1: {  	[sflag:s20] =	ssyncset.done $0x0  }
0xb2: {  	[sflag:s20] =	ssyncadd.s32 $0xFFFFC000  }
0xb3: {  	[hbm4b:s15+s3] =	stream.linear.scatter [tilespmem:s19], [sflag:$0x1], $0x4000, $0x38;
	[tilespmem:$0x1E800] =	vst v63  }
0xb4: {  	_ =	swait.ge [sflag:s25], $0x4000  }
0xb5: {  	[sflag:s25] =	ssyncset.done $0x0  }
0xb6: {  	[sflag:s25] =	ssyncadd.s32 $0xFFFFC000  }
0xb7: {  	[tilespmem:s24], [sflag:$0x3] =	stream.linear.gather [spmem:s9], $0x4000, $0x38;
	[tilespmem:$0x1E800] =	vst v63  }
0xb8: {  	_ =	swait.ge [sflag:s20], $0x4000  }
0xb9: {  	[sflag:s20] =	ssyncset.done $0x0  }
0xba: {  	[sflag:s20] =	ssyncadd.s32 $0xFFFFC000  }
0xbb: {  	[hbm4b:s16+s3] =	stream.linear.scatter [tilespmem:s24], [sflag:$0x2], $0x4000, $0x38;
	[tilespmem:$0x1E800] =	vst v63  }
0xbc: {  	_ =	swait.ge [sflag:s21], $0x4000  }
0xbd: {  	[sflag:s21] =	ssyncset.done $0x0  }
0xbe: {  	[sflag:s21] =	ssyncadd.s32 $0xFFFFC000  }
0xbf: {  	[tilespmem:s19], [sflag:$0x3] =	stream.linear.gather [spmem:s10], $0x4000, $0x38;
	[tilespmem:$0x1E800] =	vst v63  }
0xc0: {  	_ =	swait.ge [sflag:s20], $0x4000  }
0xc1: {  	[sflag:s20] =	ssyncset.done $0x0  }
0xc2: {  	s29 =	sadd.s32 $0x1, s29;
	[sflag:s20] =	ssyncadd.s32 $0xFFFFC000  }
0xc3: {  	[hbm4b:s17+s3] =	stream.linear.scatter [tilespmem:s19], [sflag:$0x1], $0x4000, $0x38;
	[tilespmem:$0x1E800] =	vst v63  }
0xc4: {  	p0 =	sne.s32 s29, s18;
	_ =	swait.ge [sflag:s25], $0x4000  }
.Ltmp2:
0xc5: {  	[sflag:s25] =	ssyncset.done $0x0;
	(pc) =	sbr.rel @p0 .LBB2_1-.Ltmp2, $4  }
0xc6: {  	[sflag:s25] =	ssyncadd.s32 $0xFFFFC000  }
0xc7: {  	_ =	swait.ge [sflag:s21], $0x4000  }
0xc8: {  	[sflag:s21] =	ssyncset.done $0x0  }
0xc9: {  	[sflag:s21] =	ssyncadd.s32 $0xFFFFC000  }
0xca: {  	_ =	sfence.sel $0x180000  }
0xcb: {  	[bflag:$0x0] =	sbarrier.arrive $0xFFFF  }
0xcc: {  	_ =	strace $0x9000004A  }
0xcd: {  	[bflag:$0x2] =	sbarrier.arrive $0xFFFF  }
0xce: {  	p0 =	sne.s32 s4, $0x0;
	s0 =	rddreg [dreg:$0x3]  }
0xcf: {  	s0 =	sadd.s32 @!p0 $0x100000, s0  }
0xd0: {  	[sflag:s0] =	ssyncadd.tile.s32 @!p0 $0x1;
	_ =	shalt  }
.Lfunc_end2:
_tile_overlayer_lowered:
.L_overlay_start_2:
0xd1: {  	(tag) =	ssettag $0x2  }
0xd2: {  	s0 =	rddreg [dreg:$0x0];
	s2 =	stileid.u32  }
0xd3: {  	s1 =	rddreg [dreg:$0x1];
	p0 =	sne.s32 s2, $0x0  }
0xd4: {  	s3 =	rddreg [dreg:$0x2];
	[bflag:$0x3] =	sbarrier.arrive $0xFFFF;
	s2 =	simm.s32 @!p0 $0x1C03  }
0xd5: {  	[timem:s3], [sflag:s2] =	dma.local @!p0 [hbm:s0], s1  }
0xd6: {  	s0 =	simm.s32 @!p0 $0x3  }
0xd7: {  	_ =	swait.ge @!p0 [sflag:s0], s1  }
0xd8: {  	s1 =	ssub.s32 @!p0 $0x0, s1;
	[sflag:s0] =	ssyncset.done @!p0 $0x0  }
0xd9: {  	[sflag:s0] =	ssyncadd.s32 @!p0 s1  }
0xda: {  	[bflag:$0x3] =	sbarrier.arrive $0xFFFF  }
0xdb: {  	_ =	shalt  }

</sc_bundles>
